<compile_context>
chip_gen: v7x
topology: tpu7x:2x2x1
jax: 0.10.2.dev20260603
libtpu: 0.0.44.dev20260713+nightly
codegen_flags: <defaults>
</compile_context>

<pallas_src>
import functools

import jax
import jax.numpy as jnp
from jax import lax
from jax.experimental import pallas as pl
from jax.experimental.pallas import tpu as pltpu
from jax.experimental.pallas import tpu_sc as plsc

N_DRUG = 10000
N_DIS = 10000
N_ALL = N_DRUG + N_DIS
E = 320000
H = 128

NC = 2
NS = 16
L = 16

HIST = 20480
_DEG_C = 80
_DEG_ROWS = 16384
_DEG_ROWS_SUB = _DEG_ROWS // (NC * NS)
_DEG_FIRE = 8
_HIST_PER_SUB = HIST // NS


def _sc_degree_body(idx_hbm, out_hbm, hist_sp, idx_blk, ones_v, zero_v, sem):
    c = lax.axis_index("c")
    s = lax.axis_index("s")
    zeros16 = jnp.zeros((L,), jnp.float32)
    ones16 = jnp.ones((L,), jnp.float32)
    def fill_zero(i, _):
        zero_v[pl.ds(i * L, L)] = zeros16
        return 0
    lax.fori_loop(0, _HIST_PER_SUB // L, fill_zero, 0)
    for k in range(_DEG_C // L):
        ones_v[pl.ds(k * L, L)] = ones16
    pltpu.sync_copy(zero_v, hist_sp.at[pl.ds(s * _HIST_PER_SUB, _HIST_PER_SUB)])

    row0 = c * (_DEG_ROWS // 2) + s * _DEG_ROWS_SUB
    pltpu.sync_copy(idx_hbm.at[pl.ds(row0, _DEG_ROWS_SUB)], idx_blk)
    plsc.subcore_barrier()

    def body(g, _):
        for k in range(_DEG_FIRE):
            pltpu.async_copy(ones_v, hist_sp.at[idx_blk.at[g * _DEG_FIRE + k]],
                             sem, add=True)
        for k in range(_DEG_FIRE):
            pltpu.make_async_copy(ones_v, hist_sp.at[idx_blk.at[0]], sem).wait()
        return 0

    lax.fori_loop(0, _DEG_ROWS_SUB // _DEG_FIRE, body, 0)
    plsc.subcore_barrier()
    pltpu.sync_copy(hist_sp.at[pl.ds(s * _HIST_PER_SUB, _HIST_PER_SUB)],
                    out_hbm.at[c, pl.ds(s * _HIST_PER_SUB, _HIST_PER_SUB)])


def _sc_degrees(idx_blocks):
    mesh = plsc.VectorSubcoreMesh(core_axis_name="c", subcore_axis_name="s",
                                  num_cores=NC, num_subcores=NS)
    return pl.kernel(
        _sc_degree_body,
        out_type=jax.ShapeDtypeStruct((NC, HIST), jnp.float32),
        mesh=mesh,
        scratch_types=[
            pltpu.VMEM_SHARED((HIST,), jnp.float32),
            pltpu.VMEM((_DEG_ROWS_SUB, _DEG_C), jnp.int32),
            pltpu.VMEM((_DEG_C,), jnp.float32),
            pltpu.VMEM((_HIST_PER_SUB,), jnp.float32),
            pltpu.SemaphoreType.DMA,
        ],
    )(idx_blocks)


_AGG_C = 120
_AGG_CHUNKS = 167
N_PAD = 10112
_ROWS_PER_SUB = N_PAD // NS
_ZBLK = 8


def _sc_agg_body(table_hbm, pidx_hbm, out_hbm,
                 acc_sp, pidx, rows,
                 g0, g1, g2, s0, s1, s2, i0, i1, i2):
    c = lax.axis_index("c")
    s = lax.axis_index("s")
    zeros16 = jnp.zeros((L,), jnp.float32)
    for r in range(_ZBLK):
        for k in range(H // L):
            rows[0, r, pl.ds(k * L, L)] = zeros16

    row0 = s * _ROWS_PER_SUB
    zsrc = rows.at[0].at[pl.ds(0, _ZBLK)]

    def zbody(i, _):
        pltpu.sync_copy(zsrc, acc_sp.at[pl.ds(row0 + i * _ZBLK, _ZBLK)])
        return 0

    lax.fori_loop(0, _ROWS_PER_SUB // _ZBLK, zbody, 0)
    plsc.subcore_barrier()

    gsems = (g0, g1, g2)
    ssems = (s0, s1, s2)
    isems = (i0, i1, i2)

    def idx_start(j, b):
        pltpu.async_copy(pidx_hbm.at[c, s, j], pidx.at[b], isems[b])

    def idx_wait(j, b):
        pltpu.make_async_copy(pidx_hbm.at[c, s, j], pidx.at[b],
                              isems[b]).wait()

    def gather_start(b):
        pltpu.async_copy(table_hbm.at[pidx.at[b, 0]], rows.at[b], gsems[b])

    def gather_wait(b):
        pltpu.make_async_copy(table_hbm.at[pidx.at[b, 0]], rows.at[b],
                              gsems[b]).wait()

    def scat_start(b):
        pltpu.async_copy(rows.at[b], acc_sp.at[pidx.at[b, 1]], ssems[b],
                         add=True)

    def scat_wait(b):
        pltpu.make_async_copy(rows.at[b], acc_sp.at[pidx.at[b, 1]],
                              ssems[b]).wait()

    idx_start(0, 0)
    idx_start(1, 1)
    idx_wait(0, 0)
    gather_start(0)

    def group(g, _):
        for b in range(3):
            bn = (b + 1) % 3
            bp = (b - 1) % 3
            j = 3 * g + b
            nxt = j + 1

            @pl.when(nxt < _AGG_CHUNKS)
            def _():
                idx_wait(nxt, bn)
                gather_start(bn)
            gather_wait(b)
            scat_start(b)

            @pl.when(j >= 1)
            def _():
                scat_wait(bp)

            @pl.when(nxt + 1 < _AGG_CHUNKS)
            def _():
                idx_start(nxt + 1, bp)
        return 0

    lax.fori_loop(0, (_AGG_CHUNKS - 2) // 3, group, 0)
    idx_wait(_AGG_CHUNKS - 1, 1)
    gather_start(1)
    gather_wait(0)
    scat_start(0)
    scat_wait(2)
    gather_wait(1)
    scat_start(1)
    scat_wait(0)
    scat_wait(1)

    plsc.subcore_barrier()
    pltpu.sync_copy(acc_sp.at[pl.ds(row0, _ROWS_PER_SUB)],
                    out_hbm.at[c, pl.ds(row0, _ROWS_PER_SUB)])


def _sc_aggregate(table, pair_blocks):
    mesh = plsc.VectorSubcoreMesh(core_axis_name="c", subcore_axis_name="s",
                                  num_cores=NC, num_subcores=NS)
    return pl.kernel(
        _sc_agg_body,
        out_type=jax.ShapeDtypeStruct((NC, N_PAD, H), jnp.float32),
        mesh=mesh,
        scratch_types=[
            pltpu.VMEM_SHARED((N_PAD, H), jnp.float32),
            pltpu.VMEM((3, 2, _AGG_C), jnp.int32),
            pltpu.VMEM((3, _AGG_C, H), jnp.float32),
        ] + [pltpu.SemaphoreType.DMA] * 9,
    )(table, pair_blocks)


_BM = 2000


def _rows_call(body, n_out, *args):
    in_specs = []
    for a in args:
        if a.shape[0] == N_DRUG:
            in_specs.append(pl.BlockSpec((_BM, a.shape[1]), lambda i: (i, 0)))
        else:
            in_specs.append(pl.BlockSpec(a.shape, lambda i: (0, 0)))
    outs = [jax.ShapeDtypeStruct((N_DRUG, H), jnp.float32)] * n_out
    return pl.pallas_call(
        body,
        grid=(N_DRUG // _BM,),
        in_specs=in_specs,
        out_specs=[pl.BlockSpec((_BM, H), lambda i: (i, 0))] * n_out,
        out_shape=outs,
    )(*args)


def _proj_body(x_ref, W_ref, b_ref, degs_ref, h_ref, tab_ref):
    h = lax.dot_general(x_ref[...], W_ref[...], (((1,), (1,)), ((), ())),
                        preferred_element_type=jnp.float32) + b_ref[...]
    h_ref[...] = h
    tab_ref[...] = h * lax.rsqrt(jnp.maximum(degs_ref[...], 1.0))


def _post_body(agg_ref, degd_ref, degs_ref, W_ref, b_ref, gam_ref, bet_ref,
               a_ref, h_ref, tab_ref):
    x = agg_ref[...] * lax.rsqrt(jnp.maximum(degd_ref[...], 1.0))
    v = lax.dot_general(x, W_ref[...], (((1,), (1,)), ((), ())),
                        preferred_element_type=jnp.float32) + b_ref[...]
    v = gam_ref[...] * v + bet_ref[...]
    h = jnp.where(v >= 0, v, a_ref[...] * v)
    h_ref[...] = h
    tab_ref[...] = h * lax.rsqrt(jnp.maximum(degs_ref[...], 1.0))


def _att_score_body(h0_ref, h1_ref, h2_ref, W1_ref, b1_ref, w2_ref, o_ref):
    step = pl.program_id(0)

    @pl.when(step == 0)
    def _():
        o_ref[...] = jnp.zeros_like(o_ref)

    lane = lax.broadcasted_iota(jnp.int32, (1, H), 1)
    acc = o_ref[...]
    for l, h_ref in enumerate((h0_ref, h1_ref, h2_ref)):
        t = jnp.tanh(lax.dot_general(h_ref[...], W1_ref[...],
                                     (((1,), (1,)), ((), ())),
                                     preferred_element_type=jnp.float32)
                     + b1_ref[...])
        sl = jnp.sum(t * w2_ref[...])
        acc = acc + jnp.where(lane == l, sl, 0.0)
    o_ref[...] = acc


def _att_scores(h0, h1, h2, W1, b1, w2):
    return pl.pallas_call(
        _att_score_body,
        grid=(N_DRUG // _BM,),
        in_specs=[pl.BlockSpec((_BM, H), lambda i: (i, 0))] * 3
        + [pl.BlockSpec((H, H), lambda i: (0, 0)),
           pl.BlockSpec((1, H), lambda i: (0, 0)),
           pl.BlockSpec((1, H), lambda i: (0, 0))],
        out_specs=pl.BlockSpec((1, H), lambda i: (0, 0)),
        out_shape=jax.ShapeDtypeStruct((1, H), jnp.float32),
    )(h0, h1, h2, W1, b1, w2)


def _combine_body(h0_ref, h1_ref, h2_ref, beta_ref, wr_ref, wd_ref, o_ref):
    f = (h0_ref[...] * beta_ref[0, 0] + h1_ref[...] * beta_ref[0, 1]
         + h2_ref[...] * beta_ref[0, 2])
    m = lax.dot_general(wr_ref[...], wd_ref[...], (((0,), (0,)), ((), ())),
                        preferred_element_type=jnp.float32)
    o_ref[...] = jnp.dot(f, m,
                         preferred_element_type=jnp.float32).astype(jnp.bfloat16)


def _combine(h0, h1, h2, beta_pad, wr, wd):
    return pl.pallas_call(
        _combine_body,
        grid=(N_DRUG // _BM,),
        in_specs=[pl.BlockSpec((_BM, H), lambda i: (i, 0))] * 3
        + [pl.BlockSpec((1, H), lambda i: (0, 0)),
           pl.BlockSpec((H, H), lambda i: (0, 0)),
           pl.BlockSpec((H, H), lambda i: (0, 0))],
        out_specs=pl.BlockSpec((_BM, H), lambda i: (i, 0)),
        out_shape=jax.ShapeDtypeStruct((N_DRUG, H), jnp.bfloat16),
    )(h0, h1, h2, beta_pad, wr, wd)



def _decoder_matmul_kernel(a_ref, b_ref, o_ref):
    o_ref[...] = lax.dot_general(
        a_ref[...], b_ref[...], (((1,), (1,)), ((), ())),
        preferred_element_type=jnp.float32)


def _decoder_matmul(a, b, bm=2048, bn=2048):
    m, k = a.shape
    n = b.shape[0]
    grid = (pl.cdiv(m, bm), pl.cdiv(n, bn))
    return pl.pallas_call(
        _decoder_matmul_kernel,
        grid=grid,
        in_specs=[
            pl.BlockSpec((bm, k), lambda i, j: (i, 0)),
            pl.BlockSpec((bn, k), lambda i, j: (j, 0)),
        ],
        out_specs=pl.BlockSpec((bm, bn), lambda i, j: (i, j)),
        out_shape=jax.ShapeDtypeStruct((m, n), jnp.float32),
    )(a, b)



def _edge_blocks(idx, offset, pad_value):
    per_sub = E // NS
    pad = _AGG_CHUNKS * _AGG_C - per_sub
    blk = idx.reshape(NS, per_sub) + offset
    blk = jnp.pad(blk, ((0, 0), (0, pad)), constant_values=pad_value)
    return blk.reshape(NS, _AGG_CHUNKS, _AGG_C)


def kernel(x_drug, x_disease, edge_dr2di, edge_di2dr,
           W_drug_lin, b_drug_lin, W_dis_lin, b_dis_lin,
           e1_W_dr2di, e1_b_dr2di, e1_W_di2dr, e1_b_di2dr, e1_gamma, e1_beta, e1_prelu,
           e2_W_dr2di, e2_b_dr2di, e2_W_di2dr, e2_b_di2dr, e2_gamma, e2_beta, e2_prelu,
           att_dr_W1, att_dr_b1, att_dr_w2, att_di_W1, att_di_b1, att_di_w2,
           W_R, W_D):
    pair_blocks = jnp.stack([
        jnp.stack([_edge_blocks(edge_dr2di[0], 0, 0),
                   _edge_blocks(edge_dr2di[1], 0, N_PAD - 8)], axis=2),
        jnp.stack([_edge_blocks(edge_di2dr[0], N_DRUG, 0),
                   _edge_blocks(edge_di2dr[1], 0, N_PAD - 8)], axis=2),
    ])

    src_all = jnp.concatenate([edge_dr2di[0], edge_di2dr[0] + N_DRUG])
    dst_off = jnp.concatenate([edge_dr2di[1], edge_di2dr[1] + N_DIS])
    deg_idx = jnp.concatenate([src_all, dst_off])
    deg_pad = _DEG_ROWS * _DEG_C - deg_idx.shape[0]
    deg_idx = jnp.pad(deg_idx, (0, deg_pad), constant_values=N_ALL)
    deg_blocks = deg_idx.reshape(_DEG_ROWS, _DEG_C)

    hists = _sc_degrees(deg_blocks)
    deg_s_dr = hists[0, :N_DRUG].reshape(-1, 1)
    deg_s_di = hists[0, N_DRUG:N_ALL].reshape(-1, 1)
    deg_d_di = hists[1, :N_DIS].reshape(-1, 1)
    deg_d_dr = hists[1, N_DIS:N_ALL].reshape(-1, 1)

    h_dr0, tab_dr = _rows_call(_proj_body, 2, x_drug, W_drug_lin,
                               b_drug_lin.reshape(1, -1), deg_s_dr)
    h_di0, tab_di = _rows_call(_proj_body, 2, x_disease, W_dis_lin,
                               b_dis_lin.reshape(1, -1), deg_s_di)

    g1 = e1_gamma.reshape(1, -1)
    be1 = e1_beta.reshape(1, -1)
    a1 = jnp.broadcast_to(e1_prelu.reshape(1, 1), (1, H))
    g2 = e2_gamma.reshape(1, -1)
    be2 = e2_beta.reshape(1, -1)
    a2 = jnp.broadcast_to(e2_prelu.reshape(1, 1), (1, H))

    table1 = jnp.concatenate([tab_dr, tab_di])
    agg1 = _sc_aggregate(table1, pair_blocks)
    h_di1, tab_di1 = _rows_call(_post_body, 2, agg1[0, :N_DIS], deg_d_di,
                                deg_s_di, e1_W_dr2di,
                                e1_b_dr2di.reshape(1, -1), g1, be1, a1)
    h_dr1, tab_dr1 = _rows_call(_post_body, 2, agg1[1, :N_DRUG], deg_d_dr,
                                deg_s_dr, e1_W_di2dr,
                                e1_b_di2dr.reshape(1, -1), g1, be1, a1)

    table2 = jnp.concatenate([tab_dr1, tab_di1])
    agg2 = _sc_aggregate(table2, pair_blocks)
    h_di2, _ = _rows_call(_post_body, 2, agg2[0, :N_DIS], deg_d_di,
                          deg_s_di, e2_W_dr2di,
                          e2_b_dr2di.reshape(1, -1), g2, be2, a2)
    h_dr2, _ = _rows_call(_post_body, 2, agg2[1, :N_DRUG], deg_d_dr,
                          deg_s_dr, e2_W_di2dr,
                          e2_b_di2dr.reshape(1, -1), g2, be2, a2)

    s_dr = _att_scores(h_dr0, h_dr1, h_dr2, att_dr_W1,
                       att_dr_b1.reshape(1, -1), att_dr_w2.reshape(1, -1))
    s_di = _att_scores(h_di0, h_di1, h_di2, att_di_W1,
                       att_di_b1.reshape(1, -1), att_di_w2.reshape(1, -1))
    beta_dr = jnp.pad(jax.nn.softmax(s_dr[0, :3] / N_DRUG), (0, H - 3))
    beta_di = jnp.pad(jax.nn.softmax(s_di[0, :3] / N_DIS), (0, H - 3))

    eye = jnp.eye(H, dtype=jnp.float32)
    a_mat = _combine(h_dr0, h_dr1, h_dr2, beta_dr.reshape(1, H), W_R, W_D)
    b_mat = _combine(h_di0, h_di1, h_di2, beta_di.reshape(1, H), eye, eye)
    return _decoder_matmul(a_mat, b_mat)

# --- scband reference (transcript-rebuilt; emitter-appended) ---
"""Pipeline reference for scband-model-49572512531070 (READ-ONLY COPY).

The authoritative reference and input builder live on the scoring server;
editing this copy changes nothing except your own understanding.
"""

import jax, jax.numpy as jnp
import numpy as np

N_DRUG = 10000
N_DIS = 10000
E = 320000
D_IN = 128
H = 128
ATT_H = 128


def setup_inputs(seed: int = 0):
    key = jax.random.key(seed)
    ks = jax.random.split(key, 24)

    def g(i, shape, s=0.05):
        return jax.random.normal(ks[i], shape, dtype=jnp.float32) * s

    inp = {}
    inp["x_drug"] = jax.random.normal(ks[0], (N_DRUG, D_IN), dtype=jnp.float32)
    inp["x_disease"] = jax.random.normal(ks[1], (N_DIS, D_IN), dtype=jnp.float32)
    inp["edge_dr2di"] = jnp.stack([
        jax.random.randint(ks[2], (E,), 0, N_DRUG, dtype=jnp.int32),
        jax.random.randint(ks[3], (E,), 0, N_DIS, dtype=jnp.int32)])
    inp["edge_di2dr"] = jnp.stack([
        jax.random.randint(ks[4], (E,), 0, N_DIS, dtype=jnp.int32),
        jax.random.randint(ks[5], (E,), 0, N_DRUG, dtype=jnp.int32)])
    inp["W_drug_lin"] = g(6, (H, D_IN)); inp["b_drug_lin"] = jnp.zeros((H,), jnp.float32)
    inp["W_dis_lin"] = g(7, (H, D_IN)); inp["b_dis_lin"] = jnp.zeros((H,), jnp.float32)
    inp["e1_W_dr2di"] = g(8, (H, H)); inp["e1_b_dr2di"] = jnp.zeros((H,), jnp.float32)
    inp["e1_W_di2dr"] = g(9, (H, H)); inp["e1_b_di2dr"] = jnp.zeros((H,), jnp.float32)
    inp["e1_gamma"] = jnp.ones((H,), jnp.float32); inp["e1_beta"] = jnp.zeros((H,), jnp.float32)
    inp["e1_prelu"] = jnp.full((1,), 0.25, jnp.float32)
    inp["e2_W_dr2di"] = g(10, (H, H)); inp["e2_b_dr2di"] = jnp.zeros((H,), jnp.float32)
    inp["e2_W_di2dr"] = g(11, (H, H)); inp["e2_b_di2dr"] = jnp.zeros((H,), jnp.float32)
    inp["e2_gamma"] = jnp.ones((H,), jnp.float32); inp["e2_beta"] = jnp.zeros((H,), jnp.float32)
    inp["e2_prelu"] = jnp.full((1,), 0.25, jnp.float32)
    inp["att_dr_W1"] = g(12, (ATT_H, H)); inp["att_dr_b1"] = jnp.zeros((ATT_H,), jnp.float32)
    inp["att_dr_w2"] = g(13, (ATT_H,))
    inp["att_di_W1"] = g(14, (ATT_H, H)); inp["att_di_b1"] = jnp.zeros((ATT_H,), jnp.float32)
    inp["att_di_w2"] = g(15, (ATT_H,))
    inp["W_R"] = g(16, (H, H)); inp["W_D"] = g(17, (H, H))
    return inp


def _graph_conv(x_src, src, dst, n_src, n_dst, W, b):
    # DGL GraphConv with norm='both': D_dst^{-1/2} A D_src^{-1/2} X W + b
    deg_src = jnp.maximum(jnp.zeros((n_src,), jnp.float32).at[src].add(1.0), 1.0)
    deg_dst = jnp.maximum(jnp.zeros((n_dst,), jnp.float32).at[dst].add(1.0), 1.0)
    h = x_src * jax.lax.rsqrt(deg_src)[:, None]
    agg = jnp.zeros((n_dst, x_src.shape[1]), x_src.dtype).at[dst].add(h[src])
    agg = agg * jax.lax.rsqrt(deg_dst)[:, None]
    return agg @ W.T + b


def _bn_prelu(v, gamma, beta, a):
    # BatchNorm1d in eval mode (running_mean=0, running_var=1) followed by PReLU
    v = gamma * v + beta
    return jnp.where(v >= 0, v, a * v)


def _sem_att(z, W1, b1, w2):
    # SemanticAttention: softmax over layer axis of mean projected score
    w = jnp.tanh(z @ W1.T + b1) @ w2  # [N, L]
    beta = jax.nn.softmax(w.mean(0))  # [L]
    return (beta[None, :, None] * z).sum(1)  # [N, H]


def reference(x_drug, x_disease, edge_dr2di, edge_di2dr,
              W_drug_lin, b_drug_lin, W_dis_lin, b_dis_lin,
              e1_W_dr2di, e1_b_dr2di, e1_W_di2dr, e1_b_di2dr, e1_gamma, e1_beta, e1_prelu,
              e2_W_dr2di, e2_b_dr2di, e2_W_di2dr, e2_b_di2dr, e2_gamma, e2_beta, e2_prelu,
              att_dr_W1, att_dr_b1, att_dr_w2, att_di_W1, att_di_b1, att_di_w2,
              W_R, W_D):
    # model_type == 'none' path; dropout is identity in eval mode
    h_dr = x_drug @ W_drug_lin.T + b_drug_lin
    h_di = x_disease @ W_dis_lin.T + b_dis_lin
    dr_emb = [h_dr]
    di_emb = [h_di]
    # Node_Encoder 1: HeteroGraphConv(sum) over {drug-disease, disease-drug}
    new_di = _graph_conv(h_dr, edge_dr2di[0], edge_dr2di[1], N_DRUG, N_DIS, e1_W_dr2di, e1_b_dr2di)
    new_dr = _graph_conv(h_di, edge_di2dr[0], edge_di2dr[1], N_DIS, N_DRUG, e1_W_di2dr, e1_b_di2dr)
    h_dr = _bn_prelu(new_dr, e1_gamma, e1_beta, e1_prelu)
    h_di = _bn_prelu(new_di, e1_gamma, e1_beta, e1_prelu)
    dr_emb.append(h_dr)
    di_emb.append(h_di)
    # Node_Encoder 2
    new_di = _graph_conv(h_dr, edge_dr2di[0], edge_dr2di[1], N_DRUG, N_DIS, e2_W_dr2di, e2_b_dr2di)
    new_dr = _graph_conv(h_di, edge_di2dr[0], edge_di2dr[1], N_DIS, N_DRUG, e2_W_di2dr, e2_b_di2dr)
    h_dr = _bn_prelu(new_dr, e2_gamma, e2_beta, e2_prelu)
    h_di = _bn_prelu(new_di, e2_gamma, e2_beta, e2_prelu)
    dr_emb.append(h_dr)
    di_emb.append(h_di)
    # layer attention over the 3 collected embeddings
    z_dr = jnp.stack(dr_emb, axis=1)  # [N_drug, 3, H]
    z_di = jnp.stack(di_emb, axis=1)  # [N_dis, 3, H]
    drug_f = _sem_att(z_dr, att_dr_W1, att_dr_b1, att_dr_w2)
    dis_f = _sem_att(z_di, att_di_W1, att_di_b1, att_di_w2)
    # InnerProductDecoder
    R = drug_f @ W_R.T
    Dm = dis_f @ W_D.T
    return R @ Dm.T


if False:  # reference __main__ guard neutralized (emitter)
    out = reference(**setup_inputs())
    print(out.shape, out.dtype)

if __name__ == "__main__":
    import jax
    _d = setup_inputs()
    print(jax.jit(kernel)(*tuple(_d.values())))

</pallas_src>

<mosaic_0001>
#map = affine_map<(d0, d1) -> (0, 0)>
#map1 = affine_map<(d0, d1) -> (0, 0, 0, 0, 0)>
#map2 = affine_map<(d0, d1) -> (0, 0, 0)>
module attributes {stable_mosaic.version = 14 : i64} {
  func.func @_sc_agg_body(%arg0: i32, %arg1: i32, %arg2: memref<20000x128xf32, #tpu.memory_space<hbm>>, %arg3: memref<2x16x167x2x120xi32, #tpu.memory_space<hbm>>, %arg4: memref<2x10112x128xf32, #tpu.memory_space<hbm>>, %arg5: memref<10112x128xf32, #tpu.memory_space<vmem_shared>>, %arg6: memref<3x2x120xi32, #tpu.memory_space<vmem>>, %arg7: memref<3x120x128xf32, #tpu.memory_space<vmem>>, %arg8: memref<!tpu.dma_semaphore, #tpu.memory_space<semaphore_mem>>, %arg9: memref<!tpu.dma_semaphore, #tpu.memory_space<semaphore_mem>>, %arg10: memref<!tpu.dma_semaphore, #tpu.memory_space<semaphore_mem>>, %arg11: memref<!tpu.dma_semaphore, #tpu.memory_space<semaphore_mem>>, %arg12: memref<!tpu.dma_semaphore, #tpu.memory_space<semaphore_mem>>, %arg13: memref<!tpu.dma_semaphore, #tpu.memory_space<semaphore_mem>>, %arg14: memref<!tpu.dma_semaphore, #tpu.memory_space<semaphore_mem>>, %arg15: memref<!tpu.dma_semaphore, #tpu.memory_space<semaphore_mem>>, %arg16: memref<!tpu.dma_semaphore, #tpu.memory_space<semaphore_mem>>) attributes {dimension_semantics = [#tpu.dimension_semantics<core_parallel>, #tpu.dimension_semantics<subcore_parallel>], iteration_bounds = array<i64: 2, 16>, scalar_prefetch = 0 : i64, scratch_operands = 12 : i64, tpu.core_type = #tpu.core_type<sc_vector_subcore>, window_params = [{transform_indices = #map}, {transform_indices = #map1}, {transform_indices = #map2}]} {
    %broadcast_in_dim3A = arith.constant 0.000000e+00 : f32
    %broadcast_in_dim3A_0 = vector.broadcast %broadcast_in_dim3A : f32 to vector<16xf32>
    %swap3A = arith.constant 0 : i32
    %swap3A_1 = arith.constant 0 : i32
    %swap3A_2 = arith.index_cast %swap3A : i32 to index
    %swap3A_3 = arith.index_cast %swap3A_1 : i32 to index
    %swap3A_4 = arith.constant 0 : index
    %swap3A_5 = tpu.vector_load %arg7[%swap3A_2, %swap3A_3, %swap3A_4] {strides = array<i32>} : memref<3x120x128xf32, #tpu.memory_space<vmem>>, vector<1x1x16xf32>,
    %swap3A_6 = vector.shape_cast %swap3A_5 : vector<1x1x16xf32> to vector<16xf32>
    %swap3A_7 = vector.shape_cast %broadcast_in_dim3A_0 : vector<16xf32> to vector<1x1x16xf32>
    tpu.vector_store %arg7[%swap3A_2, %swap3A_3, %swap3A_4], %swap3A_7 {strides = array<i32>} : memref<3x120x128xf32, #tpu.memory_space<vmem>>, vector<1x1x16xf32>,
    %swap3A_8 = arith.constant 0 : i32
    %swap3A_9 = arith.constant 0 : i32
    %swap3A_10 = arith.index_cast %swap3A_8 : i32 to index
    %swap3A_11 = arith.index_cast %swap3A_9 : i32 to index
    %swap3A_12 = arith.constant 16 : index
    %swap3A_13 = tpu.vector_load %arg7[%swap3A_10, %swap3A_11, %swap3A_12] {strides = array<i32>} : memref<3x120x128xf32, #tpu.memory_space<vmem>>, vector<1x1x16xf32>,
    %swap3A_14 = vector.shape_cast %swap3A_13 : vector<1x1x16xf32> to vector<16xf32>
    %swap3A_15 = vector.shape_cast %broadcast_in_dim3A_0 : vector<16xf32> to vector<1x1x16xf32>
    tpu.vector_store %arg7[%swap3A_10, %swap3A_11, %swap3A_12], %swap3A_15 {strides = array<i32>} : memref<3x120x128xf32, #tpu.memory_space<vmem>>, vector<1x1x16xf32>,
    %swap3A_16 = arith.constant 0 : i32
    %swap3A_17 = arith.constant 0 : i32
    %swap3A_18 = arith.index_cast %swap3A_16 : i32 to index
    %swap3A_19 = arith.index_cast %swap3A_17 : i32 to index
    %swap3A_20 = arith.constant 32 : index
    %swap3A_21 = tpu.vector_load %arg7[%swap3A_18, %swap3A_19, %swap3A_20] {strides = array<i32>} : memref<3x120x128xf32, #tpu.memory_space<vmem>>, vector<1x1x16xf32>,
    %swap3A_22 = vector.shape_cast %swap3A_21 : vector<1x1x16xf32> to vector<16xf32>
    %swap3A_23 = vector.shape_cast %broadcast_in_dim3A_0 : vector<16xf32> to vector<1x1x16xf32>
    tpu.vector_store %arg7[%swap3A_18, %swap3A_19, %swap3A_20], %swap3A_23 {strides = array<i32>} : memref<3x120x128xf32, #tpu.memory_space<vmem>>, vector<1x1x16xf32>,
    %swap3A_24 = arith.constant 0 : i32
    %swap3A_25 = arith.constant 0 : i32
    %swap3A_26 = arith.index_cast %swap3A_24 : i32 to index
    %swap3A_27 = arith.index_cast %swap3A_25 : i32 to index
    %swap3A_28 = arith.constant 48 : index
    %swap3A_29 = tpu.vector_load %arg7[%swap3A_26, %swap3A_27, %swap3A_28] {strides = array<i32>} : memref<3x120x128xf32, #tpu.memory_space<vmem>>, vector<1x1x16xf32>,
    %swap3A_30 = vector.shape_cast %swap3A_29 : vector<1x1x16xf32> to vector<16xf32>
    %swap3A_31 = vector.shape_cast %broadcast_in_dim3A_0 : vector<16xf32> to vector<1x1x16xf32>
    tpu.vector_store %arg7[%swap3A_26, %swap3A_27, %swap3A_28], %swap3A_31 {strides = array<i32>} : memref<3x120x128xf32, #tpu.memory_space<vmem>>, vector<1x1x16xf32>,
    %swap3A_32 = arith.constant 0 : i32
    %swap3A_33 = arith.constant 0 : i32
    %swap3A_34 = arith.index_cast %swap3A_32 : i32 to index
    %swap3A_35 = arith.index_cast %swap3A_33 : i32 to index
    %swap3A_36 = arith.constant 64 : index
    %swap3A_37 = tpu.vector_load %arg7[%swap3A_34, %swap3A_35, %swap3A_36] {strides = array<i32>} : memref<3x120x128xf32, #tpu.memory_space<vmem>>, vector<1x1x16xf32>,
    %swap3A_38 = vector.shape_cast %swap3A_37 : vector<1x1x16xf32> to vector<16xf32>
    %swap3A_39 = vector.shape_cast %broadcast_in_dim3A_0 : vector<16xf32> to vector<1x1x16xf32>
    tpu.vector_store %arg7[%swap3A_34, %swap3A_35, %swap3A_36], %swap3A_39 {strides = array<i32>} : memref<3x120x128xf32, #tpu.memory_space<vmem>>, vector<1x1x16xf32>,
    %swap3A_40 = arith.constant 0 : i32
    %swap3A_41 = arith.constant 0 : i32
    %swap3A_42 = arith.index_cast %swap3A_40 : i32 to index
    %swap3A_43 = arith.index_cast %swap3A_41 : i32 to index
    %swap3A_44 = arith.constant 80 : index
    %swap3A_45 = tpu.vector_load %arg7[%swap3A_42, %swap3A_43, %swap3A_44] {strides = array<i32>} : memref<3x120x128xf32, #tpu.memory_space<vmem>>, vector<1x1x16xf32>,
    %swap3A_46 = vector.shape_cast %swap3A_45 : vector<1x1x16xf32> to vector<16xf32>
    %swap3A_47 = vector.shape_cast %broadcast_in_dim3A_0 : vector<16xf32> to vector<1x1x16xf32>
    tpu.vector_store %arg7[%swap3A_42, %swap3A_43, %swap3A_44], %swap3A_47 {strides = array<i32>} : memref<3x120x128xf32, #tpu.memory_space<vmem>>, vector<1x1x16xf32>,
    %swap3A_48 = arith.constant 0 : i32
    %swap3A_49 = arith.constant 0 : i32
    %swap3A_50 = arith.index_cast %swap3A_48 : i32 to index
    %swap3A_51 = arith.index_cast %swap3A_49 : i32 to index
    %swap3A_52 = arith.constant 96 : index
    %swap3A_53 = tpu.vector_load %arg7[%swap3A_50, %swap3A_51, %swap3A_52] {strides = array<i32>} : memref<3x120x128xf32, #tpu.memory_space<vmem>>, vector<1x1x16xf32>,
    %swap3A_54 = vector.shape_cast %swap3A_53 : vector<1x1x16xf32> to vector<16xf32>
    %swap3A_55 = vector.shape_cast %broadcast_in_dim3A_0 : vector<16xf32> to vector<1x1x16xf32>
    tpu.vector_store %arg7[%swap3A_50, %swap3A_51, %swap3A_52], %swap3A_55 {strides = array<i32>} : memref<3x120x128xf32, #tpu.memory_space<vmem>>, vector<1x1x16xf32>,
    %swap3A_56 = arith.constant 0 : i32
    %swap3A_57 = arith.constant 0 : i32
    %swap3A_58 = arith.index_cast %swap3A_56 : i32 to index
    %swap3A_59 = arith.index_cast %swap3A_57 : i32 to index
    %swap3A_60 = arith.constant 112 : index
    %swap3A_61 = tpu.vector_load %arg7[%swap3A_58, %swap3A_59, %swap3A_60] {strides = array<i32>} : memref<3x120x128xf32, #tpu.memory_space<vmem>>, vector<1x1x16xf32>,
    %swap3A_62 = vector.shape_cast %swap3A_61 : vector<1x1x16xf32> to vector<16xf32>
    %swap3A_63 = vector.shape_cast %broadcast_in_dim3A_0 : vector<16xf32> to vector<1x1x16xf32>
    tpu.vector_store %arg7[%swap3A_58, %swap3A_59, %swap3A_60], %swap3A_63 {strides = array<i32>} : memref<3x120x128xf32, #tpu.memory_space<vmem>>, vector<1x1x16xf32>,
    %swap3A_64 = arith.constant 0 : i32
    %swap3A_65 = arith.constant 1 : i32
    %swap3A_66 = arith.index_cast %swap3A_64 : i32 to index
    %swap3A_67 = arith.index_cast %swap3A_65 : i32 to index
    %swap3A_68 = arith.constant 0 : index
    %swap3A_69 = tpu.vector_load %arg7[%swap3A_66, %swap3A_67, %swap3A_68] {strides = array<i32>} : memref<3x120x128xf32, #tpu.memory_space<vmem>>, vector<1x1x16xf32>,
    %swap3A_70 = vector.shape_cast %swap3A_69 : vector<1x1x16xf32> to vector<16xf32>
    %swap3A_71 = vector.shape_cast %broadcast_in_dim3A_0 : vector<16xf32> to vector<1x1x16xf32>
    tpu.vector_store %arg7[%swap3A_66, %swap3A_67, %swap3A_68], %swap3A_71 {strides = array<i32>} : memref<3x120x128xf32, #tpu.memory_space<vmem>>, vector<1x1x16xf32>,
    %swap3A_72 = arith.constant 0 : i32
    %swap3A_73 = arith.constant 1 : i32
    %swap3A_74 = arith.index_cast %swap3A_72 : i32 to index
    %swap3A_75 = arith.index_cast %swap3A_73 : i32 to index
    %swap3A_76 = arith.constant 16 : index
    %swap3A_77 = tpu.vector_load %arg7[%swap3A_74, %swap3A_75, %swap3A_76] {strides = array<i32>} : memref<3x120x128xf32, #tpu.memory_space<vmem>>, vector<1x1x16xf32>,
    %swap3A_78 = vector.shape_cast %swap3A_77 : vector<1x1x16xf32> to vector<16xf32>
    %swap3A_79 = vector.shape_cast %broadcast_in_dim3A_0 : vector<16xf32> to vector<1x1x16xf32>
    tpu.vector_store %arg7[%swap3A_74, %swap3A_75, %swap3A_76], %swap3A_79 {strides = array<i32>} : memref<3x120x128xf32, #tpu.memory_space<vmem>>, vector<1x1x16xf32>,
    %swap3A_80 = arith.constant 0 : i32
    %swap3A_81 = arith.constant 1 : i32
    %swap3A_82 = arith.index_cast %swap3A_80 : i32 to index
    %swap3A_83 = arith.index_cast %swap3A_81 : i32 to index
    %swap3A_84 = arith.constant 32 : index
    %swap3A_85 = tpu.vector_load %arg7[%swap3A_82, %swap3A_83, %swap3A_84] {strides = array<i32>} : memref<3x120x128xf32, #tpu.memory_space<vmem>>, vector<1x1x16xf32>,
    %swap3A_86 = vector.shape_cast %swap3A_85 : vector<1x1x16xf32> to vector<16xf32>
    %swap3A_87 = vector.shape_cast %broadcast_in_dim3A_0 : vector<16xf32> to vector<1x1x16xf32>
    tpu.vector_store %arg7[%swap3A_82, %swap3A_83, %swap3A_84], %swap3A_87 {strides = array<i32>} : memref<3x120x128xf32, #tpu.memory_space<vmem>>, vector<1x1x16xf32>,
    %swap3A_88 = arith.constant 0 : i32
    %swap3A_89 = arith.constant 1 : i32
    %swap3A_90 = arith.index_cast %swap3A_88 : i32 to index
    %swap3A_91 = arith.index_cast %swap3A_89 : i32 to index
    %swap3A_92 = arith.constant 48 : index
    %swap3A_93 = tpu.vector_load %arg7[%swap3A_90, %swap3A_91, %swap3A_92] {strides = array<i32>} : memref<3x120x128xf32, #tpu.memory_space<vmem>>, vector<1x1x16xf32>,
    %swap3A_94 = vector.shape_cast %swap3A_93 : vector<1x1x16xf32> to vector<16xf32>
    %swap3A_95 = vector.shape_cast %broadcast_in_dim3A_0 : vector<16xf32> to vector<1x1x16xf32>
    tpu.vector_store %arg7[%swap3A_90, %swap3A_91, %swap3A_92], %swap3A_95 {strides = array<i32>} : memref<3x120x128xf32, #tpu.memory_space<vmem>>, vector<1x1x16xf32>,
    %swap3A_96 = arith.constant 0 : i32
    %swap3A_97 = arith.constant 1 : i32
    %swap3A_98 = arith.index_cast %swap3A_96 : i32 to index
    %swap3A_99 = arith.index_cast %swap3A_97 : i32 to index
    %swap3A_100 = arith.constant 64 : index
    %swap3A_101 = tpu.vector_load %arg7[%swap3A_98, %swap3A_99, %swap3A_100] {strides = array<i32>} : memref<3x120x128xf32, #tpu.memory_space<vmem>>, vector<1x1x16xf32>,
    %swap3A_102 = vector.shape_cast %swap3A_101 : vector<1x1x16xf32> to vector<16xf32>
    %swap3A_103 = vector.shape_cast %broadcast_in_dim3A_0 : vector<16xf32> to vector<1x1x16xf32>
    tpu.vector_store %arg7[%swap3A_98, %swap3A_99, %swap3A_100], %swap3A_103 {strides = array<i32>} : memref<3x120x128xf32, #tpu.memory_space<vmem>>, vector<1x1x16xf32>,
    %swap3A_104 = arith.constant 0 : i32
    %swap3A_105 = arith.constant 1 : i32
    %swap3A_106 = arith.index_cast %swap3A_104 : i32 to index
    %swap3A_107 = arith.index_cast %swap3A_105 : i32 to index
    %swap3A_108 = arith.constant 80 : index
    %swap3A_109 = tpu.vector_load %arg7[%swap3A_106, %swap3A_107, %swap3A_108] {strides = array<i32>} : memref<3x120x128xf32, #tpu.memory_space<vmem>>, vector<1x1x16xf32>,
    %swap3A_110 = vector.shape_cast %swap3A_109 : vector<1x1x16xf32> to vector<16xf32>
    %swap3A_111 = vector.shape_cast %broadcast_in_dim3A_0 : vector<16xf32> to vector<1x1x16xf32>
    tpu.vector_store %arg7[%swap3A_106, %swap3A_107, %swap3A_108], %swap3A_111 {strides = array<i32>} : memref<3x120x128xf32, #tpu.memory_space<vmem>>, vector<1x1x16xf32>,
    %swap3A_112 = arith.constant 0 : i32
    %swap3A_113 = arith.constant 1 : i32
    %swap3A_114 = arith.index_cast %swap3A_112 : i32 to index
    %swap3A_115 = arith.index_cast %swap3A_113 : i32 to index
    %swap3A_116 = arith.constant 96 : index
    %swap3A_117 = tpu.vector_load %arg7[%swap3A_114, %swap3A_115, %swap3A_116] {strides = array<i32>} : memref<3x120x128xf32, #tpu.memory_space<vmem>>, vector<1x1x16xf32>,
    %swap3A_118 = vector.shape_cast %swap3A_117 : vector<1x1x16xf32> to vector<16xf32>
    %swap3A_119 = vector.shape_cast %broadcast_in_dim3A_0 : vector<16xf32> to vector<1x1x16xf32>
    tpu.vector_store %arg7[%swap3A_114, %swap3A_115, %swap3A_116], %swap3A_119 {strides = array<i32>} : memref<3x120x128xf32, #tpu.memory_space<vmem>>, vector<1x1x16xf32>,
    %swap3A_120 = arith.constant 0 : i32
    %swap3A_121 = arith.constant 1 : i32
    %swap3A_122 = arith.index_cast %swap3A_120 : i32 to index
    %swap3A_123 = arith.index_cast %swap3A_121 : i32 to index
    %swap3A_124 = arith.constant 112 : index
    %swap3A_125 = tpu.vector_load %arg7[%swap3A_122, %swap3A_123, %swap3A_124] {strides = array<i32>} : memref<3x120x128xf32, #tpu.memory_space<vmem>>, vector<1x1x16xf32>,
    %swap3A_126 = vector.shape_cast %swap3A_125 : vector<1x1x16xf32> to vector<16xf32>
    %swap3A_127 = vector.shape_cast %broadcast_in_dim3A_0 : vector<16xf32> to vector<1x1x16xf32>
    tpu.vector_store %arg7[%swap3A_122, %swap3A_123, %swap3A_124], %swap3A_127 {strides = array<i32>} : memref<3x120x128xf32, #tpu.memory_space<vmem>>, vector<1x1x16xf32>,
    %swap3A_128 = arith.constant 0 : i32
    %swap3A_129 = arith.constant 2 : i32
    %swap3A_130 = arith.index_cast %swap3A_128 : i32 to index
    %swap3A_131 = arith.index_cast %swap3A_129 : i32 to index
    %swap3A_132 = arith.constant 0 : index
    %swap3A_133 = tpu.vector_load %arg7[%swap3A_130, %swap3A_131, %swap3A_132] {strides = array<i32>} : memref<3x120x128xf32, #tpu.memory_space<vmem>>, vector<1x1x16xf32>,
    %swap3A_134 = vector.shape_cast %swap3A_133 : vector<1x1x16xf32> to vector<16xf32>
    %swap3A_135 = vector.shape_cast %broadcast_in_dim3A_0 : vector<16xf32> to vector<1x1x16xf32>
    tpu.vector_store %arg7[%swap3A_130, %swap3A_131, %swap3A_132], %swap3A_135 {strides = array<i32>} : memref<3x120x128xf32, #tpu.memory_space<vmem>>, vector<1x1x16xf32>,
    %swap3A_136 = arith.constant 0 : i32
    %swap3A_137 = arith.constant 2 : i32
    %swap3A_138 = arith.index_cast %swap3A_136 : i32 to index
    %swap3A_139 = arith.index_cast %swap3A_137 : i32 to index
    %swap3A_140 = arith.constant 16 : index
    %swap3A_141 = tpu.vector_load %arg7[%swap3A_138, %swap3A_139, %swap3A_140] {strides = array<i32>} : memref<3x120x128xf32, #tpu.memory_space<vmem>>, vector<1x1x16xf32>,
    %swap3A_142 = vector.shape_cast %swap3A_141 : vector<1x1x16xf32> to vector<16xf32>
    %swap3A_143 = vector.shape_cast %broadcast_in_dim3A_0 : vector<16xf32> to vector<1x1x16xf32>
    tpu.vector_store %arg7[%swap3A_138, %swap3A_139, %swap3A_140], %swap3A_143 {strides = array<i32>} : memref<3x120x128xf32, #tpu.memory_space<vmem>>, vector<1x1x16xf32>,
    %swap3A_144 = arith.constant 0 : i32
    %swap3A_145 = arith.constant 2 : i32
    %swap3A_146 = arith.index_cast %swap3A_144 : i32 to index
    %swap3A_147 = arith.index_cast %swap3A_145 : i32 to index
    %swap3A_148 = arith.constant 32 : index
    %swap3A_149 = tpu.vector_load %arg7[%swap3A_146, %swap3A_147, %swap3A_148] {strides = array<i32>} : memref<3x120x128xf32, #tpu.memory_space<vmem>>, vector<1x1x16xf32>,
    %swap3A_150 = vector.shape_cast %swap3A_149 : vector<1x1x16xf32> to vector<16xf32>
    %swap3A_151 = vector.shape_cast %broadcast_in_dim3A_0 : vector<16xf32> to vector<1x1x16xf32>
    tpu.vector_store %arg7[%swap3A_146, %swap3A_147, %swap3A_148], %swap3A_151 {strides = array<i32>} : memref<3x120x128xf32, #tpu.memory_space<vmem>>, vector<1x1x16xf32>,
    %swap3A_152 = arith.constant 0 : i32
    %swap3A_153 = arith.constant 2 : i32
    %swap3A_154 = arith.index_cast %swap3A_152 : i32 to index
    %swap3A_155 = arith.index_cast %swap3A_153 : i32 to index
    %swap3A_156 = arith.constant 48 : index
    %swap3A_157 = tpu.vector_load %arg7[%swap3A_154, %swap3A_155, %swap3A_156] {strides = array<i32>} : memref<3x120x128xf32, #tpu.memory_space<vmem>>, vector<1x1x16xf32>,
    %swap3A_158 = vector.shape_cast %swap3A_157 : vector<1x1x16xf32> to vector<16xf32>
    %swap3A_159 = vector.shape_cast %broadcast_in_dim3A_0 : vector<16xf32> to vector<1x1x16xf32>
    tpu.vector_store %arg7[%swap3A_154, %swap3A_155, %swap3A_156], %swap3A_159 {strides = array<i32>} : memref<3x120x128xf32, #tpu.memory_space<vmem>>, vector<1x1x16xf32>,
    %swap3A_160 = arith.constant 0 : i32
    %swap3A_161 = arith.constant 2 : i32
    %swap3A_162 = arith.index_cast %swap3A_160 : i32 to index
    %swap3A_163 = arith.index_cast %swap3A_161 : i32 to index
    %swap3A_164 = arith.constant 64 : index
    %swap3A_165 = tpu.vector_load %arg7[%swap3A_162, %swap3A_163, %swap3A_164] {strides = array<i32>} : memref<3x120x128xf32, #tpu.memory_space<vmem>>, vector<1x1x16xf32>,
    %swap3A_166 = vector.shape_cast %swap3A_165 : vector<1x1x16xf32> to vector<16xf32>
    %swap3A_167 = vector.shape_cast %broadcast_in_dim3A_0 : vector<16xf32> to vector<1x1x16xf32>
    tpu.vector_store %arg7[%swap3A_162, %swap3A_163, %swap3A_164], %swap3A_167 {strides = array<i32>} : memref<3x120x128xf32, #tpu.memory_space<vmem>>, vector<1x1x16xf32>,
    %swap3A_168 = arith.constant 0 : i32
    %swap3A_169 = arith.constant 2 : i32
    %swap3A_170 = arith.index_cast %swap3A_168 : i32 to index
    %swap3A_171 = arith.index_cast %swap3A_169 : i32 to index
    %swap3A_172 = arith.constant 80 : index
    %swap3A_173 = tpu.vector_load %arg7[%swap3A_170, %swap3A_171, %swap3A_172] {strides = array<i32>} : memref<3x120x128xf32, #tpu.memory_space<vmem>>, vector<1x1x16xf32>,
    %swap3A_174 = vector.shape_cast %swap3A_173 : vector<1x1x16xf32> to vector<16xf32>
    %swap3A_175 = vector.shape_cast %broadcast_in_dim3A_0 : vector<16xf32> to vector<1x1x16xf32>
    tpu.vector_store %arg7[%swap3A_170, %swap3A_171, %swap3A_172], %swap3A_175 {strides = array<i32>} : memref<3x120x128xf32, #tpu.memory_space<vmem>>, vector<1x1x16xf32>,
    %swap3A_176 = arith.constant 0 : i32
    %swap3A_177 = arith.constant 2 : i32
    %swap3A_178 = arith.index_cast %swap3A_176 : i32 to index
    %swap3A_179 = arith.index_cast %swap3A_177 : i32 to index
    %swap3A_180 = arith.constant 96 : index
    %swap3A_181 = tpu.vector_load %arg7[%swap3A_178, %swap3A_179, %swap3A_180] {strides = array<i32>} : memref<3x120x128xf32, #tpu.memory_space<vmem>>, vector<1x1x16xf32>,
    %swap3A_182 = vector.shape_cast %swap3A_181 : vector<1x1x16xf32> to vector<16xf32>
    %swap3A_183 = vector.shape_cast %broadcast_in_dim3A_0 : vector<16xf32> to vector<1x1x16xf32>
    tpu.vector_store %arg7[%swap3A_178, %swap3A_179, %swap3A_180], %swap3A_183 {strides = array<i32>} : memref<3x120x128xf32, #tpu.memory_space<vmem>>, vector<1x1x16xf32>,
    %swap3A_184 = arith.constant 0 : i32
    %swap3A_185 = arith.constant 2 : i32
    %swap3A_186 = arith.index_cast %swap3A_184 : i32 to index
    %swap3A_187 = arith.index_cast %swap3A_185 : i32 to index
    %swap3A_188 = arith.constant 112 : index
    %swap3A_189 = tpu.vector_load %arg7[%swap3A_186, %swap3A_187, %swap3A_188] {strides = array<i32>} : memref<3x120x128xf32, #tpu.memory_space<vmem>>, vector<1x1x16xf32>,
    %swap3A_190 = vector.shape_cast %swap3A_189 : vector<1x1x16xf32> to vector<16xf32>
    %swap3A_191 = vector.shape_cast %broadcast_in_dim3A_0 : vector<16xf32> to vector<1x1x16xf32>
    tpu.vector_store %arg7[%swap3A_186, %swap3A_187, %swap3A_188], %swap3A_191 {strides = array<i32>} : memref<3x120x128xf32, #tpu.memory_space<vmem>>, vector<1x1x16xf32>,
    %swap3A_192 = arith.constant 0 : i32
    %swap3A_193 = arith.constant 3 : i32
    %swap3A_194 = arith.index_cast %swap3A_192 : i32 to index
    %swap3A_195 = arith.index_cast %swap3A_193 : i32 to index
    %swap3A_196 = arith.constant 0 : index
    %swap3A_197 = tpu.vector_load %arg7[%swap3A_194, %swap3A_195, %swap3A_196] {strides = array<i32>} : memref<3x120x128xf32, #tpu.memory_space<vmem>>, vector<1x1x16xf32>,
    %swap3A_198 = vector.shape_cast %swap3A_197 : vector<1x1x16xf32> to vector<16xf32>
    %swap3A_199 = vector.shape_cast %broadcast_in_dim3A_0 : vector<16xf32> to vector<1x1x16xf32>
    tpu.vector_store %arg7[%swap3A_194, %swap3A_195, %swap3A_196], %swap3A_199 {strides = array<i32>} : memref<3x120x128xf32, #tpu.memory_space<vmem>>, vector<1x1x16xf32>,
    %swap3A_200 = arith.constant 0 : i32
    %swap3A_201 = arith.constant 3 : i32
    %swap3A_202 = arith.index_cast %swap3A_200 : i32 to index
    %swap3A_203 = arith.index_cast %swap3A_201 : i32 to index
    %swap3A_204 = arith.constant 16 : index
    %swap3A_205 = tpu.vector_load %arg7[%swap3A_202, %swap3A_203, %swap3A_204] {strides = array<i32>} : memref<3x120x128xf32, #tpu.memory_space<vmem>>, vector<1x1x16xf32>,
    %swap3A_206 = vector.shape_cast %swap3A_205 : vector<1x1x16xf32> to vector<16xf32>
    %swap3A_207 = vector.shape_cast %broadcast_in_dim3A_0 : vector<16xf32> to vector<1x1x16xf32>
    tpu.vector_store %arg7[%swap3A_202, %swap3A_203, %swap3A_204], %swap3A_207 {strides = array<i32>} : memref<3x120x128xf32, #tpu.memory_space<vmem>>, vector<1x1x16xf32>,
    %swap3A_208 = arith.constant 0 : i32
    %swap3A_209 = arith.constant 3 : i32
    %swap3A_210 = arith.index_cast %swap3A_208 : i32 to index
    %swap3A_211 = arith.index_cast %swap3A_209 : i32 to index
    %swap3A_212 = arith.constant 32 : index
    %swap3A_213 = tpu.vector_load %arg7[%swap3A_210, %swap3A_211, %swap3A_212] {strides = array<i32>} : memref<3x120x128xf32, #tpu.memory_space<vmem>>, vector<1x1x16xf32>,
    %swap3A_214 = vector.shape_cast %swap3A_213 : vector<1x1x16xf32> to vector<16xf32>
    %swap3A_215 = vector.shape_cast %broadcast_in_dim3A_0 : vector<16xf32> to vector<1x1x16xf32>
    tpu.vector_store %arg7[%swap3A_210, %swap3A_211, %swap3A_212], %swap3A_215 {strides = array<i32>} : memref<3x120x128xf32, #tpu.memory_space<vmem>>, vector<1x1x16xf32>,
    %swap3A_216 = arith.constant 0 : i32
    %swap3A_217 = arith.constant 3 : i32
    %swap3A_218 = arith.index_cast %swap3A_216 : i32 to index
    %swap3A_219 = arith.index_cast %swap3A_217 : i32 to index
    %swap3A_220 = arith.constant 48 : index
    %swap3A_221 = tpu.vector_load %arg7[%swap3A_218, %swap3A_219, %swap3A_220] {strides = array<i32>} : memref<3x120x128xf32, #tpu.memory_space<vmem>>, vector<1x1x16xf32>,
    %swap3A_222 = vector.shape_cast %swap3A_221 : vector<1x1x16xf32> to vector<16xf32>
    %swap3A_223 = vector.shape_cast %broadcast_in_dim3A_0 : vector<16xf32> to vector<1x1x16xf32>
    tpu.vector_store %arg7[%swap3A_218, %swap3A_219, %swap3A_220], %swap3A_223 {strides = array<i32>} : memref<3x120x128xf32, #tpu.memory_space<vmem>>, vector<1x1x16xf32>,
    %swap3A_224 = arith.constant 0 : i32
    %swap3A_225 = arith.constant 3 : i32
    %swap3A_226 = arith.index_cast %swap3A_224 : i32 to index
    %swap3A_227 = arith.index_cast %swap3A_225 : i32 to index
    %swap3A_228 = arith.constant 64 : index
    %swap3A_229 = tpu.vector_load %arg7[%swap3A_226, %swap3A_227, %swap3A_228] {strides = array<i32>} : memref<3x120x128xf32, #tpu.memory_space<vmem>>, vector<1x1x16xf32>,
    %swap3A_230 = vector.shape_cast %swap3A_229 : vector<1x1x16xf32> to vector<16xf32>
    %swap3A_231 = vector.shape_cast %broadcast_in_dim3A_0 : vector<16xf32> to vector<1x1x16xf32>
    tpu.vector_store %arg7[%swap3A_226, %swap3A_227, %swap3A_228], %swap3A_231 {strides = array<i32>} : memref<3x120x128xf32, #tpu.memory_space<vmem>>, vector<1x1x16xf32>,
    %swap3A_232 = arith.constant 0 : i32
    %swap3A_233 = arith.constant 3 : i32
    %swap3A_234 = arith.index_cast %swap3A_232 : i32 to index
    %swap3A_235 = arith.index_cast %swap3A_233 : i32 to index
    %swap3A_236 = arith.constant 80 : index
    %swap3A_237 = tpu.vector_load %arg7[%swap3A_234, %swap3A_235, %swap3A_236] {strides = array<i32>} : memref<3x120x128xf32, #tpu.memory_space<vmem>>, vector<1x1x16xf32>,
    %swap3A_238 = vector.shape_cast %swap3A_237 : vector<1x1x16xf32> to vector<16xf32>
    %swap3A_239 = vector.shape_cast %broadcast_in_dim3A_0 : vector<16xf32> to vector<1x1x16xf32>
    tpu.vector_store %arg7[%swap3A_234, %swap3A_235, %swap3A_236], %swap3A_239 {strides = array<i32>} : memref<3x120x128xf32, #tpu.memory_space<vmem>>, vector<1x1x16xf32>,
    %swap3A_240 = arith.constant 0 : i32
    %swap3A_241 = arith.constant 3 : i32
    %swap3A_242 = arith.index_cast %swap3A_240 : i32 to index
    %swap3A_243 = arith.index_cast %swap3A_241 : i32 to index
    %swap3A_244 = arith.constant 96 : index
    %swap3A_245 = tpu.vector_load %arg7[%swap3A_242, %swap3A_243, %swap3A_244] {strides = array<i32>} : memref<3x120x128xf32, #tpu.memory_space<vmem>>, vector<1x1x16xf32>,
    %swap3A_246 = vector.shape_cast %swap3A_245 : vector<1x1x16xf32> to vector<16xf32>
    %swap3A_247 = vector.shape_cast %broadcast_in_dim3A_0 : vector<16xf32> to vector<1x1x16xf32>
    tpu.vector_store %arg7[%swap3A_242, %swap3A_243, %swap3A_244], %swap3A_247 {strides = array<i32>} : memref<3x120x128xf32, #tpu.memory_space<vmem>>, vector<1x1x16xf32>,
    %swap3A_248 = arith.constant 0 : i32
    %swap3A_249 = arith.constant 3 : i32
    %swap3A_250 = arith.index_cast %swap3A_248 : i32 to index
    %swap3A_251 = arith.index_cast %swap3A_249 : i32 to index
    %swap3A_252 = arith.constant 112 : index
    %swap3A_253 = tpu.vector_load %arg7[%swap3A_250, %swap3A_251, %swap3A_252] {strides = array<i32>} : memref<3x120x128xf32, #tpu.memory_space<vmem>>, vector<1x1x16xf32>,
    %swap3A_254 = vector.shape_cast %swap3A_253 : vector<1x1x16xf32> to vector<16xf32>
    %swap3A_255 = vector.shape_cast %broadcast_in_dim3A_0 : vector<16xf32> to vector<1x1x16xf32>
    tpu.vector_store %arg7[%swap3A_250, %swap3A_251, %swap3A_252], %swap3A_255 {strides = array<i32>} : memref<3x120x128xf32, #tpu.memory_space<vmem>>, vector<1x1x16xf32>,
    %swap3A_256 = arith.constant 0 : i32
    %swap3A_257 = arith.constant 4 : i32
    %swap3A_258 = arith.index_cast %swap3A_256 : i32 to index
    %swap3A_259 = arith.index_cast %swap3A_257 : i32 to index
    %swap3A_260 = arith.constant 0 : index
    %swap3A_261 = tpu.vector_load %arg7[%swap3A_258, %swap3A_259, %swap3A_260] {strides = array<i32>} : memref<3x120x128xf32, #tpu.memory_space<vmem>>, vector<1x1x16xf32>,
    %swap3A_262 = vector.shape_cast %swap3A_261 : vector<1x1x16xf32> to vector<16xf32>
    %swap3A_263 = vector.shape_cast %broadcast_in_dim3A_0 : vector<16xf32> to vector<1x1x16xf32>
    tpu.vector_store %arg7[%swap3A_258, %swap3A_259, %swap3A_260], %swap3A_263 {strides = array<i32>} : memref<3x120x128xf32, #tpu.memory_space<vmem>>, vector<1x1x16xf32>,
    %swap3A_264 = arith.constant 0 : i32
    %swap3A_265 = arith.constant 4 : i32
    %swap3A_266 = arith.index_cast %swap3A_264 : i32 to index
    %swap3A_267 = arith.index_cast %swap3A_265 : i32 to index
    %swap3A_268 = arith.constant 16 : index
    %swap3A_269 = tpu.vector_load %arg7[%swap3A_266, %swap3A_267, %swap3A_268] {strides = array<i32>} : memref<3x120x128xf32, #tpu.memory_space<vmem>>, vector<1x1x16xf32>,
    %swap3A_270 = vector.shape_cast %swap3A_269 : vector<1x1x16xf32> to vector<16xf32>
    %swap3A_271 = vector.shape_cast %broadcast_in_dim3A_0 : vector<16xf32> to vector<1x1x16xf32>
    tpu.vector_store %arg7[%swap3A_266, %swap3A_267, %swap3A_268], %swap3A_271 {strides = array<i32>} : memref<3x120x128xf32, #tpu.memory_space<vmem>>, vector<1x1x16xf32>,
    %swap3A_272 = arith.constant 0 : i32
    %swap3A_273 = arith.constant 4 : i32
    %swap3A_274 = arith.index_cast %swap3A_272 : i32 to index
    %swap3A_275 = arith.index_cast %swap3A_273 : i32 to index
    %swap3A_276 = arith.constant 32 : index
    %swap3A_277 = tpu.vector_load %arg7[%swap3A_274, %swap3A_275, %swap3A_276] {strides = array<i32>} : memref<3x120x128xf32, #tpu.memory_space<vmem>>, vector<1x1x16xf32>,
    %swap3A_278 = vector.shape_cast %swap3A_277 : vector<1x1x16xf32> to vector<16xf32>
    %swap3A_279 = vector.shape_cast %broadcast_in_dim3A_0 : vector<16xf32> to vector<1x1x16xf32>
    tpu.vector_store %arg7[%swap3A_274, %swap3A_275, %swap3A_276], %swap3A_279 {strides = array<i32>} : memref<3x120x128xf32, #tpu.memory_space<vmem>>, vector<1x1x16xf32>,
    %swap3A_280 = arith.constant 0 : i32
    %swap3A_281 = arith.constant 4 : i32
    %swap3A_282 = arith.index_cast %swap3A_280 : i32 to index
    %swap3A_283 = arith.index_cast %swap3A_281 : i32 to index
    %swap3A_284 = arith.constant 48 : index
    %swap3A_285 = tpu.vector_load %arg7[%swap3A_282, %swap3A_283, %swap3A_284] {strides = array<i32>} : memref<3x120x128xf32, #tpu.memory_space<vmem>>, vector<1x1x16xf32>,
    %swap3A_286 = vector.shape_cast %swap3A_285 : vector<1x1x16xf32> to vector<16xf32>
    %swap3A_287 = vector.shape_cast %broadcast_in_dim3A_0 : vector<16xf32> to vector<1x1x16xf32>
    tpu.vector_store %arg7[%swap3A_282, %swap3A_283, %swap3A_284], %swap3A_287 {strides = array<i32>} : memref<3x120x128xf32, #tpu.memory_space<vmem>>, vector<1x1x16xf32>,
    %swap3A_288 = arith.constant 0 : i32
    %swap3A_289 = arith.constant 4 : i32
    %swap3A_290 = arith.index_cast %swap3A_288 : i32 to index
    %swap3A_291 = arith.index_cast %swap3A_289 : i32 to index
    %swap3A_292 = arith.constant 64 : index
    %swap3A_293 = tpu.vector_load %arg7[%swap3A_290, %swap3A_291, %swap3A_292] {strides = array<i32>} : memref<3x120x128xf32, #tpu.memory_space<vmem>>, vector<1x1x16xf32>,
    %swap3A_294 = vector.shape_cast %swap3A_293 : vector<1x1x16xf32> to vector<16xf32>
    %swap3A_295 = vector.shape_cast %broadcast_in_dim3A_0 : vector<16xf32> to vector<1x1x16xf32>
    tpu.vector_store %arg7[%swap3A_290, %swap3A_291, %swap3A_292], %swap3A_295 {strides = array<i32>} : memref<3x120x128xf32, #tpu.memory_space<vmem>>, vector<1x1x16xf32>,
    %swap3A_296 = arith.constant 0 : i32
    %swap3A_297 = arith.constant 4 : i32
    %swap3A_298 = arith.index_cast %swap3A_296 : i32 to index
    %swap3A_299 = arith.index_cast %swap3A_297 : i32 to index
    %swap3A_300 = arith.constant 80 : index
    %swap3A_301 = tpu.vector_load %arg7[%swap3A_298, %swap3A_299, %swap3A_300] {strides = array<i32>} : memref<3x120x128xf32, #tpu.memory_space<vmem>>, vector<1x1x16xf32>,
    %swap3A_302 = vector.shape_cast %swap3A_301 : vector<1x1x16xf32> to vector<16xf32>
    %swap3A_303 = vector.shape_cast %broadcast_in_dim3A_0 : vector<16xf32> to vector<1x1x16xf32>
    tpu.vector_store %arg7[%swap3A_298, %swap3A_299, %swap3A_300], %swap3A_303 {strides = array<i32>} : memref<3x120x128xf32, #tpu.memory_space<vmem>>, vector<1x1x16xf32>,
    %swap3A_304 = arith.constant 0 : i32
    %swap3A_305 = arith.constant 4 : i32
    %swap3A_306 = arith.index_cast %swap3A_304 : i32 to index
    %swap3A_307 = arith.index_cast %swap3A_305 : i32 to index
    %swap3A_308 = arith.constant 96 : index
    %swap3A_309 = tpu.vector_load %arg7[%swap3A_306, %swap3A_307, %swap3A_308] {strides = array<i32>} : memref<3x120x128xf32, #tpu.memory_space<vmem>>, vector<1x1x16xf32>,
    %swap3A_310 = vector.shape_cast %swap3A_309 : vector<1x1x16xf32> to vector<16xf32>
    %swap3A_311 = vector.shape_cast %broadcast_in_dim3A_0 : vector<16xf32> to vector<1x1x16xf32>
    tpu.vector_store %arg7[%swap3A_306, %swap3A_307, %swap3A_308], %swap3A_311 {strides = array<i32>} : memref<3x120x128xf32, #tpu.memory_space<vmem>>, vector<1x1x16xf32>,
    %swap3A_312 = arith.constant 0 : i32
    %swap3A_313 = arith.constant 4 : i32
    %swap3A_314 = arith.index_cast %swap3A_312 : i32 to index
    %swap3A_315 = arith.index_cast %swap3A_313 : i32 to index
    %swap3A_316 = arith.constant 112 : index
    %swap3A_317 = tpu.vector_load %arg7[%swap3A_314, %swap3A_315, %swap3A_316] {strides = array<i32>} : memref<3x120x128xf32, #tpu.memory_space<vmem>>, vector<1x1x16xf32>,
    %swap3A_318 = vector.shape_cast %swap3A_317 : vector<1x1x16xf32> to vector<16xf32>
    %swap3A_319 = vector.shape_cast %broadcast_in_dim3A_0 : vector<16xf32> to vector<1x1x16xf32>
    tpu.vector_store %arg7[%swap3A_314, %swap3A_315, %swap3A_316], %swap3A_319 {strides = array<i32>} : memref<3x120x128xf32, #tpu.memory_space<vmem>>, vector<1x1x16xf32>,
    %swap3A_320 = arith.constant 0 : i32
    %swap3A_321 = arith.constant 5 : i32
    %swap3A_322 = arith.index_cast %swap3A_320 : i32 to index
    %swap3A_323 = arith.index_cast %swap3A_321 : i32 to index
    %swap3A_324 = arith.constant 0 : index
    %swap3A_325 = tpu.vector_load %arg7[%swap3A_322, %swap3A_323, %swap3A_324] {strides = array<i32>} : memref<3x120x128xf32, #tpu.memory_space<vmem>>, vector<1x1x16xf32>,
    %swap3A_326 = vector.shape_cast %swap3A_325 : vector<1x1x16xf32> to vector<16xf32>
    %swap3A_327 = vector.shape_cast %broadcast_in_dim3A_0 : vector<16xf32> to vector<1x1x16xf32>
    tpu.vector_store %arg7[%swap3A_322, %swap3A_323, %swap3A_324], %swap3A_327 {strides = array<i32>} : memref<3x120x128xf32, #tpu.memory_space<vmem>>, vector<1x1x16xf32>,
    %swap3A_328 = arith.constant 0 : i32
    %swap3A_329 = arith.constant 5 : i32
    %swap3A_330 = arith.index_cast %swap3A_328 : i32 to index
    %swap3A_331 = arith.index_cast %swap3A_329 : i32 to index
    %swap3A_332 = arith.constant 16 : index
    %swap3A_333 = tpu.vector_load %arg7[%swap3A_330, %swap3A_331, %swap3A_332] {strides = array<i32>} : memref<3x120x128xf32, #tpu.memory_space<vmem>>, vector<1x1x16xf32>,
    %swap3A_334 = vector.shape_cast %swap3A_333 : vector<1x1x16xf32> to vector<16xf32>
    %swap3A_335 = vector.shape_cast %broadcast_in_dim3A_0 : vector<16xf32> to vector<1x1x16xf32>
    tpu.vector_store %arg7[%swap3A_330, %swap3A_331, %swap3A_332], %swap3A_335 {strides = array<i32>} : memref<3x120x128xf32, #tpu.memory_space<vmem>>, vector<1x1x16xf32>,
    %swap3A_336 = arith.constant 0 : i32
    %swap3A_337 = arith.constant 5 : i32
    %swap3A_338 = arith.index_cast %swap3A_336 : i32 to index
    %swap3A_339 = arith.index_cast %swap3A_337 : i32 to index
    %swap3A_340 = arith.constant 32 : index
    %swap3A_341 = tpu.vector_load %arg7[%swap3A_338, %swap3A_339, %swap3A_340] {strides = array<i32>} : memref<3x120x128xf32, #tpu.memory_space<vmem>>, vector<1x1x16xf32>,
    %swap3A_342 = vector.shape_cast %swap3A_341 : vector<1x1x16xf32> to vector<16xf32>
    %swap3A_343 = vector.shape_cast %broadcast_in_dim3A_0 : vector<16xf32> to vector<1x1x16xf32>
    tpu.vector_store %arg7[%swap3A_338, %swap3A_339, %swap3A_340], %swap3A_343 {strides = array<i32>} : memref<3x120x128xf32, #tpu.memory_space<vmem>>, vector<1x1x16xf32>,
    %swap3A_344 = arith.constant 0 : i32
    %swap3A_345 = arith.constant 5 : i32
    %swap3A_346 = arith.index_cast %swap3A_344 : i32 to index
    %swap3A_347 = arith.index_cast %swap3A_345 : i32 to index
    %swap3A_348 = arith.constant 48 : index
    %swap3A_349 = tpu.vector_load %arg7[%swap3A_346, %swap3A_347, %swap3A_348] {strides = array<i32>} : memref<3x120x128xf32, #tpu.memory_space<vmem>>, vector<1x1x16xf32>,
    %swap3A_350 = vector.shape_cast %swap3A_349 : vector<1x1x16xf32> to vector<16xf32>
    %swap3A_351 = vector.shape_cast %broadcast_in_dim3A_0 : vector<16xf32> to vector<1x1x16xf32>
    tpu.vector_store %arg7[%swap3A_346, %swap3A_347, %swap3A_348], %swap3A_351 {strides = array<i32>} : memref<3x120x128xf32, #tpu.memory_space<vmem>>, vector<1x1x16xf32>,
    %swap3A_352 = arith.constant 0 : i32
    %swap3A_353 = arith.constant 5 : i32
    %swap3A_354 = arith.index_cast %swap3A_352 : i32 to index
    %swap3A_355 = arith.index_cast %swap3A_353 : i32 to index
    %swap3A_356 = arith.constant 64 : index
    %swap3A_357 = tpu.vector_load %arg7[%swap3A_354, %swap3A_355, %swap3A_356] {strides = array<i32>} : memref<3x120x128xf32, #tpu.memory_space<vmem>>, vector<1x1x16xf32>,
    %swap3A_358 = vector.shape_cast %swap3A_357 : vector<1x1x16xf32> to vector<16xf32>
    %swap3A_359 = vector.shape_cast %broadcast_in_dim3A_0 : vector<16xf32> to vector<1x1x16xf32>
    tpu.vector_store %arg7[%swap3A_354, %swap3A_355, %swap3A_356], %swap3A_359 {strides = array<i32>} : memref<3x120x128xf32, #tpu.memory_space<vmem>>, vector<1x1x16xf32>,
    %swap3A_360 = arith.constant 0 : i32
    %swap3A_361 = arith.constant 5 : i32
    %swap3A_362 = arith.index_cast %swap3A_360 : i32 to index
    %swap3A_363 = arith.index_cast %swap3A_361 : i32 to index
    %swap3A_364 = arith.constant 80 : index
    %swap3A_365 = tpu.vector_load %arg7[%swap3A_362, %swap3A_363, %swap3A_364] {strides = array<i32>} : memref<3x120x128xf32, #tpu.memory_space<vmem>>, vector<1x1x16xf32>,
    %swap3A_366 = vector.shape_cast %swap3A_365 : vector<1x1x16xf32> to vector<16xf32>
    %swap3A_367 = vector.shape_cast %broadcast_in_dim3A_0 : vector<16xf32> to vector<1x1x16xf32>
    tpu.vector_store %arg7[%swap3A_362, %swap3A_363, %swap3A_364], %swap3A_367 {strides = array<i32>} : memref<3x120x128xf32, #tpu.memory_space<vmem>>, vector<1x1x16xf32>,
    %swap3A_368 = arith.constant 0 : i32
    %swap3A_369 = arith.constant 5 : i32
    %swap3A_370 = arith.index_cast %swap3A_368 : i32 to index
    %swap3A_371 = arith.index_cast %swap3A_369 : i32 to index
    %swap3A_372 = arith.constant 96 : index
    %swap3A_373 = tpu.vector_load %arg7[%swap3A_370, %swap3A_371, %swap3A_372] {strides = array<i32>} : memref<3x120x128xf32, #tpu.memory_space<vmem>>, vector<1x1x16xf32>,
    %swap3A_374 = vector.shape_cast %swap3A_373 : vector<1x1x16xf32> to vector<16xf32>
    %swap3A_375 = vector.shape_cast %broadcast_in_dim3A_0 : vector<16xf32> to vector<1x1x16xf32>
    tpu.vector_store %arg7[%swap3A_370, %swap3A_371, %swap3A_372], %swap3A_375 {strides = array<i32>} : memref<3x120x128xf32, #tpu.memory_space<vmem>>, vector<1x1x16xf32>,
    %swap3A_376 = arith.constant 0 : i32
    %swap3A_377 = arith.constant 5 : i32
    %swap3A_378 = arith.index_cast %swap3A_376 : i32 to index
    %swap3A_379 = arith.index_cast %swap3A_377 : i32 to index
    %swap3A_380 = arith.constant 112 : index
    %swap3A_381 = tpu.vector_load %arg7[%swap3A_378, %swap3A_379, %swap3A_380] {strides = array<i32>} : memref<3x120x128xf32, #tpu.memory_space<vmem>>, vector<1x1x16xf32>,
    %swap3A_382 = vector.shape_cast %swap3A_381 : vector<1x1x16xf32> to vector<16xf32>
    %swap3A_383 = vector.shape_cast %broadcast_in_dim3A_0 : vector<16xf32> to vector<1x1x16xf32>
    tpu.vector_store %arg7[%swap3A_378, %swap3A_379, %swap3A_380], %swap3A_383 {strides = array<i32>} : memref<3x120x128xf32, #tpu.memory_space<vmem>>, vector<1x1x16xf32>,
    %swap3A_384 = arith.constant 0 : i32
    %swap3A_385 = arith.constant 6 : i32
    %swap3A_386 = arith.index_cast %swap3A_384 : i32 to index
    %swap3A_387 = arith.index_cast %swap3A_385 : i32 to index
    %swap3A_388 = arith.constant 0 : index
    %swap3A_389 = tpu.vector_load %arg7[%swap3A_386, %swap3A_387, %swap3A_388] {strides = array<i32>} : memref<3x120x128xf32, #tpu.memory_space<vmem>>, vector<1x1x16xf32>,
    %swap3A_390 = vector.shape_cast %swap3A_389 : vector<1x1x16xf32> to vector<16xf32>
    %swap3A_391 = vector.shape_cast %broadcast_in_dim3A_0 : vector<16xf32> to vector<1x1x16xf32>
    tpu.vector_store %arg7[%swap3A_386, %swap3A_387, %swap3A_388], %swap3A_391 {strides = array<i32>} : memref<3x120x128xf32, #tpu.memory_space<vmem>>, vector<1x1x16xf32>,
    %swap3A_392 = arith.constant 0 : i32
    %swap3A_393 = arith.constant 6 : i32
    %swap3A_394 = arith.index_cast %swap3A_392 : i32 to index
    %swap3A_395 = arith.index_cast %swap3A_393 : i32 to index
    %swap3A_396 = arith.constant 16 : index
    %swap3A_397 = tpu.vector_load %arg7[%swap3A_394, %swap3A_395, %swap3A_396] {strides = array<i32>} : memref<3x120x128xf32, #tpu.memory_space<vmem>>, vector<1x1x16xf32>,
    %swap3A_398 = vector.shape_cast %swap3A_397 : vector<1x1x16xf32> to vector<16xf32>
    %swap3A_399 = vector.shape_cast %broadcast_in_dim3A_0 : vector<16xf32> to vector<1x1x16xf32>
    tpu.vector_store %arg7[%swap3A_394, %swap3A_395, %swap3A_396], %swap3A_399 {strides = array<i32>} : memref<3x120x128xf32, #tpu.memory_space<vmem>>, vector<1x1x16xf32>,
    %swap3A_400 = arith.constant 0 : i32
    %swap3A_401 = arith.constant 6 : i32
    %swap3A_402 = arith.index_cast %swap3A_400 : i32 to index
    %swap3A_403 = arith.index_cast %swap3A_401 : i32 to index
    %swap3A_404 = arith.constant 32 : index
    %swap3A_405 = tpu.vector_load %arg7[%swap3A_402, %swap3A_403, %swap3A_404] {strides = array<i32>} : memref<3x120x128xf32, #tpu.memory_space<vmem>>, vector<1x1x16xf32>,
    %swap3A_406 = vector.shape_cast %swap3A_405 : vector<1x1x16xf32> to vector<16xf32>
    %swap3A_407 = vector.shape_cast %broadcast_in_dim3A_0 : vector<16xf32> to vector<1x1x16xf32>
    tpu.vector_store %arg7[%swap3A_402, %swap3A_403, %swap3A_404], %swap3A_407 {strides = array<i32>} : memref<3x120x128xf32, #tpu.memory_space<vmem>>, vector<1x1x16xf32>,
    %swap3A_408 = arith.constant 0 : i32
    %swap3A_409 = arith.constant 6 : i32
    %swap3A_410 = arith.index_cast %swap3A_408 : i32 to index
    %swap3A_411 = arith.index_cast %swap3A_409 : i32 to index
    %swap3A_412 = arith.constant 48 : index
    %swap3A_413 = tpu.vector_load %arg7[%swap3A_410, %swap3A_411, %swap3A_412] {strides = array<i32>} : memref<3x120x128xf32, #tpu.memory_space<vmem>>, vector<1x1x16xf32>,
    %swap3A_414 = vector.shape_cast %swap3A_413 : vector<1x1x16xf32> to vector<16xf32>
    %swap3A_415 = vector.shape_cast %broadcast_in_dim3A_0 : vector<16xf32> to vector<1x1x16xf32>
    tpu.vector_store %arg7[%swap3A_410, %swap3A_411, %swap3A_412], %swap3A_415 {strides = array<i32>} : memref<3x120x128xf32, #tpu.memory_space<vmem>>, vector<1x1x16xf32>,
    %swap3A_416 = arith.constant 0 : i32
    %swap3A_417 = arith.constant 6 : i32
    %swap3A_418 = arith.index_cast %swap3A_416 : i32 to index
    %swap3A_419 = arith.index_cast %swap3A_417 : i32 to index
    %swap3A_420 = arith.constant 64 : index
    %swap3A_421 = tpu.vector_load %arg7[%swap3A_418, %swap3A_419, %swap3A_420] {strides = array<i32>} : memref<3x120x128xf32, #tpu.memory_space<vmem>>, vector<1x1x16xf32>,
    %swap3A_422 = vector.shape_cast %swap3A_421 : vector<1x1x16xf32> to vector<16xf32>
    %swap3A_423 = vector.shape_cast %broadcast_in_dim3A_0 : vector<16xf32> to vector<1x1x16xf32>
    tpu.vector_store %arg7[%swap3A_418, %swap3A_419, %swap3A_420], %swap3A_423 {strides = array<i32>} : memref<3x120x128xf32, #tpu.memory_space<vmem>>, vector<1x1x16xf32>,
    %swap3A_424 = arith.constant 0 : i32
    %swap3A_425 = arith.constant 6 : i32
    %swap3A_426 = arith.index_cast %swap3A_424 : i32 to index
    %swap3A_427 = arith.index_cast %swap3A_425 : i32 to index
    %swap3A_428 = arith.constant 80 : index
    %swap3A_429 = tpu.vector_load %arg7[%swap3A_426, %swap3A_427, %swap3A_428] {strides = array<i32>} : memref<3x120x128xf32, #tpu.memory_space<vmem>>, vector<1x1x16xf32>,
    %swap3A_430 = vector.shape_cast %swap3A_429 : vector<1x1x16xf32> to vector<16xf32>
    %swap3A_431 = vector.shape_cast %broadcast_in_dim3A_0 : vector<16xf32> to vector<1x1x16xf32>
    tpu.vector_store %arg7[%swap3A_426, %swap3A_427, %swap3A_428], %swap3A_431 {strides = array<i32>} : memref<3x120x128xf32, #tpu.memory_space<vmem>>, vector<1x1x16xf32>,
    %swap3A_432 = arith.constant 0 : i32
    %swap3A_433 = arith.constant 6 : i32
    %swap3A_434 = arith.index_cast %swap3A_432 : i32 to index
    %swap3A_435 = arith.index_cast %swap3A_433 : i32 to index
    %swap3A_436 = arith.constant 96 : index
    %swap3A_437 = tpu.vector_load %arg7[%swap3A_434, %swap3A_435, %swap3A_436] {strides = array<i32>} : memref<3x120x128xf32, #tpu.memory_space<vmem>>, vector<1x1x16xf32>,
    %swap3A_438 = vector.shape_cast %swap3A_437 : vector<1x1x16xf32> to vector<16xf32>
    %swap3A_439 = vector.shape_cast %broadcast_in_dim3A_0 : vector<16xf32> to vector<1x1x16xf32>
    tpu.vector_store %arg7[%swap3A_434, %swap3A_435, %swap3A_436], %swap3A_439 {strides = array<i32>} : memref<3x120x128xf32, #tpu.memory_space<vmem>>, vector<1x1x16xf32>,
    %swap3A_440 = arith.constant 0 : i32
    %swap3A_441 = arith.constant 6 : i32
    %swap3A_442 = arith.index_cast %swap3A_440 : i32 to index
    %swap3A_443 = arith.index_cast %swap3A_441 : i32 to index
    %swap3A_444 = arith.constant 112 : index
    %swap3A_445 = tpu.vector_load %arg7[%swap3A_442, %swap3A_443, %swap3A_444] {strides = array<i32>} : memref<3x120x128xf32, #tpu.memory_space<vmem>>, vector<1x1x16xf32>,
    %swap3A_446 = vector.shape_cast %swap3A_445 : vector<1x1x16xf32> to vector<16xf32>
    %swap3A_447 = vector.shape_cast %broadcast_in_dim3A_0 : vector<16xf32> to vector<1x1x16xf32>
    tpu.vector_store %arg7[%swap3A_442, %swap3A_443, %swap3A_444], %swap3A_447 {strides = array<i32>} : memref<3x120x128xf32, #tpu.memory_space<vmem>>, vector<1x1x16xf32>,
    %swap3A_448 = arith.constant 0 : i32
    %swap3A_449 = arith.constant 7 : i32
    %swap3A_450 = arith.index_cast %swap3A_448 : i32 to index
    %swap3A_451 = arith.index_cast %swap3A_449 : i32 to index
    %swap3A_452 = arith.constant 0 : index
    %swap3A_453 = tpu.vector_load %arg7[%swap3A_450, %swap3A_451, %swap3A_452] {strides = array<i32>} : memref<3x120x128xf32, #tpu.memory_space<vmem>>, vector<1x1x16xf32>,
    %swap3A_454 = vector.shape_cast %swap3A_453 : vector<1x1x16xf32> to vector<16xf32>
    %swap3A_455 = vector.shape_cast %broadcast_in_dim3A_0 : vector<16xf32> to vector<1x1x16xf32>
    tpu.vector_store %arg7[%swap3A_450, %swap3A_451, %swap3A_452], %swap3A_455 {strides = array<i32>} : memref<3x120x128xf32, #tpu.memory_space<vmem>>, vector<1x1x16xf32>,
    %swap3A_456 = arith.constant 0 : i32
    %swap3A_457 = arith.constant 7 : i32
    %swap3A_458 = arith.index_cast %swap3A_456 : i32 to index
    %swap3A_459 = arith.index_cast %swap3A_457 : i32 to index
    %swap3A_460 = arith.constant 16 : index
    %swap3A_461 = tpu.vector_load %arg7[%swap3A_458, %swap3A_459, %swap3A_460] {strides = array<i32>} : memref<3x120x128xf32, #tpu.memory_space<vmem>>, vector<1x1x16xf32>,
    %swap3A_462 = vector.shape_cast %swap3A_461 : vector<1x1x16xf32> to vector<16xf32>
    %swap3A_463 = vector.shape_cast %broadcast_in_dim3A_0 : vector<16xf32> to vector<1x1x16xf32>
    tpu.vector_store %arg7[%swap3A_458, %swap3A_459, %swap3A_460], %swap3A_463 {strides = array<i32>} : memref<3x120x128xf32, #tpu.memory_space<vmem>>, vector<1x1x16xf32>,
    %swap3A_464 = arith.constant 0 : i32
    %swap3A_465 = arith.constant 7 : i32
    %swap3A_466 = arith.index_cast %swap3A_464 : i32 to index
    %swap3A_467 = arith.index_cast %swap3A_465 : i32 to index
    %swap3A_468 = arith.constant 32 : index
    %swap3A_469 = tpu.vector_load %arg7[%swap3A_466, %swap3A_467, %swap3A_468] {strides = array<i32>} : memref<3x120x128xf32, #tpu.memory_space<vmem>>, vector<1x1x16xf32>,
    %swap3A_470 = vector.shape_cast %swap3A_469 : vector<1x1x16xf32> to vector<16xf32>
    %swap3A_471 = vector.shape_cast %broadcast_in_dim3A_0 : vector<16xf32> to vector<1x1x16xf32>
    tpu.vector_store %arg7[%swap3A_466, %swap3A_467, %swap3A_468], %swap3A_471 {strides = array<i32>} : memref<3x120x128xf32, #tpu.memory_space<vmem>>, vector<1x1x16xf32>,
    %swap3A_472 = arith.constant 0 : i32
    %swap3A_473 = arith.constant 7 : i32
    %swap3A_474 = arith.index_cast %swap3A_472 : i32 to index
    %swap3A_475 = arith.index_cast %swap3A_473 : i32 to index
    %swap3A_476 = arith.constant 48 : index
    %swap3A_477 = tpu.vector_load %arg7[%swap3A_474, %swap3A_475, %swap3A_476] {strides = array<i32>} : memref<3x120x128xf32, #tpu.memory_space<vmem>>, vector<1x1x16xf32>,
    %swap3A_478 = vector.shape_cast %swap3A_477 : vector<1x1x16xf32> to vector<16xf32>
    %swap3A_479 = vector.shape_cast %broadcast_in_dim3A_0 : vector<16xf32> to vector<1x1x16xf32>
    tpu.vector_store %arg7[%swap3A_474, %swap3A_475, %swap3A_476], %swap3A_479 {strides = array<i32>} : memref<3x120x128xf32, #tpu.memory_space<vmem>>, vector<1x1x16xf32>,
    %swap3A_480 = arith.constant 0 : i32
    %swap3A_481 = arith.constant 7 : i32
    %swap3A_482 = arith.index_cast %swap3A_480 : i32 to index
    %swap3A_483 = arith.index_cast %swap3A_481 : i32 to index
    %swap3A_484 = arith.constant 64 : index
    %swap3A_485 = tpu.vector_load %arg7[%swap3A_482, %swap3A_483, %swap3A_484] {strides = array<i32>} : memref<3x120x128xf32, #tpu.memory_space<vmem>>, vector<1x1x16xf32>,
    %swap3A_486 = vector.shape_cast %swap3A_485 : vector<1x1x16xf32> to vector<16xf32>
    %swap3A_487 = vector.shape_cast %broadcast_in_dim3A_0 : vector<16xf32> to vector<1x1x16xf32>
    tpu.vector_store %arg7[%swap3A_482, %swap3A_483, %swap3A_484], %swap3A_487 {strides = array<i32>} : memref<3x120x128xf32, #tpu.memory_space<vmem>>, vector<1x1x16xf32>,
    %swap3A_488 = arith.constant 0 : i32
    %swap3A_489 = arith.constant 7 : i32
    %swap3A_490 = arith.index_cast %swap3A_488 : i32 to index
    %swap3A_491 = arith.index_cast %swap3A_489 : i32 to index
    %swap3A_492 = arith.constant 80 : index
    %swap3A_493 = tpu.vector_load %arg7[%swap3A_490, %swap3A_491, %swap3A_492] {strides = array<i32>} : memref<3x120x128xf32, #tpu.memory_space<vmem>>, vector<1x1x16xf32>,
    %swap3A_494 = vector.shape_cast %swap3A_493 : vector<1x1x16xf32> to vector<16xf32>
    %swap3A_495 = vector.shape_cast %broadcast_in_dim3A_0 : vector<16xf32> to vector<1x1x16xf32>
    tpu.vector_store %arg7[%swap3A_490, %swap3A_491, %swap3A_492], %swap3A_495 {strides = array<i32>} : memref<3x120x128xf32, #tpu.memory_space<vmem>>, vector<1x1x16xf32>,
    %swap3A_496 = arith.constant 0 : i32
    %swap3A_497 = arith.constant 7 : i32
    %swap3A_498 = arith.index_cast %swap3A_496 : i32 to index
    %swap3A_499 = arith.index_cast %swap3A_497 : i32 to index
    %swap3A_500 = arith.constant 96 : index
    %swap3A_501 = tpu.vector_load %arg7[%swap3A_498, %swap3A_499, %swap3A_500] {strides = array<i32>} : memref<3x120x128xf32, #tpu.memory_space<vmem>>, vector<1x1x16xf32>,
    %swap3A_502 = vector.shape_cast %swap3A_501 : vector<1x1x16xf32> to vector<16xf32>
    %swap3A_503 = vector.shape_cast %broadcast_in_dim3A_0 : vector<16xf32> to vector<1x1x16xf32>
    tpu.vector_store %arg7[%swap3A_498, %swap3A_499, %swap3A_500], %swap3A_503 {strides = array<i32>} : memref<3x120x128xf32, #tpu.memory_space<vmem>>, vector<1x1x16xf32>,
    %swap3A_504 = arith.constant 0 : i32
    %swap3A_505 = arith.constant 7 : i32
    %swap3A_506 = arith.index_cast %swap3A_504 : i32 to index
    %swap3A_507 = arith.index_cast %swap3A_505 : i32 to index
    %swap3A_508 = arith.constant 112 : index
    %swap3A_509 = tpu.vector_load %arg7[%swap3A_506, %swap3A_507, %swap3A_508] {strides = array<i32>} : memref<3x120x128xf32, #tpu.memory_space<vmem>>, vector<1x1x16xf32>,
    %swap3A_510 = vector.shape_cast %swap3A_509 : vector<1x1x16xf32> to vector<16xf32>
    %swap3A_511 = vector.shape_cast %broadcast_in_dim3A_0 : vector<16xf32> to vector<1x1x16xf32>
    tpu.vector_store %arg7[%swap3A_506, %swap3A_507, %swap3A_508], %swap3A_511 {strides = array<i32>} : memref<3x120x128xf32, #tpu.memory_space<vmem>>, vector<1x1x16xf32>,
    %mul3A = arith.constant 632 : i32
    %mul3A_512 = arith.muli %arg1, %mul3A : i32
    %scan3A = arith.constant 0 : i32
    %scan3A_513 = arith.constant 0 : i32
    %scan3A_514 = arith.constant 0 : i32
    %scan3A_515 = arith.constant 79 : i32
    %scan3A_516 = arith.addi %scan3A_514, %scan3A_515 : i32
    %scan3A_517 = arith.constant 1 : i32
    %scan3A_518 = scf.for %scan3A_715 = %scan3A_514 to %scan3A_516 step %scan3A_517 iter_args(%scan3A_716 = %scan3A_513) -> (i32)  : i32 {
      %mul3A_717 = arith.constant 8 : i32
      %mul3A_718 = arith.muli %scan3A_715, %mul3A_717 : i32
      %add3A = arith.addi %mul3A_512, %mul3A_718 : i32
      "tpu.region"() ({
        %run_scoped3A = tpu.sem_alloc : memref<!tpu.dma_semaphore, #tpu.memory_space<semaphore_mem>>
        %dma_start3A_720 = arith.constant 0 : i32
        %dma_start3A_721 = arith.constant 0 : i32
        %dma_start3A_722 = tpu.memref_slice %arg7[%scan3A, %dma_start3A_720, %dma_start3A_721] : memref<3x120x128xf32, #tpu.memory_space<vmem>> -> memref<1x120x128xf32, #tpu.memory_space<vmem>>
        %dma_start3A_723 = tpu.memref_squeeze %dma_start3A_722 : memref<1x120x128xf32, #tpu.memory_space<vmem>> -> memref<120x128xf32, #tpu.memory_space<vmem>>
        %dma_start3A_724 = arith.constant 0 : i32
        %dma_start3A_725 = arith.constant 0 : i32
        %dma_start3A_726 = tpu.memref_slice %dma_start3A_723[%dma_start3A_724, %dma_start3A_725] : memref<120x128xf32, #tpu.memory_space<vmem>> -> memref<8x128xf32, #tpu.memory_space<vmem>>
        %dma_start3A_727 = arith.constant 0 : i32
        %dma_start3A_728 = tpu.memref_slice %arg5[%add3A, %dma_start3A_727] : memref<10112x128xf32, #tpu.memory_space<vmem_shared>> -> memref<8x128xf32, #tpu.memory_space<vmem_shared>>
        %dma_start3A_729 = arith.constant 0 : i32
        %dma_start3A_730 = tpu.memref_slice %arg5[%add3A, %dma_start3A_729] : memref<10112x128xf32, #tpu.memory_space<vmem_shared>> -> memref<8x128xf32, #tpu.memory_space<vmem_shared>>
        %dma_start3A_731 = arith.constant 0 : i32
        %dma_start3A_732 = arith.constant 0 : i32
        %dma_start3A_733 = tpu.memref_slice %arg7[%scan3A, %dma_start3A_731, %dma_start3A_732] : memref<3x120x128xf32, #tpu.memory_space<vmem>> -> memref<1x120x128xf32, #tpu.memory_space<vmem>>
        %dma_start3A_734 = tpu.memref_squeeze %dma_start3A_733 : memref<1x120x128xf32, #tpu.memory_space<vmem>> -> memref<120x128xf32, #tpu.memory_space<vmem>>
        %dma_start3A_735 = arith.constant 0 : i32
        %dma_start3A_736 = arith.constant 0 : i32
        %dma_start3A_737 = tpu.memref_slice %dma_start3A_734[%dma_start3A_735, %dma_start3A_736] : memref<120x128xf32, #tpu.memory_space<vmem>> -> memref<8x128xf32, #tpu.memory_space<vmem>>
        tpu.enqueue_dma source(%dma_start3A_737 : memref<8x128xf32, #tpu.memory_space<vmem>>) target(%dma_start3A_730 : memref<8x128xf32, #tpu.memory_space<vmem_shared>>) target_semaphore(%run_scoped3A : memref<!tpu.dma_semaphore, #tpu.memory_space<semaphore_mem>>)
        %dma_wait3A_738 = arith.constant 0 : i32
        %dma_wait3A_739 = arith.constant 0 : i32
        %dma_wait3A_740 = tpu.memref_slice %arg7[%scan3A, %dma_wait3A_738, %dma_wait3A_739] : memref<3x120x128xf32, #tpu.memory_space<vmem>> -> memref<1x120x128xf32, #tpu.memory_space<vmem>>
        %dma_wait3A_741 = tpu.memref_squeeze %dma_wait3A_740 : memref<1x120x128xf32, #tpu.memory_space<vmem>> -> memref<120x128xf32, #tpu.memory_space<vmem>>
        %dma_wait3A_742 = arith.constant 0 : i32
        %dma_wait3A_743 = arith.constant 0 : i32
        %dma_wait3A_744 = tpu.memref_slice %dma_wait3A_741[%dma_wait3A_742, %dma_wait3A_743] : memref<120x128xf32, #tpu.memory_space<vmem>> -> memref<8x128xf32, #tpu.memory_space<vmem>>
        %dma_wait3A_745 = arith.constant 0 : i32
        %dma_wait3A_746 = tpu.memref_slice %arg5[%add3A, %dma_wait3A_745] : memref<10112x128xf32, #tpu.memory_space<vmem_shared>> -> memref<8x128xf32, #tpu.memory_space<vmem_shared>>
        %dma_wait3A_747 = arith.constant 0 : i32
        %dma_wait3A_748 = tpu.memref_slice %arg5[%add3A, %dma_wait3A_747] : memref<10112x128xf32, #tpu.memory_space<vmem_shared>> -> memref<8x128xf32, #tpu.memory_space<vmem_shared>>
        %dma_wait3A_749 = arith.constant 0 : i32
        %dma_wait3A_750 = arith.constant 0 : i32
        %dma_wait3A_751 = tpu.memref_slice %arg7[%scan3A, %dma_wait3A_749, %dma_wait3A_750] : memref<3x120x128xf32, #tpu.memory_space<vmem>> -> memref<1x120x128xf32, #tpu.memory_space<vmem>>
        %dma_wait3A_752 = tpu.memref_squeeze %dma_wait3A_751 : memref<1x120x128xf32, #tpu.memory_space<vmem>> -> memref<120x128xf32, #tpu.memory_space<vmem>>
        %dma_wait3A_753 = arith.constant 0 : i32
        %dma_wait3A_754 = arith.constant 0 : i32
        %dma_wait3A_755 = tpu.memref_slice %dma_wait3A_752[%dma_wait3A_753, %dma_wait3A_754] : memref<120x128xf32, #tpu.memory_space<vmem>> -> memref<8x128xf32, #tpu.memory_space<vmem>>
        tpu.wait_dma2 semaphore(%run_scoped3A : memref<!tpu.dma_semaphore, #tpu.memory_space<semaphore_mem>>) src(%dma_wait3A_755 : memref<8x128xf32, #tpu.memory_space<vmem>>) dst(%dma_wait3A_748 : memref<8x128xf32, #tpu.memory_space<vmem_shared>>)
        tpu.yield
      }) : () -> ()
      %scan3A_719 = arith.constant 0 : i32
      scf.yield %scan3A_719 : i32
    }
    %scan3A_519 = arith.constant 79 : i32
    %barrier3A = arith.constant 0 : index
    tpu.barrier barrier_id(%barrier3A)
    %dma_start3A = arith.constant 0 : i32
    %dma_start3A_520 = arith.constant 0 : i32
    %dma_start3A_521 = arith.constant 0 : i32
    %dma_start3A_522 = arith.constant 0 : i32
    %dma_start3A_523 = tpu.memref_slice %arg6[%dma_start3A_520, %dma_start3A_521, %dma_start3A_522] : memref<3x2x120xi32, #tpu.memory_space<vmem>> -> memref<1x2x120xi32, #tpu.memory_space<vmem>>
    %dma_start3A_524 = tpu.memref_squeeze %dma_start3A_523 : memref<1x2x120xi32, #tpu.memory_space<vmem>> -> memref<2x120xi32, #tpu.memory_space<vmem>>
    %dma_start3A_525 = arith.constant 0 : i32
    %dma_start3A_526 = arith.constant 0 : i32
    %dma_start3A_527 = tpu.memref_slice %arg3[%arg0, %arg1, %dma_start3A, %dma_start3A_525, %dma_start3A_526] : memref<2x16x167x2x120xi32, #tpu.memory_space<hbm>> -> memref<1x1x1x2x120xi32, #tpu.memory_space<hbm>>
    %dma_start3A_528 = tpu.memref_squeeze %dma_start3A_527 : memref<1x1x1x2x120xi32, #tpu.memory_space<hbm>> -> memref<2x120xi32, #tpu.memory_space<hbm>>
    %dma_start3A_529 = arith.constant 0 : i32
    %dma_start3A_530 = arith.constant 0 : i32
    %dma_start3A_531 = tpu.memref_slice %arg6[%dma_start3A_520, %dma_start3A_529, %dma_start3A_530] : memref<3x2x120xi32, #tpu.memory_space<vmem>> -> memref<1x2x120xi32, #tpu.memory_space<vmem>>
    %dma_start3A_532 = tpu.memref_squeeze %dma_start3A_531 : memref<1x2x120xi32, #tpu.memory_space<vmem>> -> memref<2x120xi32, #tpu.memory_space<vmem>>
    %dma_start3A_533 = arith.constant 0 : i32
    %dma_start3A_534 = arith.constant 0 : i32
    %dma_start3A_535 = tpu.memref_slice %arg3[%arg0, %arg1, %dma_start3A, %dma_start3A_533, %dma_start3A_534] : memref<2x16x167x2x120xi32, #tpu.memory_space<hbm>> -> memref<1x1x1x2x120xi32, #tpu.memory_space<hbm>>
    %dma_start3A_536 = tpu.memref_squeeze %dma_start3A_535 : memref<1x1x1x2x120xi32, #tpu.memory_space<hbm>> -> memref<2x120xi32, #tpu.memory_space<hbm>>
    tpu.enqueue_dma source(%dma_start3A_536 : memref<2x120xi32, #tpu.memory_space<hbm>>) target(%dma_start3A_532 : memref<2x120xi32, #tpu.memory_space<vmem>>) target_semaphore(%arg14 : memref<!tpu.dma_semaphore, #tpu.memory_space<semaphore_mem>>)
    %dma_start3A_537 = arith.constant 1 : i32
    %dma_start3A_538 = arith.constant 1 : i32
    %dma_start3A_539 = arith.constant 0 : i32
    %dma_start3A_540 = arith.constant 0 : i32
    %dma_start3A_541 = tpu.memref_slice %arg6[%dma_start3A_538, %dma_start3A_539, %dma_start3A_540] : memref<3x2x120xi32, #tpu.memory_space<vmem>> -> memref<1x2x120xi32, #tpu.memory_space<vmem>>
    %dma_start3A_542 = tpu.memref_squeeze %dma_start3A_541 : memref<1x2x120xi32, #tpu.memory_space<vmem>> -> memref<2x120xi32, #tpu.memory_space<vmem>>
    %dma_start3A_543 = arith.constant 0 : i32
    %dma_start3A_544 = arith.constant 0 : i32
    %dma_start3A_545 = tpu.memref_slice %arg3[%arg0, %arg1, %dma_start3A_537, %dma_start3A_543, %dma_start3A_544] : memref<2x16x167x2x120xi32, #tpu.memory_space<hbm>> -> memref<1x1x1x2x120xi32, #tpu.memory_space<hbm>>
    %dma_start3A_546 = tpu.memref_squeeze %dma_start3A_545 : memref<1x1x1x2x120xi32, #tpu.memory_space<hbm>> -> memref<2x120xi32, #tpu.memory_space<hbm>>
    %dma_start3A_547 = arith.constant 0 : i32
    %dma_start3A_548 = arith.constant 0 : i32
    %dma_start3A_549 = tpu.memref_slice %arg6[%dma_start3A_538, %dma_start3A_547, %dma_start3A_548] : memref<3x2x120xi32, #tpu.memory_space<vmem>> -> memref<1x2x120xi32, #tpu.memory_space<vmem>>
    %dma_start3A_550 = tpu.memref_squeeze %dma_start3A_549 : memref<1x2x120xi32, #tpu.memory_space<vmem>> -> memref<2x120xi32, #tpu.memory_space<vmem>>
    %dma_start3A_551 = arith.constant 0 : i32
    %dma_start3A_552 = arith.constant 0 : i32
    %dma_start3A_553 = tpu.memref_slice %arg3[%arg0, %arg1, %dma_start3A_537, %dma_start3A_551, %dma_start3A_552] : memref<2x16x167x2x120xi32, #tpu.memory_space<hbm>> -> memref<1x1x1x2x120xi32, #tpu.memory_space<hbm>>
    %dma_start3A_554 = tpu.memref_squeeze %dma_start3A_553 : memref<1x1x1x2x120xi32, #tpu.memory_space<hbm>> -> memref<2x120xi32, #tpu.memory_space<hbm>>
    tpu.enqueue_dma source(%dma_start3A_554 : memref<2x120xi32, #tpu.memory_space<hbm>>) target(%dma_start3A_550 : memref<2x120xi32, #tpu.memory_space<vmem>>) target_semaphore(%arg15 : memref<!tpu.dma_semaphore, #tpu.memory_space<semaphore_mem>>)
    %dma_wait3A = arith.constant 0 : i32
    %dma_wait3A_555 = arith.constant 0 : i32
    %dma_wait3A_556 = arith.constant 0 : i32
    %dma_wait3A_557 = arith.constant 0 : i32
    %dma_wait3A_558 = tpu.memref_slice %arg6[%dma_wait3A_555, %dma_wait3A_556, %dma_wait3A_557] : memref<3x2x120xi32, #tpu.memory_space<vmem>> -> memref<1x2x120xi32, #tpu.memory_space<vmem>>
    %dma_wait3A_559 = tpu.memref_squeeze %dma_wait3A_558 : memref<1x2x120xi32, #tpu.memory_space<vmem>> -> memref<2x120xi32, #tpu.memory_space<vmem>>
    %dma_wait3A_560 = arith.constant 0 : i32
    %dma_wait3A_561 = arith.constant 0 : i32
    %dma_wait3A_562 = tpu.memref_slice %arg3[%arg0, %arg1, %dma_wait3A, %dma_wait3A_560, %dma_wait3A_561] : memref<2x16x167x2x120xi32, #tpu.memory_space<hbm>> -> memref<1x1x1x2x120xi32, #tpu.memory_space<hbm>>
    %dma_wait3A_563 = tpu.memref_squeeze %dma_wait3A_562 : memref<1x1x1x2x120xi32, #tpu.memory_space<hbm>> -> memref<2x120xi32, #tpu.memory_space<hbm>>
    %dma_wait3A_564 = arith.constant 0 : i32
    %dma_wait3A_565 = arith.constant 0 : i32
    %dma_wait3A_566 = tpu.memref_slice %arg6[%dma_wait3A_555, %dma_wait3A_564, %dma_wait3A_565] : memref<3x2x120xi32, #tpu.memory_space<vmem>> -> memref<1x2x120xi32, #tpu.memory_space<vmem>>
    %dma_wait3A_567 = tpu.memref_squeeze %dma_wait3A_566 : memref<1x2x120xi32, #tpu.memory_space<vmem>> -> memref<2x120xi32, #tpu.memory_space<vmem>>
    %dma_wait3A_568 = arith.constant 0 : i32
    %dma_wait3A_569 = arith.constant 0 : i32
    %dma_wait3A_570 = tpu.memref_slice %arg3[%arg0, %arg1, %dma_wait3A, %dma_wait3A_568, %dma_wait3A_569] : memref<2x16x167x2x120xi32, #tpu.memory_space<hbm>> -> memref<1x1x1x2x120xi32, #tpu.memory_space<hbm>>
    %dma_wait3A_571 = tpu.memref_squeeze %dma_wait3A_570 : memref<1x1x1x2x120xi32, #tpu.memory_space<hbm>> -> memref<2x120xi32, #tpu.memory_space<hbm>>
    tpu.wait_dma2 semaphore(%arg14 : memref<!tpu.dma_semaphore, #tpu.memory_space<semaphore_mem>>) src(%dma_wait3A_571 : memref<2x120xi32, #tpu.memory_space<hbm>>) dst(%dma_wait3A_567 : memref<2x120xi32, #tpu.memory_space<vmem>>)
    %dma_start3A_572 = arith.constant 0 : i32
    %dma_start3A_573 = arith.constant 0 : i32
    %dma_start3A_574 = arith.constant 0 : i32
    %dma_start3A_575 = arith.constant 0 : i32
    %dma_start3A_576 = arith.constant 0 : i32
    %dma_start3A_577 = tpu.memref_slice %arg7[%dma_start3A_574, %dma_start3A_575, %dma_start3A_576] : memref<3x120x128xf32, #tpu.memory_space<vmem>> -> memref<1x120x128xf32, #tpu.memory_space<vmem>>
    %dma_start3A_578 = tpu.memref_squeeze %dma_start3A_577 : memref<1x120x128xf32, #tpu.memory_space<vmem>> -> memref<120x128xf32, #tpu.memory_space<vmem>>
    %dma_start3A_579 = arith.constant 0 : i32
    %dma_start3A_580 = tpu.memref_slice %arg6[%dma_start3A_572, %dma_start3A_573, %dma_start3A_579] : memref<3x2x120xi32, #tpu.memory_space<vmem>> -> memref<1x1x120xi32, #tpu.memory_space<vmem>>
    %dma_start3A_581 = tpu.memref_squeeze %dma_start3A_580 : memref<1x1x120xi32, #tpu.memory_space<vmem>> -> memref<120xi32, #tpu.memory_space<vmem>>
    %dma_start3A_582 = arith.constant 0 : i32
    %dma_start3A_583 = arith.constant 0 : i32
    %dma_start3A_584 = tpu.memref_slice %arg2[%dma_start3A_582, %dma_start3A_583] : memref<20000x128xf32, #tpu.memory_space<hbm>> -> memref<20000x128xf32, #tpu.memory_space<hbm>>
    tpu.enqueue_indirect_dma source(%dma_start3A_584 : memref<20000x128xf32, #tpu.memory_space<hbm>>) target(%dma_start3A_578 : memref<120x128xf32, #tpu.memory_space<vmem>>) offsets(%dma_start3A_581 : memref<120xi32, #tpu.memory_space<vmem>>) semaphore(%arg8 : memref<!tpu.dma_semaphore, #tpu.memory_space<semaphore_mem>>)
    %scan3A_585 = arith.constant 0 : i32
    %scan3A_586 = arith.constant 0 : i32
    %scan3A_587 = arith.constant 55 : i32
    %scan3A_588 = arith.addi %scan3A_586, %scan3A_587 : i32
    %scan3A_589 = arith.constant 1 : i32
    %scan3A_590 = scf.for %scan3A_715 = %scan3A_586 to %scan3A_588 step %scan3A_589 iter_args(%scan3A_716 = %scan3A_585) -> (i32)  : i32 {
      %mul3A_717 = arith.constant 3 : i32
      %mul3A_718 = arith.muli %mul3A_717, %scan3A_715 : i32
      %add3A = arith.constant 0 : i32
      %add3A_719 = arith.addi %mul3A_718, %add3A : i32
      %add3A_720 = arith.constant 1 : i32
      %add3A_721 = arith.addi %add3A_719, %add3A_720 : i32
      %lt3A = arith.constant 167 : i32
      %lt3A_722 = arith.cmpi slt, %add3A_721, %lt3A : i32
      %convert_element_type3A = arith.extui %lt3A_722 : i1 to i32
      %cond3A = arith.constant 0 : i32
      %cond3A_723 = arith.cmpi ne, %convert_element_type3A, %cond3A : i32
      scf.if %cond3A_723 {
        %dma_wait3A_860 = arith.constant 1 : i32
        %dma_wait3A_861 = arith.constant 0 : i32
        %dma_wait3A_862 = arith.constant 0 : i32
        %dma_wait3A_863 = tpu.memref_slice %arg6[%dma_wait3A_860, %dma_wait3A_861, %dma_wait3A_862] : memref<3x2x120xi32, #tpu.memory_space<vmem>> -> memref<1x2x120xi32, #tpu.memory_space<vmem>>
        %dma_wait3A_864 = tpu.memref_squeeze %dma_wait3A_863 : memref<1x2x120xi32, #tpu.memory_space<vmem>> -> memref<2x120xi32, #tpu.memory_space<vmem>>
        %dma_wait3A_865 = arith.constant 0 : i32
        %dma_wait3A_866 = arith.constant 0 : i32
        %dma_wait3A_867 = tpu.memref_slice %arg3[%arg0, %arg1, %add3A_721, %dma_wait3A_865, %dma_wait3A_866] : memref<2x16x167x2x120xi32, #tpu.memory_space<hbm>> -> memref<1x1x1x2x120xi32, #tpu.memory_space<hbm>>
        %dma_wait3A_868 = tpu.memref_squeeze %dma_wait3A_867 : memref<1x1x1x2x120xi32, #tpu.memory_space<hbm>> -> memref<2x120xi32, #tpu.memory_space<hbm>>
        %dma_wait3A_869 = arith.constant 0 : i32
        %dma_wait3A_870 = arith.constant 0 : i32
        %dma_wait3A_871 = tpu.memref_slice %arg6[%dma_wait3A_860, %dma_wait3A_869, %dma_wait3A_870] : memref<3x2x120xi32, #tpu.memory_space<vmem>> -> memref<1x2x120xi32, #tpu.memory_space<vmem>>
        %dma_wait3A_872 = tpu.memref_squeeze %dma_wait3A_871 : memref<1x2x120xi32, #tpu.memory_space<vmem>> -> memref<2x120xi32, #tpu.memory_space<vmem>>
        %dma_wait3A_873 = arith.constant 0 : i32
        %dma_wait3A_874 = arith.constant 0 : i32
        %dma_wait3A_875 = tpu.memref_slice %arg3[%arg0, %arg1, %add3A_721, %dma_wait3A_873, %dma_wait3A_874] : memref<2x16x167x2x120xi32, #tpu.memory_space<hbm>> -> memref<1x1x1x2x120xi32, #tpu.memory_space<hbm>>
        %dma_wait3A_876 = tpu.memref_squeeze %dma_wait3A_875 : memref<1x1x1x2x120xi32, #tpu.memory_space<hbm>> -> memref<2x120xi32, #tpu.memory_space<hbm>>
        tpu.wait_dma2 semaphore(%arg15 : memref<!tpu.dma_semaphore, #tpu.memory_space<semaphore_mem>>) src(%dma_wait3A_876 : memref<2x120xi32, #tpu.memory_space<hbm>>) dst(%dma_wait3A_872 : memref<2x120xi32, #tpu.memory_space<vmem>>)
        %dma_start3A_877 = arith.constant 1 : i32
        %dma_start3A_878 = arith.constant 0 : i32
        %dma_start3A_879 = arith.constant 1 : i32
        %dma_start3A_880 = arith.constant 0 : i32
        %dma_start3A_881 = arith.constant 0 : i32
        %dma_start3A_882 = tpu.memref_slice %arg7[%dma_start3A_879, %dma_start3A_880, %dma_start3A_881] : memref<3x120x128xf32, #tpu.memory_space<vmem>> -> memref<1x120x128xf32, #tpu.memory_space<vmem>>
        %dma_start3A_883 = tpu.memref_squeeze %dma_start3A_882 : memref<1x120x128xf32, #tpu.memory_space<vmem>> -> memref<120x128xf32, #tpu.memory_space<vmem>>
        %dma_start3A_884 = arith.constant 0 : i32
        %dma_start3A_885 = tpu.memref_slice %arg6[%dma_start3A_877, %dma_start3A_878, %dma_start3A_884] : memref<3x2x120xi32, #tpu.memory_space<vmem>> -> memref<1x1x120xi32, #tpu.memory_space<vmem>>
        %dma_start3A_886 = tpu.memref_squeeze %dma_start3A_885 : memref<1x1x120xi32, #tpu.memory_space<vmem>> -> memref<120xi32, #tpu.memory_space<vmem>>
        %dma_start3A_887 = arith.constant 0 : i32
        %dma_start3A_888 = arith.constant 0 : i32
        %dma_start3A_889 = tpu.memref_slice %arg2[%dma_start3A_887, %dma_start3A_888] : memref<20000x128xf32, #tpu.memory_space<hbm>> -> memref<20000x128xf32, #tpu.memory_space<hbm>>
        tpu.enqueue_indirect_dma source(%dma_start3A_889 : memref<20000x128xf32, #tpu.memory_space<hbm>>) target(%dma_start3A_883 : memref<120x128xf32, #tpu.memory_space<vmem>>) offsets(%dma_start3A_886 : memref<120xi32, #tpu.memory_space<vmem>>) semaphore(%arg9 : memref<!tpu.dma_semaphore, #tpu.memory_space<semaphore_mem>>)
      } else {
      }
      %dma_wait3A_724 = arith.constant 0 : i32
      %dma_wait3A_725 = arith.constant 0 : i32
      %dma_wait3A_726 = arith.constant 0 : i32
      %dma_wait3A_727 = arith.constant 0 : i32
      %dma_wait3A_728 = arith.constant 0 : i32
      %dma_wait3A_729 = tpu.memref_slice %arg7[%dma_wait3A_726, %dma_wait3A_727, %dma_wait3A_728] : memref<3x120x128xf32, #tpu.memory_space<vmem>> -> memref<1x120x128xf32, #tpu.memory_space<vmem>>
      %dma_wait3A_730 = tpu.memref_squeeze %dma_wait3A_729 : memref<1x120x128xf32, #tpu.memory_space<vmem>> -> memref<120x128xf32, #tpu.memory_space<vmem>>
      %dma_wait3A_731 = arith.constant 0 : i32
      %dma_wait3A_732 = tpu.memref_slice %arg6[%dma_wait3A_724, %dma_wait3A_725, %dma_wait3A_731] : memref<3x2x120xi32, #tpu.memory_space<vmem>> -> memref<1x1x120xi32, #tpu.memory_space<vmem>>
      %dma_wait3A_733 = tpu.memref_squeeze %dma_wait3A_732 : memref<1x1x120xi32, #tpu.memory_space<vmem>> -> memref<120xi32, #tpu.memory_space<vmem>>
      %dma_wait3A_734 = arith.constant 0 : i32
      %dma_wait3A_735 = arith.constant 0 : i32
      %dma_wait3A_736 = tpu.memref_slice %arg2[%dma_wait3A_734, %dma_wait3A_735] : memref<20000x128xf32, #tpu.memory_space<hbm>> -> memref<20000x128xf32, #tpu.memory_space<hbm>>
      tpu.wait_indirect_dma semaphore(%arg8 : memref<!tpu.dma_semaphore, #tpu.memory_space<semaphore_mem>>) src(%dma_wait3A_736 : memref<20000x128xf32, #tpu.memory_space<hbm>>) dst(%dma_wait3A_730 : memref<120x128xf32, #tpu.memory_space<vmem>>)
      %dma_start3A_737 = arith.constant 0 : i32
      %dma_start3A_738 = arith.constant 0 : i32
      %dma_start3A_739 = arith.constant 1 : i32
      %dma_start3A_740 = arith.constant 0 : i32
      %dma_start3A_741 = arith.constant 0 : i32
      %dma_start3A_742 = tpu.memref_slice %arg7[%dma_start3A_737, %dma_start3A_740, %dma_start3A_741] : memref<3x120x128xf32, #tpu.memory_space<vmem>> -> memref<1x120x128xf32, #tpu.memory_space<vmem>>
      %dma_start3A_743 = tpu.memref_squeeze %dma_start3A_742 : memref<1x120x128xf32, #tpu.memory_space<vmem>> -> memref<120x128xf32, #tpu.memory_space<vmem>>
      %dma_start3A_744 = arith.constant 0 : i32
      %dma_start3A_745 = tpu.memref_slice %arg6[%dma_start3A_738, %dma_start3A_739, %dma_start3A_744] : memref<3x2x120xi32, #tpu.memory_space<vmem>> -> memref<1x1x120xi32, #tpu.memory_space<vmem>>
      %dma_start3A_746 = tpu.memref_squeeze %dma_start3A_745 : memref<1x1x120xi32, #tpu.memory_space<vmem>> -> memref<120xi32, #tpu.memory_space<vmem>>
      %dma_start3A_747 = arith.constant 0 : i32
      %dma_start3A_748 = arith.constant 0 : i32
      %dma_start3A_749 = tpu.memref_slice %arg5[%dma_start3A_747, %dma_start3A_748] : memref<10112x128xf32, #tpu.memory_space<vmem_shared>> -> memref<10112x128xf32, #tpu.memory_space<vmem_shared>>
      tpu.enqueue_indirect_dma source(%dma_start3A_743 : memref<120x128xf32, #tpu.memory_space<vmem>>) target(%dma_start3A_749 : memref<10112x128xf32, #tpu.memory_space<vmem_shared>>) offsets(%dma_start3A_746 : memref<120xi32, #tpu.memory_space<vmem>>) semaphore(%arg11 : memref<!tpu.dma_semaphore, #tpu.memory_space<semaphore_mem>>) {add = true}
      %ge3A = arith.constant 1 : i32
      %ge3A_750 = arith.cmpi sge, %add3A_719, %ge3A : i32
      %convert_element_type3A_751 = arith.extui %ge3A_750 : i1 to i32
      %cond3A_752 = arith.constant 0 : i32
      %cond3A_753 = arith.cmpi ne, %convert_element_type3A_751, %cond3A_752 : i32
      scf.if %cond3A_753 {
        %dma_wait3A_860 = arith.constant 2 : i32
        %dma_wait3A_861 = arith.constant 2 : i32
        %dma_wait3A_862 = arith.constant 1 : i32
        %dma_wait3A_863 = arith.constant 0 : i32
        %dma_wait3A_864 = arith.constant 0 : i32
        %dma_wait3A_865 = tpu.memref_slice %arg7[%dma_wait3A_860, %dma_wait3A_863, %dma_wait3A_864] : memref<3x120x128xf32, #tpu.memory_space<vmem>> -> memref<1x120x128xf32, #tpu.memory_space<vmem>>
        %dma_wait3A_866 = tpu.memref_squeeze %dma_wait3A_865 : memref<1x120x128xf32, #tpu.memory_space<vmem>> -> memref<120x128xf32, #tpu.memory_space<vmem>>
        %dma_wait3A_867 = arith.constant 0 : i32
        %dma_wait3A_868 = tpu.memref_slice %arg6[%dma_wait3A_861, %dma_wait3A_862, %dma_wait3A_867] : memref<3x2x120xi32, #tpu.memory_space<vmem>> -> memref<1x1x120xi32, #tpu.memory_space<vmem>>
        %dma_wait3A_869 = tpu.memref_squeeze %dma_wait3A_868 : memref<1x1x120xi32, #tpu.memory_space<vmem>> -> memref<120xi32, #tpu.memory_space<vmem>>
        %dma_wait3A_870 = arith.constant 0 : i32
        %dma_wait3A_871 = arith.constant 0 : i32
        %dma_wait3A_872 = tpu.memref_slice %arg5[%dma_wait3A_870, %dma_wait3A_871] : memref<10112x128xf32, #tpu.memory_space<vmem_shared>> -> memref<10112x128xf32, #tpu.memory_space<vmem_shared>>
        tpu.wait_indirect_dma semaphore(%arg13 : memref<!tpu.dma_semaphore, #tpu.memory_space<semaphore_mem>>) src(%dma_wait3A_866 : memref<120x128xf32, #tpu.memory_space<vmem>>) dst(%dma_wait3A_872 : memref<10112x128xf32, #tpu.memory_space<vmem_shared>>)
      } else {
      }
      %add3A_754 = arith.constant 1 : i32
      %add3A_755 = arith.addi %add3A_721, %add3A_754 : i32
      %lt3A_756 = arith.constant 167 : i32
      %lt3A_757 = arith.cmpi slt, %add3A_755, %lt3A_756 : i32
      %convert_element_type3A_758 = arith.extui %lt3A_757 : i1 to i32
      %cond3A_759 = arith.constant 0 : i32
      %cond3A_760 = arith.cmpi ne, %convert_element_type3A_758, %cond3A_759 : i32
      scf.if %cond3A_760 {
        %add3A_860 = arith.constant 1 : i32
        %add3A_861 = arith.addi %add3A_721, %add3A_860 : i32
        %dma_start3A_862 = arith.constant 2 : i32
        %dma_start3A_863 = arith.constant 0 : i32
        %dma_start3A_864 = arith.constant 0 : i32
        %dma_start3A_865 = tpu.memref_slice %arg6[%dma_start3A_862, %dma_start3A_863, %dma_start3A_864] : memref<3x2x120xi32, #tpu.memory_space<vmem>> -> memref<1x2x120xi32, #tpu.memory_space<vmem>>
        %dma_start3A_866 = tpu.memref_squeeze %dma_start3A_865 : memref<1x2x120xi32, #tpu.memory_space<vmem>> -> memref<2x120xi32, #tpu.memory_space<vmem>>
        %dma_start3A_867 = arith.constant 0 : i32
        %dma_start3A_868 = arith.constant 0 : i32
        %dma_start3A_869 = tpu.memref_slice %arg3[%arg0, %arg1, %add3A_861, %dma_start3A_867, %dma_start3A_868] : memref<2x16x167x2x120xi32, #tpu.memory_space<hbm>> -> memref<1x1x1x2x120xi32, #tpu.memory_space<hbm>>
        %dma_start3A_870 = tpu.memref_squeeze %dma_start3A_869 : memref<1x1x1x2x120xi32, #tpu.memory_space<hbm>> -> memref<2x120xi32, #tpu.memory_space<hbm>>
        %dma_start3A_871 = arith.constant 0 : i32
        %dma_start3A_872 = arith.constant 0 : i32
        %dma_start3A_873 = tpu.memref_slice %arg6[%dma_start3A_862, %dma_start3A_871, %dma_start3A_872] : memref<3x2x120xi32, #tpu.memory_space<vmem>> -> memref<1x2x120xi32, #tpu.memory_space<vmem>>
        %dma_start3A_874 = tpu.memref_squeeze %dma_start3A_873 : memref<1x2x120xi32, #tpu.memory_space<vmem>> -> memref<2x120xi32, #tpu.memory_space<vmem>>
        %dma_start3A_875 = arith.constant 0 : i32
        %dma_start3A_876 = arith.constant 0 : i32
        %dma_start3A_877 = tpu.memref_slice %arg3[%arg0, %arg1, %add3A_861, %dma_start3A_875, %dma_start3A_876] : memref<2x16x167x2x120xi32, #tpu.memory_space<hbm>> -> memref<1x1x1x2x120xi32, #tpu.memory_space<hbm>>
        %dma_start3A_878 = tpu.memref_squeeze %dma_start3A_877 : memref<1x1x1x2x120xi32, #tpu.memory_space<hbm>> -> memref<2x120xi32, #tpu.memory_space<hbm>>
        tpu.enqueue_dma source(%dma_start3A_878 : memref<2x120xi32, #tpu.memory_space<hbm>>) target(%dma_start3A_874 : memref<2x120xi32, #tpu.memory_space<vmem>>) target_semaphore(%arg16 : memref<!tpu.dma_semaphore, #tpu.memory_space<semaphore_mem>>)
      } else {
      }
      %mul3A_761 = arith.constant 3 : i32
      %mul3A_762 = arith.muli %mul3A_761, %scan3A_715 : i32
      %add3A_763 = arith.constant 1 : i32
      %add3A_764 = arith.addi %mul3A_762, %add3A_763 : i32
      %add3A_765 = arith.constant 1 : i32
      %add3A_766 = arith.addi %add3A_764, %add3A_765 : i32
      %lt3A_767 = arith.constant 167 : i32
      %lt3A_768 = arith.cmpi slt, %add3A_766, %lt3A_767 : i32
      %convert_element_type3A_769 = arith.extui %lt3A_768 : i1 to i32
      %cond3A_770 = arith.constant 0 : i32
      %cond3A_771 = arith.cmpi ne, %convert_element_type3A_769, %cond3A_770 : i32
      scf.if %cond3A_771 {
        %dma_wait3A_860 = arith.constant 2 : i32
        %dma_wait3A_861 = arith.constant 0 : i32
        %dma_wait3A_862 = arith.constant 0 : i32
        %dma_wait3A_863 = tpu.memref_slice %arg6[%dma_wait3A_860, %dma_wait3A_861, %dma_wait3A_862] : memref<3x2x120xi32, #tpu.memory_space<vmem>> -> memref<1x2x120xi32, #tpu.memory_space<vmem>>
        %dma_wait3A_864 = tpu.memref_squeeze %dma_wait3A_863 : memref<1x2x120xi32, #tpu.memory_space<vmem>> -> memref<2x120xi32, #tpu.memory_space<vmem>>
        %dma_wait3A_865 = arith.constant 0 : i32
        %dma_wait3A_866 = arith.constant 0 : i32
        %dma_wait3A_867 = tpu.memref_slice %arg3[%arg0, %arg1, %add3A_766, %dma_wait3A_865, %dma_wait3A_866] : memref<2x16x167x2x120xi32, #tpu.memory_space<hbm>> -> memref<1x1x1x2x120xi32, #tpu.memory_space<hbm>>
        %dma_wait3A_868 = tpu.memref_squeeze %dma_wait3A_867 : memref<1x1x1x2x120xi32, #tpu.memory_space<hbm>> -> memref<2x120xi32, #tpu.memory_space<hbm>>
        %dma_wait3A_869 = arith.constant 0 : i32
        %dma_wait3A_870 = arith.constant 0 : i32
        %dma_wait3A_871 = tpu.memref_slice %arg6[%dma_wait3A_860, %dma_wait3A_869, %dma_wait3A_870] : memref<3x2x120xi32, #tpu.memory_space<vmem>> -> memref<1x2x120xi32, #tpu.memory_space<vmem>>
        %dma_wait3A_872 = tpu.memref_squeeze %dma_wait3A_871 : memref<1x2x120xi32, #tpu.memory_space<vmem>> -> memref<2x120xi32, #tpu.memory_space<vmem>>
        %dma_wait3A_873 = arith.constant 0 : i32
        %dma_wait3A_874 = arith.constant 0 : i32
        %dma_wait3A_875 = tpu.memref_slice %arg3[%arg0, %arg1, %add3A_766, %dma_wait3A_873, %dma_wait3A_874] : memref<2x16x167x2x120xi32, #tpu.memory_space<hbm>> -> memref<1x1x1x2x120xi32, #tpu.memory_space<hbm>>
        %dma_wait3A_876 = tpu.memref_squeeze %dma_wait3A_875 : memref<1x1x1x2x120xi32, #tpu.memory_space<hbm>> -> memref<2x120xi32, #tpu.memory_space<hbm>>
        tpu.wait_dma2 semaphore(%arg16 : memref<!tpu.dma_semaphore, #tpu.memory_space<semaphore_mem>>) src(%dma_wait3A_876 : memref<2x120xi32, #tpu.memory_space<hbm>>) dst(%dma_wait3A_872 : memref<2x120xi32, #tpu.memory_space<vmem>>)
        %dma_start3A_877 = arith.constant 2 : i32
        %dma_start3A_878 = arith.constant 0 : i32
        %dma_start3A_879 = arith.constant 2 : i32
        %dma_start3A_880 = arith.constant 0 : i32
        %dma_start3A_881 = arith.constant 0 : i32
        %dma_start3A_882 = tpu.memref_slice %arg7[%dma_start3A_879, %dma_start3A_880, %dma_start3A_881] : memref<3x120x128xf32, #tpu.memory_space<vmem>> -> memref<1x120x128xf32, #tpu.memory_space<vmem>>
        %dma_start3A_883 = tpu.memref_squeeze %dma_start3A_882 : memref<1x120x128xf32, #tpu.memory_space<vmem>> -> memref<120x128xf32, #tpu.memory_space<vmem>>
        %dma_start3A_884 = arith.constant 0 : i32
        %dma_start3A_885 = tpu.memref_slice %arg6[%dma_start3A_877, %dma_start3A_878, %dma_start3A_884] : memref<3x2x120xi32, #tpu.memory_space<vmem>> -> memref<1x1x120xi32, #tpu.memory_space<vmem>>
        %dma_start3A_886 = tpu.memref_squeeze %dma_start3A_885 : memref<1x1x120xi32, #tpu.memory_space<vmem>> -> memref<120xi32, #tpu.memory_space<vmem>>
        %dma_start3A_887 = arith.constant 0 : i32
        %dma_start3A_888 = arith.constant 0 : i32
        %dma_start3A_889 = tpu.memref_slice %arg2[%dma_start3A_887, %dma_start3A_888] : memref<20000x128xf32, #tpu.memory_space<hbm>> -> memref<20000x128xf32, #tpu.memory_space<hbm>>
        tpu.enqueue_indirect_dma source(%dma_start3A_889 : memref<20000x128xf32, #tpu.memory_space<hbm>>) target(%dma_start3A_883 : memref<120x128xf32, #tpu.memory_space<vmem>>) offsets(%dma_start3A_886 : memref<120xi32, #tpu.memory_space<vmem>>) semaphore(%arg10 : memref<!tpu.dma_semaphore, #tpu.memory_space<semaphore_mem>>)
      } else {
      }
      %dma_wait3A_772 = arith.constant 1 : i32
      %dma_wait3A_773 = arith.constant 0 : i32
      %dma_wait3A_774 = arith.constant 1 : i32
      %dma_wait3A_775 = arith.constant 0 : i32
      %dma_wait3A_776 = arith.constant 0 : i32
      %dma_wait3A_777 = tpu.memref_slice %arg7[%dma_wait3A_774, %dma_wait3A_775, %dma_wait3A_776] : memref<3x120x128xf32, #tpu.memory_space<vmem>> -> memref<1x120x128xf32, #tpu.memory_space<vmem>>
      %dma_wait3A_778 = tpu.memref_squeeze %dma_wait3A_777 : memref<1x120x128xf32, #tpu.memory_space<vmem>> -> memref<120x128xf32, #tpu.memory_space<vmem>>
      %dma_wait3A_779 = arith.constant 0 : i32
      %dma_wait3A_780 = tpu.memref_slice %arg6[%dma_wait3A_772, %dma_wait3A_773, %dma_wait3A_779] : memref<3x2x120xi32, #tpu.memory_space<vmem>> -> memref<1x1x120xi32, #tpu.memory_space<vmem>>
      %dma_wait3A_781 = tpu.memref_squeeze %dma_wait3A_780 : memref<1x1x120xi32, #tpu.memory_space<vmem>> -> memref<120xi32, #tpu.memory_space<vmem>>
      %dma_wait3A_782 = arith.constant 0 : i32
      %dma_wait3A_783 = arith.constant 0 : i32
      %dma_wait3A_784 = tpu.memref_slice %arg2[%dma_wait3A_782, %dma_wait3A_783] : memref<20000x128xf32, #tpu.memory_space<hbm>> -> memref<20000x128xf32, #tpu.memory_space<hbm>>
      tpu.wait_indirect_dma semaphore(%arg9 : memref<!tpu.dma_semaphore, #tpu.memory_space<semaphore_mem>>) src(%dma_wait3A_784 : memref<20000x128xf32, #tpu.memory_space<hbm>>) dst(%dma_wait3A_778 : memref<120x128xf32, #tpu.memory_space<vmem>>)
      %dma_start3A_785 = arith.constant 1 : i32
      %dma_start3A_786 = arith.constant 1 : i32
      %dma_start3A_787 = arith.constant 1 : i32
      %dma_start3A_788 = arith.constant 0 : i32
      %dma_start3A_789 = arith.constant 0 : i32
      %dma_start3A_790 = tpu.memref_slice %arg7[%dma_start3A_785, %dma_start3A_788, %dma_start3A_789] : memref<3x120x128xf32, #tpu.memory_space<vmem>> -> memref<1x120x128xf32, #tpu.memory_space<vmem>>
      %dma_start3A_791 = tpu.memref_squeeze %dma_start3A_790 : memref<1x120x128xf32, #tpu.memory_space<vmem>> -> memref<120x128xf32, #tpu.memory_space<vmem>>
      %dma_start3A_792 = arith.constant 0 : i32
      %dma_start3A_793 = tpu.memref_slice %arg6[%dma_start3A_786, %dma_start3A_787, %dma_start3A_792] : memref<3x2x120xi32, #tpu.memory_space<vmem>> -> memref<1x1x120xi32, #tpu.memory_space<vmem>>
      %dma_start3A_794 = tpu.memref_squeeze %dma_start3A_793 : memref<1x1x120xi32, #tpu.memory_space<vmem>> -> memref<120xi32, #tpu.memory_space<vmem>>
      %dma_start3A_795 = arith.constant 0 : i32
      %dma_start3A_796 = arith.constant 0 : i32
      %dma_start3A_797 = tpu.memref_slice %arg5[%dma_start3A_795, %dma_start3A_796] : memref<10112x128xf32, #tpu.memory_space<vmem_shared>> -> memref<10112x128xf32, #tpu.memory_space<vmem_shared>>
      tpu.enqueue_indirect_dma source(%dma_start3A_791 : memref<120x128xf32, #tpu.memory_space<vmem>>) target(%dma_start3A_797 : memref<10112x128xf32, #tpu.memory_space<vmem_shared>>) offsets(%dma_start3A_794 : memref<120xi32, #tpu.memory_space<vmem>>) semaphore(%arg12 : memref<!tpu.dma_semaphore, #tpu.memory_space<semaphore_mem>>) {add = true}
      %ge3A_798 = arith.constant 1 : i32
      %ge3A_799 = arith.cmpi sge, %add3A_764, %ge3A_798 : i32
      %convert_element_type3A_800 = arith.extui %ge3A_799 : i1 to i32
      %cond3A_801 = arith.constant 0 : i32
      %cond3A_802 = arith.cmpi ne, %convert_element_type3A_800, %cond3A_801 : i32
      scf.if %cond3A_802 {
        %dma_wait3A_860 = arith.constant 0 : i32
        %dma_wait3A_861 = arith.constant 0 : i32
        %dma_wait3A_862 = arith.constant 1 : i32
        %dma_wait3A_863 = arith.constant 0 : i32
        %dma_wait3A_864 = arith.constant 0 : i32
        %dma_wait3A_865 = tpu.memref_slice %arg7[%dma_wait3A_860, %dma_wait3A_863, %dma_wait3A_864] : memref<3x120x128xf32, #tpu.memory_space<vmem>> -> memref<1x120x128xf32, #tpu.memory_space<vmem>>
        %dma_wait3A_866 = tpu.memref_squeeze %dma_wait3A_865 : memref<1x120x128xf32, #tpu.memory_space<vmem>> -> memref<120x128xf32, #tpu.memory_space<vmem>>
        %dma_wait3A_867 = arith.constant 0 : i32
        %dma_wait3A_868 = tpu.memref_slice %arg6[%dma_wait3A_861, %dma_wait3A_862, %dma_wait3A_867] : memref<3x2x120xi32, #tpu.memory_space<vmem>> -> memref<1x1x120xi32, #tpu.memory_space<vmem>>
        %dma_wait3A_869 = tpu.memref_squeeze %dma_wait3A_868 : memref<1x1x120xi32, #tpu.memory_space<vmem>> -> memref<120xi32, #tpu.memory_space<vmem>>
        %dma_wait3A_870 = arith.constant 0 : i32
        %dma_wait3A_871 = arith.constant 0 : i32
        %dma_wait3A_872 = tpu.memref_slice %arg5[%dma_wait3A_870, %dma_wait3A_871] : memref<10112x128xf32, #tpu.memory_space<vmem_shared>> -> memref<10112x128xf32, #tpu.memory_space<vmem_shared>>
        tpu.wait_indirect_dma semaphore(%arg11 : memref<!tpu.dma_semaphore, #tpu.memory_space<semaphore_mem>>) src(%dma_wait3A_866 : memref<120x128xf32, #tpu.memory_space<vmem>>) dst(%dma_wait3A_872 : memref<10112x128xf32, #tpu.memory_space<vmem_shared>>)
      } else {
      }
      %add3A_803 = arith.constant 1 : i32
      %add3A_804 = arith.addi %add3A_766, %add3A_803 : i32
      %lt3A_805 = arith.constant 167 : i32
      %lt3A_806 = arith.cmpi slt, %add3A_804, %lt3A_805 : i32
      %convert_element_type3A_807 = arith.extui %lt3A_806 : i1 to i32
      %cond3A_808 = arith.constant 0 : i32
      %cond3A_809 = arith.cmpi ne, %convert_element_type3A_807, %cond3A_808 : i32
      scf.if %cond3A_809 {
        %add3A_860 = arith.constant 1 : i32
        %add3A_861 = arith.addi %add3A_766, %add3A_860 : i32
        %dma_start3A_862 = arith.constant 0 : i32
        %dma_start3A_863 = arith.constant 0 : i32
        %dma_start3A_864 = arith.constant 0 : i32
        %dma_start3A_865 = tpu.memref_slice %arg6[%dma_start3A_862, %dma_start3A_863, %dma_start3A_864] : memref<3x2x120xi32, #tpu.memory_space<vmem>> -> memref<1x2x120xi32, #tpu.memory_space<vmem>>
        %dma_start3A_866 = tpu.memref_squeeze %dma_start3A_865 : memref<1x2x120xi32, #tpu.memory_space<vmem>> -> memref<2x120xi32, #tpu.memory_space<vmem>>
        %dma_start3A_867 = arith.constant 0 : i32
        %dma_start3A_868 = arith.constant 0 : i32
        %dma_start3A_869 = tpu.memref_slice %arg3[%arg0, %arg1, %add3A_861, %dma_start3A_867, %dma_start3A_868] : memref<2x16x167x2x120xi32, #tpu.memory_space<hbm>> -> memref<1x1x1x2x120xi32, #tpu.memory_space<hbm>>
        %dma_start3A_870 = tpu.memref_squeeze %dma_start3A_869 : memref<1x1x1x2x120xi32, #tpu.memory_space<hbm>> -> memref<2x120xi32, #tpu.memory_space<hbm>>
        %dma_start3A_871 = arith.constant 0 : i32
        %dma_start3A_872 = arith.constant 0 : i32
        %dma_start3A_873 = tpu.memref_slice %arg6[%dma_start3A_862, %dma_start3A_871, %dma_start3A_872] : memref<3x2x120xi32, #tpu.memory_space<vmem>> -> memref<1x2x120xi32, #tpu.memory_space<vmem>>
        %dma_start3A_874 = tpu.memref_squeeze %dma_start3A_873 : memref<1x2x120xi32, #tpu.memory_space<vmem>> -> memref<2x120xi32, #tpu.memory_space<vmem>>
        %dma_start3A_875 = arith.constant 0 : i32
        %dma_start3A_876 = arith.constant 0 : i32
        %dma_start3A_877 = tpu.memref_slice %arg3[%arg0, %arg1, %add3A_861, %dma_start3A_875, %dma_start3A_876] : memref<2x16x167x2x120xi32, #tpu.memory_space<hbm>> -> memref<1x1x1x2x120xi32, #tpu.memory_space<hbm>>
        %dma_start3A_878 = tpu.memref_squeeze %dma_start3A_877 : memref<1x1x1x2x120xi32, #tpu.memory_space<hbm>> -> memref<2x120xi32, #tpu.memory_space<hbm>>
        tpu.enqueue_dma source(%dma_start3A_878 : memref<2x120xi32, #tpu.memory_space<hbm>>) target(%dma_start3A_874 : memref<2x120xi32, #tpu.memory_space<vmem>>) target_semaphore(%arg14 : memref<!tpu.dma_semaphore, #tpu.memory_space<semaphore_mem>>)
      } else {
      }
      %mul3A_810 = arith.constant 3 : i32
      %mul3A_811 = arith.muli %mul3A_810, %scan3A_715 : i32
      %add3A_812 = arith.constant 2 : i32
      %add3A_813 = arith.addi %mul3A_811, %add3A_812 : i32
      %add3A_814 = arith.constant 1 : i32
      %add3A_815 = arith.addi %add3A_813, %add3A_814 : i32
      %lt3A_816 = arith.constant 167 : i32
      %lt3A_817 = arith.cmpi slt, %add3A_815, %lt3A_816 : i32
      %convert_element_type3A_818 = arith.extui %lt3A_817 : i1 to i32
      %cond3A_819 = arith.constant 0 : i32
      %cond3A_820 = arith.cmpi ne, %convert_element_type3A_818, %cond3A_819 : i32
      scf.if %cond3A_820 {
        %dma_wait3A_860 = arith.constant 0 : i32
        %dma_wait3A_861 = arith.constant 0 : i32
        %dma_wait3A_862 = arith.constant 0 : i32
        %dma_wait3A_863 = tpu.memref_slice %arg6[%dma_wait3A_860, %dma_wait3A_861, %dma_wait3A_862] : memref<3x2x120xi32, #tpu.memory_space<vmem>> -> memref<1x2x120xi32, #tpu.memory_space<vmem>>
        %dma_wait3A_864 = tpu.memref_squeeze %dma_wait3A_863 : memref<1x2x120xi32, #tpu.memory_space<vmem>> -> memref<2x120xi32, #tpu.memory_space<vmem>>
        %dma_wait3A_865 = arith.constant 0 : i32
        %dma_wait3A_866 = arith.constant 0 : i32
        %dma_wait3A_867 = tpu.memref_slice %arg3[%arg0, %arg1, %add3A_815, %dma_wait3A_865, %dma_wait3A_866] : memref<2x16x167x2x120xi32, #tpu.memory_space<hbm>> -> memref<1x1x1x2x120xi32, #tpu.memory_space<hbm>>
        %dma_wait3A_868 = tpu.memref_squeeze %dma_wait3A_867 : memref<1x1x1x2x120xi32, #tpu.memory_space<hbm>> -> memref<2x120xi32, #tpu.memory_space<hbm>>
        %dma_wait3A_869 = arith.constant 0 : i32
        %dma_wait3A_870 = arith.constant 0 : i32
        %dma_wait3A_871 = tpu.memref_slice %arg6[%dma_wait3A_860, %dma_wait3A_869, %dma_wait3A_870] : memref<3x2x120xi32, #tpu.memory_space<vmem>> -> memref<1x2x120xi32, #tpu.memory_space<vmem>>
        %dma_wait3A_872 = tpu.memref_squeeze %dma_wait3A_871 : memref<1x2x120xi32, #tpu.memory_space<vmem>> -> memref<2x120xi32, #tpu.memory_space<vmem>>
        %dma_wait3A_873 = arith.constant 0 : i32
        %dma_wait3A_874 = arith.constant 0 : i32
        %dma_wait3A_875 = tpu.memref_slice %arg3[%arg0, %arg1, %add3A_815, %dma_wait3A_873, %dma_wait3A_874] : memref<2x16x167x2x120xi32, #tpu.memory_space<hbm>> -> memref<1x1x1x2x120xi32, #tpu.memory_space<hbm>>
        %dma_wait3A_876 = tpu.memref_squeeze %dma_wait3A_875 : memref<1x1x1x2x120xi32, #tpu.memory_space<hbm>> -> memref<2x120xi32, #tpu.memory_space<hbm>>
        tpu.wait_dma2 semaphore(%arg14 : memref<!tpu.dma_semaphore, #tpu.memory_space<semaphore_mem>>) src(%dma_wait3A_876 : memref<2x120xi32, #tpu.memory_space<hbm>>) dst(%dma_wait3A_872 : memref<2x120xi32, #tpu.memory_space<vmem>>)
        %dma_start3A_877 = arith.constant 0 : i32
        %dma_start3A_878 = arith.constant 0 : i32
        %dma_start3A_879 = arith.constant 0 : i32
        %dma_start3A_880 = arith.constant 0 : i32
        %dma_start3A_881 = arith.constant 0 : i32
        %dma_start3A_882 = tpu.memref_slice %arg7[%dma_start3A_879, %dma_start3A_880, %dma_start3A_881] : memref<3x120x128xf32, #tpu.memory_space<vmem>> -> memref<1x120x128xf32, #tpu.memory_space<vmem>>
        %dma_start3A_883 = tpu.memref_squeeze %dma_start3A_882 : memref<1x120x128xf32, #tpu.memory_space<vmem>> -> memref<120x128xf32, #tpu.memory_space<vmem>>
        %dma_start3A_884 = arith.constant 0 : i32
        %dma_start3A_885 = tpu.memref_slice %arg6[%dma_start3A_877, %dma_start3A_878, %dma_start3A_884] : memref<3x2x120xi32, #tpu.memory_space<vmem>> -> memref<1x1x120xi32, #tpu.memory_space<vmem>>
        %dma_start3A_886 = tpu.memref_squeeze %dma_start3A_885 : memref<1x1x120xi32, #tpu.memory_space<vmem>> -> memref<120xi32, #tpu.memory_space<vmem>>
        %dma_start3A_887 = arith.constant 0 : i32
        %dma_start3A_888 = arith.constant 0 : i32
        %dma_start3A_889 = tpu.memref_slice %arg2[%dma_start3A_887, %dma_start3A_888] : memref<20000x128xf32, #tpu.memory_space<hbm>> -> memref<20000x128xf32, #tpu.memory_space<hbm>>
        tpu.enqueue_indirect_dma source(%dma_start3A_889 : memref<20000x128xf32, #tpu.memory_space<hbm>>) target(%dma_start3A_883 : memref<120x128xf32, #tpu.memory_space<vmem>>) offsets(%dma_start3A_886 : memref<120xi32, #tpu.memory_space<vmem>>) semaphore(%arg8 : memref<!tpu.dma_semaphore, #tpu.memory_space<semaphore_mem>>)
      } else {
      }
      %dma_wait3A_821 = arith.constant 2 : i32
      %dma_wait3A_822 = arith.constant 0 : i32
      %dma_wait3A_823 = arith.constant 2 : i32
      %dma_wait3A_824 = arith.constant 0 : i32
      %dma_wait3A_825 = arith.constant 0 : i32
      %dma_wait3A_826 = tpu.memref_slice %arg7[%dma_wait3A_823, %dma_wait3A_824, %dma_wait3A_825] : memref<3x120x128xf32, #tpu.memory_space<vmem>> -> memref<1x120x128xf32, #tpu.memory_space<vmem>>
      %dma_wait3A_827 = tpu.memref_squeeze %dma_wait3A_826 : memref<1x120x128xf32, #tpu.memory_space<vmem>> -> memref<120x128xf32, #tpu.memory_space<vmem>>
      %dma_wait3A_828 = arith.constant 0 : i32
      %dma_wait3A_829 = tpu.memref_slice %arg6[%dma_wait3A_821, %dma_wait3A_822, %dma_wait3A_828] : memref<3x2x120xi32, #tpu.memory_space<vmem>> -> memref<1x1x120xi32, #tpu.memory_space<vmem>>
      %dma_wait3A_830 = tpu.memref_squeeze %dma_wait3A_829 : memref<1x1x120xi32, #tpu.memory_space<vmem>> -> memref<120xi32, #tpu.memory_space<vmem>>
      %dma_wait3A_831 = arith.constant 0 : i32
      %dma_wait3A_832 = arith.constant 0 : i32
      %dma_wait3A_833 = tpu.memref_slice %arg2[%dma_wait3A_831, %dma_wait3A_832] : memref<20000x128xf32, #tpu.memory_space<hbm>> -> memref<20000x128xf32, #tpu.memory_space<hbm>>
      tpu.wait_indirect_dma semaphore(%arg10 : memref<!tpu.dma_semaphore, #tpu.memory_space<semaphore_mem>>) src(%dma_wait3A_833 : memref<20000x128xf32, #tpu.memory_space<hbm>>) dst(%dma_wait3A_827 : memref<120x128xf32, #tpu.memory_space<vmem>>)
      %dma_start3A_834 = arith.constant 2 : i32
      %dma_start3A_835 = arith.constant 2 : i32
      %dma_start3A_836 = arith.constant 1 : i32
      %dma_start3A_837 = arith.constant 0 : i32
      %dma_start3A_838 = arith.constant 0 : i32
      %dma_start3A_839 = tpu.memref_slice %arg7[%dma_start3A_834, %dma_start3A_837, %dma_start3A_838] : memref<3x120x128xf32, #tpu.memory_space<vmem>> -> memref<1x120x128xf32, #tpu.memory_space<vmem>>
      %dma_start3A_840 = tpu.memref_squeeze %dma_start3A_839 : memref<1x120x128xf32, #tpu.memory_space<vmem>> -> memref<120x128xf32, #tpu.memory_space<vmem>>
      %dma_start3A_841 = arith.constant 0 : i32
      %dma_start3A_842 = tpu.memref_slice %arg6[%dma_start3A_835, %dma_start3A_836, %dma_start3A_841] : memref<3x2x120xi32, #tpu.memory_space<vmem>> -> memref<1x1x120xi32, #tpu.memory_space<vmem>>
      %dma_start3A_843 = tpu.memref_squeeze %dma_start3A_842 : memref<1x1x120xi32, #tpu.memory_space<vmem>> -> memref<120xi32, #tpu.memory_space<vmem>>
      %dma_start3A_844 = arith.constant 0 : i32
      %dma_start3A_845 = arith.constant 0 : i32
      %dma_start3A_846 = tpu.memref_slice %arg5[%dma_start3A_844, %dma_start3A_845] : memref<10112x128xf32, #tpu.memory_space<vmem_shared>> -> memref<10112x128xf32, #tpu.memory_space<vmem_shared>>
      tpu.enqueue_indirect_dma source(%dma_start3A_840 : memref<120x128xf32, #tpu.memory_space<vmem>>) target(%dma_start3A_846 : memref<10112x128xf32, #tpu.memory_space<vmem_shared>>) offsets(%dma_start3A_843 : memref<120xi32, #tpu.memory_space<vmem>>) semaphore(%arg13 : memref<!tpu.dma_semaphore, #tpu.memory_space<semaphore_mem>>) {add = true}
      %ge3A_847 = arith.constant 1 : i32
      %ge3A_848 = arith.cmpi sge, %add3A_813, %ge3A_847 : i32
      %convert_element_type3A_849 = arith.extui %ge3A_848 : i1 to i32
      %cond3A_850 = arith.constant 0 : i32
      %cond3A_851 = arith.cmpi ne, %convert_element_type3A_849, %cond3A_850 : i32
      scf.if %cond3A_851 {
        %dma_wait3A_860 = arith.constant 1 : i32
        %dma_wait3A_861 = arith.constant 1 : i32
        %dma_wait3A_862 = arith.constant 1 : i32
        %dma_wait3A_863 = arith.constant 0 : i32
        %dma_wait3A_864 = arith.constant 0 : i32
        %dma_wait3A_865 = tpu.memref_slice %arg7[%dma_wait3A_860, %dma_wait3A_863, %dma_wait3A_864] : memref<3x120x128xf32, #tpu.memory_space<vmem>> -> memref<1x120x128xf32, #tpu.memory_space<vmem>>
        %dma_wait3A_866 = tpu.memref_squeeze %dma_wait3A_865 : memref<1x120x128xf32, #tpu.memory_space<vmem>> -> memref<120x128xf32, #tpu.memory_space<vmem>>
        %dma_wait3A_867 = arith.constant 0 : i32
        %dma_wait3A_868 = tpu.memref_slice %arg6[%dma_wait3A_861, %dma_wait3A_862, %dma_wait3A_867] : memref<3x2x120xi32, #tpu.memory_space<vmem>> -> memref<1x1x120xi32, #tpu.memory_space<vmem>>
        %dma_wait3A_869 = tpu.memref_squeeze %dma_wait3A_868 : memref<1x1x120xi32, #tpu.memory_space<vmem>> -> memref<120xi32, #tpu.memory_space<vmem>>
        %dma_wait3A_870 = arith.constant 0 : i32
        %dma_wait3A_871 = arith.constant 0 : i32
        %dma_wait3A_872 = tpu.memref_slice %arg5[%dma_wait3A_870, %dma_wait3A_871] : memref<10112x128xf32, #tpu.memory_space<vmem_shared>> -> memref<10112x128xf32, #tpu.memory_space<vmem_shared>>
        tpu.wait_indirect_dma semaphore(%arg12 : memref<!tpu.dma_semaphore, #tpu.memory_space<semaphore_mem>>) src(%dma_wait3A_866 : memref<120x128xf32, #tpu.memory_space<vmem>>) dst(%dma_wait3A_872 : memref<10112x128xf32, #tpu.memory_space<vmem_shared>>)
      } else {
      }
      %add3A_852 = arith.constant 1 : i32
      %add3A_853 = arith.addi %add3A_815, %add3A_852 : i32
      %lt3A_854 = arith.constant 167 : i32
      %lt3A_855 = arith.cmpi slt, %add3A_853, %lt3A_854 : i32
      %convert_element_type3A_856 = arith.extui %lt3A_855 : i1 to i32
      %cond3A_857 = arith.constant 0 : i32
      %cond3A_858 = arith.cmpi ne, %convert_element_type3A_856, %cond3A_857 : i32
      scf.if %cond3A_858 {
        %add3A_860 = arith.constant 1 : i32
        %add3A_861 = arith.addi %add3A_815, %add3A_860 : i32
        %dma_start3A_862 = arith.constant 1 : i32
        %dma_start3A_863 = arith.constant 0 : i32
        %dma_start3A_864 = arith.constant 0 : i32
        %dma_start3A_865 = tpu.memref_slice %arg6[%dma_start3A_862, %dma_start3A_863, %dma_start3A_864] : memref<3x2x120xi32, #tpu.memory_space<vmem>> -> memref<1x2x120xi32, #tpu.memory_space<vmem>>
        %dma_start3A_866 = tpu.memref_squeeze %dma_start3A_865 : memref<1x2x120xi32, #tpu.memory_space<vmem>> -> memref<2x120xi32, #tpu.memory_space<vmem>>
        %dma_start3A_867 = arith.constant 0 : i32
        %dma_start3A_868 = arith.constant 0 : i32
        %dma_start3A_869 = tpu.memref_slice %arg3[%arg0, %arg1, %add3A_861, %dma_start3A_867, %dma_start3A_868] : memref<2x16x167x2x120xi32, #tpu.memory_space<hbm>> -> memref<1x1x1x2x120xi32, #tpu.memory_space<hbm>>
        %dma_start3A_870 = tpu.memref_squeeze %dma_start3A_869 : memref<1x1x1x2x120xi32, #tpu.memory_space<hbm>> -> memref<2x120xi32, #tpu.memory_space<hbm>>
        %dma_start3A_871 = arith.constant 0 : i32
        %dma_start3A_872 = arith.constant 0 : i32
        %dma_start3A_873 = tpu.memref_slice %arg6[%dma_start3A_862, %dma_start3A_871, %dma_start3A_872] : memref<3x2x120xi32, #tpu.memory_space<vmem>> -> memref<1x2x120xi32, #tpu.memory_space<vmem>>
        %dma_start3A_874 = tpu.memref_squeeze %dma_start3A_873 : memref<1x2x120xi32, #tpu.memory_space<vmem>> -> memref<2x120xi32, #tpu.memory_space<vmem>>
        %dma_start3A_875 = arith.constant 0 : i32
        %dma_start3A_876 = arith.constant 0 : i32
        %dma_start3A_877 = tpu.memref_slice %arg3[%arg0, %arg1, %add3A_861, %dma_start3A_875, %dma_start3A_876] : memref<2x16x167x2x120xi32, #tpu.memory_space<hbm>> -> memref<1x1x1x2x120xi32, #tpu.memory_space<hbm>>
        %dma_start3A_878 = tpu.memref_squeeze %dma_start3A_877 : memref<1x1x1x2x120xi32, #tpu.memory_space<hbm>> -> memref<2x120xi32, #tpu.memory_space<hbm>>
        tpu.enqueue_dma source(%dma_start3A_878 : memref<2x120xi32, #tpu.memory_space<hbm>>) target(%dma_start3A_874 : memref<2x120xi32, #tpu.memory_space<vmem>>) target_semaphore(%arg15 : memref<!tpu.dma_semaphore, #tpu.memory_space<semaphore_mem>>)
      } else {
      }
      %scan3A_859 = arith.constant 0 : i32
      scf.yield %scan3A_859 : i32
    }
    %scan3A_591 = arith.constant 55 : i32
    %dma_wait3A_592 = arith.constant 166 : i32
    %dma_wait3A_593 = arith.constant 1 : i32
    %dma_wait3A_594 = arith.constant 0 : i32
    %dma_wait3A_595 = arith.constant 0 : i32
    %dma_wait3A_596 = tpu.memref_slice %arg6[%dma_wait3A_593, %dma_wait3A_594, %dma_wait3A_595] : memref<3x2x120xi32, #tpu.memory_space<vmem>> -> memref<1x2x120xi32, #tpu.memory_space<vmem>>
    %dma_wait3A_597 = tpu.memref_squeeze %dma_wait3A_596 : memref<1x2x120xi32, #tpu.memory_space<vmem>> -> memref<2x120xi32, #tpu.memory_space<vmem>>
    %dma_wait3A_598 = arith.constant 0 : i32
    %dma_wait3A_599 = arith.constant 0 : i32
    %dma_wait3A_600 = tpu.memref_slice %arg3[%arg0, %arg1, %dma_wait3A_592, %dma_wait3A_598, %dma_wait3A_599] : memref<2x16x167x2x120xi32, #tpu.memory_space<hbm>> -> memref<1x1x1x2x120xi32, #tpu.memory_space<hbm>>
    %dma_wait3A_601 = tpu.memref_squeeze %dma_wait3A_600 : memref<1x1x1x2x120xi32, #tpu.memory_space<hbm>> -> memref<2x120xi32, #tpu.memory_space<hbm>>
    %dma_wait3A_602 = arith.constant 0 : i32
    %dma_wait3A_603 = arith.constant 0 : i32
    %dma_wait3A_604 = tpu.memref_slice %arg6[%dma_wait3A_593, %dma_wait3A_602, %dma_wait3A_603] : memref<3x2x120xi32, #tpu.memory_space<vmem>> -> memref<1x2x120xi32, #tpu.memory_space<vmem>>
    %dma_wait3A_605 = tpu.memref_squeeze %dma_wait3A_604 : memref<1x2x120xi32, #tpu.memory_space<vmem>> -> memref<2x120xi32, #tpu.memory_space<vmem>>
    %dma_wait3A_606 = arith.constant 0 : i32
    %dma_wait3A_607 = arith.constant 0 : i32
    %dma_wait3A_608 = tpu.memref_slice %arg3[%arg0, %arg1, %dma_wait3A_592, %dma_wait3A_606, %dma_wait3A_607] : memref<2x16x167x2x120xi32, #tpu.memory_space<hbm>> -> memref<1x1x1x2x120xi32, #tpu.memory_space<hbm>>
    %dma_wait3A_609 = tpu.memref_squeeze %dma_wait3A_608 : memref<1x1x1x2x120xi32, #tpu.memory_space<hbm>> -> memref<2x120xi32, #tpu.memory_space<hbm>>
    tpu.wait_dma2 semaphore(%arg15 : memref<!tpu.dma_semaphore, #tpu.memory_space<semaphore_mem>>) src(%dma_wait3A_609 : memref<2x120xi32, #tpu.memory_space<hbm>>) dst(%dma_wait3A_605 : memref<2x120xi32, #tpu.memory_space<vmem>>)
    %dma_start3A_610 = arith.constant 1 : i32
    %dma_start3A_611 = arith.constant 0 : i32
    %dma_start3A_612 = arith.constant 1 : i32
    %dma_start3A_613 = arith.constant 0 : i32
    %dma_start3A_614 = arith.constant 0 : i32
    %dma_start3A_615 = tpu.memref_slice %arg7[%dma_start3A_612, %dma_start3A_613, %dma_start3A_614] : memref<3x120x128xf32, #tpu.memory_space<vmem>> -> memref<1x120x128xf32, #tpu.memory_space<vmem>>
    %dma_start3A_616 = tpu.memref_squeeze %dma_start3A_615 : memref<1x120x128xf32, #tpu.memory_space<vmem>> -> memref<120x128xf32, #tpu.memory_space<vmem>>
    %dma_start3A_617 = arith.constant 0 : i32
    %dma_start3A_618 = tpu.memref_slice %arg6[%dma_start3A_610, %dma_start3A_611, %dma_start3A_617] : memref<3x2x120xi32, #tpu.memory_space<vmem>> -> memref<1x1x120xi32, #tpu.memory_space<vmem>>
    %dma_start3A_619 = tpu.memref_squeeze %dma_start3A_618 : memref<1x1x120xi32, #tpu.memory_space<vmem>> -> memref<120xi32, #tpu.memory_space<vmem>>
    %dma_start3A_620 = arith.constant 0 : i32
    %dma_start3A_621 = arith.constant 0 : i32
    %dma_start3A_622 = tpu.memref_slice %arg2[%dma_start3A_620, %dma_start3A_621] : memref<20000x128xf32, #tpu.memory_space<hbm>> -> memref<20000x128xf32, #tpu.memory_space<hbm>>
    tpu.enqueue_indirect_dma source(%dma_start3A_622 : memref<20000x128xf32, #tpu.memory_space<hbm>>) target(%dma_start3A_616 : memref<120x128xf32, #tpu.memory_space<vmem>>) offsets(%dma_start3A_619 : memref<120xi32, #tpu.memory_space<vmem>>) semaphore(%arg9 : memref<!tpu.dma_semaphore, #tpu.memory_space<semaphore_mem>>)
    %dma_wait3A_623 = arith.constant 0 : i32
    %dma_wait3A_624 = arith.constant 0 : i32
    %dma_wait3A_625 = arith.constant 0 : i32
    %dma_wait3A_626 = arith.constant 0 : i32
    %dma_wait3A_627 = arith.constant 0 : i32
    %dma_wait3A_628 = tpu.memref_slice %arg7[%dma_wait3A_625, %dma_wait3A_626, %dma_wait3A_627] : memref<3x120x128xf32, #tpu.memory_space<vmem>> -> memref<1x120x128xf32, #tpu.memory_space<vmem>>
    %dma_wait3A_629 = tpu.memref_squeeze %dma_wait3A_628 : memref<1x120x128xf32, #tpu.memory_space<vmem>> -> memref<120x128xf32, #tpu.memory_space<vmem>>
    %dma_wait3A_630 = arith.constant 0 : i32
    %dma_wait3A_631 = tpu.memref_slice %arg6[%dma_wait3A_623, %dma_wait3A_624, %dma_wait3A_630] : memref<3x2x120xi32, #tpu.memory_space<vmem>> -> memref<1x1x120xi32, #tpu.memory_space<vmem>>
    %dma_wait3A_632 = tpu.memref_squeeze %dma_wait3A_631 : memref<1x1x120xi32, #tpu.memory_space<vmem>> -> memref<120xi32, #tpu.memory_space<vmem>>
    %dma_wait3A_633 = arith.constant 0 : i32
    %dma_wait3A_634 = arith.constant 0 : i32
    %dma_wait3A_635 = tpu.memref_slice %arg2[%dma_wait3A_633, %dma_wait3A_634] : memref<20000x128xf32, #tpu.memory_space<hbm>> -> memref<20000x128xf32, #tpu.memory_space<hbm>>
    tpu.wait_indirect_dma semaphore(%arg8 : memref<!tpu.dma_semaphore, #tpu.memory_space<semaphore_mem>>) src(%dma_wait3A_635 : memref<20000x128xf32, #tpu.memory_space<hbm>>) dst(%dma_wait3A_629 : memref<120x128xf32, #tpu.memory_space<vmem>>)
    %dma_start3A_636 = arith.constant 0 : i32
    %dma_start3A_637 = arith.constant 0 : i32
    %dma_start3A_638 = arith.constant 1 : i32
    %dma_start3A_639 = arith.constant 0 : i32
    %dma_start3A_640 = arith.constant 0 : i32
    %dma_start3A_641 = tpu.memref_slice %arg7[%dma_start3A_636, %dma_start3A_639, %dma_start3A_640] : memref<3x120x128xf32, #tpu.memory_space<vmem>> -> memref<1x120x128xf32, #tpu.memory_space<vmem>>
    %dma_start3A_642 = tpu.memref_squeeze %dma_start3A_641 : memref<1x120x128xf32, #tpu.memory_space<vmem>> -> memref<120x128xf32, #tpu.memory_space<vmem>>
    %dma_start3A_643 = arith.constant 0 : i32
    %dma_start3A_644 = tpu.memref_slice %arg6[%dma_start3A_637, %dma_start3A_638, %dma_start3A_643] : memref<3x2x120xi32, #tpu.memory_space<vmem>> -> memref<1x1x120xi32, #tpu.memory_space<vmem>>
    %dma_start3A_645 = tpu.memref_squeeze %dma_start3A_644 : memref<1x1x120xi32, #tpu.memory_space<vmem>> -> memref<120xi32, #tpu.memory_space<vmem>>
    %dma_start3A_646 = arith.constant 0 : i32
    %dma_start3A_647 = arith.constant 0 : i32
    %dma_start3A_648 = tpu.memref_slice %arg5[%dma_start3A_646, %dma_start3A_647] : memref<10112x128xf32, #tpu.memory_space<vmem_shared>> -> memref<10112x128xf32, #tpu.memory_space<vmem_shared>>
    tpu.enqueue_indirect_dma source(%dma_start3A_642 : memref<120x128xf32, #tpu.memory_space<vmem>>) target(%dma_start3A_648 : memref<10112x128xf32, #tpu.memory_space<vmem_shared>>) offsets(%dma_start3A_645 : memref<120xi32, #tpu.memory_space<vmem>>) semaphore(%arg11 : memref<!tpu.dma_semaphore, #tpu.memory_space<semaphore_mem>>) {add = true}
    %dma_wait3A_649 = arith.constant 2 : i32
    %dma_wait3A_650 = arith.constant 2 : i32
    %dma_wait3A_651 = arith.constant 1 : i32
    %dma_wait3A_652 = arith.constant 0 : i32
    %dma_wait3A_653 = arith.constant 0 : i32
    %dma_wait3A_654 = tpu.memref_slice %arg7[%dma_wait3A_649, %dma_wait3A_652, %dma_wait3A_653] : memref<3x120x128xf32, #tpu.memory_space<vmem>> -> memref<1x120x128xf32, #tpu.memory_space<vmem>>
    %dma_wait3A_655 = tpu.memref_squeeze %dma_wait3A_654 : memref<1x120x128xf32, #tpu.memory_space<vmem>> -> memref<120x128xf32, #tpu.memory_space<vmem>>
    %dma_wait3A_656 = arith.constant 0 : i32
    %dma_wait3A_657 = tpu.memref_slice %arg6[%dma_wait3A_650, %dma_wait3A_651, %dma_wait3A_656] : memref<3x2x120xi32, #tpu.memory_space<vmem>> -> memref<1x1x120xi32, #tpu.memory_space<vmem>>
    %dma_wait3A_658 = tpu.memref_squeeze %dma_wait3A_657 : memref<1x1x120xi32, #tpu.memory_space<vmem>> -> memref<120xi32, #tpu.memory_space<vmem>>
    %dma_wait3A_659 = arith.constant 0 : i32
    %dma_wait3A_660 = arith.constant 0 : i32
    %dma_wait3A_661 = tpu.memref_slice %arg5[%dma_wait3A_659, %dma_wait3A_660] : memref<10112x128xf32, #tpu.memory_space<vmem_shared>> -> memref<10112x128xf32, #tpu.memory_space<vmem_shared>>
    tpu.wait_indirect_dma semaphore(%arg13 : memref<!tpu.dma_semaphore, #tpu.memory_space<semaphore_mem>>) src(%dma_wait3A_655 : memref<120x128xf32, #tpu.memory_space<vmem>>) dst(%dma_wait3A_661 : memref<10112x128xf32, #tpu.memory_space<vmem_shared>>)
    %dma_wait3A_662 = arith.constant 1 : i32
    %dma_wait3A_663 = arith.constant 0 : i32
    %dma_wait3A_664 = arith.constant 1 : i32
    %dma_wait3A_665 = arith.constant 0 : i32
    %dma_wait3A_666 = arith.constant 0 : i32
    %dma_wait3A_667 = tpu.memref_slice %arg7[%dma_wait3A_664, %dma_wait3A_665, %dma_wait3A_666] : memref<3x120x128xf32, #tpu.memory_space<vmem>> -> memref<1x120x128xf32, #tpu.memory_space<vmem>>
    %dma_wait3A_668 = tpu.memref_squeeze %dma_wait3A_667 : memref<1x120x128xf32, #tpu.memory_space<vmem>> -> memref<120x128xf32, #tpu.memory_space<vmem>>
    %dma_wait3A_669 = arith.constant 0 : i32
    %dma_wait3A_670 = tpu.memref_slice %arg6[%dma_wait3A_662, %dma_wait3A_663, %dma_wait3A_669] : memref<3x2x120xi32, #tpu.memory_space<vmem>> -> memref<1x1x120xi32, #tpu.memory_space<vmem>>
    %dma_wait3A_671 = tpu.memref_squeeze %dma_wait3A_670 : memref<1x1x120xi32, #tpu.memory_space<vmem>> -> memref<120xi32, #tpu.memory_space<vmem>>
    %dma_wait3A_672 = arith.constant 0 : i32
    %dma_wait3A_673 = arith.constant 0 : i32
    %dma_wait3A_674 = tpu.memref_slice %arg2[%dma_wait3A_672, %dma_wait3A_673] : memref<20000x128xf32, #tpu.memory_space<hbm>> -> memref<20000x128xf32, #tpu.memory_space<hbm>>
    tpu.wait_indirect_dma semaphore(%arg9 : memref<!tpu.dma_semaphore, #tpu.memory_space<semaphore_mem>>) src(%dma_wait3A_674 : memref<20000x128xf32, #tpu.memory_space<hbm>>) dst(%dma_wait3A_668 : memref<120x128xf32, #tpu.memory_space<vmem>>)
    %dma_start3A_675 = arith.constant 1 : i32
    %dma_start3A_676 = arith.constant 1 : i32
    %dma_start3A_677 = arith.constant 1 : i32
    %dma_start3A_678 = arith.constant 0 : i32
    %dma_start3A_679 = arith.constant 0 : i32
    %dma_start3A_680 = tpu.memref_slice %arg7[%dma_start3A_675, %dma_start3A_678, %dma_start3A_679] : memref<3x120x128xf32, #tpu.memory_space<vmem>> -> memref<1x120x128xf32, #tpu.memory_space<vmem>>
    %dma_start3A_681 = tpu.memref_squeeze %dma_start3A_680 : memref<1x120x128xf32, #tpu.memory_space<vmem>> -> memref<120x128xf32, #tpu.memory_space<vmem>>
    %dma_start3A_682 = arith.constant 0 : i32
    %dma_start3A_683 = tpu.memref_slice %arg6[%dma_start3A_676, %dma_start3A_677, %dma_start3A_682] : memref<3x2x120xi32, #tpu.memory_space<vmem>> -> memref<1x1x120xi32, #tpu.memory_space<vmem>>
    %dma_start3A_684 = tpu.memref_squeeze %dma_start3A_683 : memref<1x1x120xi32, #tpu.memory_space<vmem>> -> memref<120xi32, #tpu.memory_space<vmem>>
    %dma_start3A_685 = arith.constant 0 : i32
    %dma_start3A_686 = arith.constant 0 : i32
    %dma_start3A_687 = tpu.memref_slice %arg5[%dma_start3A_685, %dma_start3A_686] : memref<10112x128xf32, #tpu.memory_space<vmem_shared>> -> memref<10112x128xf32, #tpu.memory_space<vmem_shared>>
    tpu.enqueue_indirect_dma source(%dma_start3A_681 : memref<120x128xf32, #tpu.memory_space<vmem>>) target(%dma_start3A_687 : memref<10112x128xf32, #tpu.memory_space<vmem_shared>>) offsets(%dma_start3A_684 : memref<120xi32, #tpu.memory_space<vmem>>) semaphore(%arg12 : memref<!tpu.dma_semaphore, #tpu.memory_space<semaphore_mem>>) {add = true}
    %dma_wait3A_688 = arith.constant 0 : i32
    %dma_wait3A_689 = arith.constant 0 : i32
    %dma_wait3A_690 = arith.constant 1 : i32
    %dma_wait3A_691 = arith.constant 0 : i32
    %dma_wait3A_692 = arith.constant 0 : i32
    %dma_wait3A_693 = tpu.memref_slice %arg7[%dma_wait3A_688, %dma_wait3A_691, %dma_wait3A_692] : memref<3x120x128xf32, #tpu.memory_space<vmem>> -> memref<1x120x128xf32, #tpu.memory_space<vmem>>
    %dma_wait3A_694 = tpu.memref_squeeze %dma_wait3A_693 : memref<1x120x128xf32, #tpu.memory_space<vmem>> -> memref<120x128xf32, #tpu.memory_space<vmem>>
    %dma_wait3A_695 = arith.constant 0 : i32
    %dma_wait3A_696 = tpu.memref_slice %arg6[%dma_wait3A_689, %dma_wait3A_690, %dma_wait3A_695] : memref<3x2x120xi32, #tpu.memory_space<vmem>> -> memref<1x1x120xi32, #tpu.memory_space<vmem>>
    %dma_wait3A_697 = tpu.memref_squeeze %dma_wait3A_696 : memref<1x1x120xi32, #tpu.memory_space<vmem>> -> memref<120xi32, #tpu.memory_space<vmem>>
    %dma_wait3A_698 = arith.constant 0 : i32
    %dma_wait3A_699 = arith.constant 0 : i32
    %dma_wait3A_700 = tpu.memref_slice %arg5[%dma_wait3A_698, %dma_wait3A_699] : memref<10112x128xf32, #tpu.memory_space<vmem_shared>> -> memref<10112x128xf32, #tpu.memory_space<vmem_shared>>
    tpu.wait_indirect_dma semaphore(%arg11 : memref<!tpu.dma_semaphore, #tpu.memory_space<semaphore_mem>>) src(%dma_wait3A_694 : memref<120x128xf32, #tpu.memory_space<vmem>>) dst(%dma_wait3A_700 : memref<10112x128xf32, #tpu.memory_space<vmem_shared>>)
    %dma_wait3A_701 = arith.constant 1 : i32
    %dma_wait3A_702 = arith.constant 1 : i32
    %dma_wait3A_703 = arith.constant 1 : i32
    %dma_wait3A_704 = arith.constant 0 : i32
    %dma_wait3A_705 = arith.constant 0 : i32
    %dma_wait3A_706 = tpu.memref_slice %arg7[%dma_wait3A_701, %dma_wait3A_704, %dma_wait3A_705] : memref<3x120x128xf32, #tpu.memory_space<vmem>> -> memref<1x120x128xf32, #tpu.memory_space<vmem>>
    %dma_wait3A_707 = tpu.memref_squeeze %dma_wait3A_706 : memref<1x120x128xf32, #tpu.memory_space<vmem>> -> memref<120x128xf32, #tpu.memory_space<vmem>>
    %dma_wait3A_708 = arith.constant 0 : i32
    %dma_wait3A_709 = tpu.memref_slice %arg6[%dma_wait3A_702, %dma_wait3A_703, %dma_wait3A_708] : memref<3x2x120xi32, #tpu.memory_space<vmem>> -> memref<1x1x120xi32, #tpu.memory_space<vmem>>
    %dma_wait3A_710 = tpu.memref_squeeze %dma_wait3A_709 : memref<1x1x120xi32, #tpu.memory_space<vmem>> -> memref<120xi32, #tpu.memory_space<vmem>>
    %dma_wait3A_711 = arith.constant 0 : i32
    %dma_wait3A_712 = arith.constant 0 : i32
    %dma_wait3A_713 = tpu.memref_slice %arg5[%dma_wait3A_711, %dma_wait3A_712] : memref<10112x128xf32, #tpu.memory_space<vmem_shared>> -> memref<10112x128xf32, #tpu.memory_space<vmem_shared>>
    tpu.wait_indirect_dma semaphore(%arg12 : memref<!tpu.dma_semaphore, #tpu.memory_space<semaphore_mem>>) src(%dma_wait3A_707 : memref<120x128xf32, #tpu.memory_space<vmem>>) dst(%dma_wait3A_713 : memref<10112x128xf32, #tpu.memory_space<vmem_shared>>)
    %barrier3A_714 = arith.constant 0 : index
    tpu.barrier barrier_id(%barrier3A_714)
    "tpu.region"() ({
      %run_scoped3A = tpu.sem_alloc : memref<!tpu.dma_semaphore, #tpu.memory_space<semaphore_mem>>
      %dma_start3A_715 = arith.constant 0 : i32
      %dma_start3A_716 = tpu.memref_slice %arg4[%arg0, %mul3A_512, %dma_start3A_715] : memref<2x10112x128xf32, #tpu.memory_space<hbm>> -> memref<1x632x128xf32, #tpu.memory_space<hbm>>
      %dma_start3A_717 = tpu.memref_squeeze %dma_start3A_716 : memref<1x632x128xf32, #tpu.memory_space<hbm>> -> memref<632x128xf32, #tpu.memory_space<hbm>>
      %dma_start3A_718 = arith.constant 0 : i32
      %dma_start3A_719 = tpu.memref_slice %arg5[%mul3A_512, %dma_start3A_718] : memref<10112x128xf32, #tpu.memory_space<vmem_shared>> -> memref<632x128xf32, #tpu.memory_space<vmem_shared>>
      tpu.enqueue_dma source(%dma_start3A_719 : memref<632x128xf32, #tpu.memory_space<vmem_shared>>) target(%dma_start3A_717 : memref<632x128xf32, #tpu.memory_space<hbm>>) target_semaphore(%run_scoped3A : memref<!tpu.dma_semaphore, #tpu.memory_space<semaphore_mem>>)
      %dma_wait3A_720 = arith.constant 0 : i32
      %dma_wait3A_721 = tpu.memref_slice %arg4[%arg0, %mul3A_512, %dma_wait3A_720] : memref<2x10112x128xf32, #tpu.memory_space<hbm>> -> memref<1x632x128xf32, #tpu.memory_space<hbm>>
      %dma_wait3A_722 = tpu.memref_squeeze %dma_wait3A_721 : memref<1x632x128xf32, #tpu.memory_space<hbm>> -> memref<632x128xf32, #tpu.memory_space<hbm>>
      %dma_wait3A_723 = arith.constant 0 : i32
      %dma_wait3A_724 = tpu.memref_slice %arg5[%mul3A_512, %dma_wait3A_723] : memref<10112x128xf32, #tpu.memory_space<vmem_shared>> -> memref<632x128xf32, #tpu.memory_space<vmem_shared>>
      tpu.wait_dma2 semaphore(%run_scoped3A : memref<!tpu.dma_semaphore, #tpu.memory_space<semaphore_mem>>) src(%dma_wait3A_724 : memref<632x128xf32, #tpu.memory_space<vmem_shared>>) dst(%dma_wait3A_722 : memref<632x128xf32, #tpu.memory_space<hbm>>)
      tpu.yield
    }) : () -> ()
    return
  }
}

#map = affine_map<(d0, d1) -> (0, 0)>
module attributes {stable_mosaic.version = 14 : i64} {
  func.func @_sc_degree_body(%arg0: i32, %arg1: i32, %arg2: memref<16384x80xi32, #tpu.memory_space<hbm>>, %arg3: memref<2x20480xf32, #tpu.memory_space<hbm>>, %arg4: memref<20480xf32, #tpu.memory_space<vmem_shared>>, %arg5: memref<512x80xi32, #tpu.memory_space<vmem>>, %arg6: memref<80xf32, #tpu.memory_space<vmem>>, %arg7: memref<1280xf32, #tpu.memory_space<vmem>>, %arg8: memref<!tpu.dma_semaphore, #tpu.memory_space<semaphore_mem>>) attributes {dimension_semantics = [#tpu.dimension_semantics<core_parallel>, #tpu.dimension_semantics<subcore_parallel>], iteration_bounds = array<i64: 2, 16>, scalar_prefetch = 0 : i64, scratch_operands = 5 : i64, tpu.core_type = #tpu.core_type<sc_vector_subcore>, window_params = [{transform_indices = #map}, {transform_indices = #map}]} {
    %broadcast_in_dim3A = arith.constant 0.000000e+00 : f32
    %broadcast_in_dim3A_0 = vector.broadcast %broadcast_in_dim3A : f32 to vector<16xf32>
    %broadcast_in_dim3A_1 = arith.constant 1.000000e+00 : f32
    %broadcast_in_dim3A_2 = vector.broadcast %broadcast_in_dim3A_1 : f32 to vector<16xf32>
    %scan3A = arith.constant 0 : i32
    %scan3A_3 = arith.constant 0 : i32
    %scan3A_4 = arith.constant 80 : i32
    %scan3A_5 = arith.addi %scan3A_3, %scan3A_4 : i32
    %scan3A_6 = arith.constant 1 : i32
    %scan3A_7 = scf.for %scan3A_45 = %scan3A_3 to %scan3A_5 step %scan3A_6 iter_args(%scan3A_46 = %scan3A) -> (i32)  : i32 {
      %mul3A_47 = arith.constant 16 : i32
      %mul3A_48 = arith.muli %scan3A_45, %mul3A_47 : i32
      %swap3A_49 = arith.index_cast %mul3A_48 : i32 to index
      %swap3A_50 = tpu.vector_load %arg7[%swap3A_49] {strides = array<i32>} : memref<1280xf32, #tpu.memory_space<vmem>>, vector<16xf32>,
      %swap3A_51 = vector.shape_cast %swap3A_50 : vector<16xf32> to vector<16xf32>
      %swap3A_52 = vector.shape_cast %broadcast_in_dim3A_0 : vector<16xf32> to vector<16xf32>
      tpu.vector_store %arg7[%swap3A_49], %swap3A_52 {strides = array<i32>} : memref<1280xf32, #tpu.memory_space<vmem>>, vector<16xf32>,
      %scan3A_53 = arith.constant 0 : i32
      scf.yield %scan3A_53 : i32
    }
    %scan3A_8 = arith.constant 80 : i32
    %swap3A = arith.constant 0 : index
    %swap3A_9 = tpu.vector_load %arg6[%swap3A] {strides = array<i32>} : memref<80xf32, #tpu.memory_space<vmem>>, vector<16xf32>,
    %swap3A_10 = vector.shape_cast %swap3A_9 : vector<16xf32> to vector<16xf32>
    %swap3A_11 = vector.shape_cast %broadcast_in_dim3A_2 : vector<16xf32> to vector<16xf32>
    tpu.vector_store %arg6[%swap3A], %swap3A_11 {strides = array<i32>} : memref<80xf32, #tpu.memory_space<vmem>>, vector<16xf32>,
    %swap3A_12 = arith.constant 16 : index
    %swap3A_13 = tpu.vector_load %arg6[%swap3A_12] {strides = array<i32>} : memref<80xf32, #tpu.memory_space<vmem>>, vector<16xf32>,
    %swap3A_14 = vector.shape_cast %swap3A_13 : vector<16xf32> to vector<16xf32>
    %swap3A_15 = vector.shape_cast %broadcast_in_dim3A_2 : vector<16xf32> to vector<16xf32>
    tpu.vector_store %arg6[%swap3A_12], %swap3A_15 {strides = array<i32>} : memref<80xf32, #tpu.memory_space<vmem>>, vector<16xf32>,
    %swap3A_16 = arith.constant 32 : index
    %swap3A_17 = tpu.vector_load %arg6[%swap3A_16] {strides = array<i32>} : memref<80xf32, #tpu.memory_space<vmem>>, vector<16xf32>,
    %swap3A_18 = vector.shape_cast %swap3A_17 : vector<16xf32> to vector<16xf32>
    %swap3A_19 = vector.shape_cast %broadcast_in_dim3A_2 : vector<16xf32> to vector<16xf32>
    tpu.vector_store %arg6[%swap3A_16], %swap3A_19 {strides = array<i32>} : memref<80xf32, #tpu.memory_space<vmem>>, vector<16xf32>,
    %swap3A_20 = arith.constant 48 : index
    %swap3A_21 = tpu.vector_load %arg6[%swap3A_20] {strides = array<i32>} : memref<80xf32, #tpu.memory_space<vmem>>, vector<16xf32>,
    %swap3A_22 = vector.shape_cast %swap3A_21 : vector<16xf32> to vector<16xf32>
    %swap3A_23 = vector.shape_cast %broadcast_in_dim3A_2 : vector<16xf32> to vector<16xf32>
    tpu.vector_store %arg6[%swap3A_20], %swap3A_23 {strides = array<i32>} : memref<80xf32, #tpu.memory_space<vmem>>, vector<16xf32>,
    %swap3A_24 = arith.constant 64 : index
    %swap3A_25 = tpu.vector_load %arg6[%swap3A_24] {strides = array<i32>} : memref<80xf32, #tpu.memory_space<vmem>>, vector<16xf32>,
    %swap3A_26 = vector.shape_cast %swap3A_25 : vector<16xf32> to vector<16xf32>
    %swap3A_27 = vector.shape_cast %broadcast_in_dim3A_2 : vector<16xf32> to vector<16xf32>
    tpu.vector_store %arg6[%swap3A_24], %swap3A_27 {strides = array<i32>} : memref<80xf32, #tpu.memory_space<vmem>>, vector<16xf32>,
    %mul3A = arith.constant 1280 : i32
    %mul3A_28 = arith.muli %arg1, %mul3A : i32
    "tpu.region"() ({
      %run_scoped3A = tpu.sem_alloc : memref<!tpu.dma_semaphore, #tpu.memory_space<semaphore_mem>>
      %dma_start3A = tpu.memref_slice %arg4[%mul3A_28] : memref<20480xf32, #tpu.memory_space<vmem_shared>> -> memref<1280xf32, #tpu.memory_space<vmem_shared>>
      %dma_start3A_45 = tpu.memref_slice %arg4[%mul3A_28] : memref<20480xf32, #tpu.memory_space<vmem_shared>> -> memref<1280xf32, #tpu.memory_space<vmem_shared>>
      tpu.enqueue_dma source(%arg7 : memref<1280xf32, #tpu.memory_space<vmem>>) target(%dma_start3A_45 : memref<1280xf32, #tpu.memory_space<vmem_shared>>) target_semaphore(%run_scoped3A : memref<!tpu.dma_semaphore, #tpu.memory_space<semaphore_mem>>)
      %dma_wait3A = tpu.memref_slice %arg4[%mul3A_28] : memref<20480xf32, #tpu.memory_space<vmem_shared>> -> memref<1280xf32, #tpu.memory_space<vmem_shared>>
      %dma_wait3A_46 = tpu.memref_slice %arg4[%mul3A_28] : memref<20480xf32, #tpu.memory_space<vmem_shared>> -> memref<1280xf32, #tpu.memory_space<vmem_shared>>
      tpu.wait_dma2 semaphore(%run_scoped3A : memref<!tpu.dma_semaphore, #tpu.memory_space<semaphore_mem>>) src(%arg7 : memref<1280xf32, #tpu.memory_space<vmem>>) dst(%dma_wait3A_46 : memref<1280xf32, #tpu.memory_space<vmem_shared>>)
      tpu.yield
    }) : () -> ()
    %mul3A_29 = arith.constant 8192 : i32
    %mul3A_30 = arith.muli %arg0, %mul3A_29 : i32
    %mul3A_31 = arith.constant 512 : i32
    %mul3A_32 = arith.muli %arg1, %mul3A_31 : i32
    %add3A = arith.addi %mul3A_30, %mul3A_32 : i32
    "tpu.region"() ({
      %run_scoped3A = tpu.sem_alloc : memref<!tpu.dma_semaphore, #tpu.memory_space<semaphore_mem>>
      %dma_start3A = arith.constant 0 : i32
      %dma_start3A_45 = tpu.memref_slice %arg2[%add3A, %dma_start3A] : memref<16384x80xi32, #tpu.memory_space<hbm>> -> memref<512x80xi32, #tpu.memory_space<hbm>>
      %dma_start3A_46 = arith.constant 0 : i32
      %dma_start3A_47 = tpu.memref_slice %arg2[%add3A, %dma_start3A_46] : memref<16384x80xi32, #tpu.memory_space<hbm>> -> memref<512x80xi32, #tpu.memory_space<hbm>>
      tpu.enqueue_dma source(%dma_start3A_47 : memref<512x80xi32, #tpu.memory_space<hbm>>) target(%arg5 : memref<512x80xi32, #tpu.memory_space<vmem>>) target_semaphore(%run_scoped3A : memref<!tpu.dma_semaphore, #tpu.memory_space<semaphore_mem>>)
      %dma_wait3A = arith.constant 0 : i32
      %dma_wait3A_48 = tpu.memref_slice %arg2[%add3A, %dma_wait3A] : memref<16384x80xi32, #tpu.memory_space<hbm>> -> memref<512x80xi32, #tpu.memory_space<hbm>>
      %dma_wait3A_49 = arith.constant 0 : i32
      %dma_wait3A_50 = tpu.memref_slice %arg2[%add3A, %dma_wait3A_49] : memref<16384x80xi32, #tpu.memory_space<hbm>> -> memref<512x80xi32, #tpu.memory_space<hbm>>
      tpu.wait_dma2 semaphore(%run_scoped3A : memref<!tpu.dma_semaphore, #tpu.memory_space<semaphore_mem>>) src(%dma_wait3A_50 : memref<512x80xi32, #tpu.memory_space<hbm>>) dst(%arg5 : memref<512x80xi32, #tpu.memory_space<vmem>>)
      tpu.yield
    }) : () -> ()
    %barrier3A = arith.constant 0 : index
    tpu.barrier barrier_id(%barrier3A)
    %scan3A_33 = arith.constant 0 : i32
    %scan3A_34 = arith.constant 0 : i32
    %scan3A_35 = arith.constant 64 : i32
    %scan3A_36 = arith.addi %scan3A_34, %scan3A_35 : i32
    %scan3A_37 = arith.constant 1 : i32
    %scan3A_38 = scf.for %scan3A_45 = %scan3A_34 to %scan3A_36 step %scan3A_37 iter_args(%scan3A_46 = %scan3A_33) -> (i32)  : i32 {
      %mul3A_47 = arith.constant 8 : i32
      %mul3A_48 = arith.muli %scan3A_45, %mul3A_47 : i32
      %add3A_49 = arith.constant 0 : i32
      %add3A_50 = arith.addi %mul3A_48, %add3A_49 : i32
      %dma_start3A = arith.constant 0 : i32
      %dma_start3A_51 = tpu.memref_slice %arg5[%add3A_50, %dma_start3A] : memref<512x80xi32, #tpu.memory_space<vmem>> -> memref<1x80xi32, #tpu.memory_space<vmem>>
      %dma_start3A_52 = tpu.memref_squeeze %dma_start3A_51 : memref<1x80xi32, #tpu.memory_space<vmem>> -> memref<80xi32, #tpu.memory_space<vmem>>
      %dma_start3A_53 = arith.constant 0 : i32
      %dma_start3A_54 = tpu.memref_slice %arg4[%dma_start3A_53] : memref<20480xf32, #tpu.memory_space<vmem_shared>> -> memref<20480xf32, #tpu.memory_space<vmem_shared>>
      tpu.enqueue_indirect_dma source(%arg6 : memref<80xf32, #tpu.memory_space<vmem>>) target(%dma_start3A_54 : memref<20480xf32, #tpu.memory_space<vmem_shared>>) offsets(%dma_start3A_52 : memref<80xi32, #tpu.memory_space<vmem>>) semaphore(%arg8 : memref<!tpu.dma_semaphore, #tpu.memory_space<semaphore_mem>>) {add = true}
      %mul3A_55 = arith.constant 8 : i32
      %mul3A_56 = arith.muli %scan3A_45, %mul3A_55 : i32
      %add3A_57 = arith.constant 1 : i32
      %add3A_58 = arith.addi %mul3A_56, %add3A_57 : i32
      %dma_start3A_59 = arith.constant 0 : i32
      %dma_start3A_60 = tpu.memref_slice %arg5[%add3A_58, %dma_start3A_59] : memref<512x80xi32, #tpu.memory_space<vmem>> -> memref<1x80xi32, #tpu.memory_space<vmem>>
      %dma_start3A_61 = tpu.memref_squeeze %dma_start3A_60 : memref<1x80xi32, #tpu.memory_space<vmem>> -> memref<80xi32, #tpu.memory_space<vmem>>
      %dma_start3A_62 = arith.constant 0 : i32
      %dma_start3A_63 = tpu.memref_slice %arg4[%dma_start3A_62] : memref<20480xf32, #tpu.memory_space<vmem_shared>> -> memref<20480xf32, #tpu.memory_space<vmem_shared>>
      tpu.enqueue_indirect_dma source(%arg6 : memref<80xf32, #tpu.memory_space<vmem>>) target(%dma_start3A_63 : memref<20480xf32, #tpu.memory_space<vmem_shared>>) offsets(%dma_start3A_61 : memref<80xi32, #tpu.memory_space<vmem>>) semaphore(%arg8 : memref<!tpu.dma_semaphore, #tpu.memory_space<semaphore_mem>>) {add = true}
      %mul3A_64 = arith.constant 8 : i32
      %mul3A_65 = arith.muli %scan3A_45, %mul3A_64 : i32
      %add3A_66 = arith.constant 2 : i32
      %add3A_67 = arith.addi %mul3A_65, %add3A_66 : i32
      %dma_start3A_68 = arith.constant 0 : i32
      %dma_start3A_69 = tpu.memref_slice %arg5[%add3A_67, %dma_start3A_68] : memref<512x80xi32, #tpu.memory_space<vmem>> -> memref<1x80xi32, #tpu.memory_space<vmem>>
      %dma_start3A_70 = tpu.memref_squeeze %dma_start3A_69 : memref<1x80xi32, #tpu.memory_space<vmem>> -> memref<80xi32, #tpu.memory_space<vmem>>
      %dma_start3A_71 = arith.constant 0 : i32
      %dma_start3A_72 = tpu.memref_slice %arg4[%dma_start3A_71] : memref<20480xf32, #tpu.memory_space<vmem_shared>> -> memref<20480xf32, #tpu.memory_space<vmem_shared>>
      tpu.enqueue_indirect_dma source(%arg6 : memref<80xf32, #tpu.memory_space<vmem>>) target(%dma_start3A_72 : memref<20480xf32, #tpu.memory_space<vmem_shared>>) offsets(%dma_start3A_70 : memref<80xi32, #tpu.memory_space<vmem>>) semaphore(%arg8 : memref<!tpu.dma_semaphore, #tpu.memory_space<semaphore_mem>>) {add = true}
      %mul3A_73 = arith.constant 8 : i32
      %mul3A_74 = arith.muli %scan3A_45, %mul3A_73 : i32
      %add3A_75 = arith.constant 3 : i32
      %add3A_76 = arith.addi %mul3A_74, %add3A_75 : i32
      %dma_start3A_77 = arith.constant 0 : i32
      %dma_start3A_78 = tpu.memref_slice %arg5[%add3A_76, %dma_start3A_77] : memref<512x80xi32, #tpu.memory_space<vmem>> -> memref<1x80xi32, #tpu.memory_space<vmem>>
      %dma_start3A_79 = tpu.memref_squeeze %dma_start3A_78 : memref<1x80xi32, #tpu.memory_space<vmem>> -> memref<80xi32, #tpu.memory_space<vmem>>
      %dma_start3A_80 = arith.constant 0 : i32
      %dma_start3A_81 = tpu.memref_slice %arg4[%dma_start3A_80] : memref<20480xf32, #tpu.memory_space<vmem_shared>> -> memref<20480xf32, #tpu.memory_space<vmem_shared>>
      tpu.enqueue_indirect_dma source(%arg6 : memref<80xf32, #tpu.memory_space<vmem>>) target(%dma_start3A_81 : memref<20480xf32, #tpu.memory_space<vmem_shared>>) offsets(%dma_start3A_79 : memref<80xi32, #tpu.memory_space<vmem>>) semaphore(%arg8 : memref<!tpu.dma_semaphore, #tpu.memory_space<semaphore_mem>>) {add = true}
      %mul3A_82 = arith.constant 8 : i32
      %mul3A_83 = arith.muli %scan3A_45, %mul3A_82 : i32
      %add3A_84 = arith.constant 4 : i32
      %add3A_85 = arith.addi %mul3A_83, %add3A_84 : i32
      %dma_start3A_86 = arith.constant 0 : i32
      %dma_start3A_87 = tpu.memref_slice %arg5[%add3A_85, %dma_start3A_86] : memref<512x80xi32, #tpu.memory_space<vmem>> -> memref<1x80xi32, #tpu.memory_space<vmem>>
      %dma_start3A_88 = tpu.memref_squeeze %dma_start3A_87 : memref<1x80xi32, #tpu.memory_space<vmem>> -> memref<80xi32, #tpu.memory_space<vmem>>
      %dma_start3A_89 = arith.constant 0 : i32
      %dma_start3A_90 = tpu.memref_slice %arg4[%dma_start3A_89] : memref<20480xf32, #tpu.memory_space<vmem_shared>> -> memref<20480xf32, #tpu.memory_space<vmem_shared>>
      tpu.enqueue_indirect_dma source(%arg6 : memref<80xf32, #tpu.memory_space<vmem>>) target(%dma_start3A_90 : memref<20480xf32, #tpu.memory_space<vmem_shared>>) offsets(%dma_start3A_88 : memref<80xi32, #tpu.memory_space<vmem>>) semaphore(%arg8 : memref<!tpu.dma_semaphore, #tpu.memory_space<semaphore_mem>>) {add = true}
      %mul3A_91 = arith.constant 8 : i32
      %mul3A_92 = arith.muli %scan3A_45, %mul3A_91 : i32
      %add3A_93 = arith.constant 5 : i32
      %add3A_94 = arith.addi %mul3A_92, %add3A_93 : i32
      %dma_start3A_95 = arith.constant 0 : i32
      %dma_start3A_96 = tpu.memref_slice %arg5[%add3A_94, %dma_start3A_95] : memref<512x80xi32, #tpu.memory_space<vmem>> -> memref<1x80xi32, #tpu.memory_space<vmem>>
      %dma_start3A_97 = tpu.memref_squeeze %dma_start3A_96 : memref<1x80xi32, #tpu.memory_space<vmem>> -> memref<80xi32, #tpu.memory_space<vmem>>
      %dma_start3A_98 = arith.constant 0 : i32
      %dma_start3A_99 = tpu.memref_slice %arg4[%dma_start3A_98] : memref<20480xf32, #tpu.memory_space<vmem_shared>> -> memref<20480xf32, #tpu.memory_space<vmem_shared>>
      tpu.enqueue_indirect_dma source(%arg6 : memref<80xf32, #tpu.memory_space<vmem>>) target(%dma_start3A_99 : memref<20480xf32, #tpu.memory_space<vmem_shared>>) offsets(%dma_start3A_97 : memref<80xi32, #tpu.memory_space<vmem>>) semaphore(%arg8 : memref<!tpu.dma_semaphore, #tpu.memory_space<semaphore_mem>>) {add = true}
      %mul3A_100 = arith.constant 8 : i32
      %mul3A_101 = arith.muli %scan3A_45, %mul3A_100 : i32
      %add3A_102 = arith.constant 6 : i32
      %add3A_103 = arith.addi %mul3A_101, %add3A_102 : i32
      %dma_start3A_104 = arith.constant 0 : i32
      %dma_start3A_105 = tpu.memref_slice %arg5[%add3A_103, %dma_start3A_104] : memref<512x80xi32, #tpu.memory_space<vmem>> -> memref<1x80xi32, #tpu.memory_space<vmem>>
      %dma_start3A_106 = tpu.memref_squeeze %dma_start3A_105 : memref<1x80xi32, #tpu.memory_space<vmem>> -> memref<80xi32, #tpu.memory_space<vmem>>
      %dma_start3A_107 = arith.constant 0 : i32
      %dma_start3A_108 = tpu.memref_slice %arg4[%dma_start3A_107] : memref<20480xf32, #tpu.memory_space<vmem_shared>> -> memref<20480xf32, #tpu.memory_space<vmem_shared>>
      tpu.enqueue_indirect_dma source(%arg6 : memref<80xf32, #tpu.memory_space<vmem>>) target(%dma_start3A_108 : memref<20480xf32, #tpu.memory_space<vmem_shared>>) offsets(%dma_start3A_106 : memref<80xi32, #tpu.memory_space<vmem>>) semaphore(%arg8 : memref<!tpu.dma_semaphore, #tpu.memory_space<semaphore_mem>>) {add = true}
      %mul3A_109 = arith.constant 8 : i32
      %mul3A_110 = arith.muli %scan3A_45, %mul3A_109 : i32
      %add3A_111 = arith.constant 7 : i32
      %add3A_112 = arith.addi %mul3A_110, %add3A_111 : i32
      %dma_start3A_113 = arith.constant 0 : i32
      %dma_start3A_114 = tpu.memref_slice %arg5[%add3A_112, %dma_start3A_113] : memref<512x80xi32, #tpu.memory_space<vmem>> -> memref<1x80xi32, #tpu.memory_space<vmem>>
      %dma_start3A_115 = tpu.memref_squeeze %dma_start3A_114 : memref<1x80xi32, #tpu.memory_space<vmem>> -> memref<80xi32, #tpu.memory_space<vmem>>
      %dma_start3A_116 = arith.constant 0 : i32
      %dma_start3A_117 = tpu.memref_slice %arg4[%dma_start3A_116] : memref<20480xf32, #tpu.memory_space<vmem_shared>> -> memref<20480xf32, #tpu.memory_space<vmem_shared>>
      tpu.enqueue_indirect_dma source(%arg6 : memref<80xf32, #tpu.memory_space<vmem>>) target(%dma_start3A_117 : memref<20480xf32, #tpu.memory_space<vmem_shared>>) offsets(%dma_start3A_115 : memref<80xi32, #tpu.memory_space<vmem>>) semaphore(%arg8 : memref<!tpu.dma_semaphore, #tpu.memory_space<semaphore_mem>>) {add = true}
      %dma_wait3A = arith.constant 0 : i32
      %dma_wait3A_118 = arith.constant 0 : i32
      %dma_wait3A_119 = tpu.memref_slice %arg5[%dma_wait3A, %dma_wait3A_118] : memref<512x80xi32, #tpu.memory_space<vmem>> -> memref<1x80xi32, #tpu.memory_space<vmem>>
      %dma_wait3A_120 = tpu.memref_squeeze %dma_wait3A_119 : memref<1x80xi32, #tpu.memory_space<vmem>> -> memref<80xi32, #tpu.memory_space<vmem>>
      %dma_wait3A_121 = arith.constant 0 : i32
      %dma_wait3A_122 = tpu.memref_slice %arg4[%dma_wait3A_121] : memref<20480xf32, #tpu.memory_space<vmem_shared>> -> memref<20480xf32, #tpu.memory_space<vmem_shared>>
      tpu.wait_indirect_dma semaphore(%arg8 : memref<!tpu.dma_semaphore, #tpu.memory_space<semaphore_mem>>) src(%arg6 : memref<80xf32, #tpu.memory_space<vmem>>) dst(%dma_wait3A_122 : memref<20480xf32, #tpu.memory_space<vmem_shared>>)
      %dma_wait3A_123 = arith.constant 0 : i32
      %dma_wait3A_124 = arith.constant 0 : i32
      %dma_wait3A_125 = tpu.memref_slice %arg5[%dma_wait3A_123, %dma_wait3A_124] : memref<512x80xi32, #tpu.memory_space<vmem>> -> memref<1x80xi32, #tpu.memory_space<vmem>>
      %dma_wait3A_126 = tpu.memref_squeeze %dma_wait3A_125 : memref<1x80xi32, #tpu.memory_space<vmem>> -> memref<80xi32, #tpu.memory_space<vmem>>
      %dma_wait3A_127 = arith.constant 0 : i32
      %dma_wait3A_128 = tpu.memref_slice %arg4[%dma_wait3A_127] : memref<20480xf32, #tpu.memory_space<vmem_shared>> -> memref<20480xf32, #tpu.memory_space<vmem_shared>>
      tpu.wait_indirect_dma semaphore(%arg8 : memref<!tpu.dma_semaphore, #tpu.memory_space<semaphore_mem>>) src(%arg6 : memref<80xf32, #tpu.memory_space<vmem>>) dst(%dma_wait3A_128 : memref<20480xf32, #tpu.memory_space<vmem_shared>>)
      %dma_wait3A_129 = arith.constant 0 : i32
      %dma_wait3A_130 = arith.constant 0 : i32
      %dma_wait3A_131 = tpu.memref_slice %arg5[%dma_wait3A_129, %dma_wait3A_130] : memref<512x80xi32, #tpu.memory_space<vmem>> -> memref<1x80xi32, #tpu.memory_space<vmem>>
      %dma_wait3A_132 = tpu.memref_squeeze %dma_wait3A_131 : memref<1x80xi32, #tpu.memory_space<vmem>> -> memref<80xi32, #tpu.memory_space<vmem>>
      %dma_wait3A_133 = arith.constant 0 : i32
      %dma_wait3A_134 = tpu.memref_slice %arg4[%dma_wait3A_133] : memref<20480xf32, #tpu.memory_space<vmem_shared>> -> memref<20480xf32, #tpu.memory_space<vmem_shared>>
      tpu.wait_indirect_dma semaphore(%arg8 : memref<!tpu.dma_semaphore, #tpu.memory_space<semaphore_mem>>) src(%arg6 : memref<80xf32, #tpu.memory_space<vmem>>) dst(%dma_wait3A_134 : memref<20480xf32, #tpu.memory_space<vmem_shared>>)
      %dma_wait3A_135 = arith.constant 0 : i32
      %dma_wait3A_136 = arith.constant 0 : i32
      %dma_wait3A_137 = tpu.memref_slice %arg5[%dma_wait3A_135, %dma_wait3A_136] : memref<512x80xi32, #tpu.memory_space<vmem>> -> memref<1x80xi32, #tpu.memory_space<vmem>>
      %dma_wait3A_138 = tpu.memref_squeeze %dma_wait3A_137 : memref<1x80xi32, #tpu.memory_space<vmem>> -> memref<80xi32, #tpu.memory_space<vmem>>
      %dma_wait3A_139 = arith.constant 0 : i32
      %dma_wait3A_140 = tpu.memref_slice %arg4[%dma_wait3A_139] : memref<20480xf32, #tpu.memory_space<vmem_shared>> -> memref<20480xf32, #tpu.memory_space<vmem_shared>>
      tpu.wait_indirect_dma semaphore(%arg8 : memref<!tpu.dma_semaphore, #tpu.memory_space<semaphore_mem>>) src(%arg6 : memref<80xf32, #tpu.memory_space<vmem>>) dst(%dma_wait3A_140 : memref<20480xf32, #tpu.memory_space<vmem_shared>>)
      %dma_wait3A_141 = arith.constant 0 : i32
      %dma_wait3A_142 = arith.constant 0 : i32
      %dma_wait3A_143 = tpu.memref_slice %arg5[%dma_wait3A_141, %dma_wait3A_142] : memref<512x80xi32, #tpu.memory_space<vmem>> -> memref<1x80xi32, #tpu.memory_space<vmem>>
      %dma_wait3A_144 = tpu.memref_squeeze %dma_wait3A_143 : memref<1x80xi32, #tpu.memory_space<vmem>> -> memref<80xi32, #tpu.memory_space<vmem>>
      %dma_wait3A_145 = arith.constant 0 : i32
      %dma_wait3A_146 = tpu.memref_slice %arg4[%dma_wait3A_145] : memref<20480xf32, #tpu.memory_space<vmem_shared>> -> memref<20480xf32, #tpu.memory_space<vmem_shared>>
      tpu.wait_indirect_dma semaphore(%arg8 : memref<!tpu.dma_semaphore, #tpu.memory_space<semaphore_mem>>) src(%arg6 : memref<80xf32, #tpu.memory_space<vmem>>) dst(%dma_wait3A_146 : memref<20480xf32, #tpu.memory_space<vmem_shared>>)
      %dma_wait3A_147 = arith.constant 0 : i32
      %dma_wait3A_148 = arith.constant 0 : i32
      %dma_wait3A_149 = tpu.memref_slice %arg5[%dma_wait3A_147, %dma_wait3A_148] : memref<512x80xi32, #tpu.memory_space<vmem>> -> memref<1x80xi32, #tpu.memory_space<vmem>>
      %dma_wait3A_150 = tpu.memref_squeeze %dma_wait3A_149 : memref<1x80xi32, #tpu.memory_space<vmem>> -> memref<80xi32, #tpu.memory_space<vmem>>
      %dma_wait3A_151 = arith.constant 0 : i32
      %dma_wait3A_152 = tpu.memref_slice %arg4[%dma_wait3A_151] : memref<20480xf32, #tpu.memory_space<vmem_shared>> -> memref<20480xf32, #tpu.memory_space<vmem_shared>>
      tpu.wait_indirect_dma semaphore(%arg8 : memref<!tpu.dma_semaphore, #tpu.memory_space<semaphore_mem>>) src(%arg6 : memref<80xf32, #tpu.memory_space<vmem>>) dst(%dma_wait3A_152 : memref<20480xf32, #tpu.memory_space<vmem_shared>>)
      %dma_wait3A_153 = arith.constant 0 : i32
      %dma_wait3A_154 = arith.constant 0 : i32
      %dma_wait3A_155 = tpu.memref_slice %arg5[%dma_wait3A_153, %dma_wait3A_154] : memref<512x80xi32, #tpu.memory_space<vmem>> -> memref<1x80xi32, #tpu.memory_space<vmem>>
      %dma_wait3A_156 = tpu.memref_squeeze %dma_wait3A_155 : memref<1x80xi32, #tpu.memory_space<vmem>> -> memref<80xi32, #tpu.memory_space<vmem>>
      %dma_wait3A_157 = arith.constant 0 : i32
      %dma_wait3A_158 = tpu.memref_slice %arg4[%dma_wait3A_157] : memref<20480xf32, #tpu.memory_space<vmem_shared>> -> memref<20480xf32, #tpu.memory_space<vmem_shared>>
      tpu.wait_indirect_dma semaphore(%arg8 : memref<!tpu.dma_semaphore, #tpu.memory_space<semaphore_mem>>) src(%arg6 : memref<80xf32, #tpu.memory_space<vmem>>) dst(%dma_wait3A_158 : memref<20480xf32, #tpu.memory_space<vmem_shared>>)
      %dma_wait3A_159 = arith.constant 0 : i32
      %dma_wait3A_160 = arith.constant 0 : i32
      %dma_wait3A_161 = tpu.memref_slice %arg5[%dma_wait3A_159, %dma_wait3A_160] : memref<512x80xi32, #tpu.memory_space<vmem>> -> memref<1x80xi32, #tpu.memory_space<vmem>>
      %dma_wait3A_162 = tpu.memref_squeeze %dma_wait3A_161 : memref<1x80xi32, #tpu.memory_space<vmem>> -> memref<80xi32, #tpu.memory_space<vmem>>
      %dma_wait3A_163 = arith.constant 0 : i32
      %dma_wait3A_164 = tpu.memref_slice %arg4[%dma_wait3A_163] : memref<20480xf32, #tpu.memory_space<vmem_shared>> -> memref<20480xf32, #tpu.memory_space<vmem_shared>>
      tpu.wait_indirect_dma semaphore(%arg8 : memref<!tpu.dma_semaphore, #tpu.memory_space<semaphore_mem>>) src(%arg6 : memref<80xf32, #tpu.memory_space<vmem>>) dst(%dma_wait3A_164 : memref<20480xf32, #tpu.memory_space<vmem_shared>>)
      %scan3A_165 = arith.constant 0 : i32
      scf.yield %scan3A_165 : i32
    }
    %scan3A_39 = arith.constant 64 : i32
    %barrier3A_40 = arith.constant 0 : index
    tpu.barrier barrier_id(%barrier3A_40)
    %mul3A_41 = arith.constant 1280 : i32
    %mul3A_42 = arith.muli %arg1, %mul3A_41 : i32
    %mul3A_43 = arith.constant 1280 : i32
    %mul3A_44 = arith.muli %arg1, %mul3A_43 : i32
    "tpu.region"() ({
      %run_scoped3A = tpu.sem_alloc : memref<!tpu.dma_semaphore, #tpu.memory_space<semaphore_mem>>
      %dma_start3A = tpu.memref_slice %arg3[%arg0, %mul3A_44] : memref<2x20480xf32, #tpu.memory_space<hbm>> -> memref<1x1280xf32, #tpu.memory_space<hbm>>
      %dma_start3A_45 = tpu.memref_squeeze %dma_start3A : memref<1x1280xf32, #tpu.memory_space<hbm>> -> memref<1280xf32, #tpu.memory_space<hbm>>
      %dma_start3A_46 = tpu.memref_slice %arg4[%mul3A_42] : memref<20480xf32, #tpu.memory_space<vmem_shared>> -> memref<1280xf32, #tpu.memory_space<vmem_shared>>
      tpu.enqueue_dma source(%dma_start3A_46 : memref<1280xf32, #tpu.memory_space<vmem_shared>>) target(%dma_start3A_45 : memref<1280xf32, #tpu.memory_space<hbm>>) target_semaphore(%run_scoped3A : memref<!tpu.dma_semaphore, #tpu.memory_space<semaphore_mem>>)
      %dma_wait3A = tpu.memref_slice %arg3[%arg0, %mul3A_44] : memref<2x20480xf32, #tpu.memory_space<hbm>> -> memref<1x1280xf32, #tpu.memory_space<hbm>>
      %dma_wait3A_47 = tpu.memref_squeeze %dma_wait3A : memref<1x1280xf32, #tpu.memory_space<hbm>> -> memref<1280xf32, #tpu.memory_space<hbm>>
      %dma_wait3A_48 = tpu.memref_slice %arg4[%mul3A_42] : memref<20480xf32, #tpu.memory_space<vmem_shared>> -> memref<1280xf32, #tpu.memory_space<vmem_shared>>
      tpu.wait_dma2 semaphore(%run_scoped3A : memref<!tpu.dma_semaphore, #tpu.memory_space<semaphore_mem>>) src(%dma_wait3A_48 : memref<1280xf32, #tpu.memory_space<vmem_shared>>) dst(%dma_wait3A_47 : memref<1280xf32, #tpu.memory_space<hbm>>)
      tpu.yield
    }) : () -> ()
    return
  }
}

#map = affine_map<(d0, d1) -> (0, 0)>
#map1 = affine_map<(d0, d1) -> (0, 0, 0, 0, 0)>
#map2 = affine_map<(d0, d1) -> (0, 0, 0)>
module attributes {stable_mosaic.version = 14 : i64} {
  func.func @_sc_agg_body(%arg0: i32, %arg1: i32, %arg2: memref<20000x128xf32, #tpu.memory_space<hbm>>, %arg3: memref<2x16x167x2x120xi32, #tpu.memory_space<hbm>>, %arg4: memref<2x10112x128xf32, #tpu.memory_space<hbm>>, %arg5: memref<10112x128xf32, #tpu.memory_space<vmem_shared>>, %arg6: memref<3x2x120xi32, #tpu.memory_space<vmem>>, %arg7: memref<3x120x128xf32, #tpu.memory_space<vmem>>, %arg8: memref<!tpu.dma_semaphore, #tpu.memory_space<semaphore_mem>>, %arg9: memref<!tpu.dma_semaphore, #tpu.memory_space<semaphore_mem>>, %arg10: memref<!tpu.dma_semaphore, #tpu.memory_space<semaphore_mem>>, %arg11: memref<!tpu.dma_semaphore, #tpu.memory_space<semaphore_mem>>, %arg12: memref<!tpu.dma_semaphore, #tpu.memory_space<semaphore_mem>>, %arg13: memref<!tpu.dma_semaphore, #tpu.memory_space<semaphore_mem>>, %arg14: memref<!tpu.dma_semaphore, #tpu.memory_space<semaphore_mem>>, %arg15: memref<!tpu.dma_semaphore, #tpu.memory_space<semaphore_mem>>, %arg16: memref<!tpu.dma_semaphore, #tpu.memory_space<semaphore_mem>>) attributes {dimension_semantics = [#tpu.dimension_semantics<core_parallel>, #tpu.dimension_semantics<subcore_parallel>], iteration_bounds = array<i64: 2, 16>, scalar_prefetch = 0 : i64, scratch_operands = 12 : i64, tpu.core_type = #tpu.core_type<sc_vector_subcore>, window_params = [{transform_indices = #map}, {transform_indices = #map1}, {transform_indices = #map2}]} {
    %broadcast_in_dim3A = arith.constant 0.000000e+00 : f32
    %broadcast_in_dim3A_0 = vector.broadcast %broadcast_in_dim3A : f32 to vector<16xf32>
    %swap3A = arith.constant 0 : i32
    %swap3A_1 = arith.constant 0 : i32
    %swap3A_2 = arith.index_cast %swap3A : i32 to index
    %swap3A_3 = arith.index_cast %swap3A_1 : i32 to index
    %swap3A_4 = arith.constant 0 : index
    %swap3A_5 = tpu.vector_load %arg7[%swap3A_2, %swap3A_3, %swap3A_4] {strides = array<i32>} : memref<3x120x128xf32, #tpu.memory_space<vmem>>, vector<1x1x16xf32>,
    %swap3A_6 = vector.shape_cast %swap3A_5 : vector<1x1x16xf32> to vector<16xf32>
    %swap3A_7 = vector.shape_cast %broadcast_in_dim3A_0 : vector<16xf32> to vector<1x1x16xf32>
    tpu.vector_store %arg7[%swap3A_2, %swap3A_3, %swap3A_4], %swap3A_7 {strides = array<i32>} : memref<3x120x128xf32, #tpu.memory_space<vmem>>, vector<1x1x16xf32>,
    %swap3A_8 = arith.constant 0 : i32
    %swap3A_9 = arith.constant 0 : i32
    %swap3A_10 = arith.index_cast %swap3A_8 : i32 to index
    %swap3A_11 = arith.index_cast %swap3A_9 : i32 to index
    %swap3A_12 = arith.constant 16 : index
    %swap3A_13 = tpu.vector_load %arg7[%swap3A_10, %swap3A_11, %swap3A_12] {strides = array<i32>} : memref<3x120x128xf32, #tpu.memory_space<vmem>>, vector<1x1x16xf32>,
    %swap3A_14 = vector.shape_cast %swap3A_13 : vector<1x1x16xf32> to vector<16xf32>
    %swap3A_15 = vector.shape_cast %broadcast_in_dim3A_0 : vector<16xf32> to vector<1x1x16xf32>
    tpu.vector_store %arg7[%swap3A_10, %swap3A_11, %swap3A_12], %swap3A_15 {strides = array<i32>} : memref<3x120x128xf32, #tpu.memory_space<vmem>>, vector<1x1x16xf32>,
    %swap3A_16 = arith.constant 0 : i32
    %swap3A_17 = arith.constant 0 : i32
    %swap3A_18 = arith.index_cast %swap3A_16 : i32 to index
    %swap3A_19 = arith.index_cast %swap3A_17 : i32 to index
    %swap3A_20 = arith.constant 32 : index
    %swap3A_21 = tpu.vector_load %arg7[%swap3A_18, %swap3A_19, %swap3A_20] {strides = array<i32>} : memref<3x120x128xf32, #tpu.memory_space<vmem>>, vector<1x1x16xf32>,
    %swap3A_22 = vector.shape_cast %swap3A_21 : vector<1x1x16xf32> to vector<16xf32>
    %swap3A_23 = vector.shape_cast %broadcast_in_dim3A_0 : vector<16xf32> to vector<1x1x16xf32>
    tpu.vector_store %arg7[%swap3A_18, %swap3A_19, %swap3A_20], %swap3A_23 {strides = array<i32>} : memref<3x120x128xf32, #tpu.memory_space<vmem>>, vector<1x1x16xf32>,
    %swap3A_24 = arith.constant 0 : i32
    %swap3A_25 = arith.constant 0 : i32
    %swap3A_26 = arith.index_cast %swap3A_24 : i32 to index
    %swap3A_27 = arith.index_cast %swap3A_25 : i32 to index
    %swap3A_28 = arith.constant 48 : index
    %swap3A_29 = tpu.vector_load %arg7[%swap3A_26, %swap3A_27, %swap3A_28] {strides = array<i32>} : memref<3x120x128xf32, #tpu.memory_space<vmem>>, vector<1x1x16xf32>,
    %swap3A_30 = vector.shape_cast %swap3A_29 : vector<1x1x16xf32> to vector<16xf32>
    %swap3A_31 = vector.shape_cast %broadcast_in_dim3A_0 : vector<16xf32> to vector<1x1x16xf32>
    tpu.vector_store %arg7[%swap3A_26, %swap3A_27, %swap3A_28], %swap3A_31 {strides = array<i32>} : memref<3x120x128xf32, #tpu.memory_space<vmem>>, vector<1x1x16xf32>,
    %swap3A_32 = arith.constant 0 : i32
    %swap3A_33 = arith.constant 0 : i32
    %swap3A_34 = arith.index_cast %swap3A_32 : i32 to index
    %swap3A_35 = arith.index_cast %swap3A_33 : i32 to index
    %swap3A_36 = arith.constant 64 : index
    %swap3A_37 = tpu.vector_load %arg7[%swap3A_34, %swap3A_35, %swap3A_36] {strides = array<i32>} : memref<3x120x128xf32, #tpu.memory_space<vmem>>, vector<1x1x16xf32>,
    %swap3A_38 = vector.shape_cast %swap3A_37 : vector<1x1x16xf32> to vector<16xf32>
    %swap3A_39 = vector.shape_cast %broadcast_in_dim3A_0 : vector<16xf32> to vector<1x1x16xf32>
    tpu.vector_store %arg7[%swap3A_34, %swap3A_35, %swap3A_36], %swap3A_39 {strides = array<i32>} : memref<3x120x128xf32, #tpu.memory_space<vmem>>, vector<1x1x16xf32>,
    %swap3A_40 = arith.constant 0 : i32
    %swap3A_41 = arith.constant 0 : i32
    %swap3A_42 = arith.index_cast %swap3A_40 : i32 to index
    %swap3A_43 = arith.index_cast %swap3A_41 : i32 to index
    %swap3A_44 = arith.constant 80 : index
    %swap3A_45 = tpu.vector_load %arg7[%swap3A_42, %swap3A_43, %swap3A_44] {strides = array<i32>} : memref<3x120x128xf32, #tpu.memory_space<vmem>>, vector<1x1x16xf32>,
    %swap3A_46 = vector.shape_cast %swap3A_45 : vector<1x1x16xf32> to vector<16xf32>
    %swap3A_47 = vector.shape_cast %broadcast_in_dim3A_0 : vector<16xf32> to vector<1x1x16xf32>
    tpu.vector_store %arg7[%swap3A_42, %swap3A_43, %swap3A_44], %swap3A_47 {strides = array<i32>} : memref<3x120x128xf32, #tpu.memory_space<vmem>>, vector<1x1x16xf32>,
    %swap3A_48 = arith.constant 0 : i32
    %swap3A_49 = arith.constant 0 : i32
    %swap3A_50 = arith.index_cast %swap3A_48 : i32 to index
    %swap3A_51 = arith.index_cast %swap3A_49 : i32 to index
    %swap3A_52 = arith.constant 96 : index
    %swap3A_53 = tpu.vector_load %arg7[%swap3A_50, %swap3A_51, %swap3A_52] {strides = array<i32>} : memref<3x120x128xf32, #tpu.memory_space<vmem>>, vector<1x1x16xf32>,
    %swap3A_54 = vector.shape_cast %swap3A_53 : vector<1x1x16xf32> to vector<16xf32>
    %swap3A_55 = vector.shape_cast %broadcast_in_dim3A_0 : vector<16xf32> to vector<1x1x16xf32>
    tpu.vector_store %arg7[%swap3A_50, %swap3A_51, %swap3A_52], %swap3A_55 {strides = array<i32>} : memref<3x120x128xf32, #tpu.memory_space<vmem>>, vector<1x1x16xf32>,
    %swap3A_56 = arith.constant 0 : i32
    %swap3A_57 = arith.constant 0 : i32
    %swap3A_58 = arith.index_cast %swap3A_56 : i32 to index
    %swap3A_59 = arith.index_cast %swap3A_57 : i32 to index
    %swap3A_60 = arith.constant 112 : index
    %swap3A_61 = tpu.vector_load %arg7[%swap3A_58, %swap3A_59, %swap3A_60] {strides = array<i32>} : memref<3x120x128xf32, #tpu.memory_space<vmem>>, vector<1x1x16xf32>,
    %swap3A_62 = vector.shape_cast %swap3A_61 : vector<1x1x16xf32> to vector<16xf32>
    %swap3A_63 = vector.shape_cast %broadcast_in_dim3A_0 : vector<16xf32> to vector<1x1x16xf32>
    tpu.vector_store %arg7[%swap3A_58, %swap3A_59, %swap3A_60], %swap3A_63 {strides = array<i32>} : memref<3x120x128xf32, #tpu.memory_space<vmem>>, vector<1x1x16xf32>,
    %swap3A_64 = arith.constant 0 : i32
    %swap3A_65 = arith.constant 1 : i32
    %swap3A_66 = arith.index_cast %swap3A_64 : i32 to index
    %swap3A_67 = arith.index_cast %swap3A_65 : i32 to index
    %swap3A_68 = arith.constant 0 : index
    %swap3A_69 = tpu.vector_load %arg7[%swap3A_66, %swap3A_67, %swap3A_68] {strides = array<i32>} : memref<3x120x128xf32, #tpu.memory_space<vmem>>, vector<1x1x16xf32>,
    %swap3A_70 = vector.shape_cast %swap3A_69 : vector<1x1x16xf32> to vector<16xf32>
    %swap3A_71 = vector.shape_cast %broadcast_in_dim3A_0 : vector<16xf32> to vector<1x1x16xf32>
    tpu.vector_store %arg7[%swap3A_66, %swap3A_67, %swap3A_68], %swap3A_71 {strides = array<i32>} : memref<3x120x128xf32, #tpu.memory_space<vmem>>, vector<1x1x16xf32>,
    %swap3A_72 = arith.constant 0 : i32
    %swap3A_73 = arith.constant 1 : i32
    %swap3A_74 = arith.index_cast %swap3A_72 : i32 to index
    %swap3A_75 = arith.index_cast %swap3A_73 : i32 to index
    %swap3A_76 = arith.constant 16 : index
    %swap3A_77 = tpu.vector_load %arg7[%swap3A_74, %swap3A_75, %swap3A_76] {strides = array<i32>} : memref<3x120x128xf32, #tpu.memory_space<vmem>>, vector<1x1x16xf32>,
    %swap3A_78 = vector.shape_cast %swap3A_77 : vector<1x1x16xf32> to vector<16xf32>
    %swap3A_79 = vector.shape_cast %broadcast_in_dim3A_0 : vector<16xf32> to vector<1x1x16xf32>
    tpu.vector_store %arg7[%swap3A_74, %swap3A_75, %swap3A_76], %swap3A_79 {strides = array<i32>} : memref<3x120x128xf32, #tpu.memory_space<vmem>>, vector<1x1x16xf32>,
    %swap3A_80 = arith.constant 0 : i32
    %swap3A_81 = arith.constant 1 : i32
    %swap3A_82 = arith.index_cast %swap3A_80 : i32 to index
    %swap3A_83 = arith.index_cast %swap3A_81 : i32 to index
    %swap3A_84 = arith.constant 32 : index
    %swap3A_85 = tpu.vector_load %arg7[%swap3A_82, %swap3A_83, %swap3A_84] {strides = array<i32>} : memref<3x120x128xf32, #tpu.memory_space<vmem>>, vector<1x1x16xf32>,
    %swap3A_86 = vector.shape_cast %swap3A_85 : vector<1x1x16xf32> to vector<16xf32>
    %swap3A_87 = vector.shape_cast %broadcast_in_dim3A_0 : vector<16xf32> to vector<1x1x16xf32>
    tpu.vector_store %arg7[%swap3A_82, %swap3A_83, %swap3A_84], %swap3A_87 {strides = array<i32>} : memref<3x120x128xf32, #tpu.memory_space<vmem>>, vector<1x1x16xf32>,
    %swap3A_88 = arith.constant 0 : i32
    %swap3A_89 = arith.constant 1 : i32
    %swap3A_90 = arith.index_cast %swap3A_88 : i32 to index
    %swap3A_91 = arith.index_cast %swap3A_89 : i32 to index
    %swap3A_92 = arith.constant 48 : index
    %swap3A_93 = tpu.vector_load %arg7[%swap3A_90, %swap3A_91, %swap3A_92] {strides = array<i32>} : memref<3x120x128xf32, #tpu.memory_space<vmem>>, vector<1x1x16xf32>,
    %swap3A_94 = vector.shape_cast %swap3A_93 : vector<1x1x16xf32> to vector<16xf32>
    %swap3A_95 = vector.shape_cast %broadcast_in_dim3A_0 : vector<16xf32> to vector<1x1x16xf32>
    tpu.vector_store %arg7[%swap3A_90, %swap3A_91, %swap3A_92], %swap3A_95 {strides = array<i32>} : memref<3x120x128xf32, #tpu.memory_space<vmem>>, vector<1x1x16xf32>,
    %swap3A_96 = arith.constant 0 : i32
    %swap3A_97 = arith.constant 1 : i32
    %swap3A_98 = arith.index_cast %swap3A_96 : i32 to index
    %swap3A_99 = arith.index_cast %swap3A_97 : i32 to index
    %swap3A_100 = arith.constant 64 : index
    %swap3A_101 = tpu.vector_load %arg7[%swap3A_98, %swap3A_99, %swap3A_100] {strides = array<i32>} : memref<3x120x128xf32, #tpu.memory_space<vmem>>, vector<1x1x16xf32>,
    %swap3A_102 = vector.shape_cast %swap3A_101 : vector<1x1x16xf32> to vector<16xf32>
    %swap3A_103 = vector.shape_cast %broadcast_in_dim3A_0 : vector<16xf32> to vector<1x1x16xf32>
    tpu.vector_store %arg7[%swap3A_98, %swap3A_99, %swap3A_100], %swap3A_103 {strides = array<i32>} : memref<3x120x128xf32, #tpu.memory_space<vmem>>, vector<1x1x16xf32>,
    %swap3A_104 = arith.constant 0 : i32
    %swap3A_105 = arith.constant 1 : i32
    %swap3A_106 = arith.index_cast %swap3A_104 : i32 to index
    %swap3A_107 = arith.index_cast %swap3A_105 : i32 to index
    %swap3A_108 = arith.constant 80 : index
    %swap3A_109 = tpu.vector_load %arg7[%swap3A_106, %swap3A_107, %swap3A_108] {strides = array<i32>} : memref<3x120x128xf32, #tpu.memory_space<vmem>>, vector<1x1x16xf32>,
    %swap3A_110 = vector.shape_cast %swap3A_109 : vector<1x1x16xf32> to vector<16xf32>
    %swap3A_111 = vector.shape_cast %broadcast_in_dim3A_0 : vector<16xf32> to vector<1x1x16xf32>
    tpu.vector_store %arg7[%swap3A_106, %swap3A_107, %swap3A_108], %swap3A_111 {strides = array<i32>} : memref<3x120x128xf32, #tpu.memory_space<vmem>>, vector<1x1x16xf32>,
    %swap3A_112 = arith.constant 0 : i32
    %swap3A_113 = arith.constant 1 : i32
    %swap3A_114 = arith.index_cast %swap3A_112 : i32 to index
    %swap3A_115 = arith.index_cast %swap3A_113 : i32 to index
    %swap3A_116 = arith.constant 96 : index
    %swap3A_117 = tpu.vector_load %arg7[%swap3A_114, %swap3A_115, %swap3A_116] {strides = array<i32>} : memref<3x120x128xf32, #tpu.memory_space<vmem>>, vector<1x1x16xf32>,
    %swap3A_118 = vector.shape_cast %swap3A_117 : vector<1x1x16xf32> to vector<16xf32>
    %swap3A_119 = vector.shape_cast %broadcast_in_dim3A_0 : vector<16xf32> to vector<1x1x16xf32>
    tpu.vector_store %arg7[%swap3A_114, %swap3A_115, %swap3A_116], %swap3A_119 {strides = array<i32>} : memref<3x120x128xf32, #tpu.memory_space<vmem>>, vector<1x1x16xf32>,
    %swap3A_120 = arith.constant 0 : i32
    %swap3A_121 = arith.constant 1 : i32
    %swap3A_122 = arith.index_cast %swap3A_120 : i32 to index
    %swap3A_123 = arith.index_cast %swap3A_121 : i32 to index
    %swap3A_124 = arith.constant 112 : index
    %swap3A_125 = tpu.vector_load %arg7[%swap3A_122, %swap3A_123, %swap3A_124] {strides = array<i32>} : memref<3x120x128xf32, #tpu.memory_space<vmem>>, vector<1x1x16xf32>,
    %swap3A_126 = vector.shape_cast %swap3A_125 : vector<1x1x16xf32> to vector<16xf32>
    %swap3A_127 = vector.shape_cast %broadcast_in_dim3A_0 : vector<16xf32> to vector<1x1x16xf32>
    tpu.vector_store %arg7[%swap3A_122, %swap3A_123, %swap3A_124], %swap3A_127 {strides = array<i32>} : memref<3x120x128xf32, #tpu.memory_space<vmem>>, vector<1x1x16xf32>,
    %swap3A_128 = arith.constant 0 : i32
    %swap3A_129 = arith.constant 2 : i32
    %swap3A_130 = arith.index_cast %swap3A_128 : i32 to index
    %swap3A_131 = arith.index_cast %swap3A_129 : i32 to index
    %swap3A_132 = arith.constant 0 : index
    %swap3A_133 = tpu.vector_load %arg7[%swap3A_130, %swap3A_131, %swap3A_132] {strides = array<i32>} : memref<3x120x128xf32, #tpu.memory_space<vmem>>, vector<1x1x16xf32>,
    %swap3A_134 = vector.shape_cast %swap3A_133 : vector<1x1x16xf32> to vector<16xf32>
    %swap3A_135 = vector.shape_cast %broadcast_in_dim3A_0 : vector<16xf32> to vector<1x1x16xf32>
    tpu.vector_store %arg7[%swap3A_130, %swap3A_131, %swap3A_132], %swap3A_135 {strides = array<i32>} : memref<3x120x128xf32, #tpu.memory_space<vmem>>, vector<1x1x16xf32>,
    %swap3A_136 = arith.constant 0 : i32
    %swap3A_137 = arith.constant 2 : i32
    %swap3A_138 = arith.index_cast %swap3A_136 : i32 to index
    %swap3A_139 = arith.index_cast %swap3A_137 : i32 to index
    %swap3A_140 = arith.constant 16 : index
    %swap3A_141 = tpu.vector_load %arg7[%swap3A_138, %swap3A_139, %swap3A_140] {strides = array<i32>} : memref<3x120x128xf32, #tpu.memory_space<vmem>>, vector<1x1x16xf32>,
    %swap3A_142 = vector.shape_cast %swap3A_141 : vector<1x1x16xf32> to vector<16xf32>
    %swap3A_143 = vector.shape_cast %broadcast_in_dim3A_0 : vector<16xf32> to vector<1x1x16xf32>
    tpu.vector_store %arg7[%swap3A_138, %swap3A_139, %swap3A_140], %swap3A_143 {strides = array<i32>} : memref<3x120x128xf32, #tpu.memory_space<vmem>>, vector<1x1x16xf32>,
    %swap3A_144 = arith.constant 0 : i32
    %swap3A_145 = arith.constant 2 : i32
    %swap3A_146 = arith.index_cast %swap3A_144 : i32 to index
    %swap3A_147 = arith.index_cast %swap3A_145 : i32 to index
    %swap3A_148 = arith.constant 32 : index
    %swap3A_149 = tpu.vector_load %arg7[%swap3A_146, %swap3A_147, %swap3A_148] {strides = array<i32>} : memref<3x120x128xf32, #tpu.memory_space<vmem>>, vector<1x1x16xf32>,
    %swap3A_150 = vector.shape_cast %swap3A_149 : vector<1x1x16xf32> to vector<16xf32>
    %swap3A_151 = vector.shape_cast %broadcast_in_dim3A_0 : vector<16xf32> to vector<1x1x16xf32>
    tpu.vector_store %arg7[%swap3A_146, %swap3A_147, %swap3A_148], %swap3A_151 {strides = array<i32>} : memref<3x120x128xf32, #tpu.memory_space<vmem>>, vector<1x1x16xf32>,
    %swap3A_152 = arith.constant 0 : i32
    %swap3A_153 = arith.constant 2 : i32
    %swap3A_154 = arith.index_cast %swap3A_152 : i32 to index
    %swap3A_155 = arith.index_cast %swap3A_153 : i32 to index
    %swap3A_156 = arith.constant 48 : index
    %swap3A_157 = tpu.vector_load %arg7[%swap3A_154, %swap3A_155, %swap3A_156] {strides = array<i32>} : memref<3x120x128xf32, #tpu.memory_space<vmem>>, vector<1x1x16xf32>,
    %swap3A_158 = vector.shape_cast %swap3A_157 : vector<1x1x16xf32> to vector<16xf32>
    %swap3A_159 = vector.shape_cast %broadcast_in_dim3A_0 : vector<16xf32> to vector<1x1x16xf32>
    tpu.vector_store %arg7[%swap3A_154, %swap3A_155, %swap3A_156], %swap3A_159 {strides = array<i32>} : memref<3x120x128xf32, #tpu.memory_space<vmem>>, vector<1x1x16xf32>,
    %swap3A_160 = arith.constant 0 : i32
    %swap3A_161 = arith.constant 2 : i32
    %swap3A_162 = arith.index_cast %swap3A_160 : i32 to index
    %swap3A_163 = arith.index_cast %swap3A_161 : i32 to index
    %swap3A_164 = arith.constant 64 : index
    %swap3A_165 = tpu.vector_load %arg7[%swap3A_162, %swap3A_163, %swap3A_164] {strides = array<i32>} : memref<3x120x128xf32, #tpu.memory_space<vmem>>, vector<1x1x16xf32>,
    %swap3A_166 = vector.shape_cast %swap3A_165 : vector<1x1x16xf32> to vector<16xf32>
    %swap3A_167 = vector.shape_cast %broadcast_in_dim3A_0 : vector<16xf32> to vector<1x1x16xf32>
    tpu.vector_store %arg7[%swap3A_162, %swap3A_163, %swap3A_164], %swap3A_167 {strides = array<i32>} : memref<3x120x128xf32, #tpu.memory_space<vmem>>, vector<1x1x16xf32>,
    %swap3A_168 = arith.constant 0 : i32
    %swap3A_169 = arith.constant 2 : i32
    %swap3A_170 = arith.index_cast %swap3A_168 : i32 to index
    %swap3A_171 = arith.index_cast %swap3A_169 : i32 to index
    %swap3A_172 = arith.constant 80 : index
    %swap3A_173 = tpu.vector_load %arg7[%swap3A_170, %swap3A_171, %swap3A_172] {strides = array<i32>} : memref<3x120x128xf32, #tpu.memory_space<vmem>>, vector<1x1x16xf32>,
    %swap3A_174 = vector.shape_cast %swap3A_173 : vector<1x1x16xf32> to vector<16xf32>
    %swap3A_175 = vector.shape_cast %broadcast_in_dim3A_0 : vector<16xf32> to vector<1x1x16xf32>
    tpu.vector_store %arg7[%swap3A_170, %swap3A_171, %swap3A_172], %swap3A_175 {strides = array<i32>} : memref<3x120x128xf32, #tpu.memory_space<vmem>>, vector<1x1x16xf32>,
    %swap3A_176 = arith.constant 0 : i32
    %swap3A_177 = arith.constant 2 : i32
    %swap3A_178 = arith.index_cast %swap3A_176 : i32 to index
    %swap3A_179 = arith.index_cast %swap3A_177 : i32 to index
    %swap3A_180 = arith.constant 96 : index
    %swap3A_181 = tpu.vector_load %arg7[%swap3A_178, %swap3A_179, %swap3A_180] {strides = array<i32>} : memref<3x120x128xf32, #tpu.memory_space<vmem>>, vector<1x1x16xf32>,
    %swap3A_182 = vector.shape_cast %swap3A_181 : vector<1x1x16xf32> to vector<16xf32>
    %swap3A_183 = vector.shape_cast %broadcast_in_dim3A_0 : vector<16xf32> to vector<1x1x16xf32>
    tpu.vector_store %arg7[%swap3A_178, %swap3A_179, %swap3A_180], %swap3A_183 {strides = array<i32>} : memref<3x120x128xf32, #tpu.memory_space<vmem>>, vector<1x1x16xf32>,
    %swap3A_184 = arith.constant 0 : i32
    %swap3A_185 = arith.constant 2 : i32
    %swap3A_186 = arith.index_cast %swap3A_184 : i32 to index
    %swap3A_187 = arith.index_cast %swap3A_185 : i32 to index
    %swap3A_188 = arith.constant 112 : index
    %swap3A_189 = tpu.vector_load %arg7[%swap3A_186, %swap3A_187, %swap3A_188] {strides = array<i32>} : memref<3x120x128xf32, #tpu.memory_space<vmem>>, vector<1x1x16xf32>,
    %swap3A_190 = vector.shape_cast %swap3A_189 : vector<1x1x16xf32> to vector<16xf32>
    %swap3A_191 = vector.shape_cast %broadcast_in_dim3A_0 : vector<16xf32> to vector<1x1x16xf32>
    tpu.vector_store %arg7[%swap3A_186, %swap3A_187, %swap3A_188], %swap3A_191 {strides = array<i32>} : memref<3x120x128xf32, #tpu.memory_space<vmem>>, vector<1x1x16xf32>,
    %swap3A_192 = arith.constant 0 : i32
    %swap3A_193 = arith.constant 3 : i32
    %swap3A_194 = arith.index_cast %swap3A_192 : i32 to index
    %swap3A_195 = arith.index_cast %swap3A_193 : i32 to index
    %swap3A_196 = arith.constant 0 : index
    %swap3A_197 = tpu.vector_load %arg7[%swap3A_194, %swap3A_195, %swap3A_196] {strides = array<i32>} : memref<3x120x128xf32, #tpu.memory_space<vmem>>, vector<1x1x16xf32>,
    %swap3A_198 = vector.shape_cast %swap3A_197 : vector<1x1x16xf32> to vector<16xf32>
    %swap3A_199 = vector.shape_cast %broadcast_in_dim3A_0 : vector<16xf32> to vector<1x1x16xf32>
    tpu.vector_store %arg7[%swap3A_194, %swap3A_195, %swap3A_196], %swap3A_199 {strides = array<i32>} : memref<3x120x128xf32, #tpu.memory_space<vmem>>, vector<1x1x16xf32>,
    %swap3A_200 = arith.constant 0 : i32
    %swap3A_201 = arith.constant 3 : i32
    %swap3A_202 = arith.index_cast %swap3A_200 : i32 to index
    %swap3A_203 = arith.index_cast %swap3A_201 : i32 to index
    %swap3A_204 = arith.constant 16 : index
    %swap3A_205 = tpu.vector_load %arg7[%swap3A_202, %swap3A_203, %swap3A_204] {strides = array<i32>} : memref<3x120x128xf32, #tpu.memory_space<vmem>>, vector<1x1x16xf32>,
    %swap3A_206 = vector.shape_cast %swap3A_205 : vector<1x1x16xf32> to vector<16xf32>
    %swap3A_207 = vector.shape_cast %broadcast_in_dim3A_0 : vector<16xf32> to vector<1x1x16xf32>
    tpu.vector_store %arg7[%swap3A_202, %swap3A_203, %swap3A_204], %swap3A_207 {strides = array<i32>} : memref<3x120x128xf32, #tpu.memory_space<vmem>>, vector<1x1x16xf32>,
    %swap3A_208 = arith.constant 0 : i32
    %swap3A_209 = arith.constant 3 : i32
    %swap3A_210 = arith.index_cast %swap3A_208 : i32 to index
    %swap3A_211 = arith.index_cast %swap3A_209 : i32 to index
    %swap3A_212 = arith.constant 32 : index
    %swap3A_213 = tpu.vector_load %arg7[%swap3A_210, %swap3A_211, %swap3A_212] {strides = array<i32>} : memref<3x120x128xf32, #tpu.memory_space<vmem>>, vector<1x1x16xf32>,
    %swap3A_214 = vector.shape_cast %swap3A_213 : vector<1x1x16xf32> to vector<16xf32>
    %swap3A_215 = vector.shape_cast %broadcast_in_dim3A_0 : vector<16xf32> to vector<1x1x16xf32>
    tpu.vector_store %arg7[%swap3A_210, %swap3A_211, %swap3A_212], %swap3A_215 {strides = array<i32>} : memref<3x120x128xf32, #tpu.memory_space<vmem>>, vector<1x1x16xf32>,
    %swap3A_216 = arith.constant 0 : i32
    %swap3A_217 = arith.constant 3 : i32
    %swap3A_218 = arith.index_cast %swap3A_216 : i32 to index
    %swap3A_219 = arith.index_cast %swap3A_217 : i32 to index
    %swap3A_220 = arith.constant 48 : index
    %swap3A_221 = tpu.vector_load %arg7[%swap3A_218, %swap3A_219, %swap3A_220] {strides = array<i32>} : memref<3x120x128xf32, #tpu.memory_space<vmem>>, vector<1x1x16xf32>,
    %swap3A_222 = vector.shape_cast %swap3A_221 : vector<1x1x16xf32> to vector<16xf32>
    %swap3A_223 = vector.shape_cast %broadcast_in_dim3A_0 : vector<16xf32> to vector<1x1x16xf32>
    tpu.vector_store %arg7[%swap3A_218, %swap3A_219, %swap3A_220], %swap3A_223 {strides = array<i32>} : memref<3x120x128xf32, #tpu.memory_space<vmem>>, vector<1x1x16xf32>,
    %swap3A_224 = arith.constant 0 : i32
    %swap3A_225 = arith.constant 3 : i32
    %swap3A_226 = arith.index_cast %swap3A_224 : i32 to index
    %swap3A_227 = arith.index_cast %swap3A_225 : i32 to index
    %swap3A_228 = arith.constant 64 : index
    %swap3A_229 = tpu.vector_load %arg7[%swap3A_226, %swap3A_227, %swap3A_228] {strides = array<i32>} : memref<3x120x128xf32, #tpu.memory_space<vmem>>, vector<1x1x16xf32>,
    %swap3A_230 = vector.shape_cast %swap3A_229 : vector<1x1x16xf32> to vector<16xf32>
    %swap3A_231 = vector.shape_cast %broadcast_in_dim3A_0 : vector<16xf32> to vector<1x1x16xf32>
    tpu.vector_store %arg7[%swap3A_226, %swap3A_227, %swap3A_228], %swap3A_231 {strides = array<i32>} : memref<3x120x128xf32, #tpu.memory_space<vmem>>, vector<1x1x16xf32>,
    %swap3A_232 = arith.constant 0 : i32
    %swap3A_233 = arith.constant 3 : i32
    %swap3A_234 = arith.index_cast %swap3A_232 : i32 to index
    %swap3A_235 = arith.index_cast %swap3A_233 : i32 to index
    %swap3A_236 = arith.constant 80 : index
    %swap3A_237 = tpu.vector_load %arg7[%swap3A_234, %swap3A_235, %swap3A_236] {strides = array<i32>} : memref<3x120x128xf32, #tpu.memory_space<vmem>>, vector<1x1x16xf32>,
    %swap3A_238 = vector.shape_cast %swap3A_237 : vector<1x1x16xf32> to vector<16xf32>
    %swap3A_239 = vector.shape_cast %broadcast_in_dim3A_0 : vector<16xf32> to vector<1x1x16xf32>
    tpu.vector_store %arg7[%swap3A_234, %swap3A_235, %swap3A_236], %swap3A_239 {strides = array<i32>} : memref<3x120x128xf32, #tpu.memory_space<vmem>>, vector<1x1x16xf32>,
    %swap3A_240 = arith.constant 0 : i32
    %swap3A_241 = arith.constant 3 : i32
    %swap3A_242 = arith.index_cast %swap3A_240 : i32 to index
    %swap3A_243 = arith.index_cast %swap3A_241 : i32 to index
    %swap3A_244 = arith.constant 96 : index
    %swap3A_245 = tpu.vector_load %arg7[%swap3A_242, %swap3A_243, %swap3A_244] {strides = array<i32>} : memref<3x120x128xf32, #tpu.memory_space<vmem>>, vector<1x1x16xf32>,
    %swap3A_246 = vector.shape_cast %swap3A_245 : vector<1x1x16xf32> to vector<16xf32>
    %swap3A_247 = vector.shape_cast %broadcast_in_dim3A_0 : vector<16xf32> to vector<1x1x16xf32>
    tpu.vector_store %arg7[%swap3A_242, %swap3A_243, %swap3A_244], %swap3A_247 {strides = array<i32>} : memref<3x120x128xf32, #tpu.memory_space<vmem>>, vector<1x1x16xf32>,
    %swap3A_248 = arith.constant 0 : i32
    %swap3A_249 = arith.constant 3 : i32
    %swap3A_250 = arith.index_cast %swap3A_248 : i32 to index
    %swap3A_251 = arith.index_cast %swap3A_249 : i32 to index
    %swap3A_252 = arith.constant 112 : index
    %swap3A_253 = tpu.vector_load %arg7[%swap3A_250, %swap3A_251, %swap3A_252] {strides = array<i32>} : memref<3x120x128xf32, #tpu.memory_space<vmem>>, vector<1x1x16xf32>,
    %swap3A_254 = vector.shape_cast %swap3A_253 : vector<1x1x16xf32> to vector<16xf32>
    %swap3A_255 = vector.shape_cast %broadcast_in_dim3A_0 : vector<16xf32> to vector<1x1x16xf32>
    tpu.vector_store %arg7[%swap3A_250, %swap3A_251, %swap3A_252], %swap3A_255 {strides = array<i32>} : memref<3x120x128xf32, #tpu.memory_space<vmem>>, vector<1x1x16xf32>,
    %swap3A_256 = arith.constant 0 : i32
    %swap3A_257 = arith.constant 4 : i32
    %swap3A_258 = arith.index_cast %swap3A_256 : i32 to index
    %swap3A_259 = arith.index_cast %swap3A_257 : i32 to index
    %swap3A_260 = arith.constant 0 : index
    %swap3A_261 = tpu.vector_load %arg7[%swap3A_258, %swap3A_259, %swap3A_260] {strides = array<i32>} : memref<3x120x128xf32, #tpu.memory_space<vmem>>, vector<1x1x16xf32>,
    %swap3A_262 = vector.shape_cast %swap3A_261 : vector<1x1x16xf32> to vector<16xf32>
    %swap3A_263 = vector.shape_cast %broadcast_in_dim3A_0 : vector<16xf32> to vector<1x1x16xf32>
    tpu.vector_store %arg7[%swap3A_258, %swap3A_259, %swap3A_260], %swap3A_263 {strides = array<i32>} : memref<3x120x128xf32, #tpu.memory_space<vmem>>, vector<1x1x16xf32>,
    %swap3A_264 = arith.constant 0 : i32
    %swap3A_265 = arith.constant 4 : i32
    %swap3A_266 = arith.index_cast %swap3A_264 : i32 to index
    %swap3A_267 = arith.index_cast %swap3A_265 : i32 to index
    %swap3A_268 = arith.constant 16 : index
    %swap3A_269 = tpu.vector_load %arg7[%swap3A_266, %swap3A_267, %swap3A_268] {strides = array<i32>} : memref<3x120x128xf32, #tpu.memory_space<vmem>>, vector<1x1x16xf32>,
    %swap3A_270 = vector.shape_cast %swap3A_269 : vector<1x1x16xf32> to vector<16xf32>
    %swap3A_271 = vector.shape_cast %broadcast_in_dim3A_0 : vector<16xf32> to vector<1x1x16xf32>
    tpu.vector_store %arg7[%swap3A_266, %swap3A_267, %swap3A_268], %swap3A_271 {strides = array<i32>} : memref<3x120x128xf32, #tpu.memory_space<vmem>>, vector<1x1x16xf32>,
    %swap3A_272 = arith.constant 0 : i32
    %swap3A_273 = arith.constant 4 : i32
    %swap3A_274 = arith.index_cast %swap3A_272 : i32 to index
    %swap3A_275 = arith.index_cast %swap3A_273 : i32 to index
    %swap3A_276 = arith.constant 32 : index
    %swap3A_277 = tpu.vector_load %arg7[%swap3A_274, %swap3A_275, %swap3A_276] {strides = array<i32>} : memref<3x120x128xf32, #tpu.memory_space<vmem>>, vector<1x1x16xf32>,
    %swap3A_278 = vector.shape_cast %swap3A_277 : vector<1x1x16xf32> to vector<16xf32>
    %swap3A_279 = vector.shape_cast %broadcast_in_dim3A_0 : vector<16xf32> to vector<1x1x16xf32>
    tpu.vector_store %arg7[%swap3A_274, %swap3A_275, %swap3A_276], %swap3A_279 {strides = array<i32>} : memref<3x120x128xf32, #tpu.memory_space<vmem>>, vector<1x1x16xf32>,
    %swap3A_280 = arith.constant 0 : i32
    %swap3A_281 = arith.constant 4 : i32
    %swap3A_282 = arith.index_cast %swap3A_280 : i32 to index
    %swap3A_283 = arith.index_cast %swap3A_281 : i32 to index
    %swap3A_284 = arith.constant 48 : index
    %swap3A_285 = tpu.vector_load %arg7[%swap3A_282, %swap3A_283, %swap3A_284] {strides = array<i32>} : memref<3x120x128xf32, #tpu.memory_space<vmem>>, vector<1x1x16xf32>,
    %swap3A_286 = vector.shape_cast %swap3A_285 : vector<1x1x16xf32> to vector<16xf32>
    %swap3A_287 = vector.shape_cast %broadcast_in_dim3A_0 : vector<16xf32> to vector<1x1x16xf32>
    tpu.vector_store %arg7[%swap3A_282, %swap3A_283, %swap3A_284], %swap3A_287 {strides = array<i32>} : memref<3x120x128xf32, #tpu.memory_space<vmem>>, vector<1x1x16xf32>,
    %swap3A_288 = arith.constant 0 : i32
    %swap3A_289 = arith.constant 4 : i32
    %swap3A_290 = arith.index_cast %swap3A_288 : i32 to index
    %swap3A_291 = arith.index_cast %swap3A_289 : i32 to index
    %swap3A_292 = arith.constant 64 : index
    %swap3A_293 = tpu.vector_load %arg7[%swap3A_290, %swap3A_291, %swap3A_292] {strides = array<i32>} : memref<3x120x128xf32, #tpu.memory_space<vmem>>, vector<1x1x16xf32>,
    %swap3A_294 = vector.shape_cast %swap3A_293 : vector<1x1x16xf32> to vector<16xf32>
    %swap3A_295 = vector.shape_cast %broadcast_in_dim3A_0 : vector<16xf32> to vector<1x1x16xf32>
    tpu.vector_store %arg7[%swap3A_290, %swap3A_291, %swap3A_292], %swap3A_295 {strides = array<i32>} : memref<3x120x128xf32, #tpu.memory_space<vmem>>, vector<1x1x16xf32>,
    %swap3A_296 = arith.constant 0 : i32
    %swap3A_297 = arith.constant 4 : i32
    %swap3A_298 = arith.index_cast %swap3A_296 : i32 to index
    %swap3A_299 = arith.index_cast %swap3A_297 : i32 to index
    %swap3A_300 = arith.constant 80 : index
    %swap3A_301 = tpu.vector_load %arg7[%swap3A_298, %swap3A_299, %swap3A_300] {strides = array<i32>} : memref<3x120x128xf32, #tpu.memory_space<vmem>>, vector<1x1x16xf32>,
    %swap3A_302 = vector.shape_cast %swap3A_301 : vector<1x1x16xf32> to vector<16xf32>
    %swap3A_303 = vector.shape_cast %broadcast_in_dim3A_0 : vector<16xf32> to vector<1x1x16xf32>
    tpu.vector_store %arg7[%swap3A_298, %swap3A_299, %swap3A_300], %swap3A_303 {strides = array<i32>} : memref<3x120x128xf32, #tpu.memory_space<vmem>>, vector<1x1x16xf32>,
    %swap3A_304 = arith.constant 0 : i32
    %swap3A_305 = arith.constant 4 : i32
    %swap3A_306 = arith.index_cast %swap3A_304 : i32 to index
    %swap3A_307 = arith.index_cast %swap3A_305 : i32 to index
    %swap3A_308 = arith.constant 96 : index
    %swap3A_309 = tpu.vector_load %arg7[%swap3A_306, %swap3A_307, %swap3A_308] {strides = array<i32>} : memref<3x120x128xf32, #tpu.memory_space<vmem>>, vector<1x1x16xf32>,
    %swap3A_310 = vector.shape_cast %swap3A_309 : vector<1x1x16xf32> to vector<16xf32>
    %swap3A_311 = vector.shape_cast %broadcast_in_dim3A_0 : vector<16xf32> to vector<1x1x16xf32>
    tpu.vector_store %arg7[%swap3A_306, %swap3A_307, %swap3A_308], %swap3A_311 {strides = array<i32>} : memref<3x120x128xf32, #tpu.memory_space<vmem>>, vector<1x1x16xf32>,
    %swap3A_312 = arith.constant 0 : i32
    %swap3A_313 = arith.constant 4 : i32
    %swap3A_314 = arith.index_cast %swap3A_312 : i32 to index
    %swap3A_315 = arith.index_cast %swap3A_313 : i32 to index
    %swap3A_316 = arith.constant 112 : index
    %swap3A_317 = tpu.vector_load %arg7[%swap3A_314, %swap3A_315, %swap3A_316] {strides = array<i32>} : memref<3x120x128xf32, #tpu.memory_space<vmem>>, vector<1x1x16xf32>,
    %swap3A_318 = vector.shape_cast %swap3A_317 : vector<1x1x16xf32> to vector<16xf32>
    %swap3A_319 = vector.shape_cast %broadcast_in_dim3A_0 : vector<16xf32> to vector<1x1x16xf32>
    tpu.vector_store %arg7[%swap3A_314, %swap3A_315, %swap3A_316], %swap3A_319 {strides = array<i32>} : memref<3x120x128xf32, #tpu.memory_space<vmem>>, vector<1x1x16xf32>,
    %swap3A_320 = arith.constant 0 : i32
    %swap3A_321 = arith.constant 5 : i32
    %swap3A_322 = arith.index_cast %swap3A_320 : i32 to index
    %swap3A_323 = arith.index_cast %swap3A_321 : i32 to index
    %swap3A_324 = arith.constant 0 : index
    %swap3A_325 = tpu.vector_load %arg7[%swap3A_322, %swap3A_323, %swap3A_324] {strides = array<i32>} : memref<3x120x128xf32, #tpu.memory_space<vmem>>, vector<1x1x16xf32>,
    %swap3A_326 = vector.shape_cast %swap3A_325 : vector<1x1x16xf32> to vector<16xf32>
    %swap3A_327 = vector.shape_cast %broadcast_in_dim3A_0 : vector<16xf32> to vector<1x1x16xf32>
    tpu.vector_store %arg7[%swap3A_322, %swap3A_323, %swap3A_324], %swap3A_327 {strides = array<i32>} : memref<3x120x128xf32, #tpu.memory_space<vmem>>, vector<1x1x16xf32>,
    %swap3A_328 = arith.constant 0 : i32
    %swap3A_329 = arith.constant 5 : i32
    %swap3A_330 = arith.index_cast %swap3A_328 : i32 to index
    %swap3A_331 = arith.index_cast %swap3A_329 : i32 to index
    %swap3A_332 = arith.constant 16 : index
    %swap3A_333 = tpu.vector_load %arg7[%swap3A_330, %swap3A_331, %swap3A_332] {strides = array<i32>} : memref<3x120x128xf32, #tpu.memory_space<vmem>>, vector<1x1x16xf32>,
    %swap3A_334 = vector.shape_cast %swap3A_333 : vector<1x1x16xf32> to vector<16xf32>
    %swap3A_335 = vector.shape_cast %broadcast_in_dim3A_0 : vector<16xf32> to vector<1x1x16xf32>
    tpu.vector_store %arg7[%swap3A_330, %swap3A_331, %swap3A_332], %swap3A_335 {strides = array<i32>} : memref<3x120x128xf32, #tpu.memory_space<vmem>>, vector<1x1x16xf32>,
    %swap3A_336 = arith.constant 0 : i32
    %swap3A_337 = arith.constant 5 : i32
    %swap3A_338 = arith.index_cast %swap3A_336 : i32 to index
    %swap3A_339 = arith.index_cast %swap3A_337 : i32 to index
    %swap3A_340 = arith.constant 32 : index
    %swap3A_341 = tpu.vector_load %arg7[%swap3A_338, %swap3A_339, %swap3A_340] {strides = array<i32>} : memref<3x120x128xf32, #tpu.memory_space<vmem>>, vector<1x1x16xf32>,
    %swap3A_342 = vector.shape_cast %swap3A_341 : vector<1x1x16xf32> to vector<16xf32>
    %swap3A_343 = vector.shape_cast %broadcast_in_dim3A_0 : vector<16xf32> to vector<1x1x16xf32>
    tpu.vector_store %arg7[%swap3A_338, %swap3A_339, %swap3A_340], %swap3A_343 {strides = array<i32>} : memref<3x120x128xf32, #tpu.memory_space<vmem>>, vector<1x1x16xf32>,
    %swap3A_344 = arith.constant 0 : i32
    %swap3A_345 = arith.constant 5 : i32
    %swap3A_346 = arith.index_cast %swap3A_344 : i32 to index
    %swap3A_347 = arith.index_cast %swap3A_345 : i32 to index
    %swap3A_348 = arith.constant 48 : index
    %swap3A_349 = tpu.vector_load %arg7[%swap3A_346, %swap3A_347, %swap3A_348] {strides = array<i32>} : memref<3x120x128xf32, #tpu.memory_space<vmem>>, vector<1x1x16xf32>,
    %swap3A_350 = vector.shape_cast %swap3A_349 : vector<1x1x16xf32> to vector<16xf32>
    %swap3A_351 = vector.shape_cast %broadcast_in_dim3A_0 : vector<16xf32> to vector<1x1x16xf32>
    tpu.vector_store %arg7[%swap3A_346, %swap3A_347, %swap3A_348], %swap3A_351 {strides = array<i32>} : memref<3x120x128xf32, #tpu.memory_space<vmem>>, vector<1x1x16xf32>,
    %swap3A_352 = arith.constant 0 : i32
    %swap3A_353 = arith.constant 5 : i32
    %swap3A_354 = arith.index_cast %swap3A_352 : i32 to index
    %swap3A_355 = arith.index_cast %swap3A_353 : i32 to index
    %swap3A_356 = arith.constant 64 : index
    %swap3A_357 = tpu.vector_load %arg7[%swap3A_354, %swap3A_355, %swap3A_356] {strides = array<i32>} : memref<3x120x128xf32, #tpu.memory_space<vmem>>, vector<1x1x16xf32>,
    %swap3A_358 = vector.shape_cast %swap3A_357 : vector<1x1x16xf32> to vector<16xf32>
    %swap3A_359 = vector.shape_cast %broadcast_in_dim3A_0 : vector<16xf32> to vector<1x1x16xf32>
    tpu.vector_store %arg7[%swap3A_354, %swap3A_355, %swap3A_356], %swap3A_359 {strides = array<i32>} : memref<3x120x128xf32, #tpu.memory_space<vmem>>, vector<1x1x16xf32>,
    %swap3A_360 = arith.constant 0 : i32
    %swap3A_361 = arith.constant 5 : i32
    %swap3A_362 = arith.index_cast %swap3A_360 : i32 to index
    %swap3A_363 = arith.index_cast %swap3A_361 : i32 to index
    %swap3A_364 = arith.constant 80 : index
    %swap3A_365 = tpu.vector_load %arg7[%swap3A_362, %swap3A_363, %swap3A_364] {strides = array<i32>} : memref<3x120x128xf32, #tpu.memory_space<vmem>>, vector<1x1x16xf32>,
    %swap3A_366 = vector.shape_cast %swap3A_365 : vector<1x1x16xf32> to vector<16xf32>
    %swap3A_367 = vector.shape_cast %broadcast_in_dim3A_0 : vector<16xf32> to vector<1x1x16xf32>
    tpu.vector_store %arg7[%swap3A_362, %swap3A_363, %swap3A_364], %swap3A_367 {strides = array<i32>} : memref<3x120x128xf32, #tpu.memory_space<vmem>>, vector<1x1x16xf32>,
    %swap3A_368 = arith.constant 0 : i32
    %swap3A_369 = arith.constant 5 : i32
    %swap3A_370 = arith.index_cast %swap3A_368 : i32 to index
    %swap3A_371 = arith.index_cast %swap3A_369 : i32 to index
    %swap3A_372 = arith.constant 96 : index
    %swap3A_373 = tpu.vector_load %arg7[%swap3A_370, %swap3A_371, %swap3A_372] {strides = array<i32>} : memref<3x120x128xf32, #tpu.memory_space<vmem>>, vector<1x1x16xf32>,
    %swap3A_374 = vector.shape_cast %swap3A_373 : vector<1x1x16xf32> to vector<16xf32>
    %swap3A_375 = vector.shape_cast %broadcast_in_dim3A_0 : vector<16xf32> to vector<1x1x16xf32>
    tpu.vector_store %arg7[%swap3A_370, %swap3A_371, %swap3A_372], %swap3A_375 {strides = array<i32>} : memref<3x120x128xf32, #tpu.memory_space<vmem>>, vector<1x1x16xf32>,
    %swap3A_376 = arith.constant 0 : i32
    %swap3A_377 = arith.constant 5 : i32
    %swap3A_378 = arith.index_cast %swap3A_376 : i32 to index
    %swap3A_379 = arith.index_cast %swap3A_377 : i32 to index
    %swap3A_380 = arith.constant 112 : index
    %swap3A_381 = tpu.vector_load %arg7[%swap3A_378, %swap3A_379, %swap3A_380] {strides = array<i32>} : memref<3x120x128xf32, #tpu.memory_space<vmem>>, vector<1x1x16xf32>,
    %swap3A_382 = vector.shape_cast %swap3A_381 : vector<1x1x16xf32> to vector<16xf32>
    %swap3A_383 = vector.shape_cast %broadcast_in_dim3A_0 : vector<16xf32> to vector<1x1x16xf32>
    tpu.vector_store %arg7[%swap3A_378, %swap3A_379, %swap3A_380], %swap3A_383 {strides = array<i32>} : memref<3x120x128xf32, #tpu.memory_space<vmem>>, vector<1x1x16xf32>,
    %swap3A_384 = arith.constant 0 : i32
    %swap3A_385 = arith.constant 6 : i32
    %swap3A_386 = arith.index_cast %swap3A_384 : i32 to index
    %swap3A_387 = arith.index_cast %swap3A_385 : i32 to index
    %swap3A_388 = arith.constant 0 : index
    %swap3A_389 = tpu.vector_load %arg7[%swap3A_386, %swap3A_387, %swap3A_388] {strides = array<i32>} : memref<3x120x128xf32, #tpu.memory_space<vmem>>, vector<1x1x16xf32>,
    %swap3A_390 = vector.shape_cast %swap3A_389 : vector<1x1x16xf32> to vector<16xf32>
    %swap3A_391 = vector.shape_cast %broadcast_in_dim3A_0 : vector<16xf32> to vector<1x1x16xf32>
    tpu.vector_store %arg7[%swap3A_386, %swap3A_387, %swap3A_388], %swap3A_391 {strides = array<i32>} : memref<3x120x128xf32, #tpu.memory_space<vmem>>, vector<1x1x16xf32>,
    %swap3A_392 = arith.constant 0 : i32
    %swap3A_393 = arith.constant 6 : i32
    %swap3A_394 = arith.index_cast %swap3A_392 : i32 to index
    %swap3A_395 = arith.index_cast %swap3A_393 : i32 to index
    %swap3A_396 = arith.constant 16 : index
    %swap3A_397 = tpu.vector_load %arg7[%swap3A_394, %swap3A_395, %swap3A_396] {strides = array<i32>} : memref<3x120x128xf32, #tpu.memory_space<vmem>>, vector<1x1x16xf32>,
    %swap3A_398 = vector.shape_cast %swap3A_397 : vector<1x1x16xf32> to vector<16xf32>
    %swap3A_399 = vector.shape_cast %broadcast_in_dim3A_0 : vector<16xf32> to vector<1x1x16xf32>
    tpu.vector_store %arg7[%swap3A_394, %swap3A_395, %swap3A_396], %swap3A_399 {strides = array<i32>} : memref<3x120x128xf32, #tpu.memory_space<vmem>>, vector<1x1x16xf32>,
    %swap3A_400 = arith.constant 0 : i32
    %swap3A_401 = arith.constant 6 : i32
    %swap3A_402 = arith.index_cast %swap3A_400 : i32 to index
    %swap3A_403 = arith.index_cast %swap3A_401 : i32 to index
    %swap3A_404 = arith.constant 32 : index
    %swap3A_405 = tpu.vector_load %arg7[%swap3A_402, %swap3A_403, %swap3A_404] {strides = array<i32>} : memref<3x120x128xf32, #tpu.memory_space<vmem>>, vector<1x1x16xf32>,
    %swap3A_406 = vector.shape_cast %swap3A_405 : vector<1x1x16xf32> to vector<16xf32>
    %swap3A_407 = vector.shape_cast %broadcast_in_dim3A_0 : vector<16xf32> to vector<1x1x16xf32>
    tpu.vector_store %arg7[%swap3A_402, %swap3A_403, %swap3A_404], %swap3A_407 {strides = array<i32>} : memref<3x120x128xf32, #tpu.memory_space<vmem>>, vector<1x1x16xf32>,
    %swap3A_408 = arith.constant 0 : i32
    %swap3A_409 = arith.constant 6 : i32
    %swap3A_410 = arith.index_cast %swap3A_408 : i32 to index
    %swap3A_411 = arith.index_cast %swap3A_409 : i32 to index
    %swap3A_412 = arith.constant 48 : index
    %swap3A_413 = tpu.vector_load %arg7[%swap3A_410, %swap3A_411, %swap3A_412] {strides = array<i32>} : memref<3x120x128xf32, #tpu.memory_space<vmem>>, vector<1x1x16xf32>,
    %swap3A_414 = vector.shape_cast %swap3A_413 : vector<1x1x16xf32> to vector<16xf32>
    %swap3A_415 = vector.shape_cast %broadcast_in_dim3A_0 : vector<16xf32> to vector<1x1x16xf32>
    tpu.vector_store %arg7[%swap3A_410, %swap3A_411, %swap3A_412], %swap3A_415 {strides = array<i32>} : memref<3x120x128xf32, #tpu.memory_space<vmem>>, vector<1x1x16xf32>,
    %swap3A_416 = arith.constant 0 : i32
    %swap3A_417 = arith.constant 6 : i32
    %swap3A_418 = arith.index_cast %swap3A_416 : i32 to index
    %swap3A_419 = arith.index_cast %swap3A_417 : i32 to index
    %swap3A_420 = arith.constant 64 : index
    %swap3A_421 = tpu.vector_load %arg7[%swap3A_418, %swap3A_419, %swap3A_420] {strides = array<i32>} : memref<3x120x128xf32, #tpu.memory_space<vmem>>, vector<1x1x16xf32>,
    %swap3A_422 = vector.shape_cast %swap3A_421 : vector<1x1x16xf32> to vector<16xf32>
    %swap3A_423 = vector.shape_cast %broadcast_in_dim3A_0 : vector<16xf32> to vector<1x1x16xf32>
    tpu.vector_store %arg7[%swap3A_418, %swap3A_419, %swap3A_420], %swap3A_423 {strides = array<i32>} : memref<3x120x128xf32, #tpu.memory_space<vmem>>, vector<1x1x16xf32>,
    %swap3A_424 = arith.constant 0 : i32
    %swap3A_425 = arith.constant 6 : i32
    %swap3A_426 = arith.index_cast %swap3A_424 : i32 to index
    %swap3A_427 = arith.index_cast %swap3A_425 : i32 to index
    %swap3A_428 = arith.constant 80 : index
    %swap3A_429 = tpu.vector_load %arg7[%swap3A_426, %swap3A_427, %swap3A_428] {strides = array<i32>} : memref<3x120x128xf32, #tpu.memory_space<vmem>>, vector<1x1x16xf32>,
    %swap3A_430 = vector.shape_cast %swap3A_429 : vector<1x1x16xf32> to vector<16xf32>
    %swap3A_431 = vector.shape_cast %broadcast_in_dim3A_0 : vector<16xf32> to vector<1x1x16xf32>
    tpu.vector_store %arg7[%swap3A_426, %swap3A_427, %swap3A_428], %swap3A_431 {strides = array<i32>} : memref<3x120x128xf32, #tpu.memory_space<vmem>>, vector<1x1x16xf32>,
    %swap3A_432 = arith.constant 0 : i32
    %swap3A_433 = arith.constant 6 : i32
    %swap3A_434 = arith.index_cast %swap3A_432 : i32 to index
    %swap3A_435 = arith.index_cast %swap3A_433 : i32 to index
    %swap3A_436 = arith.constant 96 : index
    %swap3A_437 = tpu.vector_load %arg7[%swap3A_434, %swap3A_435, %swap3A_436] {strides = array<i32>} : memref<3x120x128xf32, #tpu.memory_space<vmem>>, vector<1x1x16xf32>,
    %swap3A_438 = vector.shape_cast %swap3A_437 : vector<1x1x16xf32> to vector<16xf32>
    %swap3A_439 = vector.shape_cast %broadcast_in_dim3A_0 : vector<16xf32> to vector<1x1x16xf32>
    tpu.vector_store %arg7[%swap3A_434, %swap3A_435, %swap3A_436], %swap3A_439 {strides = array<i32>} : memref<3x120x128xf32, #tpu.memory_space<vmem>>, vector<1x1x16xf32>,
    %swap3A_440 = arith.constant 0 : i32
    %swap3A_441 = arith.constant 6 : i32
    %swap3A_442 = arith.index_cast %swap3A_440 : i32 to index
    %swap3A_443 = arith.index_cast %swap3A_441 : i32 to index
    %swap3A_444 = arith.constant 112 : index
    %swap3A_445 = tpu.vector_load %arg7[%swap3A_442, %swap3A_443, %swap3A_444] {strides = array<i32>} : memref<3x120x128xf32, #tpu.memory_space<vmem>>, vector<1x1x16xf32>,
    %swap3A_446 = vector.shape_cast %swap3A_445 : vector<1x1x16xf32> to vector<16xf32>
    %swap3A_447 = vector.shape_cast %broadcast_in_dim3A_0 : vector<16xf32> to vector<1x1x16xf32>
    tpu.vector_store %arg7[%swap3A_442, %swap3A_443, %swap3A_444], %swap3A_447 {strides = array<i32>} : memref<3x120x128xf32, #tpu.memory_space<vmem>>, vector<1x1x16xf32>,
    %swap3A_448 = arith.constant 0 : i32
    %swap3A_449 = arith.constant 7 : i32
    %swap3A_450 = arith.index_cast %swap3A_448 : i32 to index
    %swap3A_451 = arith.index_cast %swap3A_449 : i32 to index
    %swap3A_452 = arith.constant 0 : index
    %swap3A_453 = tpu.vector_load %arg7[%swap3A_450, %swap3A_451, %swap3A_452] {strides = array<i32>} : memref<3x120x128xf32, #tpu.memory_space<vmem>>, vector<1x1x16xf32>,
    %swap3A_454 = vector.shape_cast %swap3A_453 : vector<1x1x16xf32> to vector<16xf32>
    %swap3A_455 = vector.shape_cast %broadcast_in_dim3A_0 : vector<16xf32> to vector<1x1x16xf32>
    tpu.vector_store %arg7[%swap3A_450, %swap3A_451, %swap3A_452], %swap3A_455 {strides = array<i32>} : memref<3x120x128xf32, #tpu.memory_space<vmem>>, vector<1x1x16xf32>,
    %swap3A_456 = arith.constant 0 : i32
    %swap3A_457 = arith.constant 7 : i32
    %swap3A_458 = arith.index_cast %swap3A_456 : i32 to index
    %swap3A_459 = arith.index_cast %swap3A_457 : i32 to index
    %swap3A_460 = arith.constant 16 : index
    %swap3A_461 = tpu.vector_load %arg7[%swap3A_458, %swap3A_459, %swap3A_460] {strides = array<i32>} : memref<3x120x128xf32, #tpu.memory_space<vmem>>, vector<1x1x16xf32>,
    %swap3A_462 = vector.shape_cast %swap3A_461 : vector<1x1x16xf32> to vector<16xf32>
    %swap3A_463 = vector.shape_cast %broadcast_in_dim3A_0 : vector<16xf32> to vector<1x1x16xf32>
    tpu.vector_store %arg7[%swap3A_458, %swap3A_459, %swap3A_460], %swap3A_463 {strides = array<i32>} : memref<3x120x128xf32, #tpu.memory_space<vmem>>, vector<1x1x16xf32>,
    %swap3A_464 = arith.constant 0 : i32
    %swap3A_465 = arith.constant 7 : i32
    %swap3A_466 = arith.index_cast %swap3A_464 : i32 to index
    %swap3A_467 = arith.index_cast %swap3A_465 : i32 to index
    %swap3A_468 = arith.constant 32 : index
    %swap3A_469 = tpu.vector_load %arg7[%swap3A_466, %swap3A_467, %swap3A_468] {strides = array<i32>} : memref<3x120x128xf32, #tpu.memory_space<vmem>>, vector<1x1x16xf32>,
    %swap3A_470 = vector.shape_cast %swap3A_469 : vector<1x1x16xf32> to vector<16xf32>
    %swap3A_471 = vector.shape_cast %broadcast_in_dim3A_0 : vector<16xf32> to vector<1x1x16xf32>
    tpu.vector_store %arg7[%swap3A_466, %swap3A_467, %swap3A_468], %swap3A_471 {strides = array<i32>} : memref<3x120x128xf32, #tpu.memory_space<vmem>>, vector<1x1x16xf32>,
    %swap3A_472 = arith.constant 0 : i32
    %swap3A_473 = arith.constant 7 : i32
    %swap3A_474 = arith.index_cast %swap3A_472 : i32 to index
    %swap3A_475 = arith.index_cast %swap3A_473 : i32 to index
    %swap3A_476 = arith.constant 48 : index
    %swap3A_477 = tpu.vector_load %arg7[%swap3A_474, %swap3A_475, %swap3A_476] {strides = array<i32>} : memref<3x120x128xf32, #tpu.memory_space<vmem>>, vector<1x1x16xf32>,
    %swap3A_478 = vector.shape_cast %swap3A_477 : vector<1x1x16xf32> to vector<16xf32>
    %swap3A_479 = vector.shape_cast %broadcast_in_dim3A_0 : vector<16xf32> to vector<1x1x16xf32>
    tpu.vector_store %arg7[%swap3A_474, %swap3A_475, %swap3A_476], %swap3A_479 {strides = array<i32>} : memref<3x120x128xf32, #tpu.memory_space<vmem>>, vector<1x1x16xf32>,
    %swap3A_480 = arith.constant 0 : i32
    %swap3A_481 = arith.constant 7 : i32
    %swap3A_482 = arith.index_cast %swap3A_480 : i32 to index
    %swap3A_483 = arith.index_cast %swap3A_481 : i32 to index
    %swap3A_484 = arith.constant 64 : index
    %swap3A_485 = tpu.vector_load %arg7[%swap3A_482, %swap3A_483, %swap3A_484] {strides = array<i32>} : memref<3x120x128xf32, #tpu.memory_space<vmem>>, vector<1x1x16xf32>,
    %swap3A_486 = vector.shape_cast %swap3A_485 : vector<1x1x16xf32> to vector<16xf32>
    %swap3A_487 = vector.shape_cast %broadcast_in_dim3A_0 : vector<16xf32> to vector<1x1x16xf32>
    tpu.vector_store %arg7[%swap3A_482, %swap3A_483, %swap3A_484], %swap3A_487 {strides = array<i32>} : memref<3x120x128xf32, #tpu.memory_space<vmem>>, vector<1x1x16xf32>,
    %swap3A_488 = arith.constant 0 : i32
    %swap3A_489 = arith.constant 7 : i32
    %swap3A_490 = arith.index_cast %swap3A_488 : i32 to index
    %swap3A_491 = arith.index_cast %swap3A_489 : i32 to index
    %swap3A_492 = arith.constant 80 : index
    %swap3A_493 = tpu.vector_load %arg7[%swap3A_490, %swap3A_491, %swap3A_492] {strides = array<i32>} : memref<3x120x128xf32, #tpu.memory_space<vmem>>, vector<1x1x16xf32>,
    %swap3A_494 = vector.shape_cast %swap3A_493 : vector<1x1x16xf32> to vector<16xf32>
    %swap3A_495 = vector.shape_cast %broadcast_in_dim3A_0 : vector<16xf32> to vector<1x1x16xf32>
    tpu.vector_store %arg7[%swap3A_490, %swap3A_491, %swap3A_492], %swap3A_495 {strides = array<i32>} : memref<3x120x128xf32, #tpu.memory_space<vmem>>, vector<1x1x16xf32>,
    %swap3A_496 = arith.constant 0 : i32
    %swap3A_497 = arith.constant 7 : i32
    %swap3A_498 = arith.index_cast %swap3A_496 : i32 to index
    %swap3A_499 = arith.index_cast %swap3A_497 : i32 to index
    %swap3A_500 = arith.constant 96 : index
    %swap3A_501 = tpu.vector_load %arg7[%swap3A_498, %swap3A_499, %swap3A_500] {strides = array<i32>} : memref<3x120x128xf32, #tpu.memory_space<vmem>>, vector<1x1x16xf32>,
    %swap3A_502 = vector.shape_cast %swap3A_501 : vector<1x1x16xf32> to vector<16xf32>
    %swap3A_503 = vector.shape_cast %broadcast_in_dim3A_0 : vector<16xf32> to vector<1x1x16xf32>
    tpu.vector_store %arg7[%swap3A_498, %swap3A_499, %swap3A_500], %swap3A_503 {strides = array<i32>} : memref<3x120x128xf32, #tpu.memory_space<vmem>>, vector<1x1x16xf32>,
    %swap3A_504 = arith.constant 0 : i32
    %swap3A_505 = arith.constant 7 : i32
    %swap3A_506 = arith.index_cast %swap3A_504 : i32 to index
    %swap3A_507 = arith.index_cast %swap3A_505 : i32 to index
    %swap3A_508 = arith.constant 112 : index
    %swap3A_509 = tpu.vector_load %arg7[%swap3A_506, %swap3A_507, %swap3A_508] {strides = array<i32>} : memref<3x120x128xf32, #tpu.memory_space<vmem>>, vector<1x1x16xf32>,
    %swap3A_510 = vector.shape_cast %swap3A_509 : vector<1x1x16xf32> to vector<16xf32>
    %swap3A_511 = vector.shape_cast %broadcast_in_dim3A_0 : vector<16xf32> to vector<1x1x16xf32>
    tpu.vector_store %arg7[%swap3A_506, %swap3A_507, %swap3A_508], %swap3A_511 {strides = array<i32>} : memref<3x120x128xf32, #tpu.memory_space<vmem>>, vector<1x1x16xf32>,
    %mul3A = arith.constant 632 : i32
    %mul3A_512 = arith.muli %arg1, %mul3A : i32
    %scan3A = arith.constant 0 : i32
    %scan3A_513 = arith.constant 0 : i32
    %scan3A_514 = arith.constant 0 : i32
    %scan3A_515 = arith.constant 79 : i32
    %scan3A_516 = arith.addi %scan3A_514, %scan3A_515 : i32
    %scan3A_517 = arith.constant 1 : i32
    %scan3A_518 = scf.for %scan3A_715 = %scan3A_514 to %scan3A_516 step %scan3A_517 iter_args(%scan3A_716 = %scan3A_513) -> (i32)  : i32 {
      %mul3A_717 = arith.constant 8 : i32
      %mul3A_718 = arith.muli %scan3A_715, %mul3A_717 : i32
      %add3A = arith.addi %mul3A_512, %mul3A_718 : i32
      "tpu.region"() ({
        %run_scoped3A = tpu.sem_alloc : memref<!tpu.dma_semaphore, #tpu.memory_space<semaphore_mem>>
        %dma_start3A_720 = arith.constant 0 : i32
        %dma_start3A_721 = arith.constant 0 : i32
        %dma_start3A_722 = tpu.memref_slice %arg7[%scan3A, %dma_start3A_720, %dma_start3A_721] : memref<3x120x128xf32, #tpu.memory_space<vmem>> -> memref<1x120x128xf32, #tpu.memory_space<vmem>>
        %dma_start3A_723 = tpu.memref_squeeze %dma_start3A_722 : memref<1x120x128xf32, #tpu.memory_space<vmem>> -> memref<120x128xf32, #tpu.memory_space<vmem>>
        %dma_start3A_724 = arith.constant 0 : i32
        %dma_start3A_725 = arith.constant 0 : i32
        %dma_start3A_726 = tpu.memref_slice %dma_start3A_723[%dma_start3A_724, %dma_start3A_725] : memref<120x128xf32, #tpu.memory_space<vmem>> -> memref<8x128xf32, #tpu.memory_space<vmem>>
        %dma_start3A_727 = arith.constant 0 : i32
        %dma_start3A_728 = tpu.memref_slice %arg5[%add3A, %dma_start3A_727] : memref<10112x128xf32, #tpu.memory_space<vmem_shared>> -> memref<8x128xf32, #tpu.memory_space<vmem_shared>>
        %dma_start3A_729 = arith.constant 0 : i32
        %dma_start3A_730 = tpu.memref_slice %arg5[%add3A, %dma_start3A_729] : memref<10112x128xf32, #tpu.memory_space<vmem_shared>> -> memref<8x128xf32, #tpu.memory_space<vmem_shared>>
        %dma_start3A_731 = arith.constant 0 : i32
        %dma_start3A_732 = arith.constant 0 : i32
        %dma_start3A_733 = tpu.memref_slice %arg7[%scan3A, %dma_start3A_731, %dma_start3A_732] : memref<3x120x128xf32, #tpu.memory_space<vmem>> -> memref<1x120x128xf32, #tpu.memory_space<vmem>>
        %dma_start3A_734 = tpu.memref_squeeze %dma_start3A_733 : memref<1x120x128xf32, #tpu.memory_space<vmem>> -> memref<120x128xf32, #tpu.memory_space<vmem>>
        %dma_start3A_735 = arith.constant 0 : i32
        %dma_start3A_736 = arith.constant 0 : i32
        %dma_start3A_737 = tpu.memref_slice %dma_start3A_734[%dma_start3A_735, %dma_start3A_736] : memref<120x128xf32, #tpu.memory_space<vmem>> -> memref<8x128xf32, #tpu.memory_space<vmem>>
        tpu.enqueue_dma source(%dma_start3A_737 : memref<8x128xf32, #tpu.memory_space<vmem>>) target(%dma_start3A_730 : memref<8x128xf32, #tpu.memory_space<vmem_shared>>) target_semaphore(%run_scoped3A : memref<!tpu.dma_semaphore, #tpu.memory_space<semaphore_mem>>)
        %dma_wait3A_738 = arith.constant 0 : i32
        %dma_wait3A_739 = arith.constant 0 : i32
        %dma_wait3A_740 = tpu.memref_slice %arg7[%scan3A, %dma_wait3A_738, %dma_wait3A_739] : memref<3x120x128xf32, #tpu.memory_space<vmem>> -> memref<1x120x128xf32, #tpu.memory_space<vmem>>
        %dma_wait3A_741 = tpu.memref_squeeze %dma_wait3A_740 : memref<1x120x128xf32, #tpu.memory_space<vmem>> -> memref<120x128xf32, #tpu.memory_space<vmem>>
        %dma_wait3A_742 = arith.constant 0 : i32
        %dma_wait3A_743 = arith.constant 0 : i32
        %dma_wait3A_744 = tpu.memref_slice %dma_wait3A_741[%dma_wait3A_742, %dma_wait3A_743] : memref<120x128xf32, #tpu.memory_space<vmem>> -> memref<8x128xf32, #tpu.memory_space<vmem>>
        %dma_wait3A_745 = arith.constant 0 : i32
        %dma_wait3A_746 = tpu.memref_slice %arg5[%add3A, %dma_wait3A_745] : memref<10112x128xf32, #tpu.memory_space<vmem_shared>> -> memref<8x128xf32, #tpu.memory_space<vmem_shared>>
        %dma_wait3A_747 = arith.constant 0 : i32
        %dma_wait3A_748 = tpu.memref_slice %arg5[%add3A, %dma_wait3A_747] : memref<10112x128xf32, #tpu.memory_space<vmem_shared>> -> memref<8x128xf32, #tpu.memory_space<vmem_shared>>
        %dma_wait3A_749 = arith.constant 0 : i32
        %dma_wait3A_750 = arith.constant 0 : i32
        %dma_wait3A_751 = tpu.memref_slice %arg7[%scan3A, %dma_wait3A_749, %dma_wait3A_750] : memref<3x120x128xf32, #tpu.memory_space<vmem>> -> memref<1x120x128xf32, #tpu.memory_space<vmem>>
        %dma_wait3A_752 = tpu.memref_squeeze %dma_wait3A_751 : memref<1x120x128xf32, #tpu.memory_space<vmem>> -> memref<120x128xf32, #tpu.memory_space<vmem>>
        %dma_wait3A_753 = arith.constant 0 : i32
        %dma_wait3A_754 = arith.constant 0 : i32
        %dma_wait3A_755 = tpu.memref_slice %dma_wait3A_752[%dma_wait3A_753, %dma_wait3A_754] : memref<120x128xf32, #tpu.memory_space<vmem>> -> memref<8x128xf32, #tpu.memory_space<vmem>>
        tpu.wait_dma2 semaphore(%run_scoped3A : memref<!tpu.dma_semaphore, #tpu.memory_space<semaphore_mem>>) src(%dma_wait3A_755 : memref<8x128xf32, #tpu.memory_space<vmem>>) dst(%dma_wait3A_748 : memref<8x128xf32, #tpu.memory_space<vmem_shared>>)
        tpu.yield
      }) : () -> ()
      %scan3A_719 = arith.constant 0 : i32
      scf.yield %scan3A_719 : i32
    }
    %scan3A_519 = arith.constant 79 : i32
    %barrier3A = arith.constant 0 : index
    tpu.barrier barrier_id(%barrier3A)
    %dma_start3A = arith.constant 0 : i32
    %dma_start3A_520 = arith.constant 0 : i32
    %dma_start3A_521 = arith.constant 0 : i32
    %dma_start3A_522 = arith.constant 0 : i32
    %dma_start3A_523 = tpu.memref_slice %arg6[%dma_start3A_520, %dma_start3A_521, %dma_start3A_522] : memref<3x2x120xi32, #tpu.memory_space<vmem>> -> memref<1x2x120xi32, #tpu.memory_space<vmem>>
    %dma_start3A_524 = tpu.memref_squeeze %dma_start3A_523 : memref<1x2x120xi32, #tpu.memory_space<vmem>> -> memref<2x120xi32, #tpu.memory_space<vmem>>
    %dma_start3A_525 = arith.constant 0 : i32
    %dma_start3A_526 = arith.constant 0 : i32
    %dma_start3A_527 = tpu.memref_slice %arg3[%arg0, %arg1, %dma_start3A, %dma_start3A_525, %dma_start3A_526] : memref<2x16x167x2x120xi32, #tpu.memory_space<hbm>> -> memref<1x1x1x2x120xi32, #tpu.memory_space<hbm>>
    %dma_start3A_528 = tpu.memref_squeeze %dma_start3A_527 : memref<1x1x1x2x120xi32, #tpu.memory_space<hbm>> -> memref<2x120xi32, #tpu.memory_space<hbm>>
    %dma_start3A_529 = arith.constant 0 : i32
    %dma_start3A_530 = arith.constant 0 : i32
    %dma_start3A_531 = tpu.memref_slice %arg6[%dma_start3A_520, %dma_start3A_529, %dma_start3A_530] : memref<3x2x120xi32, #tpu.memory_space<vmem>> -> memref<1x2x120xi32, #tpu.memory_space<vmem>>
    %dma_start3A_532 = tpu.memref_squeeze %dma_start3A_531 : memref<1x2x120xi32, #tpu.memory_space<vmem>> -> memref<2x120xi32, #tpu.memory_space<vmem>>
    %dma_start3A_533 = arith.constant 0 : i32
    %dma_start3A_534 = arith.constant 0 : i32
    %dma_start3A_535 = tpu.memref_slice %arg3[%arg0, %arg1, %dma_start3A, %dma_start3A_533, %dma_start3A_534] : memref<2x16x167x2x120xi32, #tpu.memory_space<hbm>> -> memref<1x1x1x2x120xi32, #tpu.memory_space<hbm>>
    %dma_start3A_536 = tpu.memref_squeeze %dma_start3A_535 : memref<1x1x1x2x120xi32, #tpu.memory_space<hbm>> -> memref<2x120xi32, #tpu.memory_space<hbm>>
    tpu.enqueue_dma source(%dma_start3A_536 : memref<2x120xi32, #tpu.memory_space<hbm>>) target(%dma_start3A_532 : memref<2x120xi32, #tpu.memory_space<vmem>>) target_semaphore(%arg14 : memref<!tpu.dma_semaphore, #tpu.memory_space<semaphore_mem>>)
    %dma_start3A_537 = arith.constant 1 : i32
    %dma_start3A_538 = arith.constant 1 : i32
    %dma_start3A_539 = arith.constant 0 : i32
    %dma_start3A_540 = arith.constant 0 : i32
    %dma_start3A_541 = tpu.memref_slice %arg6[%dma_start3A_538, %dma_start3A_539, %dma_start3A_540] : memref<3x2x120xi32, #tpu.memory_space<vmem>> -> memref<1x2x120xi32, #tpu.memory_space<vmem>>
    %dma_start3A_542 = tpu.memref_squeeze %dma_start3A_541 : memref<1x2x120xi32, #tpu.memory_space<vmem>> -> memref<2x120xi32, #tpu.memory_space<vmem>>
    %dma_start3A_543 = arith.constant 0 : i32
    %dma_start3A_544 = arith.constant 0 : i32
    %dma_start3A_545 = tpu.memref_slice %arg3[%arg0, %arg1, %dma_start3A_537, %dma_start3A_543, %dma_start3A_544] : memref<2x16x167x2x120xi32, #tpu.memory_space<hbm>> -> memref<1x1x1x2x120xi32, #tpu.memory_space<hbm>>
    %dma_start3A_546 = tpu.memref_squeeze %dma_start3A_545 : memref<1x1x1x2x120xi32, #tpu.memory_space<hbm>> -> memref<2x120xi32, #tpu.memory_space<hbm>>
    %dma_start3A_547 = arith.constant 0 : i32
    %dma_start3A_548 = arith.constant 0 : i32
    %dma_start3A_549 = tpu.memref_slice %arg6[%dma_start3A_538, %dma_start3A_547, %dma_start3A_548] : memref<3x2x120xi32, #tpu.memory_space<vmem>> -> memref<1x2x120xi32, #tpu.memory_space<vmem>>
    %dma_start3A_550 = tpu.memref_squeeze %dma_start3A_549 : memref<1x2x120xi32, #tpu.memory_space<vmem>> -> memref<2x120xi32, #tpu.memory_space<vmem>>
    %dma_start3A_551 = arith.constant 0 : i32
    %dma_start3A_552 = arith.constant 0 : i32
    %dma_start3A_553 = tpu.memref_slice %arg3[%arg0, %arg1, %dma_start3A_537, %dma_start3A_551, %dma_start3A_552] : memref<2x16x167x2x120xi32, #tpu.memory_space<hbm>> -> memref<1x1x1x2x120xi32, #tpu.memory_space<hbm>>
    %dma_start3A_554 = tpu.memref_squeeze %dma_start3A_553 : memref<1x1x1x2x120xi32, #tpu.memory_space<hbm>> -> memref<2x120xi32, #tpu.memory_space<hbm>>
    tpu.enqueue_dma source(%dma_start3A_554 : memref<2x120xi32, #tpu.memory_space<hbm>>) target(%dma_start3A_550 : memref<2x120xi32, #tpu.memory_space<vmem>>) target_semaphore(%arg15 : memref<!tpu.dma_semaphore, #tpu.memory_space<semaphore_mem>>)
    %dma_wait3A = arith.constant 0 : i32
    %dma_wait3A_555 = arith.constant 0 : i32
    %dma_wait3A_556 = arith.constant 0 : i32
    %dma_wait3A_557 = arith.constant 0 : i32
    %dma_wait3A_558 = tpu.memref_slice %arg6[%dma_wait3A_555, %dma_wait3A_556, %dma_wait3A_557] : memref<3x2x120xi32, #tpu.memory_space<vmem>> -> memref<1x2x120xi32, #tpu.memory_space<vmem>>
    %dma_wait3A_559 = tpu.memref_squeeze %dma_wait3A_558 : memref<1x2x120xi32, #tpu.memory_space<vmem>> -> memref<2x120xi32, #tpu.memory_space<vmem>>
    %dma_wait3A_560 = arith.constant 0 : i32
    %dma_wait3A_561 = arith.constant 0 : i32
    %dma_wait3A_562 = tpu.memref_slice %arg3[%arg0, %arg1, %dma_wait3A, %dma_wait3A_560, %dma_wait3A_561] : memref<2x16x167x2x120xi32, #tpu.memory_space<hbm>> -> memref<1x1x1x2x120xi32, #tpu.memory_space<hbm>>
    %dma_wait3A_563 = tpu.memref_squeeze %dma_wait3A_562 : memref<1x1x1x2x120xi32, #tpu.memory_space<hbm>> -> memref<2x120xi32, #tpu.memory_space<hbm>>
    %dma_wait3A_564 = arith.constant 0 : i32
    %dma_wait3A_565 = arith.constant 0 : i32
    %dma_wait3A_566 = tpu.memref_slice %arg6[%dma_wait3A_555, %dma_wait3A_564, %dma_wait3A_565] : memref<3x2x120xi32, #tpu.memory_space<vmem>> -> memref<1x2x120xi32, #tpu.memory_space<vmem>>
    %dma_wait3A_567 = tpu.memref_squeeze %dma_wait3A_566 : memref<1x2x120xi32, #tpu.memory_space<vmem>> -> memref<2x120xi32, #tpu.memory_space<vmem>>
    %dma_wait3A_568 = arith.constant 0 : i32
    %dma_wait3A_569 = arith.constant 0 : i32
    %dma_wait3A_570 = tpu.memref_slice %arg3[%arg0, %arg1, %dma_wait3A, %dma_wait3A_568, %dma_wait3A_569] : memref<2x16x167x2x120xi32, #tpu.memory_space<hbm>> -> memref<1x1x1x2x120xi32, #tpu.memory_space<hbm>>
    %dma_wait3A_571 = tpu.memref_squeeze %dma_wait3A_570 : memref<1x1x1x2x120xi32, #tpu.memory_space<hbm>> -> memref<2x120xi32, #tpu.memory_space<hbm>>
    tpu.wait_dma2 semaphore(%arg14 : memref<!tpu.dma_semaphore, #tpu.memory_space<semaphore_mem>>) src(%dma_wait3A_571 : memref<2x120xi32, #tpu.memory_space<hbm>>) dst(%dma_wait3A_567 : memref<2x120xi32, #tpu.memory_space<vmem>>)
    %dma_start3A_572 = arith.constant 0 : i32
    %dma_start3A_573 = arith.constant 0 : i32
    %dma_start3A_574 = arith.constant 0 : i32
    %dma_start3A_575 = arith.constant 0 : i32
    %dma_start3A_576 = arith.constant 0 : i32
    %dma_start3A_577 = tpu.memref_slice %arg7[%dma_start3A_574, %dma_start3A_575, %dma_start3A_576] : memref<3x120x128xf32, #tpu.memory_space<vmem>> -> memref<1x120x128xf32, #tpu.memory_space<vmem>>
    %dma_start3A_578 = tpu.memref_squeeze %dma_start3A_577 : memref<1x120x128xf32, #tpu.memory_space<vmem>> -> memref<120x128xf32, #tpu.memory_space<vmem>>
    %dma_start3A_579 = arith.constant 0 : i32
    %dma_start3A_580 = tpu.memref_slice %arg6[%dma_start3A_572, %dma_start3A_573, %dma_start3A_579] : memref<3x2x120xi32, #tpu.memory_space<vmem>> -> memref<1x1x120xi32, #tpu.memory_space<vmem>>
    %dma_start3A_581 = tpu.memref_squeeze %dma_start3A_580 : memref<1x1x120xi32, #tpu.memory_space<vmem>> -> memref<120xi32, #tpu.memory_space<vmem>>
    %dma_start3A_582 = arith.constant 0 : i32
    %dma_start3A_583 = arith.constant 0 : i32
    %dma_start3A_584 = tpu.memref_slice %arg2[%dma_start3A_582, %dma_start3A_583] : memref<20000x128xf32, #tpu.memory_space<hbm>> -> memref<20000x128xf32, #tpu.memory_space<hbm>>
    tpu.enqueue_indirect_dma source(%dma_start3A_584 : memref<20000x128xf32, #tpu.memory_space<hbm>>) target(%dma_start3A_578 : memref<120x128xf32, #tpu.memory_space<vmem>>) offsets(%dma_start3A_581 : memref<120xi32, #tpu.memory_space<vmem>>) semaphore(%arg8 : memref<!tpu.dma_semaphore, #tpu.memory_space<semaphore_mem>>)
    %scan3A_585 = arith.constant 0 : i32
    %scan3A_586 = arith.constant 0 : i32
    %scan3A_587 = arith.constant 55 : i32
    %scan3A_588 = arith.addi %scan3A_586, %scan3A_587 : i32
    %scan3A_589 = arith.constant 1 : i32
    %scan3A_590 = scf.for %scan3A_715 = %scan3A_586 to %scan3A_588 step %scan3A_589 iter_args(%scan3A_716 = %scan3A_585) -> (i32)  : i32 {
      %mul3A_717 = arith.constant 3 : i32
      %mul3A_718 = arith.muli %mul3A_717, %scan3A_715 : i32
      %add3A = arith.constant 0 : i32
      %add3A_719 = arith.addi %mul3A_718, %add3A : i32
      %add3A_720 = arith.constant 1 : i32
      %add3A_721 = arith.addi %add3A_719, %add3A_720 : i32
      %lt3A = arith.constant 167 : i32
      %lt3A_722 = arith.cmpi slt, %add3A_721, %lt3A : i32
      %convert_element_type3A = arith.extui %lt3A_722 : i1 to i32
      %cond3A = arith.constant 0 : i32
      %cond3A_723 = arith.cmpi ne, %convert_element_type3A, %cond3A : i32
      scf.if %cond3A_723 {
        %dma_wait3A_860 = arith.constant 1 : i32
        %dma_wait3A_861 = arith.constant 0 : i32
        %dma_wait3A_862 = arith.constant 0 : i32
        %dma_wait3A_863 = tpu.memref_slice %arg6[%dma_wait3A_860, %dma_wait3A_861, %dma_wait3A_862] : memref<3x2x120xi32, #tpu.memory_space<vmem>> -> memref<1x2x120xi32, #tpu.memory_space<vmem>>
        %dma_wait3A_864 = tpu.memref_squeeze %dma_wait3A_863 : memref<1x2x120xi32, #tpu.memory_space<vmem>> -> memref<2x120xi32, #tpu.memory_space<vmem>>
        %dma_wait3A_865 = arith.constant 0 : i32
        %dma_wait3A_866 = arith.constant 0 : i32
        %dma_wait3A_867 = tpu.memref_slice %arg3[%arg0, %arg1, %add3A_721, %dma_wait3A_865, %dma_wait3A_866] : memref<2x16x167x2x120xi32, #tpu.memory_space<hbm>> -> memref<1x1x1x2x120xi32, #tpu.memory_space<hbm>>
        %dma_wait3A_868 = tpu.memref_squeeze %dma_wait3A_867 : memref<1x1x1x2x120xi32, #tpu.memory_space<hbm>> -> memref<2x120xi32, #tpu.memory_space<hbm>>
        %dma_wait3A_869 = arith.constant 0 : i32
        %dma_wait3A_870 = arith.constant 0 : i32
        %dma_wait3A_871 = tpu.memref_slice %arg6[%dma_wait3A_860, %dma_wait3A_869, %dma_wait3A_870] : memref<3x2x120xi32, #tpu.memory_space<vmem>> -> memref<1x2x120xi32, #tpu.memory_space<vmem>>
        %dma_wait3A_872 = tpu.memref_squeeze %dma_wait3A_871 : memref<1x2x120xi32, #tpu.memory_space<vmem>> -> memref<2x120xi32, #tpu.memory_space<vmem>>
        %dma_wait3A_873 = arith.constant 0 : i32
        %dma_wait3A_874 = arith.constant 0 : i32
        %dma_wait3A_875 = tpu.memref_slice %arg3[%arg0, %arg1, %add3A_721, %dma_wait3A_873, %dma_wait3A_874] : memref<2x16x167x2x120xi32, #tpu.memory_space<hbm>> -> memref<1x1x1x2x120xi32, #tpu.memory_space<hbm>>
        %dma_wait3A_876 = tpu.memref_squeeze %dma_wait3A_875 : memref<1x1x1x2x120xi32, #tpu.memory_space<hbm>> -> memref<2x120xi32, #tpu.memory_space<hbm>>
        tpu.wait_dma2 semaphore(%arg15 : memref<!tpu.dma_semaphore, #tpu.memory_space<semaphore_mem>>) src(%dma_wait3A_876 : memref<2x120xi32, #tpu.memory_space<hbm>>) dst(%dma_wait3A_872 : memref<2x120xi32, #tpu.memory_space<vmem>>)
        %dma_start3A_877 = arith.constant 1 : i32
        %dma_start3A_878 = arith.constant 0 : i32
        %dma_start3A_879 = arith.constant 1 : i32
        %dma_start3A_880 = arith.constant 0 : i32
        %dma_start3A_881 = arith.constant 0 : i32
        %dma_start3A_882 = tpu.memref_slice %arg7[%dma_start3A_879, %dma_start3A_880, %dma_start3A_881] : memref<3x120x128xf32, #tpu.memory_space<vmem>> -> memref<1x120x128xf32, #tpu.memory_space<vmem>>
        %dma_start3A_883 = tpu.memref_squeeze %dma_start3A_882 : memref<1x120x128xf32, #tpu.memory_space<vmem>> -> memref<120x128xf32, #tpu.memory_space<vmem>>
        %dma_start3A_884 = arith.constant 0 : i32
        %dma_start3A_885 = tpu.memref_slice %arg6[%dma_start3A_877, %dma_start3A_878, %dma_start3A_884] : memref<3x2x120xi32, #tpu.memory_space<vmem>> -> memref<1x1x120xi32, #tpu.memory_space<vmem>>
        %dma_start3A_886 = tpu.memref_squeeze %dma_start3A_885 : memref<1x1x120xi32, #tpu.memory_space<vmem>> -> memref<120xi32, #tpu.memory_space<vmem>>
        %dma_start3A_887 = arith.constant 0 : i32
        %dma_start3A_888 = arith.constant 0 : i32
        %dma_start3A_889 = tpu.memref_slice %arg2[%dma_start3A_887, %dma_start3A_888] : memref<20000x128xf32, #tpu.memory_space<hbm>> -> memref<20000x128xf32, #tpu.memory_space<hbm>>
        tpu.enqueue_indirect_dma source(%dma_start3A_889 : memref<20000x128xf32, #tpu.memory_space<hbm>>) target(%dma_start3A_883 : memref<120x128xf32, #tpu.memory_space<vmem>>) offsets(%dma_start3A_886 : memref<120xi32, #tpu.memory_space<vmem>>) semaphore(%arg9 : memref<!tpu.dma_semaphore, #tpu.memory_space<semaphore_mem>>)
      } else {
      }
      %dma_wait3A_724 = arith.constant 0 : i32
      %dma_wait3A_725 = arith.constant 0 : i32
      %dma_wait3A_726 = arith.constant 0 : i32
      %dma_wait3A_727 = arith.constant 0 : i32
      %dma_wait3A_728 = arith.constant 0 : i32
      %dma_wait3A_729 = tpu.memref_slice %arg7[%dma_wait3A_726, %dma_wait3A_727, %dma_wait3A_728] : memref<3x120x128xf32, #tpu.memory_space<vmem>> -> memref<1x120x128xf32, #tpu.memory_space<vmem>>
      %dma_wait3A_730 = tpu.memref_squeeze %dma_wait3A_729 : memref<1x120x128xf32, #tpu.memory_space<vmem>> -> memref<120x128xf32, #tpu.memory_space<vmem>>
      %dma_wait3A_731 = arith.constant 0 : i32
      %dma_wait3A_732 = tpu.memref_slice %arg6[%dma_wait3A_724, %dma_wait3A_725, %dma_wait3A_731] : memref<3x2x120xi32, #tpu.memory_space<vmem>> -> memref<1x1x120xi32, #tpu.memory_space<vmem>>
      %dma_wait3A_733 = tpu.memref_squeeze %dma_wait3A_732 : memref<1x1x120xi32, #tpu.memory_space<vmem>> -> memref<120xi32, #tpu.memory_space<vmem>>
      %dma_wait3A_734 = arith.constant 0 : i32
      %dma_wait3A_735 = arith.constant 0 : i32
      %dma_wait3A_736 = tpu.memref_slice %arg2[%dma_wait3A_734, %dma_wait3A_735] : memref<20000x128xf32, #tpu.memory_space<hbm>> -> memref<20000x128xf32, #tpu.memory_space<hbm>>
      tpu.wait_indirect_dma semaphore(%arg8 : memref<!tpu.dma_semaphore, #tpu.memory_space<semaphore_mem>>) src(%dma_wait3A_736 : memref<20000x128xf32, #tpu.memory_space<hbm>>) dst(%dma_wait3A_730 : memref<120x128xf32, #tpu.memory_space<vmem>>)
      %dma_start3A_737 = arith.constant 0 : i32
      %dma_start3A_738 = arith.constant 0 : i32
      %dma_start3A_739 = arith.constant 1 : i32
      %dma_start3A_740 = arith.constant 0 : i32
      %dma_start3A_741 = arith.constant 0 : i32
      %dma_start3A_742 = tpu.memref_slice %arg7[%dma_start3A_737, %dma_start3A_740, %dma_start3A_741] : memref<3x120x128xf32, #tpu.memory_space<vmem>> -> memref<1x120x128xf32, #tpu.memory_space<vmem>>
      %dma_start3A_743 = tpu.memref_squeeze %dma_start3A_742 : memref<1x120x128xf32, #tpu.memory_space<vmem>> -> memref<120x128xf32, #tpu.memory_space<vmem>>
      %dma_start3A_744 = arith.constant 0 : i32
      %dma_start3A_745 = tpu.memref_slice %arg6[%dma_start3A_738, %dma_start3A_739, %dma_start3A_744] : memref<3x2x120xi32, #tpu.memory_space<vmem>> -> memref<1x1x120xi32, #tpu.memory_space<vmem>>
      %dma_start3A_746 = tpu.memref_squeeze %dma_start3A_745 : memref<1x1x120xi32, #tpu.memory_space<vmem>> -> memref<120xi32, #tpu.memory_space<vmem>>
      %dma_start3A_747 = arith.constant 0 : i32
      %dma_start3A_748 = arith.constant 0 : i32
      %dma_start3A_749 = tpu.memref_slice %arg5[%dma_start3A_747, %dma_start3A_748] : memref<10112x128xf32, #tpu.memory_space<vmem_shared>> -> memref<10112x128xf32, #tpu.memory_space<vmem_shared>>
      tpu.enqueue_indirect_dma source(%dma_start3A_743 : memref<120x128xf32, #tpu.memory_space<vmem>>) target(%dma_start3A_749 : memref<10112x128xf32, #tpu.memory_space<vmem_shared>>) offsets(%dma_start3A_746 : memref<120xi32, #tpu.memory_space<vmem>>) semaphore(%arg11 : memref<!tpu.dma_semaphore, #tpu.memory_space<semaphore_mem>>) {add = true}
      %ge3A = arith.constant 1 : i32
      %ge3A_750 = arith.cmpi sge, %add3A_719, %ge3A : i32
      %convert_element_type3A_751 = arith.extui %ge3A_750 : i1 to i32
      %cond3A_752 = arith.constant 0 : i32
      %cond3A_753 = arith.cmpi ne, %convert_element_type3A_751, %cond3A_752 : i32
      scf.if %cond3A_753 {
        %dma_wait3A_860 = arith.constant 2 : i32
        %dma_wait3A_861 = arith.constant 2 : i32
        %dma_wait3A_862 = arith.constant 1 : i32
        %dma_wait3A_863 = arith.constant 0 : i32
        %dma_wait3A_864 = arith.constant 0 : i32
        %dma_wait3A_865 = tpu.memref_slice %arg7[%dma_wait3A_860, %dma_wait3A_863, %dma_wait3A_864] : memref<3x120x128xf32, #tpu.memory_space<vmem>> -> memref<1x120x128xf32, #tpu.memory_space<vmem>>
        %dma_wait3A_866 = tpu.memref_squeeze %dma_wait3A_865 : memref<1x120x128xf32, #tpu.memory_space<vmem>> -> memref<120x128xf32, #tpu.memory_space<vmem>>
        %dma_wait3A_867 = arith.constant 0 : i32
        %dma_wait3A_868 = tpu.memref_slice %arg6[%dma_wait3A_861, %dma_wait3A_862, %dma_wait3A_867] : memref<3x2x120xi32, #tpu.memory_space<vmem>> -> memref<1x1x120xi32, #tpu.memory_space<vmem>>
        %dma_wait3A_869 = tpu.memref_squeeze %dma_wait3A_868 : memref<1x1x120xi32, #tpu.memory_space<vmem>> -> memref<120xi32, #tpu.memory_space<vmem>>
        %dma_wait3A_870 = arith.constant 0 : i32
        %dma_wait3A_871 = arith.constant 0 : i32
        %dma_wait3A_872 = tpu.memref_slice %arg5[%dma_wait3A_870, %dma_wait3A_871] : memref<10112x128xf32, #tpu.memory_space<vmem_shared>> -> memref<10112x128xf32, #tpu.memory_space<vmem_shared>>
        tpu.wait_indirect_dma semaphore(%arg13 : memref<!tpu.dma_semaphore, #tpu.memory_space<semaphore_mem>>) src(%dma_wait3A_866 : memref<120x128xf32, #tpu.memory_space<vmem>>) dst(%dma_wait3A_872 : memref<10112x128xf32, #tpu.memory_space<vmem_shared>>)
      } else {
      }
      %add3A_754 = arith.constant 1 : i32
      %add3A_755 = arith.addi %add3A_721, %add3A_754 : i32
      %lt3A_756 = arith.constant 167 : i32
      %lt3A_757 = arith.cmpi slt, %add3A_755, %lt3A_756 : i32
      %convert_element_type3A_758 = arith.extui %lt3A_757 : i1 to i32
      %cond3A_759 = arith.constant 0 : i32
      %cond3A_760 = arith.cmpi ne, %convert_element_type3A_758, %cond3A_759 : i32
      scf.if %cond3A_760 {
        %add3A_860 = arith.constant 1 : i32
        %add3A_861 = arith.addi %add3A_721, %add3A_860 : i32
        %dma_start3A_862 = arith.constant 2 : i32
        %dma_start3A_863 = arith.constant 0 : i32
        %dma_start3A_864 = arith.constant 0 : i32
        %dma_start3A_865 = tpu.memref_slice %arg6[%dma_start3A_862, %dma_start3A_863, %dma_start3A_864] : memref<3x2x120xi32, #tpu.memory_space<vmem>> -> memref<1x2x120xi32, #tpu.memory_space<vmem>>
        %dma_start3A_866 = tpu.memref_squeeze %dma_start3A_865 : memref<1x2x120xi32, #tpu.memory_space<vmem>> -> memref<2x120xi32, #tpu.memory_space<vmem>>
        %dma_start3A_867 = arith.constant 0 : i32
        %dma_start3A_868 = arith.constant 0 : i32
        %dma_start3A_869 = tpu.memref_slice %arg3[%arg0, %arg1, %add3A_861, %dma_start3A_867, %dma_start3A_868] : memref<2x16x167x2x120xi32, #tpu.memory_space<hbm>> -> memref<1x1x1x2x120xi32, #tpu.memory_space<hbm>>
        %dma_start3A_870 = tpu.memref_squeeze %dma_start3A_869 : memref<1x1x1x2x120xi32, #tpu.memory_space<hbm>> -> memref<2x120xi32, #tpu.memory_space<hbm>>
        %dma_start3A_871 = arith.constant 0 : i32
        %dma_start3A_872 = arith.constant 0 : i32
        %dma_start3A_873 = tpu.memref_slice %arg6[%dma_start3A_862, %dma_start3A_871, %dma_start3A_872] : memref<3x2x120xi32, #tpu.memory_space<vmem>> -> memref<1x2x120xi32, #tpu.memory_space<vmem>>
        %dma_start3A_874 = tpu.memref_squeeze %dma_start3A_873 : memref<1x2x120xi32, #tpu.memory_space<vmem>> -> memref<2x120xi32, #tpu.memory_space<vmem>>
        %dma_start3A_875 = arith.constant 0 : i32
        %dma_start3A_876 = arith.constant 0 : i32
        %dma_start3A_877 = tpu.memref_slice %arg3[%arg0, %arg1, %add3A_861, %dma_start3A_875, %dma_start3A_876] : memref<2x16x167x2x120xi32, #tpu.memory_space<hbm>> -> memref<1x1x1x2x120xi32, #tpu.memory_space<hbm>>
        %dma_start3A_878 = tpu.memref_squeeze %dma_start3A_877 : memref<1x1x1x2x120xi32, #tpu.memory_space<hbm>> -> memref<2x120xi32, #tpu.memory_space<hbm>>
        tpu.enqueue_dma source(%dma_start3A_878 : memref<2x120xi32, #tpu.memory_space<hbm>>) target(%dma_start3A_874 : memref<2x120xi32, #tpu.memory_space<vmem>>) target_semaphore(%arg16 : memref<!tpu.dma_semaphore, #tpu.memory_space<semaphore_mem>>)
      } else {
      }
      %mul3A_761 = arith.constant 3 : i32
      %mul3A_762 = arith.muli %mul3A_761, %scan3A_715 : i32
      %add3A_763 = arith.constant 1 : i32
      %add3A_764 = arith.addi %mul3A_762, %add3A_763 : i32
      %add3A_765 = arith.constant 1 : i32
      %add3A_766 = arith.addi %add3A_764, %add3A_765 : i32
      %lt3A_767 = arith.constant 167 : i32
      %lt3A_768 = arith.cmpi slt, %add3A_766, %lt3A_767 : i32
      %convert_element_type3A_769 = arith.extui %lt3A_768 : i1 to i32
      %cond3A_770 = arith.constant 0 : i32
      %cond3A_771 = arith.cmpi ne, %convert_element_type3A_769, %cond3A_770 : i32
      scf.if %cond3A_771 {
        %dma_wait3A_860 = arith.constant 2 : i32
        %dma_wait3A_861 = arith.constant 0 : i32
        %dma_wait3A_862 = arith.constant 0 : i32
        %dma_wait3A_863 = tpu.memref_slice %arg6[%dma_wait3A_860, %dma_wait3A_861, %dma_wait3A_862] : memref<3x2x120xi32, #tpu.memory_space<vmem>> -> memref<1x2x120xi32, #tpu.memory_space<vmem>>
        %dma_wait3A_864 = tpu.memref_squeeze %dma_wait3A_863 : memref<1x2x120xi32, #tpu.memory_space<vmem>> -> memref<2x120xi32, #tpu.memory_space<vmem>>
        %dma_wait3A_865 = arith.constant 0 : i32
        %dma_wait3A_866 = arith.constant 0 : i32
        %dma_wait3A_867 = tpu.memref_slice %arg3[%arg0, %arg1, %add3A_766, %dma_wait3A_865, %dma_wait3A_866] : memref<2x16x167x2x120xi32, #tpu.memory_space<hbm>> -> memref<1x1x1x2x120xi32, #tpu.memory_space<hbm>>
        %dma_wait3A_868 = tpu.memref_squeeze %dma_wait3A_867 : memref<1x1x1x2x120xi32, #tpu.memory_space<hbm>> -> memref<2x120xi32, #tpu.memory_space<hbm>>
        %dma_wait3A_869 = arith.constant 0 : i32
        %dma_wait3A_870 = arith.constant 0 : i32
        %dma_wait3A_871 = tpu.memref_slice %arg6[%dma_wait3A_860, %dma_wait3A_869, %dma_wait3A_870] : memref<3x2x120xi32, #tpu.memory_space<vmem>> -> memref<1x2x120xi32, #tpu.memory_space<vmem>>
        %dma_wait3A_872 = tpu.memref_squeeze %dma_wait3A_871 : memref<1x2x120xi32, #tpu.memory_space<vmem>> -> memref<2x120xi32, #tpu.memory_space<vmem>>
        %dma_wait3A_873 = arith.constant 0 : i32
        %dma_wait3A_874 = arith.constant 0 : i32
        %dma_wait3A_875 = tpu.memref_slice %arg3[%arg0, %arg1, %add3A_766, %dma_wait3A_873, %dma_wait3A_874] : memref<2x16x167x2x120xi32, #tpu.memory_space<hbm>> -> memref<1x1x1x2x120xi32, #tpu.memory_space<hbm>>
        %dma_wait3A_876 = tpu.memref_squeeze %dma_wait3A_875 : memref<1x1x1x2x120xi32, #tpu.memory_space<hbm>> -> memref<2x120xi32, #tpu.memory_space<hbm>>
        tpu.wait_dma2 semaphore(%arg16 : memref<!tpu.dma_semaphore, #tpu.memory_space<semaphore_mem>>) src(%dma_wait3A_876 : memref<2x120xi32, #tpu.memory_space<hbm>>) dst(%dma_wait3A_872 : memref<2x120xi32, #tpu.memory_space<vmem>>)
        %dma_start3A_877 = arith.constant 2 : i32
        %dma_start3A_878 = arith.constant 0 : i32
        %dma_start3A_879 = arith.constant 2 : i32
        %dma_start3A_880 = arith.constant 0 : i32
        %dma_start3A_881 = arith.constant 0 : i32
        %dma_start3A_882 = tpu.memref_slice %arg7[%dma_start3A_879, %dma_start3A_880, %dma_start3A_881] : memref<3x120x128xf32, #tpu.memory_space<vmem>> -> memref<1x120x128xf32, #tpu.memory_space<vmem>>
        %dma_start3A_883 = tpu.memref_squeeze %dma_start3A_882 : memref<1x120x128xf32, #tpu.memory_space<vmem>> -> memref<120x128xf32, #tpu.memory_space<vmem>>
        %dma_start3A_884 = arith.constant 0 : i32
        %dma_start3A_885 = tpu.memref_slice %arg6[%dma_start3A_877, %dma_start3A_878, %dma_start3A_884] : memref<3x2x120xi32, #tpu.memory_space<vmem>> -> memref<1x1x120xi32, #tpu.memory_space<vmem>>
        %dma_start3A_886 = tpu.memref_squeeze %dma_start3A_885 : memref<1x1x120xi32, #tpu.memory_space<vmem>> -> memref<120xi32, #tpu.memory_space<vmem>>
        %dma_start3A_887 = arith.constant 0 : i32
        %dma_start3A_888 = arith.constant 0 : i32
        %dma_start3A_889 = tpu.memref_slice %arg2[%dma_start3A_887, %dma_start3A_888] : memref<20000x128xf32, #tpu.memory_space<hbm>> -> memref<20000x128xf32, #tpu.memory_space<hbm>>
        tpu.enqueue_indirect_dma source(%dma_start3A_889 : memref<20000x128xf32, #tpu.memory_space<hbm>>) target(%dma_start3A_883 : memref<120x128xf32, #tpu.memory_space<vmem>>) offsets(%dma_start3A_886 : memref<120xi32, #tpu.memory_space<vmem>>) semaphore(%arg10 : memref<!tpu.dma_semaphore, #tpu.memory_space<semaphore_mem>>)
      } else {
      }
      %dma_wait3A_772 = arith.constant 1 : i32
      %dma_wait3A_773 = arith.constant 0 : i32
      %dma_wait3A_774 = arith.constant 1 : i32
      %dma_wait3A_775 = arith.constant 0 : i32
      %dma_wait3A_776 = arith.constant 0 : i32
      %dma_wait3A_777 = tpu.memref_slice %arg7[%dma_wait3A_774, %dma_wait3A_775, %dma_wait3A_776] : memref<3x120x128xf32, #tpu.memory_space<vmem>> -> memref<1x120x128xf32, #tpu.memory_space<vmem>>
      %dma_wait3A_778 = tpu.memref_squeeze %dma_wait3A_777 : memref<1x120x128xf32, #tpu.memory_space<vmem>> -> memref<120x128xf32, #tpu.memory_space<vmem>>
      %dma_wait3A_779 = arith.constant 0 : i32
      %dma_wait3A_780 = tpu.memref_slice %arg6[%dma_wait3A_772, %dma_wait3A_773, %dma_wait3A_779] : memref<3x2x120xi32, #tpu.memory_space<vmem>> -> memref<1x1x120xi32, #tpu.memory_space<vmem>>
      %dma_wait3A_781 = tpu.memref_squeeze %dma_wait3A_780 : memref<1x1x120xi32, #tpu.memory_space<vmem>> -> memref<120xi32, #tpu.memory_space<vmem>>
      %dma_wait3A_782 = arith.constant 0 : i32
      %dma_wait3A_783 = arith.constant 0 : i32
      %dma_wait3A_784 = tpu.memref_slice %arg2[%dma_wait3A_782, %dma_wait3A_783] : memref<20000x128xf32, #tpu.memory_space<hbm>> -> memref<20000x128xf32, #tpu.memory_space<hbm>>
      tpu.wait_indirect_dma semaphore(%arg9 : memref<!tpu.dma_semaphore, #tpu.memory_space<semaphore_mem>>) src(%dma_wait3A_784 : memref<20000x128xf32, #tpu.memory_space<hbm>>) dst(%dma_wait3A_778 : memref<120x128xf32, #tpu.memory_space<vmem>>)
      %dma_start3A_785 = arith.constant 1 : i32
      %dma_start3A_786 = arith.constant 1 : i32
      %dma_start3A_787 = arith.constant 1 : i32
      %dma_start3A_788 = arith.constant 0 : i32
      %dma_start3A_789 = arith.constant 0 : i32
      %dma_start3A_790 = tpu.memref_slice %arg7[%dma_start3A_785, %dma_start3A_788, %dma_start3A_789] : memref<3x120x128xf32, #tpu.memory_space<vmem>> -> memref<1x120x128xf32, #tpu.memory_space<vmem>>
      %dma_start3A_791 = tpu.memref_squeeze %dma_start3A_790 : memref<1x120x128xf32, #tpu.memory_space<vmem>> -> memref<120x128xf32, #tpu.memory_space<vmem>>
      %dma_start3A_792 = arith.constant 0 : i32
      %dma_start3A_793 = tpu.memref_slice %arg6[%dma_start3A_786, %dma_start3A_787, %dma_start3A_792] : memref<3x2x120xi32, #tpu.memory_space<vmem>> -> memref<1x1x120xi32, #tpu.memory_space<vmem>>
      %dma_start3A_794 = tpu.memref_squeeze %dma_start3A_793 : memref<1x1x120xi32, #tpu.memory_space<vmem>> -> memref<120xi32, #tpu.memory_space<vmem>>
      %dma_start3A_795 = arith.constant 0 : i32
      %dma_start3A_796 = arith.constant 0 : i32
      %dma_start3A_797 = tpu.memref_slice %arg5[%dma_start3A_795, %dma_start3A_796] : memref<10112x128xf32, #tpu.memory_space<vmem_shared>> -> memref<10112x128xf32, #tpu.memory_space<vmem_shared>>
      tpu.enqueue_indirect_dma source(%dma_start3A_791 : memref<120x128xf32, #tpu.memory_space<vmem>>) target(%dma_start3A_797 : memref<10112x128xf32, #tpu.memory_space<vmem_shared>>) offsets(%dma_start3A_794 : memref<120xi32, #tpu.memory_space<vmem>>) semaphore(%arg12 : memref<!tpu.dma_semaphore, #tpu.memory_space<semaphore_mem>>) {add = true}
      %ge3A_798 = arith.constant 1 : i32
      %ge3A_799 = arith.cmpi sge, %add3A_764, %ge3A_798 : i32
      %convert_element_type3A_800 = arith.extui %ge3A_799 : i1 to i32
      %cond3A_801 = arith.constant 0 : i32
      %cond3A_802 = arith.cmpi ne, %convert_element_type3A_800, %cond3A_801 : i32
      scf.if %cond3A_802 {
        %dma_wait3A_860 = arith.constant 0 : i32
        %dma_wait3A_861 = arith.constant 0 : i32
        %dma_wait3A_862 = arith.constant 1 : i32
        %dma_wait3A_863 = arith.constant 0 : i32
        %dma_wait3A_864 = arith.constant 0 : i32
        %dma_wait3A_865 = tpu.memref_slice %arg7[%dma_wait3A_860, %dma_wait3A_863, %dma_wait3A_864] : memref<3x120x128xf32, #tpu.memory_space<vmem>> -> memref<1x120x128xf32, #tpu.memory_space<vmem>>
        %dma_wait3A_866 = tpu.memref_squeeze %dma_wait3A_865 : memref<1x120x128xf32, #tpu.memory_space<vmem>> -> memref<120x128xf32, #tpu.memory_space<vmem>>
        %dma_wait3A_867 = arith.constant 0 : i32
        %dma_wait3A_868 = tpu.memref_slice %arg6[%dma_wait3A_861, %dma_wait3A_862, %dma_wait3A_867] : memref<3x2x120xi32, #tpu.memory_space<vmem>> -> memref<1x1x120xi32, #tpu.memory_space<vmem>>
        %dma_wait3A_869 = tpu.memref_squeeze %dma_wait3A_868 : memref<1x1x120xi32, #tpu.memory_space<vmem>> -> memref<120xi32, #tpu.memory_space<vmem>>
        %dma_wait3A_870 = arith.constant 0 : i32
        %dma_wait3A_871 = arith.constant 0 : i32
        %dma_wait3A_872 = tpu.memref_slice %arg5[%dma_wait3A_870, %dma_wait3A_871] : memref<10112x128xf32, #tpu.memory_space<vmem_shared>> -> memref<10112x128xf32, #tpu.memory_space<vmem_shared>>
        tpu.wait_indirect_dma semaphore(%arg11 : memref<!tpu.dma_semaphore, #tpu.memory_space<semaphore_mem>>) src(%dma_wait3A_866 : memref<120x128xf32, #tpu.memory_space<vmem>>) dst(%dma_wait3A_872 : memref<10112x128xf32, #tpu.memory_space<vmem_shared>>)
      } else {
      }
      %add3A_803 = arith.constant 1 : i32
      %add3A_804 = arith.addi %add3A_766, %add3A_803 : i32
      %lt3A_805 = arith.constant 167 : i32
      %lt3A_806 = arith.cmpi slt, %add3A_804, %lt3A_805 : i32
      %convert_element_type3A_807 = arith.extui %lt3A_806 : i1 to i32
      %cond3A_808 = arith.constant 0 : i32
      %cond3A_809 = arith.cmpi ne, %convert_element_type3A_807, %cond3A_808 : i32
      scf.if %cond3A_809 {
        %add3A_860 = arith.constant 1 : i32
        %add3A_861 = arith.addi %add3A_766, %add3A_860 : i32
        %dma_start3A_862 = arith.constant 0 : i32
        %dma_start3A_863 = arith.constant 0 : i32
        %dma_start3A_864 = arith.constant 0 : i32
        %dma_start3A_865 = tpu.memref_slice %arg6[%dma_start3A_862, %dma_start3A_863, %dma_start3A_864] : memref<3x2x120xi32, #tpu.memory_space<vmem>> -> memref<1x2x120xi32, #tpu.memory_space<vmem>>
        %dma_start3A_866 = tpu.memref_squeeze %dma_start3A_865 : memref<1x2x120xi32, #tpu.memory_space<vmem>> -> memref<2x120xi32, #tpu.memory_space<vmem>>
        %dma_start3A_867 = arith.constant 0 : i32
        %dma_start3A_868 = arith.constant 0 : i32
        %dma_start3A_869 = tpu.memref_slice %arg3[%arg0, %arg1, %add3A_861, %dma_start3A_867, %dma_start3A_868] : memref<2x16x167x2x120xi32, #tpu.memory_space<hbm>> -> memref<1x1x1x2x120xi32, #tpu.memory_space<hbm>>
        %dma_start3A_870 = tpu.memref_squeeze %dma_start3A_869 : memref<1x1x1x2x120xi32, #tpu.memory_space<hbm>> -> memref<2x120xi32, #tpu.memory_space<hbm>>
        %dma_start3A_871 = arith.constant 0 : i32
        %dma_start3A_872 = arith.constant 0 : i32
        %dma_start3A_873 = tpu.memref_slice %arg6[%dma_start3A_862, %dma_start3A_871, %dma_start3A_872] : memref<3x2x120xi32, #tpu.memory_space<vmem>> -> memref<1x2x120xi32, #tpu.memory_space<vmem>>
        %dma_start3A_874 = tpu.memref_squeeze %dma_start3A_873 : memref<1x2x120xi32, #tpu.memory_space<vmem>> -> memref<2x120xi32, #tpu.memory_space<vmem>>
        %dma_start3A_875 = arith.constant 0 : i32
        %dma_start3A_876 = arith.constant 0 : i32
        %dma_start3A_877 = tpu.memref_slice %arg3[%arg0, %arg1, %add3A_861, %dma_start3A_875, %dma_start3A_876] : memref<2x16x167x2x120xi32, #tpu.memory_space<hbm>> -> memref<1x1x1x2x120xi32, #tpu.memory_space<hbm>>
        %dma_start3A_878 = tpu.memref_squeeze %dma_start3A_877 : memref<1x1x1x2x120xi32, #tpu.memory_space<hbm>> -> memref<2x120xi32, #tpu.memory_space<hbm>>
        tpu.enqueue_dma source(%dma_start3A_878 : memref<2x120xi32, #tpu.memory_space<hbm>>) target(%dma_start3A_874 : memref<2x120xi32, #tpu.memory_space<vmem>>) target_semaphore(%arg14 : memref<!tpu.dma_semaphore, #tpu.memory_space<semaphore_mem>>)
      } else {
      }
      %mul3A_810 = arith.constant 3 : i32
      %mul3A_811 = arith.muli %mul3A_810, %scan3A_715 : i32
      %add3A_812 = arith.constant 2 : i32
      %add3A_813 = arith.addi %mul3A_811, %add3A_812 : i32
      %add3A_814 = arith.constant 1 : i32
      %add3A_815 = arith.addi %add3A_813, %add3A_814 : i32
      %lt3A_816 = arith.constant 167 : i32
      %lt3A_817 = arith.cmpi slt, %add3A_815, %lt3A_816 : i32
      %convert_element_type3A_818 = arith.extui %lt3A_817 : i1 to i32
      %cond3A_819 = arith.constant 0 : i32
      %cond3A_820 = arith.cmpi ne, %convert_element_type3A_818, %cond3A_819 : i32
      scf.if %cond3A_820 {
        %dma_wait3A_860 = arith.constant 0 : i32
        %dma_wait3A_861 = arith.constant 0 : i32
        %dma_wait3A_862 = arith.constant 0 : i32
        %dma_wait3A_863 = tpu.memref_slice %arg6[%dma_wait3A_860, %dma_wait3A_861, %dma_wait3A_862] : memref<3x2x120xi32, #tpu.memory_space<vmem>> -> memref<1x2x120xi32, #tpu.memory_space<vmem>>
        %dma_wait3A_864 = tpu.memref_squeeze %dma_wait3A_863 : memref<1x2x120xi32, #tpu.memory_space<vmem>> -> memref<2x120xi32, #tpu.memory_space<vmem>>
        %dma_wait3A_865 = arith.constant 0 : i32
        %dma_wait3A_866 = arith.constant 0 : i32
        %dma_wait3A_867 = tpu.memref_slice %arg3[%arg0, %arg1, %add3A_815, %dma_wait3A_865, %dma_wait3A_866] : memref<2x16x167x2x120xi32, #tpu.memory_space<hbm>> -> memref<1x1x1x2x120xi32, #tpu.memory_space<hbm>>
        %dma_wait3A_868 = tpu.memref_squeeze %dma_wait3A_867 : memref<1x1x1x2x120xi32, #tpu.memory_space<hbm>> -> memref<2x120xi32, #tpu.memory_space<hbm>>
        %dma_wait3A_869 = arith.constant 0 : i32
        %dma_wait3A_870 = arith.constant 0 : i32
        %dma_wait3A_871 = tpu.memref_slice %arg6[%dma_wait3A_860, %dma_wait3A_869, %dma_wait3A_870] : memref<3x2x120xi32, #tpu.memory_space<vmem>> -> memref<1x2x120xi32, #tpu.memory_space<vmem>>
        %dma_wait3A_872 = tpu.memref_squeeze %dma_wait3A_871 : memref<1x2x120xi32, #tpu.memory_space<vmem>> -> memref<2x120xi32, #tpu.memory_space<vmem>>
        %dma_wait3A_873 = arith.constant 0 : i32
        %dma_wait3A_874 = arith.constant 0 : i32
        %dma_wait3A_875 = tpu.memref_slice %arg3[%arg0, %arg1, %add3A_815, %dma_wait3A_873, %dma_wait3A_874] : memref<2x16x167x2x120xi32, #tpu.memory_space<hbm>> -> memref<1x1x1x2x120xi32, #tpu.memory_space<hbm>>
        %dma_wait3A_876 = tpu.memref_squeeze %dma_wait3A_875 : memref<1x1x1x2x120xi32, #tpu.memory_space<hbm>> -> memref<2x120xi32, #tpu.memory_space<hbm>>
        tpu.wait_dma2 semaphore(%arg14 : memref<!tpu.dma_semaphore, #tpu.memory_space<semaphore_mem>>) src(%dma_wait3A_876 : memref<2x120xi32, #tpu.memory_space<hbm>>) dst(%dma_wait3A_872 : memref<2x120xi32, #tpu.memory_space<vmem>>)
        %dma_start3A_877 = arith.constant 0 : i32
        %dma_start3A_878 = arith.constant 0 : i32
        %dma_start3A_879 = arith.constant 0 : i32
        %dma_start3A_880 = arith.constant 0 : i32
        %dma_start3A_881 = arith.constant 0 : i32
        %dma_start3A_882 = tpu.memref_slice %arg7[%dma_start3A_879, %dma_start3A_880, %dma_start3A_881] : memref<3x120x128xf32, #tpu.memory_space<vmem>> -> memref<1x120x128xf32, #tpu.memory_space<vmem>>
        %dma_start3A_883 = tpu.memref_squeeze %dma_start3A_882 : memref<1x120x128xf32, #tpu.memory_space<vmem>> -> memref<120x128xf32, #tpu.memory_space<vmem>>
        %dma_start3A_884 = arith.constant 0 : i32
        %dma_start3A_885 = tpu.memref_slice %arg6[%dma_start3A_877, %dma_start3A_878, %dma_start3A_884] : memref<3x2x120xi32, #tpu.memory_space<vmem>> -> memref<1x1x120xi32, #tpu.memory_space<vmem>>
        %dma_start3A_886 = tpu.memref_squeeze %dma_start3A_885 : memref<1x1x120xi32, #tpu.memory_space<vmem>> -> memref<120xi32, #tpu.memory_space<vmem>>
        %dma_start3A_887 = arith.constant 0 : i32
        %dma_start3A_888 = arith.constant 0 : i32
        %dma_start3A_889 = tpu.memref_slice %arg2[%dma_start3A_887, %dma_start3A_888] : memref<20000x128xf32, #tpu.memory_space<hbm>> -> memref<20000x128xf32, #tpu.memory_space<hbm>>
        tpu.enqueue_indirect_dma source(%dma_start3A_889 : memref<20000x128xf32, #tpu.memory_space<hbm>>) target(%dma_start3A_883 : memref<120x128xf32, #tpu.memory_space<vmem>>) offsets(%dma_start3A_886 : memref<120xi32, #tpu.memory_space<vmem>>) semaphore(%arg8 : memref<!tpu.dma_semaphore, #tpu.memory_space<semaphore_mem>>)
      } else {
      }
      %dma_wait3A_821 = arith.constant 2 : i32
      %dma_wait3A_822 = arith.constant 0 : i32
      %dma_wait3A_823 = arith.constant 2 : i32
      %dma_wait3A_824 = arith.constant 0 : i32
      %dma_wait3A_825 = arith.constant 0 : i32
      %dma_wait3A_826 = tpu.memref_slice %arg7[%dma_wait3A_823, %dma_wait3A_824, %dma_wait3A_825] : memref<3x120x128xf32, #tpu.memory_space<vmem>> -> memref<1x120x128xf32, #tpu.memory_space<vmem>>
      %dma_wait3A_827 = tpu.memref_squeeze %dma_wait3A_826 : memref<1x120x128xf32, #tpu.memory_space<vmem>> -> memref<120x128xf32, #tpu.memory_space<vmem>>
      %dma_wait3A_828 = arith.constant 0 : i32
      %dma_wait3A_829 = tpu.memref_slice %arg6[%dma_wait3A_821, %dma_wait3A_822, %dma_wait3A_828] : memref<3x2x120xi32, #tpu.memory_space<vmem>> -> memref<1x1x120xi32, #tpu.memory_space<vmem>>
      %dma_wait3A_830 = tpu.memref_squeeze %dma_wait3A_829 : memref<1x1x120xi32, #tpu.memory_space<vmem>> -> memref<120xi32, #tpu.memory_space<vmem>>
      %dma_wait3A_831 = arith.constant 0 : i32
      %dma_wait3A_832 = arith.constant 0 : i32
      %dma_wait3A_833 = tpu.memref_slice %arg2[%dma_wait3A_831, %dma_wait3A_832] : memref<20000x128xf32, #tpu.memory_space<hbm>> -> memref<20000x128xf32, #tpu.memory_space<hbm>>
      tpu.wait_indirect_dma semaphore(%arg10 : memref<!tpu.dma_semaphore, #tpu.memory_space<semaphore_mem>>) src(%dma_wait3A_833 : memref<20000x128xf32, #tpu.memory_space<hbm>>) dst(%dma_wait3A_827 : memref<120x128xf32, #tpu.memory_space<vmem>>)
      %dma_start3A_834 = arith.constant 2 : i32
      %dma_start3A_835 = arith.constant 2 : i32
      %dma_start3A_836 = arith.constant 1 : i32
      %dma_start3A_837 = arith.constant 0 : i32
      %dma_start3A_838 = arith.constant 0 : i32
      %dma_start3A_839 = tpu.memref_slice %arg7[%dma_start3A_834, %dma_start3A_837, %dma_start3A_838] : memref<3x120x128xf32, #tpu.memory_space<vmem>> -> memref<1x120x128xf32, #tpu.memory_space<vmem>>
      %dma_start3A_840 = tpu.memref_squeeze %dma_start3A_839 : memref<1x120x128xf32, #tpu.memory_space<vmem>> -> memref<120x128xf32, #tpu.memory_space<vmem>>
      %dma_start3A_841 = arith.constant 0 : i32
      %dma_start3A_842 = tpu.memref_slice %arg6[%dma_start3A_835, %dma_start3A_836, %dma_start3A_841] : memref<3x2x120xi32, #tpu.memory_space<vmem>> -> memref<1x1x120xi32, #tpu.memory_space<vmem>>
      %dma_start3A_843 = tpu.memref_squeeze %dma_start3A_842 : memref<1x1x120xi32, #tpu.memory_space<vmem>> -> memref<120xi32, #tpu.memory_space<vmem>>
      %dma_start3A_844 = arith.constant 0 : i32
      %dma_start3A_845 = arith.constant 0 : i32
      %dma_start3A_846 = tpu.memref_slice %arg5[%dma_start3A_844, %dma_start3A_845] : memref<10112x128xf32, #tpu.memory_space<vmem_shared>> -> memref<10112x128xf32, #tpu.memory_space<vmem_shared>>
      tpu.enqueue_indirect_dma source(%dma_start3A_840 : memref<120x128xf32, #tpu.memory_space<vmem>>) target(%dma_start3A_846 : memref<10112x128xf32, #tpu.memory_space<vmem_shared>>) offsets(%dma_start3A_843 : memref<120xi32, #tpu.memory_space<vmem>>) semaphore(%arg13 : memref<!tpu.dma_semaphore, #tpu.memory_space<semaphore_mem>>) {add = true}
      %ge3A_847 = arith.constant 1 : i32
      %ge3A_848 = arith.cmpi sge, %add3A_813, %ge3A_847 : i32
      %convert_element_type3A_849 = arith.extui %ge3A_848 : i1 to i32
      %cond3A_850 = arith.constant 0 : i32
      %cond3A_851 = arith.cmpi ne, %convert_element_type3A_849, %cond3A_850 : i32
      scf.if %cond3A_851 {
        %dma_wait3A_860 = arith.constant 1 : i32
        %dma_wait3A_861 = arith.constant 1 : i32
        %dma_wait3A_862 = arith.constant 1 : i32
        %dma_wait3A_863 = arith.constant 0 : i32
        %dma_wait3A_864 = arith.constant 0 : i32
        %dma_wait3A_865 = tpu.memref_slice %arg7[%dma_wait3A_860, %dma_wait3A_863, %dma_wait3A_864] : memref<3x120x128xf32, #tpu.memory_space<vmem>> -> memref<1x120x128xf32, #tpu.memory_space<vmem>>
        %dma_wait3A_866 = tpu.memref_squeeze %dma_wait3A_865 : memref<1x120x128xf32, #tpu.memory_space<vmem>> -> memref<120x128xf32, #tpu.memory_space<vmem>>
        %dma_wait3A_867 = arith.constant 0 : i32
        %dma_wait3A_868 = tpu.memref_slice %arg6[%dma_wait3A_861, %dma_wait3A_862, %dma_wait3A_867] : memref<3x2x120xi32, #tpu.memory_space<vmem>> -> memref<1x1x120xi32, #tpu.memory_space<vmem>>
        %dma_wait3A_869 = tpu.memref_squeeze %dma_wait3A_868 : memref<1x1x120xi32, #tpu.memory_space<vmem>> -> memref<120xi32, #tpu.memory_space<vmem>>
        %dma_wait3A_870 = arith.constant 0 : i32
        %dma_wait3A_871 = arith.constant 0 : i32
        %dma_wait3A_872 = tpu.memref_slice %arg5[%dma_wait3A_870, %dma_wait3A_871] : memref<10112x128xf32, #tpu.memory_space<vmem_shared>> -> memref<10112x128xf32, #tpu.memory_space<vmem_shared>>
        tpu.wait_indirect_dma semaphore(%arg12 : memref<!tpu.dma_semaphore, #tpu.memory_space<semaphore_mem>>) src(%dma_wait3A_866 : memref<120x128xf32, #tpu.memory_space<vmem>>) dst(%dma_wait3A_872 : memref<10112x128xf32, #tpu.memory_space<vmem_shared>>)
      } else {
      }
      %add3A_852 = arith.constant 1 : i32
      %add3A_853 = arith.addi %add3A_815, %add3A_852 : i32
      %lt3A_854 = arith.constant 167 : i32
      %lt3A_855 = arith.cmpi slt, %add3A_853, %lt3A_854 : i32
      %convert_element_type3A_856 = arith.extui %lt3A_855 : i1 to i32
      %cond3A_857 = arith.constant 0 : i32
      %cond3A_858 = arith.cmpi ne, %convert_element_type3A_856, %cond3A_857 : i32
      scf.if %cond3A_858 {
        %add3A_860 = arith.constant 1 : i32
        %add3A_861 = arith.addi %add3A_815, %add3A_860 : i32
        %dma_start3A_862 = arith.constant 1 : i32
        %dma_start3A_863 = arith.constant 0 : i32
        %dma_start3A_864 = arith.constant 0 : i32
        %dma_start3A_865 = tpu.memref_slice %arg6[%dma_start3A_862, %dma_start3A_863, %dma_start3A_864] : memref<3x2x120xi32, #tpu.memory_space<vmem>> -> memref<1x2x120xi32, #tpu.memory_space<vmem>>
        %dma_start3A_866 = tpu.memref_squeeze %dma_start3A_865 : memref<1x2x120xi32, #tpu.memory_space<vmem>> -> memref<2x120xi32, #tpu.memory_space<vmem>>
        %dma_start3A_867 = arith.constant 0 : i32
        %dma_start3A_868 = arith.constant 0 : i32
        %dma_start3A_869 = tpu.memref_slice %arg3[%arg0, %arg1, %add3A_861, %dma_start3A_867, %dma_start3A_868] : memref<2x16x167x2x120xi32, #tpu.memory_space<hbm>> -> memref<1x1x1x2x120xi32, #tpu.memory_space<hbm>>
        %dma_start3A_870 = tpu.memref_squeeze %dma_start3A_869 : memref<1x1x1x2x120xi32, #tpu.memory_space<hbm>> -> memref<2x120xi32, #tpu.memory_space<hbm>>
        %dma_start3A_871 = arith.constant 0 : i32
        %dma_start3A_872 = arith.constant 0 : i32
        %dma_start3A_873 = tpu.memref_slice %arg6[%dma_start3A_862, %dma_start3A_871, %dma_start3A_872] : memref<3x2x120xi32, #tpu.memory_space<vmem>> -> memref<1x2x120xi32, #tpu.memory_space<vmem>>
        %dma_start3A_874 = tpu.memref_squeeze %dma_start3A_873 : memref<1x2x120xi32, #tpu.memory_space<vmem>> -> memref<2x120xi32, #tpu.memory_space<vmem>>
        %dma_start3A_875 = arith.constant 0 : i32
        %dma_start3A_876 = arith.constant 0 : i32
        %dma_start3A_877 = tpu.memref_slice %arg3[%arg0, %arg1, %add3A_861, %dma_start3A_875, %dma_start3A_876] : memref<2x16x167x2x120xi32, #tpu.memory_space<hbm>> -> memref<1x1x1x2x120xi32, #tpu.memory_space<hbm>>
        %dma_start3A_878 = tpu.memref_squeeze %dma_start3A_877 : memref<1x1x1x2x120xi32, #tpu.memory_space<hbm>> -> memref<2x120xi32, #tpu.memory_space<hbm>>
        tpu.enqueue_dma source(%dma_start3A_878 : memref<2x120xi32, #tpu.memory_space<hbm>>) target(%dma_start3A_874 : memref<2x120xi32, #tpu.memory_space<vmem>>) target_semaphore(%arg15 : memref<!tpu.dma_semaphore, #tpu.memory_space<semaphore_mem>>)
      } else {
      }
      %scan3A_859 = arith.constant 0 : i32
      scf.yield %scan3A_859 : i32
    }
    %scan3A_591 = arith.constant 55 : i32
    %dma_wait3A_592 = arith.constant 166 : i32
    %dma_wait3A_593 = arith.constant 1 : i32
    %dma_wait3A_594 = arith.constant 0 : i32
    %dma_wait3A_595 = arith.constant 0 : i32
    %dma_wait3A_596 = tpu.memref_slice %arg6[%dma_wait3A_593, %dma_wait3A_594, %dma_wait3A_595] : memref<3x2x120xi32, #tpu.memory_space<vmem>> -> memref<1x2x120xi32, #tpu.memory_space<vmem>>
    %dma_wait3A_597 = tpu.memref_squeeze %dma_wait3A_596 : memref<1x2x120xi32, #tpu.memory_space<vmem>> -> memref<2x120xi32, #tpu.memory_space<vmem>>
    %dma_wait3A_598 = arith.constant 0 : i32
    %dma_wait3A_599 = arith.constant 0 : i32
    %dma_wait3A_600 = tpu.memref_slice %arg3[%arg0, %arg1, %dma_wait3A_592, %dma_wait3A_598, %dma_wait3A_599] : memref<2x16x167x2x120xi32, #tpu.memory_space<hbm>> -> memref<1x1x1x2x120xi32, #tpu.memory_space<hbm>>
    %dma_wait3A_601 = tpu.memref_squeeze %dma_wait3A_600 : memref<1x1x1x2x120xi32, #tpu.memory_space<hbm>> -> memref<2x120xi32, #tpu.memory_space<hbm>>
    %dma_wait3A_602 = arith.constant 0 : i32
    %dma_wait3A_603 = arith.constant 0 : i32
    %dma_wait3A_604 = tpu.memref_slice %arg6[%dma_wait3A_593, %dma_wait3A_602, %dma_wait3A_603] : memref<3x2x120xi32, #tpu.memory_space<vmem>> -> memref<1x2x120xi32, #tpu.memory_space<vmem>>
    %dma_wait3A_605 = tpu.memref_squeeze %dma_wait3A_604 : memref<1x2x120xi32, #tpu.memory_space<vmem>> -> memref<2x120xi32, #tpu.memory_space<vmem>>
    %dma_wait3A_606 = arith.constant 0 : i32
    %dma_wait3A_607 = arith.constant 0 : i32
    %dma_wait3A_608 = tpu.memref_slice %arg3[%arg0, %arg1, %dma_wait3A_592, %dma_wait3A_606, %dma_wait3A_607] : memref<2x16x167x2x120xi32, #tpu.memory_space<hbm>> -> memref<1x1x1x2x120xi32, #tpu.memory_space<hbm>>
    %dma_wait3A_609 = tpu.memref_squeeze %dma_wait3A_608 : memref<1x1x1x2x120xi32, #tpu.memory_space<hbm>> -> memref<2x120xi32, #tpu.memory_space<hbm>>
    tpu.wait_dma2 semaphore(%arg15 : memref<!tpu.dma_semaphore, #tpu.memory_space<semaphore_mem>>) src(%dma_wait3A_609 : memref<2x120xi32, #tpu.memory_space<hbm>>) dst(%dma_wait3A_605 : memref<2x120xi32, #tpu.memory_space<vmem>>)
    %dma_start3A_610 = arith.constant 1 : i32
    %dma_start3A_611 = arith.constant 0 : i32
    %dma_start3A_612 = arith.constant 1 : i32
    %dma_start3A_613 = arith.constant 0 : i32
    %dma_start3A_614 = arith.constant 0 : i32
    %dma_start3A_615 = tpu.memref_slice %arg7[%dma_start3A_612, %dma_start3A_613, %dma_start3A_614] : memref<3x120x128xf32, #tpu.memory_space<vmem>> -> memref<1x120x128xf32, #tpu.memory_space<vmem>>
    %dma_start3A_616 = tpu.memref_squeeze %dma_start3A_615 : memref<1x120x128xf32, #tpu.memory_space<vmem>> -> memref<120x128xf32, #tpu.memory_space<vmem>>
    %dma_start3A_617 = arith.constant 0 : i32
    %dma_start3A_618 = tpu.memref_slice %arg6[%dma_start3A_610, %dma_start3A_611, %dma_start3A_617] : memref<3x2x120xi32, #tpu.memory_space<vmem>> -> memref<1x1x120xi32, #tpu.memory_space<vmem>>
    %dma_start3A_619 = tpu.memref_squeeze %dma_start3A_618 : memref<1x1x120xi32, #tpu.memory_space<vmem>> -> memref<120xi32, #tpu.memory_space<vmem>>
    %dma_start3A_620 = arith.constant 0 : i32
    %dma_start3A_621 = arith.constant 0 : i32
    %dma_start3A_622 = tpu.memref_slice %arg2[%dma_start3A_620, %dma_start3A_621] : memref<20000x128xf32, #tpu.memory_space<hbm>> -> memref<20000x128xf32, #tpu.memory_space<hbm>>
    tpu.enqueue_indirect_dma source(%dma_start3A_622 : memref<20000x128xf32, #tpu.memory_space<hbm>>) target(%dma_start3A_616 : memref<120x128xf32, #tpu.memory_space<vmem>>) offsets(%dma_start3A_619 : memref<120xi32, #tpu.memory_space<vmem>>) semaphore(%arg9 : memref<!tpu.dma_semaphore, #tpu.memory_space<semaphore_mem>>)
    %dma_wait3A_623 = arith.constant 0 : i32
    %dma_wait3A_624 = arith.constant 0 : i32
    %dma_wait3A_625 = arith.constant 0 : i32
    %dma_wait3A_626 = arith.constant 0 : i32
    %dma_wait3A_627 = arith.constant 0 : i32
    %dma_wait3A_628 = tpu.memref_slice %arg7[%dma_wait3A_625, %dma_wait3A_626, %dma_wait3A_627] : memref<3x120x128xf32, #tpu.memory_space<vmem>> -> memref<1x120x128xf32, #tpu.memory_space<vmem>>
    %dma_wait3A_629 = tpu.memref_squeeze %dma_wait3A_628 : memref<1x120x128xf32, #tpu.memory_space<vmem>> -> memref<120x128xf32, #tpu.memory_space<vmem>>
    %dma_wait3A_630 = arith.constant 0 : i32
    %dma_wait3A_631 = tpu.memref_slice %arg6[%dma_wait3A_623, %dma_wait3A_624, %dma_wait3A_630] : memref<3x2x120xi32, #tpu.memory_space<vmem>> -> memref<1x1x120xi32, #tpu.memory_space<vmem>>
    %dma_wait3A_632 = tpu.memref_squeeze %dma_wait3A_631 : memref<1x1x120xi32, #tpu.memory_space<vmem>> -> memref<120xi32, #tpu.memory_space<vmem>>
    %dma_wait3A_633 = arith.constant 0 : i32
    %dma_wait3A_634 = arith.constant 0 : i32
    %dma_wait3A_635 = tpu.memref_slice %arg2[%dma_wait3A_633, %dma_wait3A_634] : memref<20000x128xf32, #tpu.memory_space<hbm>> -> memref<20000x128xf32, #tpu.memory_space<hbm>>
    tpu.wait_indirect_dma semaphore(%arg8 : memref<!tpu.dma_semaphore, #tpu.memory_space<semaphore_mem>>) src(%dma_wait3A_635 : memref<20000x128xf32, #tpu.memory_space<hbm>>) dst(%dma_wait3A_629 : memref<120x128xf32, #tpu.memory_space<vmem>>)
    %dma_start3A_636 = arith.constant 0 : i32
    %dma_start3A_637 = arith.constant 0 : i32
    %dma_start3A_638 = arith.constant 1 : i32
    %dma_start3A_639 = arith.constant 0 : i32
    %dma_start3A_640 = arith.constant 0 : i32
    %dma_start3A_641 = tpu.memref_slice %arg7[%dma_start3A_636, %dma_start3A_639, %dma_start3A_640] : memref<3x120x128xf32, #tpu.memory_space<vmem>> -> memref<1x120x128xf32, #tpu.memory_space<vmem>>
    %dma_start3A_642 = tpu.memref_squeeze %dma_start3A_641 : memref<1x120x128xf32, #tpu.memory_space<vmem>> -> memref<120x128xf32, #tpu.memory_space<vmem>>
    %dma_start3A_643 = arith.constant 0 : i32
    %dma_start3A_644 = tpu.memref_slice %arg6[%dma_start3A_637, %dma_start3A_638, %dma_start3A_643] : memref<3x2x120xi32, #tpu.memory_space<vmem>> -> memref<1x1x120xi32, #tpu.memory_space<vmem>>
    %dma_start3A_645 = tpu.memref_squeeze %dma_start3A_644 : memref<1x1x120xi32, #tpu.memory_space<vmem>> -> memref<120xi32, #tpu.memory_space<vmem>>
    %dma_start3A_646 = arith.constant 0 : i32
    %dma_start3A_647 = arith.constant 0 : i32
    %dma_start3A_648 = tpu.memref_slice %arg5[%dma_start3A_646, %dma_start3A_647] : memref<10112x128xf32, #tpu.memory_space<vmem_shared>> -> memref<10112x128xf32, #tpu.memory_space<vmem_shared>>
    tpu.enqueue_indirect_dma source(%dma_start3A_642 : memref<120x128xf32, #tpu.memory_space<vmem>>) target(%dma_start3A_648 : memref<10112x128xf32, #tpu.memory_space<vmem_shared>>) offsets(%dma_start3A_645 : memref<120xi32, #tpu.memory_space<vmem>>) semaphore(%arg11 : memref<!tpu.dma_semaphore, #tpu.memory_space<semaphore_mem>>) {add = true}
    %dma_wait3A_649 = arith.constant 2 : i32
    %dma_wait3A_650 = arith.constant 2 : i32
    %dma_wait3A_651 = arith.constant 1 : i32
    %dma_wait3A_652 = arith.constant 0 : i32
    %dma_wait3A_653 = arith.constant 0 : i32
    %dma_wait3A_654 = tpu.memref_slice %arg7[%dma_wait3A_649, %dma_wait3A_652, %dma_wait3A_653] : memref<3x120x128xf32, #tpu.memory_space<vmem>> -> memref<1x120x128xf32, #tpu.memory_space<vmem>>
    %dma_wait3A_655 = tpu.memref_squeeze %dma_wait3A_654 : memref<1x120x128xf32, #tpu.memory_space<vmem>> -> memref<120x128xf32, #tpu.memory_space<vmem>>
    %dma_wait3A_656 = arith.constant 0 : i32
    %dma_wait3A_657 = tpu.memref_slice %arg6[%dma_wait3A_650, %dma_wait3A_651, %dma_wait3A_656] : memref<3x2x120xi32, #tpu.memory_space<vmem>> -> memref<1x1x120xi32, #tpu.memory_space<vmem>>
    %dma_wait3A_658 = tpu.memref_squeeze %dma_wait3A_657 : memref<1x1x120xi32, #tpu.memory_space<vmem>> -> memref<120xi32, #tpu.memory_space<vmem>>
    %dma_wait3A_659 = arith.constant 0 : i32
    %dma_wait3A_660 = arith.constant 0 : i32
    %dma_wait3A_661 = tpu.memref_slice %arg5[%dma_wait3A_659, %dma_wait3A_660] : memref<10112x128xf32, #tpu.memory_space<vmem_shared>> -> memref<10112x128xf32, #tpu.memory_space<vmem_shared>>
    tpu.wait_indirect_dma semaphore(%arg13 : memref<!tpu.dma_semaphore, #tpu.memory_space<semaphore_mem>>) src(%dma_wait3A_655 : memref<120x128xf32, #tpu.memory_space<vmem>>) dst(%dma_wait3A_661 : memref<10112x128xf32, #tpu.memory_space<vmem_shared>>)
    %dma_wait3A_662 = arith.constant 1 : i32
    %dma_wait3A_663 = arith.constant 0 : i32
    %dma_wait3A_664 = arith.constant 1 : i32
    %dma_wait3A_665 = arith.constant 0 : i32
    %dma_wait3A_666 = arith.constant 0 : i32
    %dma_wait3A_667 = tpu.memref_slice %arg7[%dma_wait3A_664, %dma_wait3A_665, %dma_wait3A_666] : memref<3x120x128xf32, #tpu.memory_space<vmem>> -> memref<1x120x128xf32, #tpu.memory_space<vmem>>
    %dma_wait3A_668 = tpu.memref_squeeze %dma_wait3A_667 : memref<1x120x128xf32, #tpu.memory_space<vmem>> -> memref<120x128xf32, #tpu.memory_space<vmem>>
    %dma_wait3A_669 = arith.constant 0 : i32
    %dma_wait3A_670 = tpu.memref_slice %arg6[%dma_wait3A_662, %dma_wait3A_663, %dma_wait3A_669] : memref<3x2x120xi32, #tpu.memory_space<vmem>> -> memref<1x1x120xi32, #tpu.memory_space<vmem>>
    %dma_wait3A_671 = tpu.memref_squeeze %dma_wait3A_670 : memref<1x1x120xi32, #tpu.memory_space<vmem>> -> memref<120xi32, #tpu.memory_space<vmem>>
    %dma_wait3A_672 = arith.constant 0 : i32
    %dma_wait3A_673 = arith.constant 0 : i32
    %dma_wait3A_674 = tpu.memref_slice %arg2[%dma_wait3A_672, %dma_wait3A_673] : memref<20000x128xf32, #tpu.memory_space<hbm>> -> memref<20000x128xf32, #tpu.memory_space<hbm>>
    tpu.wait_indirect_dma semaphore(%arg9 : memref<!tpu.dma_semaphore, #tpu.memory_space<semaphore_mem>>) src(%dma_wait3A_674 : memref<20000x128xf32, #tpu.memory_space<hbm>>) dst(%dma_wait3A_668 : memref<120x128xf32, #tpu.memory_space<vmem>>)
    %dma_start3A_675 = arith.constant 1 : i32
    %dma_start3A_676 = arith.constant 1 : i32
    %dma_start3A_677 = arith.constant 1 : i32
    %dma_start3A_678 = arith.constant 0 : i32
    %dma_start3A_679 = arith.constant 0 : i32
    %dma_start3A_680 = tpu.memref_slice %arg7[%dma_start3A_675, %dma_start3A_678, %dma_start3A_679] : memref<3x120x128xf32, #tpu.memory_space<vmem>> -> memref<1x120x128xf32, #tpu.memory_space<vmem>>
    %dma_start3A_681 = tpu.memref_squeeze %dma_start3A_680 : memref<1x120x128xf32, #tpu.memory_space<vmem>> -> memref<120x128xf32, #tpu.memory_space<vmem>>
    %dma_start3A_682 = arith.constant 0 : i32
    %dma_start3A_683 = tpu.memref_slice %arg6[%dma_start3A_676, %dma_start3A_677, %dma_start3A_682] : memref<3x2x120xi32, #tpu.memory_space<vmem>> -> memref<1x1x120xi32, #tpu.memory_space<vmem>>
    %dma_start3A_684 = tpu.memref_squeeze %dma_start3A_683 : memref<1x1x120xi32, #tpu.memory_space<vmem>> -> memref<120xi32, #tpu.memory_space<vmem>>
    %dma_start3A_685 = arith.constant 0 : i32
    %dma_start3A_686 = arith.constant 0 : i32
    %dma_start3A_687 = tpu.memref_slice %arg5[%dma_start3A_685, %dma_start3A_686] : memref<10112x128xf32, #tpu.memory_space<vmem_shared>> -> memref<10112x128xf32, #tpu.memory_space<vmem_shared>>
    tpu.enqueue_indirect_dma source(%dma_start3A_681 : memref<120x128xf32, #tpu.memory_space<vmem>>) target(%dma_start3A_687 : memref<10112x128xf32, #tpu.memory_space<vmem_shared>>) offsets(%dma_start3A_684 : memref<120xi32, #tpu.memory_space<vmem>>) semaphore(%arg12 : memref<!tpu.dma_semaphore, #tpu.memory_space<semaphore_mem>>) {add = true}
    %dma_wait3A_688 = arith.constant 0 : i32
    %dma_wait3A_689 = arith.constant 0 : i32
    %dma_wait3A_690 = arith.constant 1 : i32
    %dma_wait3A_691 = arith.constant 0 : i32
    %dma_wait3A_692 = arith.constant 0 : i32
    %dma_wait3A_693 = tpu.memref_slice %arg7[%dma_wait3A_688, %dma_wait3A_691, %dma_wait3A_692] : memref<3x120x128xf32, #tpu.memory_space<vmem>> -> memref<1x120x128xf32, #tpu.memory_space<vmem>>
    %dma_wait3A_694 = tpu.memref_squeeze %dma_wait3A_693 : memref<1x120x128xf32, #tpu.memory_space<vmem>> -> memref<120x128xf32, #tpu.memory_space<vmem>>
    %dma_wait3A_695 = arith.constant 0 : i32
    %dma_wait3A_696 = tpu.memref_slice %arg6[%dma_wait3A_689, %dma_wait3A_690, %dma_wait3A_695] : memref<3x2x120xi32, #tpu.memory_space<vmem>> -> memref<1x1x120xi32, #tpu.memory_space<vmem>>
    %dma_wait3A_697 = tpu.memref_squeeze %dma_wait3A_696 : memref<1x1x120xi32, #tpu.memory_space<vmem>> -> memref<120xi32, #tpu.memory_space<vmem>>
    %dma_wait3A_698 = arith.constant 0 : i32
    %dma_wait3A_699 = arith.constant 0 : i32
    %dma_wait3A_700 = tpu.memref_slice %arg5[%dma_wait3A_698, %dma_wait3A_699] : memref<10112x128xf32, #tpu.memory_space<vmem_shared>> -> memref<10112x128xf32, #tpu.memory_space<vmem_shared>>
    tpu.wait_indirect_dma semaphore(%arg11 : memref<!tpu.dma_semaphore, #tpu.memory_space<semaphore_mem>>) src(%dma_wait3A_694 : memref<120x128xf32, #tpu.memory_space<vmem>>) dst(%dma_wait3A_700 : memref<10112x128xf32, #tpu.memory_space<vmem_shared>>)
    %dma_wait3A_701 = arith.constant 1 : i32
    %dma_wait3A_702 = arith.constant 1 : i32
    %dma_wait3A_703 = arith.constant 1 : i32
    %dma_wait3A_704 = arith.constant 0 : i32
    %dma_wait3A_705 = arith.constant 0 : i32
    %dma_wait3A_706 = tpu.memref_slice %arg7[%dma_wait3A_701, %dma_wait3A_704, %dma_wait3A_705] : memref<3x120x128xf32, #tpu.memory_space<vmem>> -> memref<1x120x128xf32, #tpu.memory_space<vmem>>
    %dma_wait3A_707 = tpu.memref_squeeze %dma_wait3A_706 : memref<1x120x128xf32, #tpu.memory_space<vmem>> -> memref<120x128xf32, #tpu.memory_space<vmem>>
    %dma_wait3A_708 = arith.constant 0 : i32
    %dma_wait3A_709 = tpu.memref_slice %arg6[%dma_wait3A_702, %dma_wait3A_703, %dma_wait3A_708] : memref<3x2x120xi32, #tpu.memory_space<vmem>> -> memref<1x1x120xi32, #tpu.memory_space<vmem>>
    %dma_wait3A_710 = tpu.memref_squeeze %dma_wait3A_709 : memref<1x1x120xi32, #tpu.memory_space<vmem>> -> memref<120xi32, #tpu.memory_space<vmem>>
    %dma_wait3A_711 = arith.constant 0 : i32
    %dma_wait3A_712 = arith.constant 0 : i32
    %dma_wait3A_713 = tpu.memref_slice %arg5[%dma_wait3A_711, %dma_wait3A_712] : memref<10112x128xf32, #tpu.memory_space<vmem_shared>> -> memref<10112x128xf32, #tpu.memory_space<vmem_shared>>
    tpu.wait_indirect_dma semaphore(%arg12 : memref<!tpu.dma_semaphore, #tpu.memory_space<semaphore_mem>>) src(%dma_wait3A_707 : memref<120x128xf32, #tpu.memory_space<vmem>>) dst(%dma_wait3A_713 : memref<10112x128xf32, #tpu.memory_space<vmem_shared>>)
    %barrier3A_714 = arith.constant 0 : index
    tpu.barrier barrier_id(%barrier3A_714)
    "tpu.region"() ({
      %run_scoped3A = tpu.sem_alloc : memref<!tpu.dma_semaphore, #tpu.memory_space<semaphore_mem>>
      %dma_start3A_715 = arith.constant 0 : i32
      %dma_start3A_716 = tpu.memref_slice %arg4[%arg0, %mul3A_512, %dma_start3A_715] : memref<2x10112x128xf32, #tpu.memory_space<hbm>> -> memref<1x632x128xf32, #tpu.memory_space<hbm>>
      %dma_start3A_717 = tpu.memref_squeeze %dma_start3A_716 : memref<1x632x128xf32, #tpu.memory_space<hbm>> -> memref<632x128xf32, #tpu.memory_space<hbm>>
      %dma_start3A_718 = arith.constant 0 : i32
      %dma_start3A_719 = tpu.memref_slice %arg5[%mul3A_512, %dma_start3A_718] : memref<10112x128xf32, #tpu.memory_space<vmem_shared>> -> memref<632x128xf32, #tpu.memory_space<vmem_shared>>
      tpu.enqueue_dma source(%dma_start3A_719 : memref<632x128xf32, #tpu.memory_space<vmem_shared>>) target(%dma_start3A_717 : memref<632x128xf32, #tpu.memory_space<hbm>>) target_semaphore(%run_scoped3A : memref<!tpu.dma_semaphore, #tpu.memory_space<semaphore_mem>>)
      %dma_wait3A_720 = arith.constant 0 : i32
      %dma_wait3A_721 = tpu.memref_slice %arg4[%arg0, %mul3A_512, %dma_wait3A_720] : memref<2x10112x128xf32, #tpu.memory_space<hbm>> -> memref<1x632x128xf32, #tpu.memory_space<hbm>>
      %dma_wait3A_722 = tpu.memref_squeeze %dma_wait3A_721 : memref<1x632x128xf32, #tpu.memory_space<hbm>> -> memref<632x128xf32, #tpu.memory_space<hbm>>
      %dma_wait3A_723 = arith.constant 0 : i32
      %dma_wait3A_724 = tpu.memref_slice %arg5[%mul3A_512, %dma_wait3A_723] : memref<10112x128xf32, #tpu.memory_space<vmem_shared>> -> memref<632x128xf32, #tpu.memory_space<vmem_shared>>
      tpu.wait_dma2 semaphore(%run_scoped3A : memref<!tpu.dma_semaphore, #tpu.memory_space<semaphore_mem>>) src(%dma_wait3A_724 : memref<632x128xf32, #tpu.memory_space<vmem_shared>>) dst(%dma_wait3A_722 : memref<632x128xf32, #tpu.memory_space<hbm>>)
      tpu.yield
    }) : () -> ()
    return
  }
}

module attributes {stable_mosaic.version = 14 : i64} {
  func.func @_proj_body(%arg0: i32, %arg1: memref<2000x128xf32, #tpu.memory_space<vmem>>, %arg2: memref<128x128xf32, #tpu.memory_space<vmem>>, %arg3: memref<1x128xf32, #tpu.memory_space<vmem>>, %arg4: memref<2000x1xf32, #tpu.memory_space<vmem>>, %arg5: memref<2000x128xf32, #tpu.memory_space<vmem>>, %arg6: memref<2000x128xf32, #tpu.memory_space<vmem>>) attributes {dimension_semantics = [#tpu.dimension_semantics<arbitrary>], iteration_bounds = array<i64: 5>, scalar_prefetch = 0 : i64, scratch_operands = 0 : i64, tpu.core_type = #tpu.core_type<tc>, window_params = [{transform_indices = @transform_0, window_bounds = array<i64: 2000, 128>}, {pipeline_mode = #tpu.pipeline_mode<synchronous>, transform_indices = @transform_1, window_bounds = array<i64: 128, 128>}, {pipeline_mode = #tpu.pipeline_mode<synchronous>, transform_indices = @transform_2, window_bounds = array<i64: 1, 128>}, {transform_indices = @transform_3, window_bounds = array<i64: 2000, 1>}, {transform_indices = @transform_4, window_bounds = array<i64: 2000, 128>}, {transform_indices = @transform_5, window_bounds = array<i64: 2000, 128>}]} {
    %get3A = arith.constant 0 : index
    %get3A_0 = arith.constant 0 : index
    %get3A_1 = vector.load %arg1[%get3A, %get3A_0] : memref<2000x128xf32, #tpu.memory_space<vmem>>, vector<2000x128xf32>
    %get3A_2 = arith.constant 0 : index
    %get3A_3 = arith.constant 0 : index
    %get3A_4 = vector.load %arg2[%get3A_2, %get3A_3] : memref<128x128xf32, #tpu.memory_space<vmem>>, vector<128x128xf32>
    %dot_general3A = arith.constant dense<0.000000e+00> : vector<2000x128xf32>
    %dot_general3A_5 = tpu.matmul %get3A_1, %get3A_4, %dot_general3A {dimension_numbers = #tpu.dot_dimension_numbers<[1], [1], [0], [0], [0, 0, 1, 0], [], []>, transpose_lhs_hint = false} : vector<2000x128xf32>, vector<128x128xf32>, vector<2000x128xf32> -> vector<2000x128xf32>
    %get3A_6 = arith.constant 0 : index
    %get3A_7 = arith.constant 0 : index
    %get3A_8 = vector.load %arg3[%get3A_6, %get3A_7] : memref<1x128xf32, #tpu.memory_space<vmem>>, vector<1x128xf32>
    %add3A = vector.broadcast %get3A_8 : vector<1x128xf32> to vector<2000x128xf32>
    %add3A_9 = arith.addf %dot_general3A_5, %add3A : vector<2000x128xf32>
    %swap3A = arith.constant 0 : index
    %swap3A_10 = arith.constant 0 : index
    %swap3A_11 = vector.load %arg5[%swap3A, %swap3A_10] : memref<2000x128xf32, #tpu.memory_space<vmem>>, vector<2000x128xf32>
    tpu.vector_store %arg5[%swap3A, %swap3A_10], %add3A_9 {strides = array<i32>} : memref<2000x128xf32, #tpu.memory_space<vmem>>, vector<2000x128xf32>,
    %get3A_12 = arith.constant 0 : index
    %get3A_13 = arith.constant 0 : index
    %get3A_14 = vector.load %arg4[%get3A_12, %get3A_13] : memref<2000x1xf32, #tpu.memory_space<vmem>>, vector<2000x1xf32>
    %max3A = arith.constant 1.000000e+00 : f32
    %max3A_15 = vector.broadcast %max3A : f32 to vector<2000x1xf32>
    %max3A_16 = arith.maximumf %get3A_14, %max3A_15 : vector<2000x1xf32>
    %rsqrt3A = math.rsqrt %max3A_16 : vector<2000x1xf32>
    %mul3A = vector.broadcast %rsqrt3A : vector<2000x1xf32> to vector<2000x128xf32>
    %mul3A_17 = arith.mulf %add3A_9, %mul3A : vector<2000x128xf32>
    %swap3A_18 = arith.constant 0 : index
    %swap3A_19 = arith.constant 0 : index
    %swap3A_20 = vector.load %arg6[%swap3A_18, %swap3A_19] : memref<2000x128xf32, #tpu.memory_space<vmem>>, vector<2000x128xf32>
    tpu.vector_store %arg6[%swap3A_18, %swap3A_19], %mul3A_17 {strides = array<i32>} : memref<2000x128xf32, #tpu.memory_space<vmem>>, vector<2000x128xf32>,
    return
  }
  func.func @transform_0(%arg0: i32) -> (i32, i32) {
    %c0_i32 = arith.constant 0 : i32
    %c0_i32_0 = arith.constant 0 : i32
    return %arg0, %c0_i32 : i32, i32
  }
  func.func @transform_1(%arg0: i32) -> (i32, i32) {
    %c0_i32 = arith.constant 0 : i32
    %c0_i32_0 = arith.constant 0 : i32
    %c0_i32_1 = arith.constant 0 : i32
    return %c0_i32, %c0_i32_0 : i32, i32
  }
  func.func @transform_2(%arg0: i32) -> (i32, i32) {
    %c0_i32 = arith.constant 0 : i32
    %c0_i32_0 = arith.constant 0 : i32
    %c0_i32_1 = arith.constant 0 : i32
    return %c0_i32, %c0_i32_0 : i32, i32
  }
  func.func @transform_3(%arg0: i32) -> (i32, i32) {
    %c0_i32 = arith.constant 0 : i32
    %c0_i32_0 = arith.constant 0 : i32
    return %arg0, %c0_i32 : i32, i32
  }
  func.func @transform_4(%arg0: i32) -> (i32, i32) {
    %c0_i32 = arith.constant 0 : i32
    %c0_i32_0 = arith.constant 0 : i32
    return %arg0, %c0_i32 : i32, i32
  }
  func.func @transform_5(%arg0: i32) -> (i32, i32) {
    %c0_i32 = arith.constant 0 : i32
    %c0_i32_0 = arith.constant 0 : i32
    return %arg0, %c0_i32 : i32, i32
  }
}

module attributes {stable_mosaic.version = 14 : i64} {
  func.func @_post_body(%arg0: i32, %arg1: memref<2000x128xf32, #tpu.memory_space<vmem>>, %arg2: memref<2000x1xf32, #tpu.memory_space<vmem>>, %arg3: memref<2000x1xf32, #tpu.memory_space<vmem>>, %arg4: memref<128x128xf32, #tpu.memory_space<vmem>>, %arg5: memref<1x128xf32, #tpu.memory_space<vmem>>, %arg6: memref<1x128xf32, #tpu.memory_space<vmem>>, %arg7: memref<1x128xf32, #tpu.memory_space<vmem>>, %arg8: memref<1x128xf32, #tpu.memory_space<vmem>>, %arg9: memref<2000x128xf32, #tpu.memory_space<vmem>>, %arg10: memref<2000x128xf32, #tpu.memory_space<vmem>>) attributes {dimension_semantics = [#tpu.dimension_semantics<arbitrary>], iteration_bounds = array<i64: 5>, scalar_prefetch = 0 : i64, scratch_operands = 0 : i64, tpu.core_type = #tpu.core_type<tc>, window_params = [{transform_indices = @transform_0, window_bounds = array<i64: 2000, 128>}, {transform_indices = @transform_1, window_bounds = array<i64: 2000, 1>}, {transform_indices = @transform_2, window_bounds = array<i64: 2000, 1>}, {pipeline_mode = #tpu.pipeline_mode<synchronous>, transform_indices = @transform_3, window_bounds = array<i64: 128, 128>}, {pipeline_mode = #tpu.pipeline_mode<synchronous>, transform_indices = @transform_4, window_bounds = array<i64: 1, 128>}, {pipeline_mode = #tpu.pipeline_mode<synchronous>, transform_indices = @transform_5, window_bounds = array<i64: 1, 128>}, {pipeline_mode = #tpu.pipeline_mode<synchronous>, transform_indices = @transform_6, window_bounds = array<i64: 1, 128>}, {pipeline_mode = #tpu.pipeline_mode<synchronous>, transform_indices = @transform_7, window_bounds = array<i64: 1, 128>}, {transform_indices = @transform_8, window_bounds = array<i64: 2000, 128>}, {transform_indices = @transform_9, window_bounds = array<i64: 2000, 128>}]} {
    %get3A = arith.constant 0 : index
    %get3A_0 = arith.constant 0 : index
    %get3A_1 = vector.load %arg1[%get3A, %get3A_0] : memref<2000x128xf32, #tpu.memory_space<vmem>>, vector<2000x128xf32>
    %get3A_2 = arith.constant 0 : index
    %get3A_3 = arith.constant 0 : index
    %get3A_4 = vector.load %arg2[%get3A_2, %get3A_3] : memref<2000x1xf32, #tpu.memory_space<vmem>>, vector<2000x1xf32>
    %max3A = arith.constant 1.000000e+00 : f32
    %max3A_5 = vector.broadcast %max3A : f32 to vector<2000x1xf32>
    %max3A_6 = arith.maximumf %get3A_4, %max3A_5 : vector<2000x1xf32>
    %rsqrt3A = math.rsqrt %max3A_6 : vector<2000x1xf32>
    %mul3A = vector.broadcast %rsqrt3A : vector<2000x1xf32> to vector<2000x128xf32>
    %mul3A_7 = arith.mulf %get3A_1, %mul3A : vector<2000x128xf32>
    %get3A_8 = arith.constant 0 : index
    %get3A_9 = arith.constant 0 : index
    %get3A_10 = vector.load %arg4[%get3A_8, %get3A_9] : memref<128x128xf32, #tpu.memory_space<vmem>>, vector<128x128xf32>
    %dot_general3A = arith.constant dense<0.000000e+00> : vector<2000x128xf32>
    %dot_general3A_11 = tpu.matmul %mul3A_7, %get3A_10, %dot_general3A {dimension_numbers = #tpu.dot_dimension_numbers<[1], [1], [0], [0], [0, 0, 1, 0], [], []>, transpose_lhs_hint = false} : vector<2000x128xf32>, vector<128x128xf32>, vector<2000x128xf32> -> vector<2000x128xf32>
    %get3A_12 = arith.constant 0 : index
    %get3A_13 = arith.constant 0 : index
    %get3A_14 = vector.load %arg5[%get3A_12, %get3A_13] : memref<1x128xf32, #tpu.memory_space<vmem>>, vector<1x128xf32>
    %add3A = vector.broadcast %get3A_14 : vector<1x128xf32> to vector<2000x128xf32>
    %add3A_15 = arith.addf %dot_general3A_11, %add3A : vector<2000x128xf32>
    %get3A_16 = arith.constant 0 : index
    %get3A_17 = arith.constant 0 : index
    %get3A_18 = vector.load %arg6[%get3A_16, %get3A_17] : memref<1x128xf32, #tpu.memory_space<vmem>>, vector<1x128xf32>
    %mul3A_19 = vector.broadcast %get3A_18 : vector<1x128xf32> to vector<2000x128xf32>
    %mul3A_20 = arith.mulf %mul3A_19, %add3A_15 : vector<2000x128xf32>
    %get3A_21 = arith.constant 0 : index
    %get3A_22 = arith.constant 0 : index
    %get3A_23 = vector.load %arg7[%get3A_21, %get3A_22] : memref<1x128xf32, #tpu.memory_space<vmem>>, vector<1x128xf32>
    %add3A_24 = vector.broadcast %get3A_23 : vector<1x128xf32> to vector<2000x128xf32>
    %add3A_25 = arith.addf %mul3A_20, %add3A_24 : vector<2000x128xf32>
    %ge3A = arith.constant 0.000000e+00 : f32
    %ge3A_26 = vector.broadcast %ge3A : f32 to vector<2000x128xf32>
    %ge3A_27 = arith.cmpf oge, %add3A_25, %ge3A_26 : vector<2000x128xf32>
    %get3A_28 = arith.constant 0 : index
    %get3A_29 = arith.constant 0 : index
    %get3A_30 = vector.load %arg8[%get3A_28, %get3A_29] : memref<1x128xf32, #tpu.memory_space<vmem>>, vector<1x128xf32>
    %mul3A_31 = vector.broadcast %get3A_30 : vector<1x128xf32> to vector<2000x128xf32>
    %mul3A_32 = arith.mulf %mul3A_31, %add3A_25 : vector<2000x128xf32>
    %select_n3A = arith.select %ge3A_27, %add3A_25, %mul3A_32 : vector<2000x128xi1>, vector<2000x128xf32>
    %swap3A = arith.constant 0 : index
    %swap3A_33 = arith.constant 0 : index
    %swap3A_34 = vector.load %arg9[%swap3A, %swap3A_33] : memref<2000x128xf32, #tpu.memory_space<vmem>>, vector<2000x128xf32>
    tpu.vector_store %arg9[%swap3A, %swap3A_33], %select_n3A {strides = array<i32>} : memref<2000x128xf32, #tpu.memory_space<vmem>>, vector<2000x128xf32>,
    %get3A_35 = arith.constant 0 : index
    %get3A_36 = arith.constant 0 : index
    %get3A_37 = vector.load %arg3[%get3A_35, %get3A_36] : memref<2000x1xf32, #tpu.memory_space<vmem>>, vector<2000x1xf32>
    %max3A_38 = arith.constant 1.000000e+00 : f32
    %max3A_39 = vector.broadcast %max3A_38 : f32 to vector<2000x1xf32>
    %max3A_40 = arith.maximumf %get3A_37, %max3A_39 : vector<2000x1xf32>
    %rsqrt3A_41 = math.rsqrt %max3A_40 : vector<2000x1xf32>
    %mul3A_42 = vector.broadcast %rsqrt3A_41 : vector<2000x1xf32> to vector<2000x128xf32>
    %mul3A_43 = arith.mulf %select_n3A, %mul3A_42 : vector<2000x128xf32>
    %swap3A_44 = arith.constant 0 : index
    %swap3A_45 = arith.constant 0 : index
    %swap3A_46 = vector.load %arg10[%swap3A_44, %swap3A_45] : memref<2000x128xf32, #tpu.memory_space<vmem>>, vector<2000x128xf32>
    tpu.vector_store %arg10[%swap3A_44, %swap3A_45], %mul3A_43 {strides = array<i32>} : memref<2000x128xf32, #tpu.memory_space<vmem>>, vector<2000x128xf32>,
    return
  }
  func.func @transform_0(%arg0: i32) -> (i32, i32) {
    %c0_i32 = arith.constant 0 : i32
    %c0_i32_0 = arith.constant 0 : i32
    return %arg0, %c0_i32 : i32, i32
  }
  func.func @transform_1(%arg0: i32) -> (i32, i32) {
    %c0_i32 = arith.constant 0 : i32
    %c0_i32_0 = arith.constant 0 : i32
    return %arg0, %c0_i32 : i32, i32
  }
  func.func @transform_2(%arg0: i32) -> (i32, i32) {
    %c0_i32 = arith.constant 0 : i32
    %c0_i32_0 = arith.constant 0 : i32
    return %arg0, %c0_i32 : i32, i32
  }
  func.func @transform_3(%arg0: i32) -> (i32, i32) {
    %c0_i32 = arith.constant 0 : i32
    %c0_i32_0 = arith.constant 0 : i32
    %c0_i32_1 = arith.constant 0 : i32
    return %c0_i32, %c0_i32_0 : i32, i32
  }
  func.func @transform_4(%arg0: i32) -> (i32, i32) {
    %c0_i32 = arith.constant 0 : i32
    %c0_i32_0 = arith.constant 0 : i32
    %c0_i32_1 = arith.constant 0 : i32
    return %c0_i32, %c0_i32_0 : i32, i32
  }
  func.func @transform_5(%arg0: i32) -> (i32, i32) {
    %c0_i32 = arith.constant 0 : i32
    %c0_i32_0 = arith.constant 0 : i32
    %c0_i32_1 = arith.constant 0 : i32
    return %c0_i32, %c0_i32_0 : i32, i32
  }
  func.func @transform_6(%arg0: i32) -> (i32, i32) {
    %c0_i32 = arith.constant 0 : i32
    %c0_i32_0 = arith.constant 0 : i32
    %c0_i32_1 = arith.constant 0 : i32
    return %c0_i32, %c0_i32_0 : i32, i32
  }
  func.func @transform_7(%arg0: i32) -> (i32, i32) {
    %c0_i32 = arith.constant 0 : i32
    %c0_i32_0 = arith.constant 0 : i32
    %c0_i32_1 = arith.constant 0 : i32
    return %c0_i32, %c0_i32_0 : i32, i32
  }
  func.func @transform_8(%arg0: i32) -> (i32, i32) {
    %c0_i32 = arith.constant 0 : i32
    %c0_i32_0 = arith.constant 0 : i32
    return %arg0, %c0_i32 : i32, i32
  }
  func.func @transform_9(%arg0: i32) -> (i32, i32) {
    %c0_i32 = arith.constant 0 : i32
    %c0_i32_0 = arith.constant 0 : i32
    return %arg0, %c0_i32 : i32, i32
  }
}

module attributes {stable_mosaic.version = 14 : i64} {
  func.func @_post_body(%arg0: i32, %arg1: memref<2000x128xf32, #tpu.memory_space<vmem>>, %arg2: memref<2000x1xf32, #tpu.memory_space<vmem>>, %arg3: memref<2000x1xf32, #tpu.memory_space<vmem>>, %arg4: memref<128x128xf32, #tpu.memory_space<vmem>>, %arg5: memref<1x128xf32, #tpu.memory_space<vmem>>, %arg6: memref<1x128xf32, #tpu.memory_space<vmem>>, %arg7: memref<1x128xf32, #tpu.memory_space<vmem>>, %arg8: memref<1x128xf32, #tpu.memory_space<vmem>>, %arg9: memref<2000x128xf32, #tpu.memory_space<vmem>>, %arg10: memref<2000x128xf32, #tpu.memory_space<vmem>>) attributes {dimension_semantics = [#tpu.dimension_semantics<arbitrary>], iteration_bounds = array<i64: 5>, scalar_prefetch = 0 : i64, scratch_operands = 0 : i64, tpu.core_type = #tpu.core_type<tc>, window_params = [{transform_indices = @transform_0, window_bounds = array<i64: 2000, 128>}, {transform_indices = @transform_1, window_bounds = array<i64: 2000, 1>}, {transform_indices = @transform_2, window_bounds = array<i64: 2000, 1>}, {pipeline_mode = #tpu.pipeline_mode<synchronous>, transform_indices = @transform_3, window_bounds = array<i64: 128, 128>}, {pipeline_mode = #tpu.pipeline_mode<synchronous>, transform_indices = @transform_4, window_bounds = array<i64: 1, 128>}, {pipeline_mode = #tpu.pipeline_mode<synchronous>, transform_indices = @transform_5, window_bounds = array<i64: 1, 128>}, {pipeline_mode = #tpu.pipeline_mode<synchronous>, transform_indices = @transform_6, window_bounds = array<i64: 1, 128>}, {pipeline_mode = #tpu.pipeline_mode<synchronous>, transform_indices = @transform_7, window_bounds = array<i64: 1, 128>}, {transform_indices = @transform_8, window_bounds = array<i64: 2000, 128>}, {transform_indices = @transform_9, window_bounds = array<i64: 2000, 128>}]} {
    %get3A = arith.constant 0 : index
    %get3A_0 = arith.constant 0 : index
    %get3A_1 = vector.load %arg1[%get3A, %get3A_0] : memref<2000x128xf32, #tpu.memory_space<vmem>>, vector<2000x128xf32>
    %get3A_2 = arith.constant 0 : index
    %get3A_3 = arith.constant 0 : index
    %get3A_4 = vector.load %arg2[%get3A_2, %get3A_3] : memref<2000x1xf32, #tpu.memory_space<vmem>>, vector<2000x1xf32>
    %max3A = arith.constant 1.000000e+00 : f32
    %max3A_5 = vector.broadcast %max3A : f32 to vector<2000x1xf32>
    %max3A_6 = arith.maximumf %get3A_4, %max3A_5 : vector<2000x1xf32>
    %rsqrt3A = math.rsqrt %max3A_6 : vector<2000x1xf32>
    %mul3A = vector.broadcast %rsqrt3A : vector<2000x1xf32> to vector<2000x128xf32>
    %mul3A_7 = arith.mulf %get3A_1, %mul3A : vector<2000x128xf32>
    %get3A_8 = arith.constant 0 : index
    %get3A_9 = arith.constant 0 : index
    %get3A_10 = vector.load %arg4[%get3A_8, %get3A_9] : memref<128x128xf32, #tpu.memory_space<vmem>>, vector<128x128xf32>
    %dot_general3A = arith.constant dense<0.000000e+00> : vector<2000x128xf32>
    %dot_general3A_11 = tpu.matmul %mul3A_7, %get3A_10, %dot_general3A {dimension_numbers = #tpu.dot_dimension_numbers<[1], [1], [0], [0], [0, 0, 1, 0], [], []>, transpose_lhs_hint = false} : vector<2000x128xf32>, vector<128x128xf32>, vector<2000x128xf32> -> vector<2000x128xf32>
    %get3A_12 = arith.constant 0 : index
    %get3A_13 = arith.constant 0 : index
    %get3A_14 = vector.load %arg5[%get3A_12, %get3A_13] : memref<1x128xf32, #tpu.memory_space<vmem>>, vector<1x128xf32>
    %add3A = vector.broadcast %get3A_14 : vector<1x128xf32> to vector<2000x128xf32>
    %add3A_15 = arith.addf %dot_general3A_11, %add3A : vector<2000x128xf32>
    %get3A_16 = arith.constant 0 : index
    %get3A_17 = arith.constant 0 : index
    %get3A_18 = vector.load %arg6[%get3A_16, %get3A_17] : memref<1x128xf32, #tpu.memory_space<vmem>>, vector<1x128xf32>
    %mul3A_19 = vector.broadcast %get3A_18 : vector<1x128xf32> to vector<2000x128xf32>
    %mul3A_20 = arith.mulf %mul3A_19, %add3A_15 : vector<2000x128xf32>
    %get3A_21 = arith.constant 0 : index
    %get3A_22 = arith.constant 0 : index
    %get3A_23 = vector.load %arg7[%get3A_21, %get3A_22] : memref<1x128xf32, #tpu.memory_space<vmem>>, vector<1x128xf32>
    %add3A_24 = vector.broadcast %get3A_23 : vector<1x128xf32> to vector<2000x128xf32>
    %add3A_25 = arith.addf %mul3A_20, %add3A_24 : vector<2000x128xf32>
    %ge3A = arith.constant 0.000000e+00 : f32
    %ge3A_26 = vector.broadcast %ge3A : f32 to vector<2000x128xf32>
    %ge3A_27 = arith.cmpf oge, %add3A_25, %ge3A_26 : vector<2000x128xf32>
    %get3A_28 = arith.constant 0 : index
    %get3A_29 = arith.constant 0 : index
    %get3A_30 = vector.load %arg8[%get3A_28, %get3A_29] : memref<1x128xf32, #tpu.memory_space<vmem>>, vector<1x128xf32>
    %mul3A_31 = vector.broadcast %get3A_30 : vector<1x128xf32> to vector<2000x128xf32>
    %mul3A_32 = arith.mulf %mul3A_31, %add3A_25 : vector<2000x128xf32>
    %select_n3A = arith.select %ge3A_27, %add3A_25, %mul3A_32 : vector<2000x128xi1>, vector<2000x128xf32>
    %swap3A = arith.constant 0 : index
    %swap3A_33 = arith.constant 0 : index
    %swap3A_34 = vector.load %arg9[%swap3A, %swap3A_33] : memref<2000x128xf32, #tpu.memory_space<vmem>>, vector<2000x128xf32>
    tpu.vector_store %arg9[%swap3A, %swap3A_33], %select_n3A {strides = array<i32>} : memref<2000x128xf32, #tpu.memory_space<vmem>>, vector<2000x128xf32>,
    %get3A_35 = arith.constant 0 : index
    %get3A_36 = arith.constant 0 : index
    %get3A_37 = vector.load %arg3[%get3A_35, %get3A_36] : memref<2000x1xf32, #tpu.memory_space<vmem>>, vector<2000x1xf32>
    %max3A_38 = arith.constant 1.000000e+00 : f32
    %max3A_39 = vector.broadcast %max3A_38 : f32 to vector<2000x1xf32>
    %max3A_40 = arith.maximumf %get3A_37, %max3A_39 : vector<2000x1xf32>
    %rsqrt3A_41 = math.rsqrt %max3A_40 : vector<2000x1xf32>
    %mul3A_42 = vector.broadcast %rsqrt3A_41 : vector<2000x1xf32> to vector<2000x128xf32>
    %mul3A_43 = arith.mulf %select_n3A, %mul3A_42 : vector<2000x128xf32>
    %swap3A_44 = arith.constant 0 : index
    %swap3A_45 = arith.constant 0 : index
    %swap3A_46 = vector.load %arg10[%swap3A_44, %swap3A_45] : memref<2000x128xf32, #tpu.memory_space<vmem>>, vector<2000x128xf32>
    tpu.vector_store %arg10[%swap3A_44, %swap3A_45], %mul3A_43 {strides = array<i32>} : memref<2000x128xf32, #tpu.memory_space<vmem>>, vector<2000x128xf32>,
    return
  }
  func.func @transform_0(%arg0: i32) -> (i32, i32) {
    %c0_i32 = arith.constant 0 : i32
    %c0_i32_0 = arith.constant 0 : i32
    return %arg0, %c0_i32 : i32, i32
  }
  func.func @transform_1(%arg0: i32) -> (i32, i32) {
    %c0_i32 = arith.constant 0 : i32
    %c0_i32_0 = arith.constant 0 : i32
    return %arg0, %c0_i32 : i32, i32
  }
  func.func @transform_2(%arg0: i32) -> (i32, i32) {
    %c0_i32 = arith.constant 0 : i32
    %c0_i32_0 = arith.constant 0 : i32
    return %arg0, %c0_i32 : i32, i32
  }
  func.func @transform_3(%arg0: i32) -> (i32, i32) {
    %c0_i32 = arith.constant 0 : i32
    %c0_i32_0 = arith.constant 0 : i32
    %c0_i32_1 = arith.constant 0 : i32
    return %c0_i32, %c0_i32_0 : i32, i32
  }
  func.func @transform_4(%arg0: i32) -> (i32, i32) {
    %c0_i32 = arith.constant 0 : i32
    %c0_i32_0 = arith.constant 0 : i32
    %c0_i32_1 = arith.constant 0 : i32
    return %c0_i32, %c0_i32_0 : i32, i32
  }
  func.func @transform_5(%arg0: i32) -> (i32, i32) {
    %c0_i32 = arith.constant 0 : i32
    %c0_i32_0 = arith.constant 0 : i32
    %c0_i32_1 = arith.constant 0 : i32
    return %c0_i32, %c0_i32_0 : i32, i32
  }
  func.func @transform_6(%arg0: i32) -> (i32, i32) {
    %c0_i32 = arith.constant 0 : i32
    %c0_i32_0 = arith.constant 0 : i32
    %c0_i32_1 = arith.constant 0 : i32
    return %c0_i32, %c0_i32_0 : i32, i32
  }
  func.func @transform_7(%arg0: i32) -> (i32, i32) {
    %c0_i32 = arith.constant 0 : i32
    %c0_i32_0 = arith.constant 0 : i32
    %c0_i32_1 = arith.constant 0 : i32
    return %c0_i32, %c0_i32_0 : i32, i32
  }
  func.func @transform_8(%arg0: i32) -> (i32, i32) {
    %c0_i32 = arith.constant 0 : i32
    %c0_i32_0 = arith.constant 0 : i32
    return %arg0, %c0_i32 : i32, i32
  }
  func.func @transform_9(%arg0: i32) -> (i32, i32) {
    %c0_i32 = arith.constant 0 : i32
    %c0_i32_0 = arith.constant 0 : i32
    return %arg0, %c0_i32 : i32, i32
  }
}

module attributes {stable_mosaic.version = 14 : i64} {
  func.func @_att_score_body(%arg0: i32, %arg1: memref<2000x128xf32, #tpu.memory_space<vmem>>, %arg2: memref<2000x128xf32, #tpu.memory_space<vmem>>, %arg3: memref<2000x128xf32, #tpu.memory_space<vmem>>, %arg4: memref<128x128xf32, #tpu.memory_space<vmem>>, %arg5: memref<1x128xf32, #tpu.memory_space<vmem>>, %arg6: memref<1x128xf32, #tpu.memory_space<vmem>>, %arg7: memref<1x128xf32, #tpu.memory_space<vmem>>) attributes {dimension_semantics = [#tpu.dimension_semantics<arbitrary>], iteration_bounds = array<i64: 5>, scalar_prefetch = 0 : i64, scratch_operands = 0 : i64, tpu.core_type = #tpu.core_type<tc>, window_params = [{transform_indices = @transform_0, window_bounds = array<i64: 2000, 128>}, {transform_indices = @transform_1, window_bounds = array<i64: 2000, 128>}, {transform_indices = @transform_2, window_bounds = array<i64: 2000, 128>}, {pipeline_mode = #tpu.pipeline_mode<synchronous>, transform_indices = @transform_3, window_bounds = array<i64: 128, 128>}, {pipeline_mode = #tpu.pipeline_mode<synchronous>, transform_indices = @transform_4, window_bounds = array<i64: 1, 128>}, {pipeline_mode = #tpu.pipeline_mode<synchronous>, transform_indices = @transform_5, window_bounds = array<i64: 1, 128>}, {pipeline_mode = #tpu.pipeline_mode<synchronous>, transform_indices = @transform_6, window_bounds = array<i64: 1, 128>}]} {
    %eq3A = arith.constant 0 : i32
    %eq3A_0 = arith.cmpi eq, %arg0, %eq3A : i32
    %convert_element_type3A = arith.extui %eq3A_0 : i1 to i32
    %cond3A = arith.constant 0 : i32
    %cond3A_1 = arith.cmpi ne, %convert_element_type3A, %cond3A : i32
    scf.if %cond3A_1 {
      %broadcast_in_dim3A_94 = arith.constant 0.000000e+00 : f32
      %broadcast_in_dim3A_95 = vector.broadcast %broadcast_in_dim3A_94 : f32 to vector<1x128xf32>
      %swap3A_96 = arith.constant 0 : index
      %swap3A_97 = arith.constant 0 : index
      %swap3A_98 = vector.load %arg7[%swap3A_96, %swap3A_97] : memref<1x128xf32, #tpu.memory_space<vmem>>, vector<1x128xf32>
      tpu.vector_store %arg7[%swap3A_96, %swap3A_97], %broadcast_in_dim3A_95 {strides = array<i32>} : memref<1x128xf32, #tpu.memory_space<vmem>>, vector<1x128xf32>,
    } else {
    }
    %iota3A = tpu.iota {dimensions = array<i32: 1>} : vector<1x128xi32>
    %get3A = arith.constant 0 : index
    %get3A_2 = arith.constant 0 : index
    %get3A_3 = vector.load %arg7[%get3A, %get3A_2] : memref<1x128xf32, #tpu.memory_space<vmem>>, vector<1x128xf32>
    %get3A_4 = arith.constant 0 : index
    %get3A_5 = arith.constant 0 : index
    %get3A_6 = vector.load %arg1[%get3A_4, %get3A_5] : memref<2000x128xf32, #tpu.memory_space<vmem>>, vector<2000x128xf32>
    %get3A_7 = arith.constant 0 : index
    %get3A_8 = arith.constant 0 : index
    %get3A_9 = vector.load %arg4[%get3A_7, %get3A_8] : memref<128x128xf32, #tpu.memory_space<vmem>>, vector<128x128xf32>
    %dot_general3A = arith.constant dense<0.000000e+00> : vector<2000x128xf32>
    %dot_general3A_10 = tpu.matmul %get3A_6, %get3A_9, %dot_general3A {dimension_numbers = #tpu.dot_dimension_numbers<[1], [1], [0], [0], [0, 0, 1, 0], [], []>, transpose_lhs_hint = false} : vector<2000x128xf32>, vector<128x128xf32>, vector<2000x128xf32> -> vector<2000x128xf32>
    %get3A_11 = arith.constant 0 : index
    %get3A_12 = arith.constant 0 : index
    %get3A_13 = vector.load %arg5[%get3A_11, %get3A_12] : memref<1x128xf32, #tpu.memory_space<vmem>>, vector<1x128xf32>
    %add3A = vector.broadcast %get3A_13 : vector<1x128xf32> to vector<2000x128xf32>
    %add3A_14 = arith.addf %dot_general3A_10, %add3A : vector<2000x128xf32>
    %tanh3A = math.tanh %add3A_14 : vector<2000x128xf32>
    %get3A_15 = arith.constant 0 : index
    %get3A_16 = arith.constant 0 : index
    %get3A_17 = vector.load %arg6[%get3A_15, %get3A_16] : memref<1x128xf32, #tpu.memory_space<vmem>>, vector<1x128xf32>
    %mul3A = vector.broadcast %get3A_17 : vector<1x128xf32> to vector<2000x128xf32>
    %mul3A_18 = arith.mulf %tanh3A, %mul3A : vector<2000x128xf32>
    %reduce_sum3A = vector.shape_cast %mul3A_18 : vector<2000x128xf32> to vector<1x2000x128xf32>
    %reduce_sum3A_19 = arith.constant dense<0.000000e+00> : vector<1xf32>
    %reduce_sum3A_20 = vector.multi_reduction <add>, %reduce_sum3A, %reduce_sum3A_19 [1, 2] : vector<1x2000x128xf32> to vector<1xf32>
    %reduce_sum3A_21 = vector.shape_cast %reduce_sum3A_20 : vector<1xf32> to vector<1x1x1xf32>
    %reduce_sum3A_22 = vector.extract %reduce_sum3A_21[0, 0, 0] : f32 from vector<1x1x1xf32>
    %eq3A_23 = arith.constant 0 : i32
    %eq3A_24 = vector.broadcast %eq3A_23 : i32 to vector<1x128xi32>
    %eq3A_25 = arith.cmpi eq, %iota3A, %eq3A_24 : vector<1x128xi32>
    %jit3A = arith.constant 0.000000e+00 : f32
    %broadcast_in_dim3A = vector.broadcast %reduce_sum3A_22 : f32 to vector<1x128xf32>
    %broadcast_in_dim3A_26 = vector.broadcast %jit3A : f32 to vector<1x128xf32>
    %select_n3A = arith.select %eq3A_25, %broadcast_in_dim3A, %broadcast_in_dim3A_26 : vector<1x128xi1>, vector<1x128xf32>
    %add3A_27 = arith.addf %get3A_3, %select_n3A : vector<1x128xf32>
    %get3A_28 = arith.constant 0 : index
    %get3A_29 = arith.constant 0 : index
    %get3A_30 = vector.load %arg2[%get3A_28, %get3A_29] : memref<2000x128xf32, #tpu.memory_space<vmem>>, vector<2000x128xf32>
    %get3A_31 = arith.constant 0 : index
    %get3A_32 = arith.constant 0 : index
    %get3A_33 = vector.load %arg4[%get3A_31, %get3A_32] : memref<128x128xf32, #tpu.memory_space<vmem>>, vector<128x128xf32>
    %dot_general3A_34 = arith.constant dense<0.000000e+00> : vector<2000x128xf32>
    %dot_general3A_35 = tpu.matmul %get3A_30, %get3A_33, %dot_general3A_34 {dimension_numbers = #tpu.dot_dimension_numbers<[1], [1], [0], [0], [0, 0, 1, 0], [], []>, transpose_lhs_hint = false} : vector<2000x128xf32>, vector<128x128xf32>, vector<2000x128xf32> -> vector<2000x128xf32>
    %get3A_36 = arith.constant 0 : index
    %get3A_37 = arith.constant 0 : index
    %get3A_38 = vector.load %arg5[%get3A_36, %get3A_37] : memref<1x128xf32, #tpu.memory_space<vmem>>, vector<1x128xf32>
    %add3A_39 = vector.broadcast %get3A_38 : vector<1x128xf32> to vector<2000x128xf32>
    %add3A_40 = arith.addf %dot_general3A_35, %add3A_39 : vector<2000x128xf32>
    %tanh3A_41 = math.tanh %add3A_40 : vector<2000x128xf32>
    %get3A_42 = arith.constant 0 : index
    %get3A_43 = arith.constant 0 : index
    %get3A_44 = vector.load %arg6[%get3A_42, %get3A_43] : memref<1x128xf32, #tpu.memory_space<vmem>>, vector<1x128xf32>
    %mul3A_45 = vector.broadcast %get3A_44 : vector<1x128xf32> to vector<2000x128xf32>
    %mul3A_46 = arith.mulf %tanh3A_41, %mul3A_45 : vector<2000x128xf32>
    %reduce_sum3A_47 = vector.shape_cast %mul3A_46 : vector<2000x128xf32> to vector<1x2000x128xf32>
    %reduce_sum3A_48 = arith.constant dense<0.000000e+00> : vector<1xf32>
    %reduce_sum3A_49 = vector.multi_reduction <add>, %reduce_sum3A_47, %reduce_sum3A_48 [1, 2] : vector<1x2000x128xf32> to vector<1xf32>
    %reduce_sum3A_50 = vector.shape_cast %reduce_sum3A_49 : vector<1xf32> to vector<1x1x1xf32>
    %reduce_sum3A_51 = vector.extract %reduce_sum3A_50[0, 0, 0] : f32 from vector<1x1x1xf32>
    %eq3A_52 = arith.constant 1 : i32
    %eq3A_53 = vector.broadcast %eq3A_52 : i32 to vector<1x128xi32>
    %eq3A_54 = arith.cmpi eq, %iota3A, %eq3A_53 : vector<1x128xi32>
    %jit3A_55 = arith.constant 0.000000e+00 : f32
    %broadcast_in_dim3A_56 = vector.broadcast %reduce_sum3A_51 : f32 to vector<1x128xf32>
    %broadcast_in_dim3A_57 = vector.broadcast %jit3A_55 : f32 to vector<1x128xf32>
    %select_n3A_58 = arith.select %eq3A_54, %broadcast_in_dim3A_56, %broadcast_in_dim3A_57 : vector<1x128xi1>, vector<1x128xf32>
    %add3A_59 = arith.addf %add3A_27, %select_n3A_58 : vector<1x128xf32>
    %get3A_60 = arith.constant 0 : index
    %get3A_61 = arith.constant 0 : index
    %get3A_62 = vector.load %arg3[%get3A_60, %get3A_61] : memref<2000x128xf32, #tpu.memory_space<vmem>>, vector<2000x128xf32>
    %get3A_63 = arith.constant 0 : index
    %get3A_64 = arith.constant 0 : index
    %get3A_65 = vector.load %arg4[%get3A_63, %get3A_64] : memref<128x128xf32, #tpu.memory_space<vmem>>, vector<128x128xf32>
    %dot_general3A_66 = arith.constant dense<0.000000e+00> : vector<2000x128xf32>
    %dot_general3A_67 = tpu.matmul %get3A_62, %get3A_65, %dot_general3A_66 {dimension_numbers = #tpu.dot_dimension_numbers<[1], [1], [0], [0], [0, 0, 1, 0], [], []>, transpose_lhs_hint = false} : vector<2000x128xf32>, vector<128x128xf32>, vector<2000x128xf32> -> vector<2000x128xf32>
    %get3A_68 = arith.constant 0 : index
    %get3A_69 = arith.constant 0 : index
    %get3A_70 = vector.load %arg5[%get3A_68, %get3A_69] : memref<1x128xf32, #tpu.memory_space<vmem>>, vector<1x128xf32>
    %add3A_71 = vector.broadcast %get3A_70 : vector<1x128xf32> to vector<2000x128xf32>
    %add3A_72 = arith.addf %dot_general3A_67, %add3A_71 : vector<2000x128xf32>
    %tanh3A_73 = math.tanh %add3A_72 : vector<2000x128xf32>
    %get3A_74 = arith.constant 0 : index
    %get3A_75 = arith.constant 0 : index
    %get3A_76 = vector.load %arg6[%get3A_74, %get3A_75] : memref<1x128xf32, #tpu.memory_space<vmem>>, vector<1x128xf32>
    %mul3A_77 = vector.broadcast %get3A_76 : vector<1x128xf32> to vector<2000x128xf32>
    %mul3A_78 = arith.mulf %tanh3A_73, %mul3A_77 : vector<2000x128xf32>
    %reduce_sum3A_79 = vector.shape_cast %mul3A_78 : vector<2000x128xf32> to vector<1x2000x128xf32>
    %reduce_sum3A_80 = arith.constant dense<0.000000e+00> : vector<1xf32>
    %reduce_sum3A_81 = vector.multi_reduction <add>, %reduce_sum3A_79, %reduce_sum3A_80 [1, 2] : vector<1x2000x128xf32> to vector<1xf32>
    %reduce_sum3A_82 = vector.shape_cast %reduce_sum3A_81 : vector<1xf32> to vector<1x1x1xf32>
    %reduce_sum3A_83 = vector.extract %reduce_sum3A_82[0, 0, 0] : f32 from vector<1x1x1xf32>
    %eq3A_84 = arith.constant 2 : i32
    %eq3A_85 = vector.broadcast %eq3A_84 : i32 to vector<1x128xi32>
    %eq3A_86 = arith.cmpi eq, %iota3A, %eq3A_85 : vector<1x128xi32>
    %jit3A_87 = arith.constant 0.000000e+00 : f32
    %broadcast_in_dim3A_88 = vector.broadcast %reduce_sum3A_83 : f32 to vector<1x128xf32>
    %broadcast_in_dim3A_89 = vector.broadcast %jit3A_87 : f32 to vector<1x128xf32>
    %select_n3A_90 = arith.select %eq3A_86, %broadcast_in_dim3A_88, %broadcast_in_dim3A_89 : vector<1x128xi1>, vector<1x128xf32>
    %add3A_91 = arith.addf %add3A_59, %select_n3A_90 : vector<1x128xf32>
    %swap3A = arith.constant 0 : index
    %swap3A_92 = arith.constant 0 : index
    %swap3A_93 = vector.load %arg7[%swap3A, %swap3A_92] : memref<1x128xf32, #tpu.memory_space<vmem>>, vector<1x128xf32>
    tpu.vector_store %arg7[%swap3A, %swap3A_92], %add3A_91 {strides = array<i32>} : memref<1x128xf32, #tpu.memory_space<vmem>>, vector<1x128xf32>,
    return
  }
  func.func @transform_0(%arg0: i32) -> (i32, i32) {
    %c0_i32 = arith.constant 0 : i32
    %c0_i32_0 = arith.constant 0 : i32
    return %arg0, %c0_i32 : i32, i32
  }
  func.func @transform_1(%arg0: i32) -> (i32, i32) {
    %c0_i32 = arith.constant 0 : i32
    %c0_i32_0 = arith.constant 0 : i32
    return %arg0, %c0_i32 : i32, i32
  }
  func.func @transform_2(%arg0: i32) -> (i32, i32) {
    %c0_i32 = arith.constant 0 : i32
    %c0_i32_0 = arith.constant 0 : i32
    return %arg0, %c0_i32 : i32, i32
  }
  func.func @transform_3(%arg0: i32) -> (i32, i32) {
    %c0_i32 = arith.constant 0 : i32
    %c0_i32_0 = arith.constant 0 : i32
    %c0_i32_1 = arith.constant 0 : i32
    return %c0_i32, %c0_i32_0 : i32, i32
  }
  func.func @transform_4(%arg0: i32) -> (i32, i32) {
    %c0_i32 = arith.constant 0 : i32
    %c0_i32_0 = arith.constant 0 : i32
    %c0_i32_1 = arith.constant 0 : i32
    return %c0_i32, %c0_i32_0 : i32, i32
  }
  func.func @transform_5(%arg0: i32) -> (i32, i32) {
    %c0_i32 = arith.constant 0 : i32
    %c0_i32_0 = arith.constant 0 : i32
    %c0_i32_1 = arith.constant 0 : i32
    return %c0_i32, %c0_i32_0 : i32, i32
  }
  func.func @transform_6(%arg0: i32) -> (i32, i32) {
    %c0_i32 = arith.constant 0 : i32
    %c0_i32_0 = arith.constant 0 : i32
    %c0_i32_1 = arith.constant 0 : i32
    return %c0_i32, %c0_i32_0 : i32, i32
  }
}

module attributes {stable_mosaic.version = 14 : i64} {
  func.func @_combine_body(%arg0: i32, %arg1: memref<2000x128xf32, #tpu.memory_space<vmem>>, %arg2: memref<2000x128xf32, #tpu.memory_space<vmem>>, %arg3: memref<2000x128xf32, #tpu.memory_space<vmem>>, %arg4: memref<1x128xf32, #tpu.memory_space<vmem>>, %arg5: memref<128x128xf32, #tpu.memory_space<vmem>>, %arg6: memref<128x128xf32, #tpu.memory_space<vmem>>, %arg7: memref<2000x128xbf16, #tpu.memory_space<vmem>>) attributes {dimension_semantics = [#tpu.dimension_semantics<arbitrary>], iteration_bounds = array<i64: 5>, scalar_prefetch = 0 : i64, scratch_operands = 0 : i64, tpu.core_type = #tpu.core_type<tc>, window_params = [{transform_indices = @transform_0, window_bounds = array<i64: 2000, 128>}, {transform_indices = @transform_1, window_bounds = array<i64: 2000, 128>}, {transform_indices = @transform_2, window_bounds = array<i64: 2000, 128>}, {pipeline_mode = #tpu.pipeline_mode<synchronous>, transform_indices = @transform_3, window_bounds = array<i64: 1, 128>}, {pipeline_mode = #tpu.pipeline_mode<synchronous>, transform_indices = @transform_4, window_bounds = array<i64: 128, 128>}, {pipeline_mode = #tpu.pipeline_mode<synchronous>, transform_indices = @transform_5, window_bounds = array<i64: 128, 128>}, {transform_indices = @transform_6, window_bounds = array<i64: 2000, 128>}]} {
    %get3A = arith.constant 0 : index
    %get3A_0 = arith.constant 0 : index
    %get3A_1 = vector.load %arg1[%get3A, %get3A_0] : memref<2000x128xf32, #tpu.memory_space<vmem>>, vector<2000x128xf32>
    %get3A_2 = arith.constant 0 : index
    %get3A_3 = arith.constant 0 : index
    %get3A_4 = vector.load %arg4[%get3A_2, %get3A_3] : memref<1x128xf32, #tpu.memory_space<vmem>>, vector<1x1xf32>
    %get3A_5 = vector.extract %get3A_4[0, 0] : f32 from vector<1x1xf32>
    %mul3A = vector.broadcast %get3A_5 : f32 to vector<2000x128xf32>
    %mul3A_6 = arith.mulf %get3A_1, %mul3A : vector<2000x128xf32>
    %get3A_7 = arith.constant 0 : index
    %get3A_8 = arith.constant 0 : index
    %get3A_9 = vector.load %arg2[%get3A_7, %get3A_8] : memref<2000x128xf32, #tpu.memory_space<vmem>>, vector<2000x128xf32>
    %get3A_10 = arith.constant 0 : index
    %get3A_11 = arith.constant 1 : index
    %get3A_12 = vector.load %arg4[%get3A_10, %get3A_11] : memref<1x128xf32, #tpu.memory_space<vmem>>, vector<1x1xf32>
    %get3A_13 = vector.extract %get3A_12[0, 0] : f32 from vector<1x1xf32>
    %mul3A_14 = vector.broadcast %get3A_13 : f32 to vector<2000x128xf32>
    %mul3A_15 = arith.mulf %get3A_9, %mul3A_14 : vector<2000x128xf32>
    %add3A = arith.addf %mul3A_6, %mul3A_15 : vector<2000x128xf32>
    %get3A_16 = arith.constant 0 : index
    %get3A_17 = arith.constant 0 : index
    %get3A_18 = vector.load %arg3[%get3A_16, %get3A_17] : memref<2000x128xf32, #tpu.memory_space<vmem>>, vector<2000x128xf32>
    %get3A_19 = arith.constant 0 : index
    %get3A_20 = arith.constant 2 : index
    %get3A_21 = vector.load %arg4[%get3A_19, %get3A_20] : memref<1x128xf32, #tpu.memory_space<vmem>>, vector<1x1xf32>
    %get3A_22 = vector.extract %get3A_21[0, 0] : f32 from vector<1x1xf32>
    %mul3A_23 = vector.broadcast %get3A_22 : f32 to vector<2000x128xf32>
    %mul3A_24 = arith.mulf %get3A_18, %mul3A_23 : vector<2000x128xf32>
    %add3A_25 = arith.addf %add3A, %mul3A_24 : vector<2000x128xf32>
    %get3A_26 = arith.constant 0 : index
    %get3A_27 = arith.constant 0 : index
    %get3A_28 = vector.load %arg5[%get3A_26, %get3A_27] : memref<128x128xf32, #tpu.memory_space<vmem>>, vector<128x128xf32>
    %get3A_29 = arith.constant 0 : index
    %get3A_30 = arith.constant 0 : index
    %get3A_31 = vector.load %arg6[%get3A_29, %get3A_30] : memref<128x128xf32, #tpu.memory_space<vmem>>, vector<128x128xf32>
    %dot_general3A = arith.constant dense<0.000000e+00> : vector<128x128xf32>
    %dot_general3A_32 = tpu.matmul %get3A_28, %get3A_31, %dot_general3A {dimension_numbers = #tpu.dot_dimension_numbers<[0], [0], [1], [1], [0, 1, 1, 1], [], []>, transpose_lhs_hint = false} : vector<128x128xf32>, vector<128x128xf32>, vector<128x128xf32> -> vector<128x128xf32>
    %dot_general3A_33 = arith.constant dense<0.000000e+00> : vector<2000x128xf32>
    %dot_general3A_34 = tpu.matmul %add3A_25, %dot_general3A_32, %dot_general3A_33 {dimension_numbers = #tpu.dot_dimension_numbers<[1], [0], [0], [1], [0, 0, 1, 1], [], []>, transpose_lhs_hint = false} : vector<2000x128xf32>, vector<128x128xf32>, vector<2000x128xf32> -> vector<2000x128xf32>
    %convert_element_type3A = arith.truncf %dot_general3A_34 : vector<2000x128xf32> to vector<2000x128xbf16>
    %swap3A = arith.constant 0 : index
    %swap3A_35 = arith.constant 0 : index
    %swap3A_36 = vector.load %arg7[%swap3A, %swap3A_35] : memref<2000x128xbf16, #tpu.memory_space<vmem>>, vector<2000x128xbf16>
    tpu.vector_store %arg7[%swap3A, %swap3A_35], %convert_element_type3A {strides = array<i32>} : memref<2000x128xbf16, #tpu.memory_space<vmem>>, vector<2000x128xbf16>,
    return
  }
  func.func @transform_0(%arg0: i32) -> (i32, i32) {
    %c0_i32 = arith.constant 0 : i32
    %c0_i32_0 = arith.constant 0 : i32
    return %arg0, %c0_i32 : i32, i32
  }
  func.func @transform_1(%arg0: i32) -> (i32, i32) {
    %c0_i32 = arith.constant 0 : i32
    %c0_i32_0 = arith.constant 0 : i32
    return %arg0, %c0_i32 : i32, i32
  }
  func.func @transform_2(%arg0: i32) -> (i32, i32) {
    %c0_i32 = arith.constant 0 : i32
    %c0_i32_0 = arith.constant 0 : i32
    return %arg0, %c0_i32 : i32, i32
  }
  func.func @transform_3(%arg0: i32) -> (i32, i32) {
    %c0_i32 = arith.constant 0 : i32
    %c0_i32_0 = arith.constant 0 : i32
    %c0_i32_1 = arith.constant 0 : i32
    return %c0_i32, %c0_i32_0 : i32, i32
  }
  func.func @transform_4(%arg0: i32) -> (i32, i32) {
    %c0_i32 = arith.constant 0 : i32
    %c0_i32_0 = arith.constant 0 : i32
    %c0_i32_1 = arith.constant 0 : i32
    return %c0_i32, %c0_i32_0 : i32, i32
  }
  func.func @transform_5(%arg0: i32) -> (i32, i32) {
    %c0_i32 = arith.constant 0 : i32
    %c0_i32_0 = arith.constant 0 : i32
    %c0_i32_1 = arith.constant 0 : i32
    return %c0_i32, %c0_i32_0 : i32, i32
  }
  func.func @transform_6(%arg0: i32) -> (i32, i32) {
    %c0_i32 = arith.constant 0 : i32
    %c0_i32_0 = arith.constant 0 : i32
    return %arg0, %c0_i32 : i32, i32
  }
}

module attributes {stable_mosaic.version = 14 : i64} {
  func.func @_decoder_matmul_kernel(%arg0: i32, %arg1: i32, %arg2: memref<2048x128xbf16, #tpu.memory_space<vmem>>, %arg3: memref<2048x128xbf16, #tpu.memory_space<vmem>>, %arg4: memref<2048x2048xf32, #tpu.memory_space<vmem>>) attributes {dimension_semantics = [#tpu.dimension_semantics<arbitrary>, #tpu.dimension_semantics<arbitrary>], iteration_bounds = array<i64: 5, 5>, scalar_prefetch = 0 : i64, scratch_operands = 0 : i64, tpu.core_type = #tpu.core_type<tc>, window_params = [{transform_indices = @transform_0, window_bounds = array<i64: 2048, 128>}, {transform_indices = @transform_1, window_bounds = array<i64: 2048, 128>}, {transform_indices = @transform_2, window_bounds = array<i64: 2048, 2048>}]} {
    %get3A = arith.constant 0 : index
    %get3A_0 = arith.constant 0 : index
    %get3A_1 = vector.load %arg2[%get3A, %get3A_0] : memref<2048x128xbf16, #tpu.memory_space<vmem>>, vector<2048x128xbf16>
    %get3A_2 = arith.constant 0 : index
    %get3A_3 = arith.constant 0 : index
    %get3A_4 = vector.load %arg3[%get3A_2, %get3A_3] : memref<2048x128xbf16, #tpu.memory_space<vmem>>, vector<2048x128xbf16>
    %dot_general3A = arith.constant dense<0.000000e+00> : vector<2048x2048xf32>
    %dot_general3A_5 = tpu.matmul %get3A_1, %get3A_4, %dot_general3A {dimension_numbers = #tpu.dot_dimension_numbers<[1], [1], [0], [0], [0, 0, 1, 0], [], []>, transpose_lhs_hint = false} : vector<2048x128xbf16>, vector<2048x128xbf16>, vector<2048x2048xf32> -> vector<2048x2048xf32>
    %swap3A = arith.constant 0 : index
    %swap3A_6 = arith.constant 0 : index
    %swap3A_7 = vector.load %arg4[%swap3A, %swap3A_6] : memref<2048x2048xf32, #tpu.memory_space<vmem>>, vector<2048x2048xf32>
    tpu.vector_store %arg4[%swap3A, %swap3A_6], %dot_general3A_5 {strides = array<i32>} : memref<2048x2048xf32, #tpu.memory_space<vmem>>, vector<2048x2048xf32>,
    return
  }
  func.func @transform_0(%arg0: i32, %arg1: i32) -> (i32, i32) {
    %c0_i32 = arith.constant 0 : i32
    %c0_i32_0 = arith.constant 0 : i32
    return %arg0, %c0_i32 : i32, i32
  }
  func.func @transform_1(%arg0: i32, %arg1: i32) -> (i32, i32) {
    %c0_i32 = arith.constant 0 : i32
    %c0_i32_0 = arith.constant 0 : i32
    return %arg1, %c0_i32 : i32, i32
  }
  func.func @transform_2(%arg0: i32, %arg1: i32) -> (i32, i32) {
    %c0_i32 = arith.constant 0 : i32
    return %arg0, %arg1 : i32, i32
  }
}

</mosaic_0001>

<sc_bundles>
// kernel: kernel.16.cloned.1.call-start
scs
__scs_entry_jumppad:
0x0: {  	(pc) =	sbr.rel $0x88, $3  }
0x1: {  	(tag) =	ssettag $0x0;
	lr =	simm.s32 $0x1  }
0x2: {  	[smem:$0x3F83] =	sst lr;
	_ =	strace $0xD0000000  }
0x3: {  	_ = 	snop  }
0x4: {  	_ = 	snop  }
0x5: {  	_ = 	snop  }
0x6: {  	_ = 	snop  }
0x7: {  	_ = 	snop  }
__scs_overlays_trampoline_lowered:
0x8: {  	[smem:$0x3F92] =	sst s0  }
0x9: {  	[smem:$0x3F93] =	sst s1  }
0xa: {  	[smem:$0x3F94] =	sst s2  }
0xb: {  	[smem:$0x3F95] =	sst s3  }
0xc: {  	[smem:$0x3F96] =	sst s4  }
0xd: {  	[smem:$0x3F97] =	sst s5  }
0xe: {  	[smem:$0x3F98] =	sst s6  }
0xf: {  	[smem:$0x3F99] =	sst s7  }
0x10: {  	[smem:$0x3F9A] =	sst s8  }
0x11: {  	[smem:$0x3F9B] =	sst s9;
	s0 =	simm.s32 @!p0 $0x0  }
0x12: {  	s1 =	sld [smem:$0x3F81];
	s0 =	simm.s32 @p0 $0x1  }
0x13: {  	[smem:$0x3F9C] =	sst s0;
	s0 =	simm.s32 @!p1 $0x0  }
0x14: {  	s2 =	sld [smem:$0x3F80];
	s0 =	simm.s32 @p1 $0x1  }
0x15: {  	[smem:$0x3F9D] =	sst s0;
	s0 =	simm.s32 @!p2 $0x0  }
0x16: {  	s3 =	sld [smem:$0x3FDB];
	s0 =	simm.s32 @p2 $0x1  }
0x17: {  	s4 =	simm.s32 $0x1BF5;
	[smem:$0x3F9F] =	sst s0  }
0x18: {  	s0 =	sld [smem:$0x3F82];
	_ =	swait.ge [sflag:s4], $0x0  }
0x19: {  	s7 =	sld [smem:$0x3F83]  }
0x1a: {  	s8 =	sadd.s32 $0xFFFFE003, lr  }
0x1b: {  	s9 =	sadd.s32 $0xFFFFFEF7, lr;
	s5 =	simm.s32 $0xFFFFFFFF;
	p2 =	slt.u32 s8, $0xFFFFF086  }
0x1c: {  	p1 =	slt.u32 s9, $0xF7A;
	s5 =	simm.s32 @!p2 $0x0  }
0x1d: {  	s5 =	simm.s32 @p1 $0x1;
	p0 =	seq.s32 s7, s2  }
0x1e: {  	s7 =	smul.u32 @!p0 $0xF7A, s2;
	p2 =	seq.s32 @!p0 s5, $0x0  }
0x1f: {  	s9 =	smul.u32 $0xF7A, s1;
	s8 =	simm.s32 @!p0 $0x1BF5;
	p2 =	por !p2, p0  }
0x20: {  	[sflag:s8] =	ssyncset.s32 @!p0 $0xFFFFF086;
	s6 =	sadd.s32 @!p0 s3, s7;
	s7 =	simm.s32 @!p0 $0x108  }
0x21: {  	s3 =	sadd.s32 s3, s9;
	s6 =	sadd.s32 @!p0 $0x88, s6;
	s7 =	simm.s32 @p2 $0x1082  }
0x22: {  	[simem:s7], [sflag:s8] =	dma.local @!p0 [hbm:s6], $0xF7A  }
0x23: {  	s9 =	sor.u32 $0xD0000000, s2;
	s6 =	simm.s32 $0x108;
	_ =	swait.ge @!p0 [sflag:s8], $0x0  }
0x24: {  	s3 =	sadd.s32 $0x88, s3;
	s6 =	simm.s32 @!p1 $0x1082;
	[sflag:s4] =	ssyncset.s32 $0xFFFFF086  }
0x25: {  	[simem:s6], [sflag:s4] =	dma.local [hbm:s3], $0xF7A  }
0x26: {  	[smem:$0x3F83] =	sst s1;
	(tag) =	ssettag s2;
	_ =	strace s9  }
0x27: {  	s1 =	sld [smem:$0x3F93]  }
0x28: {  	s2 =	sld [smem:$0x3F94]  }
0x29: {  	s4 =	sld [smem:$0x3F96]  }
0x2a: {  	p0 =	seq.s32 s5, $0x0;
	s5 =	sld [smem:$0x3F97]  }
0x2b: {  	s6 =	sld [smem:$0x3F98]  }
0x2c: {  	s7 =	sld [smem:$0x3F99]  }
0x2d: {  	s3 =	simm.s32 $0x108;
	s8 =	sld [smem:$0x3F9A]  }
0x2e: {  	s3 =	simm.s32 @!p0 $0x1082;
	s9 =	sld [smem:$0x3F9B]  }
0x2f: {  	lr =	sadd.s32 s0, s3;
	s0 =	sld [smem:$0x3F92]  }
0x30: {  	s3 =	sld [smem:$0x3F95]  }
0x31: {  	[smem:$0x3F9E] =	sst s10  }
0x32: {  	s10 =	sld [smem:$0x3F9C];
	_ =	sdelay $0x3  }
0x33: {  	p0 =	seq.s32 s10, $0x1;
	s10 =	sld [smem:$0x3F9E];
	_ =	sdelay $0x3  }
0x34: {  	[smem:$0x3F9E] =	sst s10  }
0x35: {  	s10 =	sld [smem:$0x3F9D];
	_ =	sdelay $0x3  }
0x36: {  	p1 =	seq.s32 s10, $0x1;
	s10 =	sld [smem:$0x3F9E];
	_ =	sdelay $0x3  }
0x37: {  	[smem:$0x3F9E] =	sst s10  }
0x38: {  	s10 =	sld [smem:$0x3F9F]  }
0x39: {  	_ = 	snop;
	(pc) =	sbr.ind lr, $3  }
0x3a: {  	_ = 	snop  }
0x3b: {  	_ = 	snop  }
0x3c: {  	p2 =	seq.s32 s10, $0x1;
	s10 =	sld [smem:$0x3F9E]  }
0x3d: {  	_ =	shalt  }
0x3e: {  	_ =	shalt  }
0x3f: {  	_ =	shalt  }
0x40: {  	_ =	shalt  }
0x41: {  	_ =	shalt  }
0x42: {  	_ =	shalt  }
0x43: {  	_ =	shalt  }
0x44: {  	_ =	shalt  }
0x45: {  	_ =	shalt  }
0x46: {  	_ =	shalt  }
0x47: {  	_ =	shalt  }
0x48: {  	_ =	shalt  }
0x49: {  	_ =	shalt  }
0x4a: {  	_ =	shalt  }
0x4b: {  	_ =	shalt  }
0x4c: {  	_ =	shalt  }
0x4d: {  	_ =	shalt  }
0x4e: {  	_ =	shalt  }
0x4f: {  	_ =	shalt  }
0x50: {  	_ =	shalt  }
0x51: {  	_ =	shalt  }
0x52: {  	_ =	shalt  }
0x53: {  	_ =	shalt  }
0x54: {  	_ =	shalt  }
0x55: {  	_ =	shalt  }
0x56: {  	_ =	shalt  }
0x57: {  	_ =	shalt  }
0x58: {  	_ =	shalt  }
0x59: {  	_ =	shalt  }
0x5a: {  	_ =	shalt  }
0x5b: {  	_ =	shalt  }
0x5c: {  	_ =	shalt  }
0x5d: {  	_ =	shalt  }
0x5e: {  	_ =	shalt  }
0x5f: {  	_ =	shalt  }
0x60: {  	_ =	shalt  }
0x61: {  	_ =	shalt  }
0x62: {  	_ =	shalt  }
0x63: {  	_ =	shalt  }
0x64: {  	_ =	shalt  }
0x65: {  	_ =	shalt  }
0x66: {  	_ =	shalt  }
0x67: {  	_ =	shalt  }
0x68: {  	_ =	shalt  }
0x69: {  	_ =	shalt  }
0x6a: {  	_ =	shalt  }
0x6b: {  	_ =	shalt  }
0x6c: {  	_ =	shalt  }
0x6d: {  	_ =	shalt  }
0x6e: {  	_ =	shalt  }
0x6f: {  	_ =	shalt  }
0x70: {  	_ =	shalt  }
0x71: {  	_ =	shalt  }
0x72: {  	_ =	shalt  }
0x73: {  	_ =	shalt  }
0x74: {  	_ =	shalt  }
0x75: {  	_ =	shalt  }
0x76: {  	_ =	shalt  }
0x77: {  	_ =	shalt  }
0x78: {  	_ =	shalt  }
0x79: {  	_ =	shalt  }
0x7a: {  	_ =	shalt  }
0x7b: {  	_ =	shalt  }
0x7c: {  	_ =	shalt  }
0x7d: {  	_ =	shalt  }
0x7e: {  	_ =	shalt  }
0x7f: {  	_ =	shalt  }
0x80: {  	_ =	shalt  }
0x81: {  	_ =	shalt  }
0x82: {  	_ =	shalt  }
0x83: {  	_ =	shalt  }
0x84: {  	_ =	shalt  }
0x85: {  	_ =	shalt  }
0x86: {  	_ =	shalt  }
0x87: {  	_ =	shalt  }
.Lfunc_end0:
.L_simem_size_0:
called_computation_lowered:
.L_overlay_start_0:
0x88: {  	s2 =	sld [smem:$0x3FD9]  }
0x89: {  	s3 =	sld [smem:$0x3FFE];
	_ =	sdelay $0x1  }
0x8a: {  	s1 =	srdreg.scid  }
0x8b: {  	s0 =	sand.u32 $0x1, s1  }
0x8c: {  	s17 =	sshll.u32 s0, $0xA;
	s2 =	sadd.s32 s3, s2  }
0x8d: {  	s2 =	sadd.s32 s2, s17  }
0x8e: {  	[smem:$0x3FAA] =	sst s2  }
0x8f: {  	_ = 	snop  }
0x90: {  	s2 =	sld [smem:$0x3FD0];
	(tm) =	ssettm $0x1  }
0x91: {  	s18 =	sld [smem:$0x3FFB];
	_ =	sdelay $0x3  }
0x92: {  	_ =	strace s18  }
0x93: {  	s3 =	sld [smem:$0x3FFC];
	_ =	sdelay $0x3  }
0x94: {  	_ =	strace s3  }
0x95: {  	s3 =	sld [smem:$0x3FFD];
	_ =	sdelay $0x3  }
0x96: {  	_ =	strace s3  }
0x97: {  	_ =	strace $0x8FFFFFFF  }
0x98: {  	s19 =	sld [smem:$0x3FDB];
	_ =	sdelay $0x1  }
0x99: {  	s4 =	simm.s32 $_scs_section_size  }
0x9a: {  	s5 =	simm.s32 $_size__tile_overlayer_lowered;
	s6 =	simm.s32 $_tile_overlayer_lowered  }
0x9b: {  	s22 =	simm.s32 $0x1BFF;
	s21 =	sshll.u32 s6, $0x1;
	s3 =	sadd.s32 s4, s19  }
0x9c: {  	s7 =	simm.s32 $0x0;
	s20 =	sshll.u32 s5, $0x1;
	s5 =	sadd.s32 s21, s3  }
0x9d: {  	[timem:s7], [sflag:s22] =	dma.local [hbm:s5], s20  }
0x9e: {  	_ =	swait.ge [sflag:s22], s20  }
0x9f: {  	s4 =	ssub.s32 $0x0, s20;
	[sflag:s22] =	ssyncset.done $0x0  }
0xa0: {  	[sflag:s22] =	ssyncadd.s32 s4;
	_ =	sdelay $0x1  }
0xa1: {  	s23 =	simm.s32 $0x1B8B  }
0xa2: {  	_ =	swait.ge [sflag:s23], $0x1  }
0xa3: {  	[sflag:s23] =	ssyncset.done $0x0  }
0xa4: {  	s25 =	simm.s32 $0x1B8E;
	s24 =	sld [smem:$0x3FFE];
	[sflag:s23] =	ssyncadd.s32 $0xFFFFFFFF  }
0xa5: {  	s26 =	simm.s32 $execute0_lowered;
	[smem:$0x3FD2] =	sst s25  }
0xa6: {  	s5 =	sshll.u32 s26, $0x1;
	_ =	strace $0x80000046;
	[dreg:$0x1] =	wrdreg $0xFFFFFFFF  }
0xa7: {  	s28 =	simm.s32 $_size_execute0_lowered;
	s3 =	sadd.s32 s3, s5;
	[dreg:$0x0] =	wrdreg $0x0  }
0xa8: {  	s5 =	sshll.u32 s28, $0x1;
	[dreg:$0x2] =	wrdreg s3  }
0xa9: {  	[dreg:$0x3] =	wrdreg s5  }
0xaa: {  	[dreg:$0x4] =	wrdreg $0xC0  }
0xab: {  	_ =	task [dreg:s7], $0x5FFFF  }
0xac: {  	[dreg:$0x1] =	wrdreg $0xFFFFFFFF  }
0xad: {  	[dreg:$0x0] =	wrdreg $0x60  }
0xae: {  	[dreg:$0x2] =	wrdreg s2  }
0xaf: {  	[dreg:$0x3] =	wrdreg s24  }
0xb0: {  	[dreg:$0x4] =	wrdreg $0x0  }
0xb1: {  	[dreg:$0x5] =	wrdreg $0x9  }
0xb2: {  	_ =	task.clear_ibuf [dreg:s7], $0x6FFFF;
	_ =	strace $0x90000046  }
0xb3: {  	s29 =	simm.s32 $0x9;
	_ =	strace $0x80000048  }
0xb4: {  	_ =	swait.ge [sflag:s29], $0x1  }
0xb5: {  	[sflag:s29] =	ssyncadd.s32 $0xFFFFFFFF  }
0xb6: {  	_ =	strace $0x90000048  }
0xb7: {  	_ =	sfence  }
0xb8: {  	s30 =	sld [smem:$0x0];
	_ =	sdelay $0x2  }
0xb9: {  	s31 =	sshll.u32 s1, $0xD;
	s1 =	sshrl.u32 s1, $0x2  }
0xba: {  	s3 =	sand.u32 $0x4000, s31;
	s1 =	sadd.s32 s1, s30  }
0xbb: {  	s0 =	sor.u32 s3, s0;
	s1 =	sshll.u32 s1, $0x11  }
0xbc: {  	s0 =	sor.u32 s1, s0  }
0xbd: {  	s0 =	sadd.s32 $0x8F2B, s0  }
0xbe: {  	[sflag:s0] =	ssyncadd.remote.s32 $0x1  }
0xbf: {  	_ =	sfence.sel $0xFFFF  }
0xc0: {  	[dreg:$0x0] =	wrdreg $0xFFFFFFFF;
	(pc) =	sbr.abs _section_cstart, $3  }
0xc1: {  	[dreg:$0x1] =	wrdreg $0xFFFFFFFF  }
0xc2: {  	_ =	task.clear_ibuf [dreg:s7], $0x2FFFF;
	_ =	strace $0x9FFFFFFF  }
0xc3: {  	(tm) =	ssettm $0x7FFFFFFF  }
tec
execute0_lowered:
.L_overlay_start_1:
0x0: {  	(tag) =	ssettag $0x1  }
0x1: {  	s4 =	rddreg [dreg:$0x0]  }
0x2: {  	s5 =	rddreg [dreg:$0x1]  }
0x3: {  	s2 =	rddreg [dreg:$0x2]  }
0x4: {  	s0 =	rddreg [dreg:$0x3];
	s6 =	srdreg.scid  }
0x5: {  	s1 =	stileid.u32;
	s3 =	simm.s32 $0x0;
	s11 =	simm.s32 $0x50  }
0x6: {  	s12 =	simm.s32 $0x10500;
	s13 =	simm.s32 $0x1;
	s16 =	simm.s32 $0x20  }
0x7: {  	s17 =	simm.s32 $0x10;
	s6 =	sand.u32 $0x1, s6;
	s7 =	smul.u32 $0xA00, s1  }
0x8: {  	[smem:$0x7FF] =	sst s3;
	s10 =	smul.u32 $0x1400, s1;
	s30 =	sshll.u32 s1, $0xD  }
0x9: {  	s14 =	sshll.u32 s1, $0x6;
	s8 =	sshll.u32 s6, $0x7;
	_ =	strace $0x80000047  }
0xa: {  	s29 =	ssub.s32 $0x2, s6;
	s6 =	sshll.u32 s6, $0x11;
	s14 =	sor.u32 $0x1C02, s14  }
0xb: {  	s7 =	sor.u32 s8, s7;
	s9 =	sshrl.u32 s29, $0x1;
	s31 =	sshrl.u32 s10, $0x2  }
0xc: {  	s10 =	simm.s32 $0x500;
	s7 =	sshrl.u32 s7, $0x3;
	s8 =	ssub.s32 s29, s9  }
0xd: {  	s9 =	simm.s32 $0x2;
	s7 =	sadd.s32 s7, s5;
	s5 =	sadd.s32 s4, s30  }
0xe: {  	s4 =	sadd.s32 s31, s2;
	s5 =	sadd.s32 s6, s5;
	s6 =	sadd.s32 $0x6800, s7  }
0xf: {  	v0 =	vimm.f32 $0.0e+00;
	v1 =	vimm.f32 $1.000000000e+00;
	s7 =	smax.u32 s8, $0x1;
	s8 =	simm.s32 $0x10580;
	s15 =	sshrl.u32 s4, $0x3  }
.LBB2_1:
0x10: {  	s18 =	simm.s32 $0x40;
	s19 =	simm.s32 $0x0  }
.LBB2_2:
0x11: {  	p0 =	sne.s32 s18, $0x13C0;
	[tilespmem:s19+$0x10580] =	vst v0;
	s19 =	smov.u32 s18;
	s18 =	sadd.s32 $0x40, s18  }
.Ltmp0:
0x12: {  	(pc) =	sbr.rel @p0 .LBB2_2-.Ltmp0, $2  }
0x13: {  	_ =	sdelay $0x2  }
0x14: {  	s19 =	sshra.s32 s19, $0x2  }
0x15: {  	[tilespmem:s19+$0x10580] =	vst v0  }
0x16: {  	[tilespmem:$0x10500] =	vst v1  }
0x17: {  	[tilespmem:$0x10510] =	vst v1  }
0x18: {  	[tilespmem:$0x10520] =	vst v1  }
0x19: {  	[tilespmem:$0x10530] =	vst v1  }
0x1a: {  	[tilespmem:$0x10540] =	vst v1  }
0x1b: {  	[spmem:s4] =	stream.linear.scatter [tilespmem:s8], [sflag:$0x2], $0x500, $0x38;
	[tilespmem:$0x10A80] =	vst v63  }
0x1c: {  	_ =	swait.ge [sflag:s9], $0x500  }
0x1d: {  	[sflag:s9] =	ssyncset.done $0x0  }
0x1e: {  	s18 =	simm.s32 $0x0;
	[sflag:s9] =	ssyncadd.s32 $0xFFFFFB00  }
0x1f: {  	[tilespmem:s10], [sflag:$0x2] =	stream.linear.gather [hbm4b:s5+s18], $0x10000, $0x38;
	[tilespmem:$0x10A80] =	vst v63  }
0x20: {  	_ =	swait.ge [sflag:s9], $0x10000  }
0x21: {  	[sflag:s9] =	ssyncset.done $0x0  }
0x22: {  	[sflag:s9] =	ssyncadd.s32 $0xFFFF0000  }
0x23: {  	s23 =	simm.s32 $0x500;
	[bflag:$0x0] =	sbarrier.arrive $0xFFFF  }
0x24: {  	[spmem:s2] =	stream.indirect.scatter.add.f32 [tilespmem:s12], [sflag:$0x1], $0x1, s23, s11, $0xb8;
	[tilespmem:$0x10A80] =	vst v63  }
0x25: {  	s24 =	simm.s32 $0x580  }
0x26: {  	[spmem:s2] =	stream.indirect.scatter.add.f32 [tilespmem:s12], [sflag:$0x1], $0x1, s24, s11, $0xb8;
	[tilespmem:$0x10A80] =	vst v63  }
0x27: {  	s25 =	simm.s32 $0x600  }
0x28: {  	[spmem:s2] =	stream.indirect.scatter.add.f32 [tilespmem:s12], [sflag:$0x1], $0x1, s25, s11, $0xb8;
	[tilespmem:$0x10A80] =	vst v63  }
0x29: {  	s26 =	simm.s32 $0x680  }
0x2a: {  	[spmem:s2] =	stream.indirect.scatter.add.f32 [tilespmem:s12], [sflag:$0x1], $0x1, s26, s11, $0xb8;
	[tilespmem:$0x10A80] =	vst v63  }
0x2b: {  	s28 =	simm.s32 $0x700  }
0x2c: {  	[spmem:s2] =	stream.indirect.scatter.add.f32 [tilespmem:s12], [sflag:$0x1], $0x1, s28, s11, $0xb8;
	[tilespmem:$0x10A80] =	vst v63  }
0x2d: {  	s29 =	simm.s32 $0x780  }
0x2e: {  	[spmem:s2] =	stream.indirect.scatter.add.f32 [tilespmem:s12], [sflag:$0x1], $0x1, s29, s11, $0xb8;
	[tilespmem:$0x10A80] =	vst v63  }
0x2f: {  	s30 =	simm.s32 $0x800  }
0x30: {  	[spmem:s2] =	stream.indirect.scatter.add.f32 [tilespmem:s12], [sflag:$0x1], $0x1, s30, s11, $0xb8;
	[tilespmem:$0x10A80] =	vst v63  }
0x31: {  	s31 =	simm.s32 $0x880  }
0x32: {  	[spmem:s2] =	stream.indirect.scatter.add.f32 [tilespmem:s12], [sflag:$0x1], $0x1, s31, s11, $0xb8;
	[tilespmem:$0x10A80] =	vst v63  }
0x33: {  	_ =	swait.ge [sflag:s13], $0x50  }
0x34: {  	[sflag:s13] =	ssyncset.done $0x0  }
0x35: {  	[sflag:s13] =	ssyncadd.s32 $0xFFFFFFB0  }
0x36: {  	_ =	swait.ge [sflag:s13], $0x50  }
0x37: {  	[sflag:s13] =	ssyncset.done $0x0  }
0x38: {  	[sflag:s13] =	ssyncadd.s32 $0xFFFFFFB0  }
0x39: {  	_ =	swait.ge [sflag:s13], $0x50  }
0x3a: {  	[sflag:s13] =	ssyncset.done $0x0  }
0x3b: {  	[sflag:s13] =	ssyncadd.s32 $0xFFFFFFB0  }
0x3c: {  	_ =	swait.ge [sflag:s13], $0x50  }
0x3d: {  	[sflag:s13] =	ssyncset.done $0x0  }
0x3e: {  	[sflag:s13] =	ssyncadd.s32 $0xFFFFFFB0  }
0x3f: {  	_ =	swait.ge [sflag:s13], $0x50  }
0x40: {  	[sflag:s13] =	ssyncset.done $0x0  }
0x41: {  	[sflag:s13] =	ssyncadd.s32 $0xFFFFFFB0  }
0x42: {  	_ =	swait.ge [sflag:s13], $0x50  }
0x43: {  	[sflag:s13] =	ssyncset.done $0x0  }
0x44: {  	[sflag:s13] =	ssyncadd.s32 $0xFFFFFFB0  }
0x45: {  	_ =	swait.ge [sflag:s13], $0x50  }
0x46: {  	[sflag:s13] =	ssyncset.done $0x0  }
0x47: {  	[sflag:s13] =	ssyncadd.s32 $0xFFFFFFB0  }
0x48: {  	_ =	swait.ge [sflag:s13], $0x50  }
0x49: {  	s21 =	simm.s32 $0x2000;
	s20 =	simm.s32 $0x400;
	[sflag:s13] =	ssyncset.done $0x0  }
.LBB2_4:
0x4a: {  	s22 =	sadd.s32 $0x500, s20  }
0x4b: {  	[sflag:s13] =	ssyncadd.s32 $0xFFFFFFB0;
	s19 =	smov.u32 s21;
	s18 =	sadd.s32 $0x1000, s21  }
0x4c: {  	[spmem:s2] =	stream.indirect.scatter.add.f32 [tilespmem:s12], [sflag:$0x1], $0x1, s22, s11, $0xb8;
	[tilespmem:$0x10A80] =	vst v63  }
0x4d: {  	p0 =	sne.s32 s21, $0x3F000;
	s21 =	sadd.s32 $0x580, s20  }
0x4e: {  	[spmem:s2] =	stream.indirect.scatter.add.f32 [tilespmem:s12], [sflag:$0x1], $0x1, s21, s11, $0xb8;
	[tilespmem:$0x10A80] =	vst v63  }
0x4f: {  	s21 =	sadd.s32 $0x600, s20  }
0x50: {  	[spmem:s2] =	stream.indirect.scatter.add.f32 [tilespmem:s12], [sflag:$0x1], $0x1, s21, s11, $0xb8;
	[tilespmem:$0x10A80] =	vst v63  }
0x51: {  	s21 =	sadd.s32 $0x680, s20  }
0x52: {  	[spmem:s2] =	stream.indirect.scatter.add.f32 [tilespmem:s12], [sflag:$0x1], $0x1, s21, s11, $0xb8;
	[tilespmem:$0x10A80] =	vst v63  }
0x53: {  	s21 =	sadd.s32 $0x700, s20  }
0x54: {  	[spmem:s2] =	stream.indirect.scatter.add.f32 [tilespmem:s12], [sflag:$0x1], $0x1, s21, s11, $0xb8;
	[tilespmem:$0x10A80] =	vst v63  }
0x55: {  	s21 =	sadd.s32 $0x780, s20  }
0x56: {  	[spmem:s2] =	stream.indirect.scatter.add.f32 [tilespmem:s12], [sflag:$0x1], $0x1, s21, s11, $0xb8;
	[tilespmem:$0x10A80] =	vst v63  }
0x57: {  	s21 =	sadd.s32 $0x800, s20  }
0x58: {  	[spmem:s2] =	stream.indirect.scatter.add.f32 [tilespmem:s12], [sflag:$0x1], $0x1, s21, s11, $0xb8;
	[tilespmem:$0x10A80] =	vst v63  }
0x59: {  	s20 =	sadd.s32 $0x880, s20  }
0x5a: {  	[spmem:s2] =	stream.indirect.scatter.add.f32 [tilespmem:s12], [sflag:$0x1], $0x1, s20, s11, $0xb8;
	[tilespmem:$0x10A80] =	vst v63  }
0x5b: {  	_ =	swait.ge [sflag:s13], $0x50  }
0x5c: {  	[sflag:s13] =	ssyncset.done $0x0  }
0x5d: {  	[sflag:s13] =	ssyncadd.s32 $0xFFFFFFB0  }
0x5e: {  	_ =	swait.ge [sflag:s13], $0x50  }
0x5f: {  	[sflag:s13] =	ssyncset.done $0x0  }
0x60: {  	[sflag:s13] =	ssyncadd.s32 $0xFFFFFFB0  }
0x61: {  	_ =	swait.ge [sflag:s13], $0x50  }
0x62: {  	[sflag:s13] =	ssyncset.done $0x0  }
0x63: {  	[sflag:s13] =	ssyncadd.s32 $0xFFFFFFB0  }
0x64: {  	_ =	swait.ge [sflag:s13], $0x50  }
0x65: {  	[sflag:s13] =	ssyncset.done $0x0  }
0x66: {  	[sflag:s13] =	ssyncadd.s32 $0xFFFFFFB0  }
0x67: {  	_ =	swait.ge [sflag:s13], $0x50  }
0x68: {  	[sflag:s13] =	ssyncset.done $0x0  }
0x69: {  	[sflag:s13] =	ssyncadd.s32 $0xFFFFFFB0  }
0x6a: {  	_ =	swait.ge [sflag:s13], $0x50  }
0x6b: {  	[sflag:s13] =	ssyncset.done $0x0  }
0x6c: {  	[sflag:s13] =	ssyncadd.s32 $0xFFFFFFB0  }
.Ltmp1:
0x6d: {  	_ =	swait.ge [sflag:s13], $0x50;
	(pc) =	sbr.rel @p0 .LBB2_4-.Ltmp1, $4  }
0x6e: {  	[sflag:s13] =	ssyncset.done $0x0  }
0x6f: {  	[sflag:s13] =	ssyncadd.s32 $0xFFFFFFB0  }
0x70: {  	_ =	swait.ge [sflag:s13], $0x50  }
0x71: {  	s21 =	smov.u32 s18;
	s20 =	sshra.s32 s19, $0x2;
	[sflag:s13] =	ssyncset.done $0x0  }
0x72: {  	s18 =	sadd.s32 $0x500, s20;
	[sflag:s13] =	ssyncadd.s32 $0xFFFFFFB0  }
0x73: {  	[spmem:s2] =	stream.indirect.scatter.add.f32 [tilespmem:s12], [sflag:$0x1], $0x1, s18, s11, $0xb8;
	[tilespmem:$0x10A80] =	vst v63  }
0x74: {  	s24 =	sadd.s32 $0x580, s20  }
0x75: {  	[spmem:s2] =	stream.indirect.scatter.add.f32 [tilespmem:s12], [sflag:$0x1], $0x1, s24, s11, $0xb8;
	[tilespmem:$0x10A80] =	vst v63  }
0x76: {  	s25 =	sadd.s32 $0x600, s20  }
0x77: {  	[spmem:s2] =	stream.indirect.scatter.add.f32 [tilespmem:s12], [sflag:$0x1], $0x1, s25, s11, $0xb8;
	[tilespmem:$0x10A80] =	vst v63  }
0x78: {  	s26 =	sadd.s32 $0x680, s20  }
0x79: {  	[spmem:s2] =	stream.indirect.scatter.add.f32 [tilespmem:s12], [sflag:$0x1], $0x1, s26, s11, $0xb8;
	[tilespmem:$0x10A80] =	vst v63  }
0x7a: {  	s28 =	sadd.s32 $0x700, s20  }
0x7b: {  	[spmem:s2] =	stream.indirect.scatter.add.f32 [tilespmem:s12], [sflag:$0x1], $0x1, s28, s11, $0xb8;
	[tilespmem:$0x10A80] =	vst v63  }
0x7c: {  	s29 =	sadd.s32 $0x780, s20  }
0x7d: {  	[spmem:s2] =	stream.indirect.scatter.add.f32 [tilespmem:s12], [sflag:$0x1], $0x1, s29, s11, $0xb8;
	[tilespmem:$0x10A80] =	vst v63  }
0x7e: {  	s30 =	sadd.s32 $0x800, s20  }
0x7f: {  	[spmem:s2] =	stream.indirect.scatter.add.f32 [tilespmem:s12], [sflag:$0x1], $0x1, s30, s11, $0xb8;
	[tilespmem:$0x10A80] =	vst v63  }
0x80: {  	s31 =	sadd.s32 $0x880, s20  }
0x81: {  	[spmem:s2] =	stream.indirect.scatter.add.f32 [tilespmem:s12], [sflag:$0x1], $0x1, s31, s11, $0xb8;
	[tilespmem:$0x10A80] =	vst v63  }
0x82: {  	_ =	swait.ge [sflag:s13], $0x50  }
0x83: {  	[sflag:s13] =	ssyncset.done $0x0  }
0x84: {  	[sflag:s13] =	ssyncadd.s32 $0xFFFFFFB0  }
0x85: {  	_ =	swait.ge [sflag:s13], $0x50  }
0x86: {  	[sflag:s13] =	ssyncset.done $0x0  }
0x87: {  	[sflag:s13] =	ssyncadd.s32 $0xFFFFFFB0  }
0x88: {  	_ =	swait.ge [sflag:s13], $0x50  }
0x89: {  	[sflag:s13] =	ssyncset.done $0x0  }
0x8a: {  	[sflag:s13] =	ssyncadd.s32 $0xFFFFFFB0  }
0x8b: {  	_ =	swait.ge [sflag:s13], $0x50  }
0x8c: {  	[sflag:s13] =	ssyncset.done $0x0  }
0x8d: {  	[sflag:s13] =	ssyncadd.s32 $0xFFFFFFB0  }
0x8e: {  	_ =	swait.ge [sflag:s13], $0x50  }
0x8f: {  	[sflag:s13] =	ssyncset.done $0x0  }
0x90: {  	[sflag:s13] =	ssyncadd.s32 $0xFFFFFFB0  }
0x91: {  	_ =	swait.ge [sflag:s13], $0x50  }
0x92: {  	[sflag:s13] =	ssyncset.done $0x0  }
0x93: {  	[sflag:s13] =	ssyncadd.s32 $0xFFFFFFB0  }
0x94: {  	_ =	swait.ge [sflag:s13], $0x50  }
0x95: {  	[sflag:s13] =	ssyncset.done $0x0  }
0x96: {  	[sflag:s13] =	ssyncadd.s32 $0xFFFFFFB0  }
0x97: {  	_ =	swait.ge [sflag:s13], $0x50  }
0x98: {  	s3 =	sadd.s32 $0x1, s3;
	[sflag:s13] =	ssyncset.done $0x0  }
0x99: {  	p0 =	sne.s32 s3, s7;
	[sflag:s13] =	ssyncadd.s32 $0xFFFFFFB0  }
.Ltmp2:
0x9a: {  	[bflag:$0x0] =	sbarrier.arrive $0xFFFF;
	(pc) =	sbr.rel @p0 .LBB2_1-.Ltmp2, $4  }
0x9b: {  	[hbm:s6@s16], [sflag:s14] =	dma.strided [spmem:s15@s17], $0xA0, s13, $0x10   }
0x9c: {  	_ =	swait.ge [sflag:s9], $0xA0  }
0x9d: {  	[sflag:s9] =	ssyncset.done $0x0  }
0x9e: {  	[sflag:s9] =	ssyncadd.s32 $0xFFFFFF60  }
0x9f: {  	_ =	sfence.sel $0x180000  }
0xa0: {  	[bflag:$0x0] =	sbarrier.arrive $0xFFFF  }
0xa1: {  	p0 =	sne.s32 s1, $0x0;
	_ =	strace $0x90000047  }
0xa2: {  	s0 =	sadd.s32 @!p0 $0x100000, s0;
	[bflag:$0x2] =	sbarrier.arrive $0xFFFF  }
0xa3: {  	[sflag:s0] =	ssyncadd.tile.s32 @!p0 $0x1;
	_ =	shalt  }
.Lfunc_end2:
_tile_overlayer_lowered:
.L_overlay_start_2:
0xa4: {  	(tag) =	ssettag $0x2  }
0xa5: {  	s0 =	rddreg [dreg:$0x0];
	s2 =	stileid.u32  }
0xa6: {  	s1 =	rddreg [dreg:$0x1];
	p0 =	sne.s32 s2, $0x0  }
0xa7: {  	s3 =	rddreg [dreg:$0x2];
	[bflag:$0x3] =	sbarrier.arrive $0xFFFF;
	s2 =	simm.s32 @!p0 $0x1C02  }
0xa8: {  	[timem:s3], [sflag:s2] =	dma.local @!p0 [hbm:s0], s1  }
0xa9: {  	s0 =	simm.s32 @!p0 $0x2  }
0xaa: {  	_ =	swait.ge @!p0 [sflag:s0], s1  }
0xab: {  	s1 =	ssub.s32 @!p0 $0x0, s1;
	[sflag:s0] =	ssyncset.done @!p0 $0x0  }
0xac: {  	[sflag:s0] =	ssyncadd.s32 @!p0 s1  }
0xad: {  	[bflag:$0x3] =	sbarrier.arrive $0xFFFF  }
0xae: {  	_ =	shalt  }

// kernel: kernel.19.cloned.1.call-start
scs
__scs_entry_jumppad:
0x0: {  	(pc) =	sbr.rel $0x88, $3  }
0x1: {  	(tag) =	ssettag $0x0;
	lr =	simm.s32 $0x1  }
0x2: {  	[smem:$0x3F83] =	sst lr;
	_ =	strace $0xD0000000  }
0x3: {  	_ = 	snop  }
0x4: {  	_ = 	snop  }
0x5: {  	_ = 	snop  }
0x6: {  	_ = 	snop  }
0x7: {  	_ = 	snop  }
__scs_overlays_trampoline_lowered:
0x8: {  	[smem:$0x3F92] =	sst s0  }
0x9: {  	[smem:$0x3F93] =	sst s1  }
0xa: {  	[smem:$0x3F94] =	sst s2  }
0xb: {  	[smem:$0x3F95] =	sst s3  }
0xc: {  	[smem:$0x3F96] =	sst s4  }
0xd: {  	[smem:$0x3F97] =	sst s5  }
0xe: {  	[smem:$0x3F98] =	sst s6  }
0xf: {  	[smem:$0x3F99] =	sst s7  }
0x10: {  	[smem:$0x3F9A] =	sst s8  }
0x11: {  	[smem:$0x3F9B] =	sst s9;
	s0 =	simm.s32 @!p0 $0x0  }
0x12: {  	s1 =	sld [smem:$0x3F81];
	s0 =	simm.s32 @p0 $0x1  }
0x13: {  	[smem:$0x3F9C] =	sst s0;
	s0 =	simm.s32 @!p1 $0x0  }
0x14: {  	s2 =	sld [smem:$0x3F80];
	s0 =	simm.s32 @p1 $0x1  }
0x15: {  	[smem:$0x3F9D] =	sst s0;
	s0 =	simm.s32 @!p2 $0x0  }
0x16: {  	s3 =	sld [smem:$0x3FDB];
	s0 =	simm.s32 @p2 $0x1  }
0x17: {  	s4 =	simm.s32 $0x1BF5;
	[smem:$0x3F9F] =	sst s0  }
0x18: {  	s0 =	sld [smem:$0x3F82];
	_ =	swait.ge [sflag:s4], $0x0  }
0x19: {  	s7 =	sld [smem:$0x3F83]  }
0x1a: {  	s8 =	sadd.s32 $0xFFFFE003, lr  }
0x1b: {  	s9 =	sadd.s32 $0xFFFFFEF7, lr;
	s5 =	simm.s32 $0xFFFFFFFF;
	p2 =	slt.u32 s8, $0xFFFFF086  }
0x1c: {  	p1 =	slt.u32 s9, $0xF7A;
	s5 =	simm.s32 @!p2 $0x0  }
0x1d: {  	s5 =	simm.s32 @p1 $0x1;
	p0 =	seq.s32 s7, s2  }
0x1e: {  	s7 =	smul.u32 @!p0 $0xF7A, s2;
	p2 =	seq.s32 @!p0 s5, $0x0  }
0x1f: {  	s9 =	smul.u32 $0xF7A, s1;
	s8 =	simm.s32 @!p0 $0x1BF5;
	p2 =	por !p2, p0  }
0x20: {  	[sflag:s8] =	ssyncset.s32 @!p0 $0xFFFFF086;
	s6 =	sadd.s32 @!p0 s3, s7;
	s7 =	simm.s32 @!p0 $0x108  }
0x21: {  	s3 =	sadd.s32 s3, s9;
	s6 =	sadd.s32 @!p0 $0x88, s6;
	s7 =	simm.s32 @p2 $0x1082  }
0x22: {  	[simem:s7], [sflag:s8] =	dma.local @!p0 [hbm:s6], $0xF7A  }
0x23: {  	s9 =	sor.u32 $0xD0000000, s2;
	s6 =	simm.s32 $0x108;
	_ =	swait.ge @!p0 [sflag:s8], $0x0  }
0x24: {  	s3 =	sadd.s32 $0x88, s3;
	s6 =	simm.s32 @!p1 $0x1082;
	[sflag:s4] =	ssyncset.s32 $0xFFFFF086  }
0x25: {  	[simem:s6], [sflag:s4] =	dma.local [hbm:s3], $0xF7A  }
0x26: {  	[smem:$0x3F83] =	sst s1;
	(tag) =	ssettag s2;
	_ =	strace s9  }
0x27: {  	s1 =	sld [smem:$0x3F93]  }
0x28: {  	s2 =	sld [smem:$0x3F94]  }
0x29: {  	s4 =	sld [smem:$0x3F96]  }
0x2a: {  	p0 =	seq.s32 s5, $0x0;
	s5 =	sld [smem:$0x3F97]  }
0x2b: {  	s6 =	sld [smem:$0x3F98]  }
0x2c: {  	s7 =	sld [smem:$0x3F99]  }
0x2d: {  	s3 =	simm.s32 $0x108;
	s8 =	sld [smem:$0x3F9A]  }
0x2e: {  	s3 =	simm.s32 @!p0 $0x1082;
	s9 =	sld [smem:$0x3F9B]  }
0x2f: {  	lr =	sadd.s32 s0, s3;
	s0 =	sld [smem:$0x3F92]  }
0x30: {  	s3 =	sld [smem:$0x3F95]  }
0x31: {  	[smem:$0x3F9E] =	sst s10  }
0x32: {  	s10 =	sld [smem:$0x3F9C];
	_ =	sdelay $0x3  }
0x33: {  	p0 =	seq.s32 s10, $0x1;
	s10 =	sld [smem:$0x3F9E];
	_ =	sdelay $0x3  }
0x34: {  	[smem:$0x3F9E] =	sst s10  }
0x35: {  	s10 =	sld [smem:$0x3F9D];
	_ =	sdelay $0x3  }
0x36: {  	p1 =	seq.s32 s10, $0x1;
	s10 =	sld [smem:$0x3F9E];
	_ =	sdelay $0x3  }
0x37: {  	[smem:$0x3F9E] =	sst s10  }
0x38: {  	s10 =	sld [smem:$0x3F9F]  }
0x39: {  	_ = 	snop;
	(pc) =	sbr.ind lr, $3  }
0x3a: {  	_ = 	snop  }
0x3b: {  	_ = 	snop  }
0x3c: {  	p2 =	seq.s32 s10, $0x1;
	s10 =	sld [smem:$0x3F9E]  }
0x3d: {  	_ =	shalt  }
0x3e: {  	_ =	shalt  }
0x3f: {  	_ =	shalt  }
0x40: {  	_ =	shalt  }
0x41: {  	_ =	shalt  }
0x42: {  	_ =	shalt  }
0x43: {  	_ =	shalt  }
0x44: {  	_ =	shalt  }
0x45: {  	_ =	shalt  }
0x46: {  	_ =	shalt  }
0x47: {  	_ =	shalt  }
0x48: {  	_ =	shalt  }
0x49: {  	_ =	shalt  }
0x4a: {  	_ =	shalt  }
0x4b: {  	_ =	shalt  }
0x4c: {  	_ =	shalt  }
0x4d: {  	_ =	shalt  }
0x4e: {  	_ =	shalt  }
0x4f: {  	_ =	shalt  }
0x50: {  	_ =	shalt  }
0x51: {  	_ =	shalt  }
0x52: {  	_ =	shalt  }
0x53: {  	_ =	shalt  }
0x54: {  	_ =	shalt  }
0x55: {  	_ =	shalt  }
0x56: {  	_ =	shalt  }
0x57: {  	_ =	shalt  }
0x58: {  	_ =	shalt  }
0x59: {  	_ =	shalt  }
0x5a: {  	_ =	shalt  }
0x5b: {  	_ =	shalt  }
0x5c: {  	_ =	shalt  }
0x5d: {  	_ =	shalt  }
0x5e: {  	_ =	shalt  }
0x5f: {  	_ =	shalt  }
0x60: {  	_ =	shalt  }
0x61: {  	_ =	shalt  }
0x62: {  	_ =	shalt  }
0x63: {  	_ =	shalt  }
0x64: {  	_ =	shalt  }
0x65: {  	_ =	shalt  }
0x66: {  	_ =	shalt  }
0x67: {  	_ =	shalt  }
0x68: {  	_ =	shalt  }
0x69: {  	_ =	shalt  }
0x6a: {  	_ =	shalt  }
0x6b: {  	_ =	shalt  }
0x6c: {  	_ =	shalt  }
0x6d: {  	_ =	shalt  }
0x6e: {  	_ =	shalt  }
0x6f: {  	_ =	shalt  }
0x70: {  	_ =	shalt  }
0x71: {  	_ =	shalt  }
0x72: {  	_ =	shalt  }
0x73: {  	_ =	shalt  }
0x74: {  	_ =	shalt  }
0x75: {  	_ =	shalt  }
0x76: {  	_ =	shalt  }
0x77: {  	_ =	shalt  }
0x78: {  	_ =	shalt  }
0x79: {  	_ =	shalt  }
0x7a: {  	_ =	shalt  }
0x7b: {  	_ =	shalt  }
0x7c: {  	_ =	shalt  }
0x7d: {  	_ =	shalt  }
0x7e: {  	_ =	shalt  }
0x7f: {  	_ =	shalt  }
0x80: {  	_ =	shalt  }
0x81: {  	_ =	shalt  }
0x82: {  	_ =	shalt  }
0x83: {  	_ =	shalt  }
0x84: {  	_ =	shalt  }
0x85: {  	_ =	shalt  }
0x86: {  	_ =	shalt  }
0x87: {  	_ =	shalt  }
.Lfunc_end0:
.L_simem_size_0:
called_computation.1_lowered:
.L_overlay_start_0:
0x88: {  	s2 =	sld [smem:$0x3FD9]  }
0x89: {  	s3 =	sld [smem:$0x3FFE];
	_ =	sdelay $0x1  }
0x8a: {  	s1 =	srdreg.scid  }
0x8b: {  	s0 =	sand.u32 $0x1, s1  }
0x8c: {  	s17 =	sshll.u32 s0, $0xA;
	s2 =	sadd.s32 s3, s2  }
0x8d: {  	s2 =	sadd.s32 s2, s17  }
0x8e: {  	[smem:$0x3FAA] =	sst s2  }
0x8f: {  	_ = 	snop  }
0x90: {  	s2 =	sld [smem:$0x3FD0];
	(tm) =	ssettm $0x1  }
0x91: {  	s18 =	sld [smem:$0x3FFB];
	_ =	sdelay $0x3  }
0x92: {  	_ =	strace s18  }
0x93: {  	s3 =	sld [smem:$0x3FFC];
	_ =	sdelay $0x3  }
0x94: {  	_ =	strace s3  }
0x95: {  	s3 =	sld [smem:$0x3FFD];
	_ =	sdelay $0x3  }
0x96: {  	_ =	strace s3  }
0x97: {  	_ =	strace $0x8FFFFFFF  }
0x98: {  	s19 =	sld [smem:$0x3FDB];
	_ =	sdelay $0x1  }
0x99: {  	s4 =	simm.s32 $_scs_section_size  }
0x9a: {  	s5 =	simm.s32 $_size__tile_overlayer_lowered;
	s6 =	simm.s32 $_tile_overlayer_lowered  }
0x9b: {  	s22 =	simm.s32 $0x1BFF;
	s21 =	sshll.u32 s6, $0x1;
	s3 =	sadd.s32 s4, s19  }
0x9c: {  	s7 =	simm.s32 $0x0;
	s20 =	sshll.u32 s5, $0x1;
	s5 =	sadd.s32 s21, s3  }
0x9d: {  	[timem:s7], [sflag:s22] =	dma.local [hbm:s5], s20  }
0x9e: {  	_ =	swait.ge [sflag:s22], s20  }
0x9f: {  	s4 =	ssub.s32 $0x0, s20;
	[sflag:s22] =	ssyncset.done $0x0  }
0xa0: {  	[sflag:s22] =	ssyncadd.s32 s4;
	_ =	sdelay $0x1  }
0xa1: {  	s23 =	simm.s32 $0x1B8B  }
0xa2: {  	_ =	swait.ge [sflag:s23], $0x1  }
0xa3: {  	[sflag:s23] =	ssyncset.done $0x0  }
0xa4: {  	s25 =	simm.s32 $0x1B8E;
	s24 =	sld [smem:$0x3FFE];
	[sflag:s23] =	ssyncadd.s32 $0xFFFFFFFF  }
0xa5: {  	s26 =	simm.s32 $execute0_lowered;
	[smem:$0x3FD2] =	sst s25  }
0xa6: {  	s5 =	sshll.u32 s26, $0x1;
	_ =	strace $0x80000049;
	[dreg:$0x1] =	wrdreg $0xFFFFFFFF  }
0xa7: {  	s28 =	simm.s32 $_size_execute0_lowered;
	s3 =	sadd.s32 s3, s5;
	[dreg:$0x0] =	wrdreg $0x0  }
0xa8: {  	s5 =	sshll.u32 s28, $0x1;
	[dreg:$0x2] =	wrdreg s3  }
0xa9: {  	[dreg:$0x3] =	wrdreg s5  }
0xaa: {  	[dreg:$0x4] =	wrdreg $0xC0  }
0xab: {  	_ =	task [dreg:s7], $0x5FFFF  }
0xac: {  	[dreg:$0x1] =	wrdreg $0xFFFFFFFF  }
0xad: {  	[dreg:$0x0] =	wrdreg $0x60  }
0xae: {  	[dreg:$0x2] =	wrdreg s24  }
0xaf: {  	[dreg:$0x3] =	wrdreg s2  }
0xb0: {  	[dreg:$0x4] =	wrdreg $0x0  }
0xb1: {  	[dreg:$0x5] =	wrdreg $0x9  }
0xb2: {  	_ =	task.clear_ibuf [dreg:s7], $0x6FFFF;
	_ =	strace $0x90000049  }
0xb3: {  	s29 =	simm.s32 $0x9;
	_ =	strace $0x8000004B  }
0xb4: {  	_ =	swait.ge [sflag:s29], $0x1  }
0xb5: {  	[sflag:s29] =	ssyncadd.s32 $0xFFFFFFFF  }
0xb6: {  	_ =	strace $0x9000004B  }
0xb7: {  	_ =	sfence  }
0xb8: {  	s30 =	sld [smem:$0x0];
	_ =	sdelay $0x2  }
0xb9: {  	s31 =	sshll.u32 s1, $0xD;
	s1 =	sshrl.u32 s1, $0x2  }
0xba: {  	s3 =	sand.u32 $0x4000, s31;
	s1 =	sadd.s32 s1, s30  }
0xbb: {  	s0 =	sor.u32 s3, s0;
	s1 =	sshll.u32 s1, $0x11  }
0xbc: {  	s0 =	sor.u32 s1, s0  }
0xbd: {  	s0 =	sadd.s32 $0x8F2B, s0  }
0xbe: {  	[sflag:s0] =	ssyncadd.remote.s32 $0x1  }
0xbf: {  	_ =	sfence.sel $0xFFFF  }
0xc0: {  	[dreg:$0x0] =	wrdreg $0xFFFFFFFF;
	(pc) =	sbr.abs _section_cstart, $3  }
0xc1: {  	[dreg:$0x1] =	wrdreg $0xFFFFFFFF  }
0xc2: {  	_ =	task.clear_ibuf [dreg:s7], $0x2FFFF;
	_ =	strace $0x9FFFFFFF  }
0xc3: {  	(tm) =	ssettm $0x7FFFFFFF  }
tec
execute0_lowered:
.L_overlay_start_1:
0x0: {  	(tag) =	ssettag $0x1  }
0x1: {  	s0 =	rddreg [dreg:$0x0]  }
0x2: {  	s1 =	rddreg [dreg:$0x1];
	s3 =	srdreg.scid  }
0x3: {  	s11 =	stileid.u32;
	s2 =	rddreg [dreg:$0x2];
	s16 =	simm.s32 $0x13F00  }
0x4: {  	s17 =	simm.s32 $0xA;
	s18 =	simm.s32 $0x13C00;
	s19 =	simm.s32 $0x13D00  }
0x5: {  	s28 =	simm.s32 $0x9;
	s29 =	simm.s32 $0x1B700;
	s5 =	smul.u32 $0x4F000, s11  }
0x6: {  	s30 =	simm.s32 $0x2;
	s31 =	simm.s32 $0x13D80;
	s7 =	smul.u32 $0xA700, s11  }
0x7: {  	s4 =	sand.u32 $0x1, s3;
	s3 =	simm.s32 $0x0;
	s11 =	smul.u32 $0x13C00, s11  }
0x8: {  	s6 =	smul.u32 $0xA7000, s4;
	[smem:$0x7FF] =	sst s3;
	s8 =	ssub.s32 $0x2, s4  }
0x9: {  	s9 =	smul.u32 $0x13C000, s4;
	s4 =	sadd.s32 $0xCE000, s0;
	s0 =	sadd.s32 $0x7C00, s0  }
0xa: {  	_ =	strace $0x8000004A;
	s10 =	sshrl.u32 s8, $0x1;
	s5 =	sshrl.u32 s5, $0x2  }
0xb: {  	s8 =	ssub.s32 s8, s10;
	s7 =	sadd.s32 s7, s6;
	s9 =	sadd.s32 s11, s9  }
0xc: {  	s5 =	sadd.s32 s5, s2;
	s10 =	simm.s32 $0x0;
	s6 =	sshrl.u32 s7, $0x3  }
0xd: {  	s9 =	sshrl.u32 s9, $0x3;
	s21 =	smax.u32 s8, $0x1;
	s25 =	sadd.s32 $0x700, s7  }
0xe: {  	s26 =	sadd.s32 $0x600, s7;
	s7 =	sadd.s32 $0x500, s7;
	s6 =	sadd.s32 s0, s6  }
0xf: {  	s1 =	sadd.s32 s1, s9;
	[dreg:$0x7] =	wrdreg s21;
	s8 =	sshrl.u32 s26, $0x3  }
0x10: {  	s7 =	sshrl.u32 s7, $0x3;
	s21 =	simm.s32 $0x78;
	s26 =	simm.s32 $0x13E00  }
0x11: {  	s9 =	simm.s32 $0x6;
	s20 =	sadd.s32 $0x20, s6;
	[dreg:$0x6] =	wrdreg s1  }
0x12: {  	s22 =	sadd.s32 $0x40, s6;
	s23 =	sadd.s32 $0x60, s6;
	[dreg:$0x4] =	wrdreg s6  }
0x13: {  	s24 =	sadd.s32 $0x80, s6;
	s1 =	sshrl.u32 s25, $0x3;
	[dreg:$0x5] =	wrdreg s20  }
0x14: {  	s14 =	sadd.s32 s8, s0;
	s15 =	sadd.s32 s7, s0;
	[dreg:$0x8] =	wrdreg s22  }
0x15: {  	s25 =	simm.s32 $0x13C80;
	s7 =	simm.s32 $0x13E80;
	[dreg:$0x9] =	wrdreg s23  }
0x16: {  	s8 =	simm.s32 $0x5;
	[dreg:$0xa] =	wrdreg s24;
	s13 =	sadd.s32 s1, s0  }
0x17: {  	s20 =	simm.s32 $0x7;
	s22 =	simm.s32 $0x8;
	s23 =	simm.s32 $0x17B00  }
0x18: {  	v0 =	vimm.f32 $0.0e+00;
	s24 =	simm.s32 $0x1;
	s1 =	simm.s32 $0x4;
	s0 =	simm.s32 $0x3  }
.LBB2_1:
0x19: {  	[tilespmem:$0x13F00] =	vst v0  }
0x1a: {  	[tilespmem:$0x13F10] =	vst v0  }
0x1b: {  	[tilespmem:$0x13F20] =	vst v0  }
0x1c: {  	[tilespmem:$0x13F30] =	vst v0  }
0x1d: {  	[tilespmem:$0x13F40] =	vst v0  }
0x1e: {  	[tilespmem:$0x13F50] =	vst v0  }
0x1f: {  	[tilespmem:$0x13F60] =	vst v0  }
0x20: {  	[tilespmem:$0x13F70] =	vst v0  }
0x21: {  	[tilespmem:$0x13F80] =	vst v0  }
0x22: {  	[tilespmem:$0x13F90] =	vst v0  }
0x23: {  	[tilespmem:$0x13FA0] =	vst v0  }
0x24: {  	[tilespmem:$0x13FB0] =	vst v0  }
0x25: {  	[tilespmem:$0x13FC0] =	vst v0  }
0x26: {  	[tilespmem:$0x13FD0] =	vst v0  }
0x27: {  	[tilespmem:$0x13FE0] =	vst v0  }
0x28: {  	[tilespmem:$0x13FF0] =	vst v0  }
0x29: {  	[tilespmem:$0x14000] =	vst v0  }
0x2a: {  	[tilespmem:$0x14010] =	vst v0  }
0x2b: {  	[tilespmem:$0x14020] =	vst v0  }
0x2c: {  	[tilespmem:$0x14030] =	vst v0  }
0x2d: {  	[tilespmem:$0x14040] =	vst v0  }
0x2e: {  	[tilespmem:$0x14050] =	vst v0  }
0x2f: {  	[tilespmem:$0x14060] =	vst v0  }
0x30: {  	[tilespmem:$0x14070] =	vst v0  }
0x31: {  	[tilespmem:$0x14080] =	vst v0  }
0x32: {  	[tilespmem:$0x14090] =	vst v0  }
0x33: {  	[tilespmem:$0x140A0] =	vst v0  }
0x34: {  	[tilespmem:$0x140B0] =	vst v0  }
0x35: {  	[tilespmem:$0x140C0] =	vst v0  }
0x36: {  	[tilespmem:$0x140D0] =	vst v0  }
0x37: {  	[tilespmem:$0x140E0] =	vst v0  }
0x38: {  	[tilespmem:$0x140F0] =	vst v0  }
0x39: {  	[tilespmem:$0x14100] =	vst v0  }
0x3a: {  	[tilespmem:$0x14110] =	vst v0  }
0x3b: {  	[tilespmem:$0x14120] =	vst v0  }
0x3c: {  	[tilespmem:$0x14130] =	vst v0  }
0x3d: {  	[tilespmem:$0x14140] =	vst v0  }
0x3e: {  	[tilespmem:$0x14150] =	vst v0  }
0x3f: {  	[tilespmem:$0x14160] =	vst v0  }
0x40: {  	[tilespmem:$0x14170] =	vst v0  }
0x41: {  	[tilespmem:$0x14180] =	vst v0  }
0x42: {  	[tilespmem:$0x14190] =	vst v0  }
0x43: {  	[tilespmem:$0x141A0] =	vst v0  }
0x44: {  	[tilespmem:$0x141B0] =	vst v0  }
0x45: {  	[tilespmem:$0x141C0] =	vst v0  }
0x46: {  	[tilespmem:$0x141D0] =	vst v0  }
0x47: {  	[tilespmem:$0x141E0] =	vst v0  }
0x48: {  	[tilespmem:$0x141F0] =	vst v0  }
0x49: {  	[tilespmem:$0x14200] =	vst v0  }
0x4a: {  	[tilespmem:$0x14210] =	vst v0  }
0x4b: {  	[tilespmem:$0x14220] =	vst v0  }
0x4c: {  	[tilespmem:$0x14230] =	vst v0  }
0x4d: {  	[tilespmem:$0x14240] =	vst v0  }
0x4e: {  	[tilespmem:$0x14250] =	vst v0  }
0x4f: {  	[tilespmem:$0x14260] =	vst v0  }
0x50: {  	[tilespmem:$0x14270] =	vst v0  }
0x51: {  	[tilespmem:$0x14280] =	vst v0  }
0x52: {  	[tilespmem:$0x14290] =	vst v0  }
0x53: {  	[tilespmem:$0x142A0] =	vst v0  }
0x54: {  	[tilespmem:$0x142B0] =	vst v0  }
0x55: {  	[tilespmem:$0x142C0] =	vst v0  }
0x56: {  	[tilespmem:$0x142D0] =	vst v0  }
0x57: {  	[tilespmem:$0x142E0] =	vst v0  }
0x58: {  	[tilespmem:$0x142F0] =	vst v0;
	s11 =	sadd.s32 $0x0, s5  }
0x59: {  	[spmem:s11] =	stream.linear.scatter [tilespmem:s16], [sflag:$0xA], $0x400, $0x38;
	[tilespmem:$0x1F300] =	vst v63  }
0x5a: {  	s11 =	simm.s32 $0x1000;
	_ =	swait.ge [sflag:s17], $0x400  }
.LBB2_2:
0x5b: {  	s12 =	sshra.s32 s11, $0x2;
	[sflag:s17] =	ssyncset.done $0x0;
	p0 =	sne.s32 s11, $0x4E000  }
.Ltmp0:
0x5c: {  	s12 =	sadd.s32 s12, s5;
	[sflag:s17] =	ssyncadd.s32 $0xFFFFFC00;
	(pc) =	sbr.rel @p0 .LBB2_2-.Ltmp0, $3  }
0x5d: {  	[spmem:s12] =	stream.linear.scatter [tilespmem:s16], [sflag:$0xA], $0x400, $0x38;
	[tilespmem:$0x1F300] =	vst v63  }
0x5e: {  	s11 =	sadd.s32 $0x1000, s11;
	_ =	sdelay $0x1  }
0x5f: {  	_ =	swait.ge [sflag:s17], $0x400  }
0x60: {  	[sflag:s17] =	ssyncset.done $0x0  }
0x61: {  	[sflag:s17] =	ssyncadd.s32 $0xFFFFFC00  }
0x62: {  	[bflag:$0x0] =	sbarrier.arrive $0xFFFF  }
0x63: {  	s11 =	simm.s32 $0x0;
	s6 =	rddreg [dreg:$0x4]  }
0x64: {  	[tilespmem:s18], [sflag:$0x7] =	stream.linear.gather [hbm4b:s6+s11], $0x100, $0x38;
	[tilespmem:$0x1F300] =	vst v63  }
0x65: {  	s12 =	rddreg [dreg:$0x5]  }
0x66: {  	[tilespmem:s19], [sflag:$0x8] =	stream.linear.gather [hbm4b:s12+s11], $0x100, $0x38;
	[tilespmem:$0x1F300] =	vst v63  }
0x67: {  	_ =	swait.ge [sflag:s20], $0x100  }
0x68: {  	[sflag:s20] =	ssyncset.done $0x0  }
0x69: {  	[sflag:s20] =	ssyncadd.s32 $0xFFFFFF00  }
0x6a: {  	[tilespmem:s16], [sflag:$0x1] =	stream.indirect.gather [hbm4b:s4+s21], $0x80, s18, s21, $0xb8;
	[tilespmem:$0x1F300] =	vst v63  }
0x6b: {  	_ =	swait.ge [sflag:s22], $0x100  }
0x6c: {  	[sflag:s22] =	ssyncset.done $0x0  }
0x6d: {  	[sflag:s22] =	ssyncadd.s32 $0xFFFFFF00  }
0x6e: {  	[tilespmem:s23], [sflag:$0x2] =	stream.indirect.gather [hbm4b:s4+s21], $0x80, s19, s21, $0xb8;
	[tilespmem:$0x1F300] =	vst v63  }
0x6f: {  	_ =	swait.ge [sflag:s24], $0x3C00  }
0x70: {  	[sflag:s24] =	ssyncset.done $0x0  }
0x71: {  	[sflag:s24] =	ssyncadd.s32 $0xFFFFC400  }
0x72: {  	[spmem:s2] =	stream.indirect.scatter.add.f32 [tilespmem:s16], [sflag:$0x4], $0x80, s25, s21, $0xb8;
	[tilespmem:$0x1F300] =	vst v63  }
0x73: {  	s12 =	rddreg [dreg:$0x8]  }
0x74: {  	[tilespmem:s26], [sflag:$0x9] =	stream.linear.gather [hbm4b:s12+s11], $0x100, $0x38;
	[tilespmem:$0x1F300] =	vst v63  }
0x75: {  	_ =	swait.ge [sflag:s28], $0x100  }
0x76: {  	[sflag:s28] =	ssyncset.done $0x0  }
0x77: {  	[sflag:s28] =	ssyncadd.s32 $0xFFFFFF00  }
0x78: {  	[tilespmem:s29], [sflag:$0x3] =	stream.indirect.gather [hbm4b:s4+s21], $0x80, s26, s21, $0xb8;
	[tilespmem:$0x1F300] =	vst v63  }
0x79: {  	_ =	swait.ge [sflag:s30], $0x3C00  }
0x7a: {  	[sflag:s30] =	ssyncset.done $0x0  }
0x7b: {  	[sflag:s30] =	ssyncadd.s32 $0xFFFFC400  }
0x7c: {  	[spmem:s2] =	stream.indirect.scatter.add.f32 [tilespmem:s23], [sflag:$0x5], $0x80, s31, s21, $0xb8;
	[tilespmem:$0x1F300] =	vst v63  }
0x7d: {  	_ =	swait.ge [sflag:s1], $0x3C00  }
0x7e: {  	[sflag:s1] =	ssyncset.done $0x0  }
0x7f: {  	s12 =	rddreg [dreg:$0x9];
	[sflag:s1] =	ssyncadd.s32 $0xFFFFC400  }
0x80: {  	[tilespmem:s18], [sflag:$0x7] =	stream.linear.gather [hbm4b:s12+s11], $0x100, $0x38;
	[tilespmem:$0x1F300] =	vst v63  }
0x81: {  	_ =	swait.ge [sflag:s20], $0x100  }
0x82: {  	[sflag:s20] =	ssyncset.done $0x0  }
0x83: {  	[sflag:s20] =	ssyncadd.s32 $0xFFFFFF00  }
0x84: {  	[tilespmem:s16], [sflag:$0x1] =	stream.indirect.gather [hbm4b:s4+s21], $0x80, s18, s21, $0xb8;
	[tilespmem:$0x1F300] =	vst v63  }
0x85: {  	_ =	swait.ge [sflag:s0], $0x3C00  }
0x86: {  	[sflag:s0] =	ssyncset.done $0x0  }
0x87: {  	[sflag:s0] =	ssyncadd.s32 $0xFFFFC400  }
0x88: {  	[spmem:s2] =	stream.indirect.scatter.add.f32 [tilespmem:s29], [sflag:$0x6], $0x80, s7, s21, $0xb8;
	[tilespmem:$0x1F300] =	vst v63  }
0x89: {  	_ =	swait.ge [sflag:s8], $0x3C00  }
0x8a: {  	[sflag:s8] =	ssyncset.done $0x0  }
0x8b: {  	s12 =	rddreg [dreg:$0xa];
	[sflag:s8] =	ssyncadd.s32 $0xFFFFC400  }
0x8c: {  	[tilespmem:s19], [sflag:$0x8] =	stream.linear.gather [hbm4b:s12+s11], $0x100, $0x38;
	[tilespmem:$0x1F300] =	vst v63  }
0x8d: {  	_ =	swait.ge [sflag:s22], $0x100  }
0x8e: {  	[sflag:s22] =	ssyncset.done $0x0  }
0x8f: {  	[sflag:s22] =	ssyncadd.s32 $0xFFFFFF00  }
0x90: {  	[tilespmem:s23], [sflag:$0x2] =	stream.indirect.gather [hbm4b:s4+s21], $0x80, s19, s21, $0xb8;
	[tilespmem:$0x1F300] =	vst v63  }
0x91: {  	_ =	swait.ge [sflag:s24], $0x3C00  }
0x92: {  	[sflag:s24] =	ssyncset.done $0x0  }
0x93: {  	[sflag:s24] =	ssyncadd.s32 $0xFFFFC400  }
0x94: {  	[spmem:s2] =	stream.indirect.scatter.add.f32 [tilespmem:s16], [sflag:$0x4], $0x80, s25, s21, $0xb8;
	[tilespmem:$0x1F300] =	vst v63  }
0x95: {  	_ =	swait.ge [sflag:s9], $0x3C00  }
0x96: {  	[sflag:s9] =	ssyncset.done $0x0  }
0x97: {  	s6 =	sadd.s32 $0x0, s15;
	[sflag:s9] =	ssyncadd.s32 $0xFFFFC400  }
0x98: {  	[tilespmem:s26], [sflag:$0x9] =	stream.linear.gather [hbm4b:s6+s3], $0x100, $0x38;
	[tilespmem:$0x1F300] =	vst v63  }
0x99: {  	_ =	swait.ge [sflag:s28], $0x100  }
0x9a: {  	[sflag:s28] =	ssyncset.done $0x0  }
0x9b: {  	[sflag:s28] =	ssyncadd.s32 $0xFFFFFF00  }
0x9c: {  	[tilespmem:s29], [sflag:$0x3] =	stream.indirect.gather [hbm4b:s4+s21], $0x80, s26, s21, $0xb8;
	[tilespmem:$0x1F300] =	vst v63  }
0x9d: {  	_ =	swait.ge [sflag:s30], $0x3C00  }
0x9e: {  	[sflag:s30] =	ssyncset.done $0x0  }
0x9f: {  	[sflag:s30] =	ssyncadd.s32 $0xFFFFC400  }
0xa0: {  	[spmem:s2] =	stream.indirect.scatter.add.f32 [tilespmem:s23], [sflag:$0x5], $0x80, s31, s21, $0xb8;
	[tilespmem:$0x1F300] =	vst v63  }
0xa1: {  	_ =	swait.ge [sflag:s1], $0x3C00  }
0xa2: {  	[sflag:s1] =	ssyncset.done $0x0  }
0xa3: {  	s12 =	sadd.s32 $0x0, s14;
	[sflag:s1] =	ssyncadd.s32 $0xFFFFC400  }
0xa4: {  	[tilespmem:s18], [sflag:$0x7] =	stream.linear.gather [hbm4b:s12+s3], $0x100, $0x38;
	[tilespmem:$0x1F300] =	vst v63  }
0xa5: {  	_ =	swait.ge [sflag:s20], $0x100  }
0xa6: {  	[sflag:s20] =	ssyncset.done $0x0  }
0xa7: {  	[sflag:s20] =	ssyncadd.s32 $0xFFFFFF00  }
0xa8: {  	[tilespmem:s16], [sflag:$0x1] =	stream.indirect.gather [hbm4b:s4+s21], $0x80, s18, s21, $0xb8;
	[tilespmem:$0x1F300] =	vst v63  }
0xa9: {  	_ =	swait.ge [sflag:s0], $0x3C00  }
0xaa: {  	[sflag:s0] =	ssyncset.done $0x0  }
0xab: {  	[sflag:s0] =	ssyncadd.s32 $0xFFFFC400  }
0xac: {  	[spmem:s2] =	stream.indirect.scatter.add.f32 [tilespmem:s29], [sflag:$0x6], $0x80, s7, s21, $0xb8;
	[tilespmem:$0x1F300] =	vst v63  }
0xad: {  	_ =	swait.ge [sflag:s8], $0x3C00  }
0xae: {  	[sflag:s8] =	ssyncset.done $0x0  }
0xaf: {  	s11 =	simm.s32 $0x60;
	s12 =	sadd.s32 $0x0, s13;
	[sflag:s8] =	ssyncadd.s32 $0xFFFFC400  }
.LBB2_4:
0xb0: {  	[tilespmem:s19], [sflag:$0x8] =	stream.linear.gather [hbm4b:s12+s3], $0x100, $0x38;
	[tilespmem:$0x1F300] =	vst v63  }
0xb1: {  	s12 =	smov.u32 s11  }
0xb2: {  	p0 =	sne.s32 s11, $0x13E0;
	s11 =	sadd.s32 $0x60, s11;
	_ =	swait.ge [sflag:s22], $0x100  }
0xb3: {  	[sflag:s22] =	ssyncset.done $0x0  }
0xb4: {  	[sflag:s22] =	ssyncadd.s32 $0xFFFFFF00  }
0xb5: {  	[tilespmem:s23], [sflag:$0x2] =	stream.indirect.gather [hbm4b:s4+s21], $0x80, s19, s21, $0xb8;
	[tilespmem:$0x1F300] =	vst v63  }
0xb6: {  	_ =	swait.ge [sflag:s24], $0x3C00  }
0xb7: {  	[sflag:s24] =	ssyncset.done $0x0  }
0xb8: {  	[sflag:s24] =	ssyncadd.s32 $0xFFFFC400  }
0xb9: {  	[spmem:s2] =	stream.indirect.scatter.add.f32 [tilespmem:s16], [sflag:$0x4], $0x80, s25, s21, $0xb8;
	[tilespmem:$0x1F300] =	vst v63  }
0xba: {  	_ =	swait.ge [sflag:s9], $0x3C00  }
0xbb: {  	[sflag:s9] =	ssyncset.done $0x0  }
0xbc: {  	s6 =	sadd.s32 s12, s15;
	[sflag:s9] =	ssyncadd.s32 $0xFFFFC400  }
0xbd: {  	[tilespmem:s26], [sflag:$0x9] =	stream.linear.gather [hbm4b:s6+s3], $0x100, $0x38;
	[tilespmem:$0x1F300] =	vst v63  }
0xbe: {  	_ =	swait.ge [sflag:s28], $0x100  }
0xbf: {  	[sflag:s28] =	ssyncset.done $0x0  }
0xc0: {  	[sflag:s28] =	ssyncadd.s32 $0xFFFFFF00  }
0xc1: {  	[tilespmem:s29], [sflag:$0x3] =	stream.indirect.gather [hbm4b:s4+s21], $0x80, s26, s21, $0xb8;
	[tilespmem:$0x1F300] =	vst v63  }
0xc2: {  	_ =	swait.ge [sflag:s30], $0x3C00  }
0xc3: {  	[sflag:s30] =	ssyncset.done $0x0  }
0xc4: {  	[sflag:s30] =	ssyncadd.s32 $0xFFFFC400  }
0xc5: {  	[spmem:s2] =	stream.indirect.scatter.add.f32 [tilespmem:s23], [sflag:$0x5], $0x80, s31, s21, $0xb8;
	[tilespmem:$0x1F300] =	vst v63  }
0xc6: {  	_ =	swait.ge [sflag:s1], $0x3C00  }
0xc7: {  	[sflag:s1] =	ssyncset.done $0x0  }
0xc8: {  	s6 =	sadd.s32 s12, s14;
	[sflag:s1] =	ssyncadd.s32 $0xFFFFC400  }
0xc9: {  	[tilespmem:s18], [sflag:$0x7] =	stream.linear.gather [hbm4b:s6+s3], $0x100, $0x38;
	[tilespmem:$0x1F300] =	vst v63  }
0xca: {  	_ =	swait.ge [sflag:s20], $0x100  }
0xcb: {  	[sflag:s20] =	ssyncset.done $0x0  }
0xcc: {  	[sflag:s20] =	ssyncadd.s32 $0xFFFFFF00  }
0xcd: {  	[tilespmem:s16], [sflag:$0x1] =	stream.indirect.gather [hbm4b:s4+s21], $0x80, s18, s21, $0xb8;
	[tilespmem:$0x1F300] =	vst v63  }
0xce: {  	_ =	swait.ge [sflag:s0], $0x3C00  }
0xcf: {  	[sflag:s0] =	ssyncset.done $0x0  }
.Ltmp1:
0xd0: {  	[sflag:s0] =	ssyncadd.s32 $0xFFFFC400;
	(pc) =	sbr.rel @p0 .LBB2_4-.Ltmp1, $4  }
0xd1: {  	[spmem:s2] =	stream.indirect.scatter.add.f32 [tilespmem:s29], [sflag:$0x6], $0x80, s7, s21, $0xb8;
	[tilespmem:$0x1F300] =	vst v63  }
0xd2: {  	_ =	swait.ge [sflag:s8], $0x3C00  }
0xd3: {  	[sflag:s8] =	ssyncset.done $0x0  }
0xd4: {  	s12 =	sadd.s32 s12, s13;
	[sflag:s8] =	ssyncadd.s32 $0xFFFFC400  }
0xd5: {  	[tilespmem:s19], [sflag:$0x8] =	stream.linear.gather [hbm4b:s12+s3], $0x100, $0x38;
	[tilespmem:$0x1F300] =	vst v63  }
0xd6: {  	_ =	swait.ge [sflag:s22], $0x100  }
0xd7: {  	[sflag:s22] =	ssyncset.done $0x0  }
0xd8: {  	[sflag:s22] =	ssyncadd.s32 $0xFFFFFF00  }
0xd9: {  	[tilespmem:s23], [sflag:$0x2] =	stream.indirect.gather [hbm4b:s4+s21], $0x80, s19, s21, $0xb8;
	[tilespmem:$0x1F300] =	vst v63  }
0xda: {  	_ =	swait.ge [sflag:s24], $0x3C00  }
0xdb: {  	[sflag:s24] =	ssyncset.done $0x0  }
0xdc: {  	[sflag:s24] =	ssyncadd.s32 $0xFFFFC400  }
0xdd: {  	[spmem:s2] =	stream.indirect.scatter.add.f32 [tilespmem:s16], [sflag:$0x4], $0x80, s25, s21, $0xb8;
	[tilespmem:$0x1F300] =	vst v63  }
0xde: {  	_ =	swait.ge [sflag:s9], $0x3C00  }
0xdf: {  	[sflag:s9] =	ssyncset.done $0x0  }
0xe0: {  	[sflag:s9] =	ssyncadd.s32 $0xFFFFC400  }
0xe1: {  	_ =	swait.ge [sflag:s30], $0x3C00  }
0xe2: {  	[sflag:s30] =	ssyncset.done $0x0  }
0xe3: {  	[sflag:s30] =	ssyncadd.s32 $0xFFFFC400  }
0xe4: {  	[spmem:s2] =	stream.indirect.scatter.add.f32 [tilespmem:s23], [sflag:$0x5], $0x80, s31, s21, $0xb8;
	[tilespmem:$0x1F300] =	vst v63  }
0xe5: {  	_ =	swait.ge [sflag:s1], $0x3C00  }
0xe6: {  	[sflag:s1] =	ssyncset.done $0x0  }
0xe7: {  	[sflag:s1] =	ssyncadd.s32 $0xFFFFC400  }
0xe8: {  	_ =	swait.ge [sflag:s8], $0x3C00  }
0xe9: {  	[sflag:s8] =	ssyncset.done $0x0  }
0xea: {  	s6 =	stileid.u32;
	[sflag:s8] =	ssyncadd.s32 $0xFFFFC400  }
0xeb: {  	s6 =	sshll.u32 s6, $0x6;
	[bflag:$0x0] =	sbarrier.arrive $0xFFFF  }
0xec: {  	s11 =	sshrl.u32 s5, $0x3;
	s6 =	sor.u32 $0x1C0A, s6;
	s12 =	rddreg [dreg:$0x6]  }
0xed: {  	[hbm:s12], [sflag:s6] =	dma.local [spmem:s11], $0x2780  }
0xee: {  	_ =	swait.ge [sflag:s17], $0x2780  }
0xef: {  	s10 =	sadd.s32 $0x1, s10;
	s12 =	rddreg [dreg:$0x7]  }
0xf0: {  	p0 =	sne.s32 s10, s12  }
.Ltmp2:
0xf1: {  	_ = 	snop;
	(pc) =	sbr.rel @p0 .LBB2_1-.Ltmp2, $3  }
0xf2: {  	_ =	sdelay $0x1  }
0xf3: {  	[sflag:s17] =	ssyncset.done $0x0  }
0xf4: {  	[sflag:s17] =	ssyncadd.s32 $0xFFFFD880  }
0xf5: {  	_ =	sfence.sel $0x180000  }
0xf6: {  	[bflag:$0x0] =	sbarrier.arrive $0xFFFF  }
0xf7: {  	_ =	strace $0x9000004A  }
0xf8: {  	s0 =	stileid.u32;
	[bflag:$0x2] =	sbarrier.arrive $0xFFFF  }
0xf9: {  	p0 =	sne.s32 s0, $0x0;
	s0 =	rddreg [dreg:$0x3]  }
0xfa: {  	s0 =	sadd.s32 @!p0 $0x100000, s0  }
0xfb: {  	[sflag:s0] =	ssyncadd.tile.s32 @!p0 $0x1;
	_ =	shalt  }
.Lfunc_end2:
_tile_overlayer_lowered:
.L_overlay_start_2:
0xfc: {  	(tag) =	ssettag $0x2  }
0xfd: {  	s0 =	rddreg [dreg:$0x0];
	s2 =	stileid.u32  }
0xfe: {  	s1 =	rddreg [dreg:$0x1];
	p0 =	sne.s32 s2, $0x0  }
0xff: {  	s3 =	rddreg [dreg:$0x2];
	[bflag:$0x3] =	sbarrier.arrive $0xFFFF;
	s2 =	simm.s32 @!p0 $0x1C0A  }
0x100: {  	[timem:s3], [sflag:s2] =	dma.local @!p0 [hbm:s0], s1  }
0x101: {  	s0 =	simm.s32 @!p0 $0xA  }
0x102: {  	_ =	swait.ge @!p0 [sflag:s0], s1  }
0x103: {  	s1 =	ssub.s32 @!p0 $0x0, s1;
	[sflag:s0] =	ssyncset.done @!p0 $0x0  }
0x104: {  	[sflag:s0] =	ssyncadd.s32 @!p0 s1  }
0x105: {  	[bflag:$0x3] =	sbarrier.arrive $0xFFFF  }
0x106: {  	_ =	shalt  }

// kernel: kernel.22.cloned.1.call-start
scs
__scs_entry_jumppad:
0x0: {  	(pc) =	sbr.rel $0x88, $3  }
0x1: {  	(tag) =	ssettag $0x0;
	lr =	simm.s32 $0x1  }
0x2: {  	[smem:$0x3F83] =	sst lr;
	_ =	strace $0xD0000000  }
0x3: {  	_ = 	snop  }
0x4: {  	_ = 	snop  }
0x5: {  	_ = 	snop  }
0x6: {  	_ = 	snop  }
0x7: {  	_ = 	snop  }
__scs_overlays_trampoline_lowered:
0x8: {  	[smem:$0x3F92] =	sst s0  }
0x9: {  	[smem:$0x3F93] =	sst s1  }
0xa: {  	[smem:$0x3F94] =	sst s2  }
0xb: {  	[smem:$0x3F95] =	sst s3  }
0xc: {  	[smem:$0x3F96] =	sst s4  }
0xd: {  	[smem:$0x3F97] =	sst s5  }
0xe: {  	[smem:$0x3F98] =	sst s6  }
0xf: {  	[smem:$0x3F99] =	sst s7  }
0x10: {  	[smem:$0x3F9A] =	sst s8  }
0x11: {  	[smem:$0x3F9B] =	sst s9;
	s0 =	simm.s32 @!p0 $0x0  }
0x12: {  	s1 =	sld [smem:$0x3F81];
	s0 =	simm.s32 @p0 $0x1  }
0x13: {  	[smem:$0x3F9C] =	sst s0;
	s0 =	simm.s32 @!p1 $0x0  }
0x14: {  	s2 =	sld [smem:$0x3F80];
	s0 =	simm.s32 @p1 $0x1  }
0x15: {  	[smem:$0x3F9D] =	sst s0;
	s0 =	simm.s32 @!p2 $0x0  }
0x16: {  	s3 =	sld [smem:$0x3FDB];
	s0 =	simm.s32 @p2 $0x1  }
0x17: {  	s4 =	simm.s32 $0x1BF5;
	[smem:$0x3F9F] =	sst s0  }
0x18: {  	s0 =	sld [smem:$0x3F82];
	_ =	swait.ge [sflag:s4], $0x0  }
0x19: {  	s7 =	sld [smem:$0x3F83]  }
0x1a: {  	s8 =	sadd.s32 $0xFFFFE003, lr  }
0x1b: {  	s9 =	sadd.s32 $0xFFFFFEF7, lr;
	s5 =	simm.s32 $0xFFFFFFFF;
	p2 =	slt.u32 s8, $0xFFFFF086  }
0x1c: {  	p1 =	slt.u32 s9, $0xF7A;
	s5 =	simm.s32 @!p2 $0x0  }
0x1d: {  	s5 =	simm.s32 @p1 $0x1;
	p0 =	seq.s32 s7, s2  }
0x1e: {  	s7 =	smul.u32 @!p0 $0xF7A, s2;
	p2 =	seq.s32 @!p0 s5, $0x0  }
0x1f: {  	s9 =	smul.u32 $0xF7A, s1;
	s8 =	simm.s32 @!p0 $0x1BF5;
	p2 =	por !p2, p0  }
0x20: {  	[sflag:s8] =	ssyncset.s32 @!p0 $0xFFFFF086;
	s6 =	sadd.s32 @!p0 s3, s7;
	s7 =	simm.s32 @!p0 $0x108  }
0x21: {  	s3 =	sadd.s32 s3, s9;
	s6 =	sadd.s32 @!p0 $0x88, s6;
	s7 =	simm.s32 @p2 $0x1082  }
0x22: {  	[simem:s7], [sflag:s8] =	dma.local @!p0 [hbm:s6], $0xF7A  }
0x23: {  	s9 =	sor.u32 $0xD0000000, s2;
	s6 =	simm.s32 $0x108;
	_ =	swait.ge @!p0 [sflag:s8], $0x0  }
0x24: {  	s3 =	sadd.s32 $0x88, s3;
	s6 =	simm.s32 @!p1 $0x1082;
	[sflag:s4] =	ssyncset.s32 $0xFFFFF086  }
0x25: {  	[simem:s6], [sflag:s4] =	dma.local [hbm:s3], $0xF7A  }
0x26: {  	[smem:$0x3F83] =	sst s1;
	(tag) =	ssettag s2;
	_ =	strace s9  }
0x27: {  	s1 =	sld [smem:$0x3F93]  }
0x28: {  	s2 =	sld [smem:$0x3F94]  }
0x29: {  	s4 =	sld [smem:$0x3F96]  }
0x2a: {  	p0 =	seq.s32 s5, $0x0;
	s5 =	sld [smem:$0x3F97]  }
0x2b: {  	s6 =	sld [smem:$0x3F98]  }
0x2c: {  	s7 =	sld [smem:$0x3F99]  }
0x2d: {  	s3 =	simm.s32 $0x108;
	s8 =	sld [smem:$0x3F9A]  }
0x2e: {  	s3 =	simm.s32 @!p0 $0x1082;
	s9 =	sld [smem:$0x3F9B]  }
0x2f: {  	lr =	sadd.s32 s0, s3;
	s0 =	sld [smem:$0x3F92]  }
0x30: {  	s3 =	sld [smem:$0x3F95]  }
0x31: {  	[smem:$0x3F9E] =	sst s10  }
0x32: {  	s10 =	sld [smem:$0x3F9C];
	_ =	sdelay $0x3  }
0x33: {  	p0 =	seq.s32 s10, $0x1;
	s10 =	sld [smem:$0x3F9E];
	_ =	sdelay $0x3  }
0x34: {  	[smem:$0x3F9E] =	sst s10  }
0x35: {  	s10 =	sld [smem:$0x3F9D];
	_ =	sdelay $0x3  }
0x36: {  	p1 =	seq.s32 s10, $0x1;
	s10 =	sld [smem:$0x3F9E];
	_ =	sdelay $0x3  }
0x37: {  	[smem:$0x3F9E] =	sst s10  }
0x38: {  	s10 =	sld [smem:$0x3F9F]  }
0x39: {  	_ = 	snop;
	(pc) =	sbr.ind lr, $3  }
0x3a: {  	_ = 	snop  }
0x3b: {  	_ = 	snop  }
0x3c: {  	p2 =	seq.s32 s10, $0x1;
	s10 =	sld [smem:$0x3F9E]  }
0x3d: {  	_ =	shalt  }
0x3e: {  	_ =	shalt  }
0x3f: {  	_ =	shalt  }
0x40: {  	_ =	shalt  }
0x41: {  	_ =	shalt  }
0x42: {  	_ =	shalt  }
0x43: {  	_ =	shalt  }
0x44: {  	_ =	shalt  }
0x45: {  	_ =	shalt  }
0x46: {  	_ =	shalt  }
0x47: {  	_ =	shalt  }
0x48: {  	_ =	shalt  }
0x49: {  	_ =	shalt  }
0x4a: {  	_ =	shalt  }
0x4b: {  	_ =	shalt  }
0x4c: {  	_ =	shalt  }
0x4d: {  	_ =	shalt  }
0x4e: {  	_ =	shalt  }
0x4f: {  	_ =	shalt  }
0x50: {  	_ =	shalt  }
0x51: {  	_ =	shalt  }
0x52: {  	_ =	shalt  }
0x53: {  	_ =	shalt  }
0x54: {  	_ =	shalt  }
0x55: {  	_ =	shalt  }
0x56: {  	_ =	shalt  }
0x57: {  	_ =	shalt  }
0x58: {  	_ =	shalt  }
0x59: {  	_ =	shalt  }
0x5a: {  	_ =	shalt  }
0x5b: {  	_ =	shalt  }
0x5c: {  	_ =	shalt  }
0x5d: {  	_ =	shalt  }
0x5e: {  	_ =	shalt  }
0x5f: {  	_ =	shalt  }
0x60: {  	_ =	shalt  }
0x61: {  	_ =	shalt  }
0x62: {  	_ =	shalt  }
0x63: {  	_ =	shalt  }
0x64: {  	_ =	shalt  }
0x65: {  	_ =	shalt  }
0x66: {  	_ =	shalt  }
0x67: {  	_ =	shalt  }
0x68: {  	_ =	shalt  }
0x69: {  	_ =	shalt  }
0x6a: {  	_ =	shalt  }
0x6b: {  	_ =	shalt  }
0x6c: {  	_ =	shalt  }
0x6d: {  	_ =	shalt  }
0x6e: {  	_ =	shalt  }
0x6f: {  	_ =	shalt  }
0x70: {  	_ =	shalt  }
0x71: {  	_ =	shalt  }
0x72: {  	_ =	shalt  }
0x73: {  	_ =	shalt  }
0x74: {  	_ =	shalt  }
0x75: {  	_ =	shalt  }
0x76: {  	_ =	shalt  }
0x77: {  	_ =	shalt  }
0x78: {  	_ =	shalt  }
0x79: {  	_ =	shalt  }
0x7a: {  	_ =	shalt  }
0x7b: {  	_ =	shalt  }
0x7c: {  	_ =	shalt  }
0x7d: {  	_ =	shalt  }
0x7e: {  	_ =	shalt  }
0x7f: {  	_ =	shalt  }
0x80: {  	_ =	shalt  }
0x81: {  	_ =	shalt  }
0x82: {  	_ =	shalt  }
0x83: {  	_ =	shalt  }
0x84: {  	_ =	shalt  }
0x85: {  	_ =	shalt  }
0x86: {  	_ =	shalt  }
0x87: {  	_ =	shalt  }
.Lfunc_end0:
.L_simem_size_0:
called_computation.2_lowered:
.L_overlay_start_0:
0x88: {  	s2 =	sld [smem:$0x3FD9]  }
0x89: {  	s3 =	sld [smem:$0x3FFE];
	_ =	sdelay $0x1  }
0x8a: {  	s1 =	srdreg.scid  }
0x8b: {  	s0 =	sand.u32 $0x1, s1  }
0x8c: {  	s17 =	sshll.u32 s0, $0xA;
	s2 =	sadd.s32 s3, s2  }
0x8d: {  	s2 =	sadd.s32 s2, s17  }
0x8e: {  	[smem:$0x3FAA] =	sst s2  }
0x8f: {  	_ = 	snop  }
0x90: {  	s2 =	sld [smem:$0x3FD0];
	(tm) =	ssettm $0x1  }
0x91: {  	s18 =	sld [smem:$0x3FFB];
	_ =	sdelay $0x3  }
0x92: {  	_ =	strace s18  }
0x93: {  	s3 =	sld [smem:$0x3FFC];
	_ =	sdelay $0x3  }
0x94: {  	_ =	strace s3  }
0x95: {  	s3 =	sld [smem:$0x3FFD];
	_ =	sdelay $0x3  }
0x96: {  	_ =	strace s3  }
0x97: {  	_ =	strace $0x8FFFFFFF  }
0x98: {  	s19 =	sld [smem:$0x3FDB];
	_ =	sdelay $0x1  }
0x99: {  	s4 =	simm.s32 $_scs_section_size  }
0x9a: {  	s5 =	simm.s32 $_size__tile_overlayer_lowered;
	s6 =	simm.s32 $_tile_overlayer_lowered  }
0x9b: {  	s22 =	simm.s32 $0x1BFF;
	s21 =	sshll.u32 s6, $0x1;
	s3 =	sadd.s32 s4, s19  }
0x9c: {  	s7 =	simm.s32 $0x0;
	s20 =	sshll.u32 s5, $0x1;
	s5 =	sadd.s32 s21, s3  }
0x9d: {  	[timem:s7], [sflag:s22] =	dma.local [hbm:s5], s20  }
0x9e: {  	_ =	swait.ge [sflag:s22], s20  }
0x9f: {  	s4 =	ssub.s32 $0x0, s20;
	[sflag:s22] =	ssyncset.done $0x0  }
0xa0: {  	[sflag:s22] =	ssyncadd.s32 s4;
	_ =	sdelay $0x1  }
0xa1: {  	s23 =	simm.s32 $0x1B8B  }
0xa2: {  	_ =	swait.ge [sflag:s23], $0x1  }
0xa3: {  	[sflag:s23] =	ssyncset.done $0x0  }
0xa4: {  	s25 =	simm.s32 $0x1B8E;
	s24 =	sld [smem:$0x3FFE];
	[sflag:s23] =	ssyncadd.s32 $0xFFFFFFFF  }
0xa5: {  	s26 =	simm.s32 $execute0_lowered;
	[smem:$0x3FD2] =	sst s25  }
0xa6: {  	s5 =	sshll.u32 s26, $0x1;
	_ =	strace $0x8000004C;
	[dreg:$0x1] =	wrdreg $0xFFFFFFFF  }
0xa7: {  	s28 =	simm.s32 $_size_execute0_lowered;
	s3 =	sadd.s32 s3, s5;
	[dreg:$0x0] =	wrdreg $0x0  }
0xa8: {  	s5 =	sshll.u32 s28, $0x1;
	[dreg:$0x2] =	wrdreg s3  }
0xa9: {  	[dreg:$0x3] =	wrdreg s5  }
0xaa: {  	[dreg:$0x4] =	wrdreg $0xC0  }
0xab: {  	_ =	task [dreg:s7], $0x5FFFF  }
0xac: {  	[dreg:$0x1] =	wrdreg $0xFFFFFFFF  }
0xad: {  	[dreg:$0x0] =	wrdreg $0x60  }
0xae: {  	[dreg:$0x2] =	wrdreg s24  }
0xaf: {  	[dreg:$0x3] =	wrdreg s2  }
0xb0: {  	[dreg:$0x4] =	wrdreg $0x0  }
0xb1: {  	[dreg:$0x5] =	wrdreg $0x9  }
0xb2: {  	_ =	task.clear_ibuf [dreg:s7], $0x6FFFF;
	_ =	strace $0x9000004C  }
0xb3: {  	s29 =	simm.s32 $0x9;
	_ =	strace $0x8000004E  }
0xb4: {  	_ =	swait.ge [sflag:s29], $0x1  }
0xb5: {  	[sflag:s29] =	ssyncadd.s32 $0xFFFFFFFF  }
0xb6: {  	_ =	strace $0x9000004E  }
0xb7: {  	_ =	sfence  }
0xb8: {  	s30 =	sld [smem:$0x0];
	_ =	sdelay $0x2  }
0xb9: {  	s31 =	sshll.u32 s1, $0xD;
	s1 =	sshrl.u32 s1, $0x2  }
0xba: {  	s3 =	sand.u32 $0x4000, s31;
	s1 =	sadd.s32 s1, s30  }
0xbb: {  	s0 =	sor.u32 s3, s0;
	s1 =	sshll.u32 s1, $0x11  }
0xbc: {  	s0 =	sor.u32 s1, s0  }
0xbd: {  	s0 =	sadd.s32 $0x8F2B, s0  }
0xbe: {  	[sflag:s0] =	ssyncadd.remote.s32 $0x1  }
0xbf: {  	_ =	sfence.sel $0xFFFF  }
0xc0: {  	[dreg:$0x0] =	wrdreg $0xFFFFFFFF;
	(pc) =	sbr.abs _section_cstart, $3  }
0xc1: {  	[dreg:$0x1] =	wrdreg $0xFFFFFFFF  }
0xc2: {  	_ =	task.clear_ibuf [dreg:s7], $0x2FFFF;
	_ =	strace $0x9FFFFFFF  }
0xc3: {  	(tm) =	ssettm $0x7FFFFFFF  }
tec
execute0_lowered:
.L_overlay_start_1:
0x0: {  	(tag) =	ssettag $0x1  }
0x1: {  	s0 =	rddreg [dreg:$0x0]  }
0x2: {  	s1 =	rddreg [dreg:$0x1];
	s3 =	srdreg.scid  }
0x3: {  	s11 =	stileid.u32;
	s2 =	rddreg [dreg:$0x2];
	s16 =	simm.s32 $0x13F00  }
0x4: {  	s17 =	simm.s32 $0xA;
	s18 =	simm.s32 $0x13C00;
	s19 =	simm.s32 $0x13D00  }
0x5: {  	s28 =	simm.s32 $0x9;
	s29 =	simm.s32 $0x1B700;
	s5 =	smul.u32 $0x4F000, s11  }
0x6: {  	s30 =	simm.s32 $0x2;
	s31 =	simm.s32 $0x13D80;
	s7 =	smul.u32 $0xA700, s11  }
0x7: {  	s4 =	sand.u32 $0x1, s3;
	s3 =	simm.s32 $0x0;
	s11 =	smul.u32 $0x13C00, s11  }
0x8: {  	s6 =	smul.u32 $0xA7000, s4;
	[smem:$0x7FF] =	sst s3;
	s8 =	ssub.s32 $0x2, s4  }
0x9: {  	s9 =	smul.u32 $0x13C000, s4;
	s4 =	sadd.s32 $0x11C400, s0;
	s0 =	sadd.s32 $0x7C00, s0  }
0xa: {  	_ =	strace $0x8000004D;
	s10 =	sshrl.u32 s8, $0x1;
	s5 =	sshrl.u32 s5, $0x2  }
0xb: {  	s8 =	ssub.s32 s8, s10;
	s7 =	sadd.s32 s7, s6;
	s9 =	sadd.s32 s11, s9  }
0xc: {  	s5 =	sadd.s32 s5, s2;
	s10 =	simm.s32 $0x0;
	s6 =	sshrl.u32 s7, $0x3  }
0xd: {  	s9 =	sshrl.u32 s9, $0x3;
	s21 =	smax.u32 s8, $0x1;
	s25 =	sadd.s32 $0x700, s7  }
0xe: {  	s26 =	sadd.s32 $0x600, s7;
	s7 =	sadd.s32 $0x500, s7;
	s6 =	sadd.s32 s0, s6  }
0xf: {  	s1 =	sadd.s32 s1, s9;
	[dreg:$0x7] =	wrdreg s21;
	s8 =	sshrl.u32 s26, $0x3  }
0x10: {  	s7 =	sshrl.u32 s7, $0x3;
	s21 =	simm.s32 $0x78;
	s26 =	simm.s32 $0x13E00  }
0x11: {  	s9 =	simm.s32 $0x6;
	s20 =	sadd.s32 $0x20, s6;
	[dreg:$0x6] =	wrdreg s1  }
0x12: {  	s22 =	sadd.s32 $0x40, s6;
	s23 =	sadd.s32 $0x60, s6;
	[dreg:$0x4] =	wrdreg s6  }
0x13: {  	s24 =	sadd.s32 $0x80, s6;
	s1 =	sshrl.u32 s25, $0x3;
	[dreg:$0x5] =	wrdreg s20  }
0x14: {  	s14 =	sadd.s32 s8, s0;
	s15 =	sadd.s32 s7, s0;
	[dreg:$0x8] =	wrdreg s22  }
0x15: {  	s25 =	simm.s32 $0x13C80;
	s7 =	simm.s32 $0x13E80;
	[dreg:$0x9] =	wrdreg s23  }
0x16: {  	s8 =	simm.s32 $0x5;
	[dreg:$0xa] =	wrdreg s24;
	s13 =	sadd.s32 s1, s0  }
0x17: {  	s20 =	simm.s32 $0x7;
	s22 =	simm.s32 $0x8;
	s23 =	simm.s32 $0x17B00  }
0x18: {  	v0 =	vimm.f32 $0.0e+00;
	s24 =	simm.s32 $0x1;
	s1 =	simm.s32 $0x4;
	s0 =	simm.s32 $0x3  }
.LBB2_1:
0x19: {  	[tilespmem:$0x13F00] =	vst v0  }
0x1a: {  	[tilespmem:$0x13F10] =	vst v0  }
0x1b: {  	[tilespmem:$0x13F20] =	vst v0  }
0x1c: {  	[tilespmem:$0x13F30] =	vst v0  }
0x1d: {  	[tilespmem:$0x13F40] =	vst v0  }
0x1e: {  	[tilespmem:$0x13F50] =	vst v0  }
0x1f: {  	[tilespmem:$0x13F60] =	vst v0  }
0x20: {  	[tilespmem:$0x13F70] =	vst v0  }
0x21: {  	[tilespmem:$0x13F80] =	vst v0  }
0x22: {  	[tilespmem:$0x13F90] =	vst v0  }
0x23: {  	[tilespmem:$0x13FA0] =	vst v0  }
0x24: {  	[tilespmem:$0x13FB0] =	vst v0  }
0x25: {  	[tilespmem:$0x13FC0] =	vst v0  }
0x26: {  	[tilespmem:$0x13FD0] =	vst v0  }
0x27: {  	[tilespmem:$0x13FE0] =	vst v0  }
0x28: {  	[tilespmem:$0x13FF0] =	vst v0  }
0x29: {  	[tilespmem:$0x14000] =	vst v0  }
0x2a: {  	[tilespmem:$0x14010] =	vst v0  }
0x2b: {  	[tilespmem:$0x14020] =	vst v0  }
0x2c: {  	[tilespmem:$0x14030] =	vst v0  }
0x2d: {  	[tilespmem:$0x14040] =	vst v0  }
0x2e: {  	[tilespmem:$0x14050] =	vst v0  }
0x2f: {  	[tilespmem:$0x14060] =	vst v0  }
0x30: {  	[tilespmem:$0x14070] =	vst v0  }
0x31: {  	[tilespmem:$0x14080] =	vst v0  }
0x32: {  	[tilespmem:$0x14090] =	vst v0  }
0x33: {  	[tilespmem:$0x140A0] =	vst v0  }
0x34: {  	[tilespmem:$0x140B0] =	vst v0  }
0x35: {  	[tilespmem:$0x140C0] =	vst v0  }
0x36: {  	[tilespmem:$0x140D0] =	vst v0  }
0x37: {  	[tilespmem:$0x140E0] =	vst v0  }
0x38: {  	[tilespmem:$0x140F0] =	vst v0  }
0x39: {  	[tilespmem:$0x14100] =	vst v0  }
0x3a: {  	[tilespmem:$0x14110] =	vst v0  }
0x3b: {  	[tilespmem:$0x14120] =	vst v0  }
0x3c: {  	[tilespmem:$0x14130] =	vst v0  }
0x3d: {  	[tilespmem:$0x14140] =	vst v0  }
0x3e: {  	[tilespmem:$0x14150] =	vst v0  }
0x3f: {  	[tilespmem:$0x14160] =	vst v0  }
0x40: {  	[tilespmem:$0x14170] =	vst v0  }
0x41: {  	[tilespmem:$0x14180] =	vst v0  }
0x42: {  	[tilespmem:$0x14190] =	vst v0  }
0x43: {  	[tilespmem:$0x141A0] =	vst v0  }
0x44: {  	[tilespmem:$0x141B0] =	vst v0  }
0x45: {  	[tilespmem:$0x141C0] =	vst v0  }
0x46: {  	[tilespmem:$0x141D0] =	vst v0  }
0x47: {  	[tilespmem:$0x141E0] =	vst v0  }
0x48: {  	[tilespmem:$0x141F0] =	vst v0  }
0x49: {  	[tilespmem:$0x14200] =	vst v0  }
0x4a: {  	[tilespmem:$0x14210] =	vst v0  }
0x4b: {  	[tilespmem:$0x14220] =	vst v0  }
0x4c: {  	[tilespmem:$0x14230] =	vst v0  }
0x4d: {  	[tilespmem:$0x14240] =	vst v0  }
0x4e: {  	[tilespmem:$0x14250] =	vst v0  }
0x4f: {  	[tilespmem:$0x14260] =	vst v0  }
0x50: {  	[tilespmem:$0x14270] =	vst v0  }
0x51: {  	[tilespmem:$0x14280] =	vst v0  }
0x52: {  	[tilespmem:$0x14290] =	vst v0  }
0x53: {  	[tilespmem:$0x142A0] =	vst v0  }
0x54: {  	[tilespmem:$0x142B0] =	vst v0  }
0x55: {  	[tilespmem:$0x142C0] =	vst v0  }
0x56: {  	[tilespmem:$0x142D0] =	vst v0  }
0x57: {  	[tilespmem:$0x142E0] =	vst v0  }
0x58: {  	[tilespmem:$0x142F0] =	vst v0;
	s11 =	sadd.s32 $0x0, s5  }
0x59: {  	[spmem:s11] =	stream.linear.scatter [tilespmem:s16], [sflag:$0xA], $0x400, $0x38;
	[tilespmem:$0x1F300] =	vst v63  }
0x5a: {  	s11 =	simm.s32 $0x1000;
	_ =	swait.ge [sflag:s17], $0x400  }
.LBB2_2:
0x5b: {  	s12 =	sshra.s32 s11, $0x2;
	[sflag:s17] =	ssyncset.done $0x0;
	p0 =	sne.s32 s11, $0x4E000  }
.Ltmp0:
0x5c: {  	s12 =	sadd.s32 s12, s5;
	[sflag:s17] =	ssyncadd.s32 $0xFFFFFC00;
	(pc) =	sbr.rel @p0 .LBB2_2-.Ltmp0, $3  }
0x5d: {  	[spmem:s12] =	stream.linear.scatter [tilespmem:s16], [sflag:$0xA], $0x400, $0x38;
	[tilespmem:$0x1F300] =	vst v63  }
0x5e: {  	s11 =	sadd.s32 $0x1000, s11;
	_ =	sdelay $0x1  }
0x5f: {  	_ =	swait.ge [sflag:s17], $0x400  }
0x60: {  	[sflag:s17] =	ssyncset.done $0x0  }
0x61: {  	[sflag:s17] =	ssyncadd.s32 $0xFFFFFC00  }
0x62: {  	[bflag:$0x0] =	sbarrier.arrive $0xFFFF  }
0x63: {  	s11 =	simm.s32 $0x0;
	s6 =	rddreg [dreg:$0x4]  }
0x64: {  	[tilespmem:s18], [sflag:$0x7] =	stream.linear.gather [hbm4b:s6+s11], $0x100, $0x38;
	[tilespmem:$0x1F300] =	vst v63  }
0x65: {  	s12 =	rddreg [dreg:$0x5]  }
0x66: {  	[tilespmem:s19], [sflag:$0x8] =	stream.linear.gather [hbm4b:s12+s11], $0x100, $0x38;
	[tilespmem:$0x1F300] =	vst v63  }
0x67: {  	_ =	swait.ge [sflag:s20], $0x100  }
0x68: {  	[sflag:s20] =	ssyncset.done $0x0  }
0x69: {  	[sflag:s20] =	ssyncadd.s32 $0xFFFFFF00  }
0x6a: {  	[tilespmem:s16], [sflag:$0x1] =	stream.indirect.gather [hbm4b:s4+s21], $0x80, s18, s21, $0xb8;
	[tilespmem:$0x1F300] =	vst v63  }
0x6b: {  	_ =	swait.ge [sflag:s22], $0x100  }
0x6c: {  	[sflag:s22] =	ssyncset.done $0x0  }
0x6d: {  	[sflag:s22] =	ssyncadd.s32 $0xFFFFFF00  }
0x6e: {  	[tilespmem:s23], [sflag:$0x2] =	stream.indirect.gather [hbm4b:s4+s21], $0x80, s19, s21, $0xb8;
	[tilespmem:$0x1F300] =	vst v63  }
0x6f: {  	_ =	swait.ge [sflag:s24], $0x3C00  }
0x70: {  	[sflag:s24] =	ssyncset.done $0x0  }
0x71: {  	[sflag:s24] =	ssyncadd.s32 $0xFFFFC400  }
0x72: {  	[spmem:s2] =	stream.indirect.scatter.add.f32 [tilespmem:s16], [sflag:$0x4], $0x80, s25, s21, $0xb8;
	[tilespmem:$0x1F300] =	vst v63  }
0x73: {  	s12 =	rddreg [dreg:$0x8]  }
0x74: {  	[tilespmem:s26], [sflag:$0x9] =	stream.linear.gather [hbm4b:s12+s11], $0x100, $0x38;
	[tilespmem:$0x1F300] =	vst v63  }
0x75: {  	_ =	swait.ge [sflag:s28], $0x100  }
0x76: {  	[sflag:s28] =	ssyncset.done $0x0  }
0x77: {  	[sflag:s28] =	ssyncadd.s32 $0xFFFFFF00  }
0x78: {  	[tilespmem:s29], [sflag:$0x3] =	stream.indirect.gather [hbm4b:s4+s21], $0x80, s26, s21, $0xb8;
	[tilespmem:$0x1F300] =	vst v63  }
0x79: {  	_ =	swait.ge [sflag:s30], $0x3C00  }
0x7a: {  	[sflag:s30] =	ssyncset.done $0x0  }
0x7b: {  	[sflag:s30] =	ssyncadd.s32 $0xFFFFC400  }
0x7c: {  	[spmem:s2] =	stream.indirect.scatter.add.f32 [tilespmem:s23], [sflag:$0x5], $0x80, s31, s21, $0xb8;
	[tilespmem:$0x1F300] =	vst v63  }
0x7d: {  	_ =	swait.ge [sflag:s1], $0x3C00  }
0x7e: {  	[sflag:s1] =	ssyncset.done $0x0  }
0x7f: {  	s12 =	rddreg [dreg:$0x9];
	[sflag:s1] =	ssyncadd.s32 $0xFFFFC400  }
0x80: {  	[tilespmem:s18], [sflag:$0x7] =	stream.linear.gather [hbm4b:s12+s11], $0x100, $0x38;
	[tilespmem:$0x1F300] =	vst v63  }
0x81: {  	_ =	swait.ge [sflag:s20], $0x100  }
0x82: {  	[sflag:s20] =	ssyncset.done $0x0  }
0x83: {  	[sflag:s20] =	ssyncadd.s32 $0xFFFFFF00  }
0x84: {  	[tilespmem:s16], [sflag:$0x1] =	stream.indirect.gather [hbm4b:s4+s21], $0x80, s18, s21, $0xb8;
	[tilespmem:$0x1F300] =	vst v63  }
0x85: {  	_ =	swait.ge [sflag:s0], $0x3C00  }
0x86: {  	[sflag:s0] =	ssyncset.done $0x0  }
0x87: {  	[sflag:s0] =	ssyncadd.s32 $0xFFFFC400  }
0x88: {  	[spmem:s2] =	stream.indirect.scatter.add.f32 [tilespmem:s29], [sflag:$0x6], $0x80, s7, s21, $0xb8;
	[tilespmem:$0x1F300] =	vst v63  }
0x89: {  	_ =	swait.ge [sflag:s8], $0x3C00  }
0x8a: {  	[sflag:s8] =	ssyncset.done $0x0  }
0x8b: {  	s12 =	rddreg [dreg:$0xa];
	[sflag:s8] =	ssyncadd.s32 $0xFFFFC400  }
0x8c: {  	[tilespmem:s19], [sflag:$0x8] =	stream.linear.gather [hbm4b:s12+s11], $0x100, $0x38;
	[tilespmem:$0x1F300] =	vst v63  }
0x8d: {  	_ =	swait.ge [sflag:s22], $0x100  }
0x8e: {  	[sflag:s22] =	ssyncset.done $0x0  }
0x8f: {  	[sflag:s22] =	ssyncadd.s32 $0xFFFFFF00  }
0x90: {  	[tilespmem:s23], [sflag:$0x2] =	stream.indirect.gather [hbm4b:s4+s21], $0x80, s19, s21, $0xb8;
	[tilespmem:$0x1F300] =	vst v63  }
0x91: {  	_ =	swait.ge [sflag:s24], $0x3C00  }
0x92: {  	[sflag:s24] =	ssyncset.done $0x0  }
0x93: {  	[sflag:s24] =	ssyncadd.s32 $0xFFFFC400  }
0x94: {  	[spmem:s2] =	stream.indirect.scatter.add.f32 [tilespmem:s16], [sflag:$0x4], $0x80, s25, s21, $0xb8;
	[tilespmem:$0x1F300] =	vst v63  }
0x95: {  	_ =	swait.ge [sflag:s9], $0x3C00  }
0x96: {  	[sflag:s9] =	ssyncset.done $0x0  }
0x97: {  	s6 =	sadd.s32 $0x0, s15;
	[sflag:s9] =	ssyncadd.s32 $0xFFFFC400  }
0x98: {  	[tilespmem:s26], [sflag:$0x9] =	stream.linear.gather [hbm4b:s6+s3], $0x100, $0x38;
	[tilespmem:$0x1F300] =	vst v63  }
0x99: {  	_ =	swait.ge [sflag:s28], $0x100  }
0x9a: {  	[sflag:s28] =	ssyncset.done $0x0  }
0x9b: {  	[sflag:s28] =	ssyncadd.s32 $0xFFFFFF00  }
0x9c: {  	[tilespmem:s29], [sflag:$0x3] =	stream.indirect.gather [hbm4b:s4+s21], $0x80, s26, s21, $0xb8;
	[tilespmem:$0x1F300] =	vst v63  }
0x9d: {  	_ =	swait.ge [sflag:s30], $0x3C00  }
0x9e: {  	[sflag:s30] =	ssyncset.done $0x0  }
0x9f: {  	[sflag:s30] =	ssyncadd.s32 $0xFFFFC400  }
0xa0: {  	[spmem:s2] =	stream.indirect.scatter.add.f32 [tilespmem:s23], [sflag:$0x5], $0x80, s31, s21, $0xb8;
	[tilespmem:$0x1F300] =	vst v63  }
0xa1: {  	_ =	swait.ge [sflag:s1], $0x3C00  }
0xa2: {  	[sflag:s1] =	ssyncset.done $0x0  }
0xa3: {  	s12 =	sadd.s32 $0x0, s14;
	[sflag:s1] =	ssyncadd.s32 $0xFFFFC400  }
0xa4: {  	[tilespmem:s18], [sflag:$0x7] =	stream.linear.gather [hbm4b:s12+s3], $0x100, $0x38;
	[tilespmem:$0x1F300] =	vst v63  }
0xa5: {  	_ =	swait.ge [sflag:s20], $0x100  }
0xa6: {  	[sflag:s20] =	ssyncset.done $0x0  }
0xa7: {  	[sflag:s20] =	ssyncadd.s32 $0xFFFFFF00  }
0xa8: {  	[tilespmem:s16], [sflag:$0x1] =	stream.indirect.gather [hbm4b:s4+s21], $0x80, s18, s21, $0xb8;
	[tilespmem:$0x1F300] =	vst v63  }
0xa9: {  	_ =	swait.ge [sflag:s0], $0x3C00  }
0xaa: {  	[sflag:s0] =	ssyncset.done $0x0  }
0xab: {  	[sflag:s0] =	ssyncadd.s32 $0xFFFFC400  }
0xac: {  	[spmem:s2] =	stream.indirect.scatter.add.f32 [tilespmem:s29], [sflag:$0x6], $0x80, s7, s21, $0xb8;
	[tilespmem:$0x1F300] =	vst v63  }
0xad: {  	_ =	swait.ge [sflag:s8], $0x3C00  }
0xae: {  	[sflag:s8] =	ssyncset.done $0x0  }
0xaf: {  	s11 =	simm.s32 $0x60;
	s12 =	sadd.s32 $0x0, s13;
	[sflag:s8] =	ssyncadd.s32 $0xFFFFC400  }
.LBB2_4:
0xb0: {  	[tilespmem:s19], [sflag:$0x8] =	stream.linear.gather [hbm4b:s12+s3], $0x100, $0x38;
	[tilespmem:$0x1F300] =	vst v63  }
0xb1: {  	s12 =	smov.u32 s11  }
0xb2: {  	p0 =	sne.s32 s11, $0x13E0;
	s11 =	sadd.s32 $0x60, s11;
	_ =	swait.ge [sflag:s22], $0x100  }
0xb3: {  	[sflag:s22] =	ssyncset.done $0x0  }
0xb4: {  	[sflag:s22] =	ssyncadd.s32 $0xFFFFFF00  }
0xb5: {  	[tilespmem:s23], [sflag:$0x2] =	stream.indirect.gather [hbm4b:s4+s21], $0x80, s19, s21, $0xb8;
	[tilespmem:$0x1F300] =	vst v63  }
0xb6: {  	_ =	swait.ge [sflag:s24], $0x3C00  }
0xb7: {  	[sflag:s24] =	ssyncset.done $0x0  }
0xb8: {  	[sflag:s24] =	ssyncadd.s32 $0xFFFFC400  }
0xb9: {  	[spmem:s2] =	stream.indirect.scatter.add.f32 [tilespmem:s16], [sflag:$0x4], $0x80, s25, s21, $0xb8;
	[tilespmem:$0x1F300] =	vst v63  }
0xba: {  	_ =	swait.ge [sflag:s9], $0x3C00  }
0xbb: {  	[sflag:s9] =	ssyncset.done $0x0  }
0xbc: {  	s6 =	sadd.s32 s12, s15;
	[sflag:s9] =	ssyncadd.s32 $0xFFFFC400  }
0xbd: {  	[tilespmem:s26], [sflag:$0x9] =	stream.linear.gather [hbm4b:s6+s3], $0x100, $0x38;
	[tilespmem:$0x1F300] =	vst v63  }
0xbe: {  	_ =	swait.ge [sflag:s28], $0x100  }
0xbf: {  	[sflag:s28] =	ssyncset.done $0x0  }
0xc0: {  	[sflag:s28] =	ssyncadd.s32 $0xFFFFFF00  }
0xc1: {  	[tilespmem:s29], [sflag:$0x3] =	stream.indirect.gather [hbm4b:s4+s21], $0x80, s26, s21, $0xb8;
	[tilespmem:$0x1F300] =	vst v63  }
0xc2: {  	_ =	swait.ge [sflag:s30], $0x3C00  }
0xc3: {  	[sflag:s30] =	ssyncset.done $0x0  }
0xc4: {  	[sflag:s30] =	ssyncadd.s32 $0xFFFFC400  }
0xc5: {  	[spmem:s2] =	stream.indirect.scatter.add.f32 [tilespmem:s23], [sflag:$0x5], $0x80, s31, s21, $0xb8;
	[tilespmem:$0x1F300] =	vst v63  }
0xc6: {  	_ =	swait.ge [sflag:s1], $0x3C00  }
0xc7: {  	[sflag:s1] =	ssyncset.done $0x0  }
0xc8: {  	s6 =	sadd.s32 s12, s14;
	[sflag:s1] =	ssyncadd.s32 $0xFFFFC400  }
0xc9: {  	[tilespmem:s18], [sflag:$0x7] =	stream.linear.gather [hbm4b:s6+s3], $0x100, $0x38;
	[tilespmem:$0x1F300] =	vst v63  }
0xca: {  	_ =	swait.ge [sflag:s20], $0x100  }
0xcb: {  	[sflag:s20] =	ssyncset.done $0x0  }
0xcc: {  	[sflag:s20] =	ssyncadd.s32 $0xFFFFFF00  }
0xcd: {  	[tilespmem:s16], [sflag:$0x1] =	stream.indirect.gather [hbm4b:s4+s21], $0x80, s18, s21, $0xb8;
	[tilespmem:$0x1F300] =	vst v63  }
0xce: {  	_ =	swait.ge [sflag:s0], $0x3C00  }
0xcf: {  	[sflag:s0] =	ssyncset.done $0x0  }
.Ltmp1:
0xd0: {  	[sflag:s0] =	ssyncadd.s32 $0xFFFFC400;
	(pc) =	sbr.rel @p0 .LBB2_4-.Ltmp1, $4  }
0xd1: {  	[spmem:s2] =	stream.indirect.scatter.add.f32 [tilespmem:s29], [sflag:$0x6], $0x80, s7, s21, $0xb8;
	[tilespmem:$0x1F300] =	vst v63  }
0xd2: {  	_ =	swait.ge [sflag:s8], $0x3C00  }
0xd3: {  	[sflag:s8] =	ssyncset.done $0x0  }
0xd4: {  	s12 =	sadd.s32 s12, s13;
	[sflag:s8] =	ssyncadd.s32 $0xFFFFC400  }
0xd5: {  	[tilespmem:s19], [sflag:$0x8] =	stream.linear.gather [hbm4b:s12+s3], $0x100, $0x38;
	[tilespmem:$0x1F300] =	vst v63  }
0xd6: {  	_ =	swait.ge [sflag:s22], $0x100  }
0xd7: {  	[sflag:s22] =	ssyncset.done $0x0  }
0xd8: {  	[sflag:s22] =	ssyncadd.s32 $0xFFFFFF00  }
0xd9: {  	[tilespmem:s23], [sflag:$0x2] =	stream.indirect.gather [hbm4b:s4+s21], $0x80, s19, s21, $0xb8;
	[tilespmem:$0x1F300] =	vst v63  }
0xda: {  	_ =	swait.ge [sflag:s24], $0x3C00  }
0xdb: {  	[sflag:s24] =	ssyncset.done $0x0  }
0xdc: {  	[sflag:s24] =	ssyncadd.s32 $0xFFFFC400  }
0xdd: {  	[spmem:s2] =	stream.indirect.scatter.add.f32 [tilespmem:s16], [sflag:$0x4], $0x80, s25, s21, $0xb8;
	[tilespmem:$0x1F300] =	vst v63  }
0xde: {  	_ =	swait.ge [sflag:s9], $0x3C00  }
0xdf: {  	[sflag:s9] =	ssyncset.done $0x0  }
0xe0: {  	[sflag:s9] =	ssyncadd.s32 $0xFFFFC400  }
0xe1: {  	_ =	swait.ge [sflag:s30], $0x3C00  }
0xe2: {  	[sflag:s30] =	ssyncset.done $0x0  }
0xe3: {  	[sflag:s30] =	ssyncadd.s32 $0xFFFFC400  }
0xe4: {  	[spmem:s2] =	stream.indirect.scatter.add.f32 [tilespmem:s23], [sflag:$0x5], $0x80, s31, s21, $0xb8;
	[tilespmem:$0x1F300] =	vst v63  }
0xe5: {  	_ =	swait.ge [sflag:s1], $0x3C00  }
0xe6: {  	[sflag:s1] =	ssyncset.done $0x0  }
0xe7: {  	[sflag:s1] =	ssyncadd.s32 $0xFFFFC400  }
0xe8: {  	_ =	swait.ge [sflag:s8], $0x3C00  }
0xe9: {  	[sflag:s8] =	ssyncset.done $0x0  }
0xea: {  	s6 =	stileid.u32;
	[sflag:s8] =	ssyncadd.s32 $0xFFFFC400  }
0xeb: {  	s6 =	sshll.u32 s6, $0x6;
	[bflag:$0x0] =	sbarrier.arrive $0xFFFF  }
0xec: {  	s11 =	sshrl.u32 s5, $0x3;
	s6 =	sor.u32 $0x1C0A, s6;
	s12 =	rddreg [dreg:$0x6]  }
0xed: {  	[hbm:s12], [sflag:s6] =	dma.local [spmem:s11], $0x2780  }
0xee: {  	_ =	swait.ge [sflag:s17], $0x2780  }
0xef: {  	s10 =	sadd.s32 $0x1, s10;
	s12 =	rddreg [dreg:$0x7]  }
0xf0: {  	p0 =	sne.s32 s10, s12  }
.Ltmp2:
0xf1: {  	_ = 	snop;
	(pc) =	sbr.rel @p0 .LBB2_1-.Ltmp2, $3  }
0xf2: {  	_ =	sdelay $0x1  }
0xf3: {  	[sflag:s17] =	ssyncset.done $0x0  }
0xf4: {  	[sflag:s17] =	ssyncadd.s32 $0xFFFFD880  }
0xf5: {  	_ =	sfence.sel $0x180000  }
0xf6: {  	[bflag:$0x0] =	sbarrier.arrive $0xFFFF  }
0xf7: {  	_ =	strace $0x9000004D  }
0xf8: {  	s0 =	stileid.u32;
	[bflag:$0x2] =	sbarrier.arrive $0xFFFF  }
0xf9: {  	p0 =	sne.s32 s0, $0x0;
	s0 =	rddreg [dreg:$0x3]  }
0xfa: {  	s0 =	sadd.s32 @!p0 $0x100000, s0  }
0xfb: {  	[sflag:s0] =	ssyncadd.tile.s32 @!p0 $0x1;
	_ =	shalt  }
.Lfunc_end2:
_tile_overlayer_lowered:
.L_overlay_start_2:
0xfc: {  	(tag) =	ssettag $0x2  }
0xfd: {  	s0 =	rddreg [dreg:$0x0];
	s2 =	stileid.u32  }
0xfe: {  	s1 =	rddreg [dreg:$0x1];
	p0 =	sne.s32 s2, $0x0  }
0xff: {  	s3 =	rddreg [dreg:$0x2];
	[bflag:$0x3] =	sbarrier.arrive $0xFFFF;
	s2 =	simm.s32 @!p0 $0x1C0A  }
0x100: {  	[timem:s3], [sflag:s2] =	dma.local @!p0 [hbm:s0], s1  }
0x101: {  	s0 =	simm.s32 @!p0 $0xA  }
0x102: {  	_ =	swait.ge @!p0 [sflag:s0], s1  }
0x103: {  	s1 =	ssub.s32 @!p0 $0x0, s1;
	[sflag:s0] =	ssyncset.done @!p0 $0x0  }
0x104: {  	[sflag:s0] =	ssyncadd.s32 @!p0 s1  }
0x105: {  	[bflag:$0x3] =	sbarrier.arrive $0xFFFF  }
0x106: {  	_ =	shalt  }

</sc_bundles>
